<compile_context>
chip_gen: v7x
topology: tpu7x:2x2x1
jax: 0.10.2.dev20260603
libtpu: 0.0.44.dev20260713+nightly
codegen_flags: <defaults>
</compile_context>

<pallas_src>
import jax
import jax.numpy as jnp
from jax import lax
from jax.experimental import pallas as pl
from jax.experimental.pallas import tpu as pltpu
from jax.experimental.pallas import tpu_sc as plsc

BS = 8
NP = 16384
CIN = 128
COUT = 128

SC_ROWS = 2048
NQ = 4
QROWS = SC_ROWS // NQ
CH = 256
NCHUNK = QROWS // CH

BLK = 512
NB = (NP - SC_ROWS) // BLK


def _sc_reduce_body(mad_ref, adj_ref, pt_ref, cst_ref, out_ref,
                    buf, accbuf, sem0, sem1):
    c = lax.axis_index("c")
    s = lax.axis_index("s")
    wid = s * 2 + c
    q = wid // BS
    b = wid % BS
    base = q * QROWS
    sems = (sem0, sem1)
    for h, ref in enumerate((mad_ref, adj_ref, pt_ref, cst_ref)):
        pltpu.async_copy(ref.at[b, pl.ds(base, CH), :], buf.at[0], sem0)
        pltpu.async_copy(ref.at[b, pl.ds(base + CH, CH), :], buf.at[1], sem1)
        accs = tuple(jnp.full((16,), -jnp.inf, jnp.float32) for _ in range(8))

        def pair(i2, accs, _ref=ref):
            for sl in range(2):
                pltpu.make_async_copy(
                    _ref.at[b, pl.ds(base, CH), :], buf.at[sl],
                    sems[sl]).wait()

                def row(r, a, _sl=sl):
                    return tuple(
                        jnp.maximum(a[v], buf[_sl, r, pl.ds(v * 16, 16)])
                        for v in range(8))

                accs = lax.fori_loop(0, CH, row, accs, unroll=4)
                nxt = i2 * 2 + sl + 2

                @pl.when(nxt < NCHUNK)
                def _():
                    pltpu.async_copy(
                        _ref.at[b, pl.ds(base + nxt * CH, CH), :],
                        buf.at[sl], sems[sl])
            return accs

        accs = lax.fori_loop(0, NCHUNK // 2, pair, accs)
        for v in range(8):
            accbuf[pl.ds(v * 16, 16)] = accs[v]
        pltpu.sync_copy(accbuf, out_ref.at[h, q, b])


def _tc_reduce_body(mad_f, adj_f, pt_f, cst_f, madg, adjg, ptg, xyzg,
                    o_mad, o_adj, o_pt, o_cst, og_mad, og_adj, og_pt, og_cst,
                    a_mad, a_adj, a_pt, a_cst):
    j = pl.program_id(0)

    fm = jnp.max(mad_f[...], axis=1)
    fa = jnp.max(adj_f[...], axis=1)
    fp = jnp.max(pt_f[...], axis=1)
    fc = jnp.max(cst_f[...], axis=1)

    @pl.when(j == 0)
    def _():
        a_mad[...] = fm
        a_adj[...] = fa
        a_pt[...] = fp
        a_cst[...] = fc

    @pl.when(j > 0)
    def _():
        a_mad[...] = jnp.maximum(a_mad[...], fm)
        a_adj[...] = jnp.maximum(a_adj[...], fa)
        a_pt[...] = jnp.maximum(a_pt[...], fp)
        a_cst[...] = jnp.maximum(a_cst[...], fc)

    @pl.when(j == NB - 1)
    def _():
        o_mad[...] = a_mad[...]
        o_adj[...] = a_adj[...]
        o_pt[...] = a_pt[...]
        o_cst[...] = a_cst[...]
        og_mad[...] = jnp.max(madg[...], axis=2)
        og_adj[...] = jnp.max(adjg[...], axis=2)
        og_pt[...] = jnp.max(ptg[...], axis=2)
        og_cst[...] = jnp.max(xyzg[...], axis=2)


def _head(acc_fea, acc_geom, k, reps, W1, b1, W2, b2, out_ref):
    h = jax.lax.dot(acc_fea, W1[0:CIN, :], preferred_element_type=jnp.float32)
    tail = W1[CIN:, :]
    for r in range(k * reps):
        h = h + acc_geom[:, (r % k):(r % k) + 1] * tail[r:r + 1, :]
    h = jax.nn.relu(h + b1[...])
    h = jax.nn.relu(
        jax.lax.dot(h, W2[...], preferred_element_type=jnp.float32) + b2[...])
    out_ref[...] = h


def _finish_body(p_ref, t_mad, t_adj, t_pt, t_cst,
                 g_mad, g_adj, g_pt, g_cst,
                 Wm1, bm1, Wm2, bm2, Wa1, ba1, Wa2, ba2,
                 Wp1, bp1, Wp2, bp2, Wc1, bc1, Wc2, bc2,
                 o_mad, o_adj, o_pt, o_cst):
    a_mad = jnp.maximum(jnp.max(p_ref[0], axis=0), t_mad[...])
    a_adj = jnp.maximum(jnp.max(p_ref[1], axis=0), t_adj[...])
    a_pt = jnp.maximum(jnp.max(p_ref[2], axis=0), t_pt[...])
    a_cst = jnp.maximum(jnp.max(p_ref[3], axis=0), t_cst[...])
    _head(a_mad, g_mad[...], 3, 1, Wm1, bm1, Wm2, bm2, o_mad)
    _head(a_adj, g_adj[...], 2, 2, Wa1, ba1, Wa2, ba2, o_adj)
    _head(a_pt, g_pt[...], 4, 2, Wp1, bp1, Wp2, bp2, o_pt)
    _head(a_cst, g_cst[...], 3, 1, Wc1, bc1, Wc2, bc2, o_cst)


def kernel(xyz, mad, adj, pt, mad_fea, adj_fea, pt_fea, cst_fea,
           W_mad1, b_mad1, W_mad2, b_mad2,
           W_adj1, b_adj1, W_adj2, b_adj2,
           W_pt1, b_pt1, W_pt2, b_pt2,
           W_cst1, b_cst1, W_cst2, b_cst2):
    sc_reduce = pl.kernel(
        _sc_reduce_body,
        out_type=jax.ShapeDtypeStruct((4, NQ, BS, CIN), jnp.float32),
        mesh=plsc.VectorSubcoreMesh(core_axis_name="c", subcore_axis_name="s"),
        scratch_types=[
            pltpu.VMEM((2, CH, CIN), jnp.float32),
            pltpu.VMEM((CIN,), jnp.float32),
            pltpu.SemaphoreType.DMA,
            pltpu.SemaphoreType.DMA,
        ],
    )
    sc_partials = sc_reduce(mad_fea, adj_fea, pt_fea, cst_fea)

    fea_spec = pl.BlockSpec((BS, BLK, CIN),
                            lambda j: (0, SC_ROWS // BLK + j, 0))

    def geo_spec(k):
        return pl.BlockSpec((BS, k, NP), lambda j: (0, 0, 0))

    fea_out_spec = pl.BlockSpec((BS, CIN), lambda j: (0, 0))

    def geo_out_spec(k):
        return pl.BlockSpec((BS, k), lambda j: (0, 0))

    tc_parts = pl.pallas_call(
        _tc_reduce_body,
        grid=(NB,),
        in_specs=[fea_spec] * 4
        + [geo_spec(3), geo_spec(2), geo_spec(4), geo_spec(3)],
        out_specs=[fea_out_spec] * 4
        + [geo_out_spec(3), geo_out_spec(2), geo_out_spec(4), geo_out_spec(3)],
        out_shape=[jax.ShapeDtypeStruct((BS, CIN), jnp.float32)] * 4
        + [jax.ShapeDtypeStruct((BS, 3), jnp.float32),
           jax.ShapeDtypeStruct((BS, 2), jnp.float32),
           jax.ShapeDtypeStruct((BS, 4), jnp.float32),
           jax.ShapeDtypeStruct((BS, 3), jnp.float32)],
        scratch_shapes=[pltpu.VMEM((BS, CIN), jnp.float32)] * 4,
        compiler_params=pltpu.CompilerParams(
            dimension_semantics=("arbitrary",)),
    )(mad_fea, adj_fea, pt_fea, cst_fea,
      mad.transpose(0, 2, 1), adj.transpose(0, 2, 1),
      pt.transpose(0, 2, 1), xyz.transpose(0, 2, 1))

    b_mad1, b_mad2 = b_mad1.reshape(1, -1), b_mad2.reshape(1, -1)
    b_adj1, b_adj2 = b_adj1.reshape(1, -1), b_adj2.reshape(1, -1)
    b_pt1, b_pt2 = b_pt1.reshape(1, -1), b_pt2.reshape(1, -1)
    b_cst1, b_cst2 = b_cst1.reshape(1, -1), b_cst2.reshape(1, -1)
    weights = (W_mad1, b_mad1, W_mad2, b_mad2,
               W_adj1, b_adj1, W_adj2, b_adj2,
               W_pt1, b_pt1, W_pt2, b_pt2,
               W_cst1, b_cst1, W_cst2, b_cst2)

    res = pl.pallas_call(
        _finish_body,
        out_shape=[jax.ShapeDtypeStruct((BS, COUT), jnp.float32)] * 4,
    )(sc_partials, *tc_parts, *weights)
    return tuple(res)

# --- scband reference (transcript-rebuilt; emitter-appended) ---
"""Pipeline reference for scband-quartic-ssa-36369783062857 (READ-ONLY COPY).

The authoritative reference and input builder live on the scoring server;
editing this copy changes nothing except your own understanding.
"""

import jax, jax.numpy as jnp
import numpy as np

BS = 8
NP = 16384
CIN = 128
COUT = 128
NPRIM = 4


def _mlp(x, W1, b1, W2, b2):
    # utils.MLP(0, (c_in, c_out, c_out)): two linear layers, ReLU after each
    h = jax.nn.relu(x @ W1 + b1)
    h = jax.nn.relu(h @ W2 + b2)
    return h


def setup_inputs(seed: int = 0) -> dict:
    key = jax.random.key(seed)
    ks = [jax.random.fold_in(key, i) for i in range(40)]
    inp = {}
    inp['xyz'] = jax.random.normal(ks[0], (BS, NP, 3), dtype=jnp.float32)
    inp['mad'] = jax.random.normal(ks[1], (BS, NP, 3), dtype=jnp.float32)
    inp['adj'] = jax.random.uniform(ks[2], (BS, NP, 2), dtype=jnp.float32)
    inp['pt'] = jax.random.uniform(ks[3], (BS, NP, 4), dtype=jnp.float32)
    inp['mad_fea'] = jax.random.normal(ks[4], (BS, NP, CIN), dtype=jnp.float32)
    inp['adj_fea'] = jax.random.normal(ks[5], (BS, NP, CIN), dtype=jnp.float32)
    inp['pt_fea'] = jax.random.normal(ks[6], (BS, NP, CIN), dtype=jnp.float32)
    inp['cst_fea'] = jax.random.normal(ks[7], (BS, NP, CIN), dtype=jnp.float32)
    # MLP parameters, per-head input dims from __init__:
    dims = {'mad': CIN + 3, 'adj': CIN + 4, 'pt': CIN + NPRIM * 2, 'cst': CIN + 3}
    i = 8
    for name, din in dims.items():
        inp['W_%s1' % name] = jax.random.normal(ks[i], (din, COUT), dtype=jnp.float32) / np.sqrt(din); i += 1
        inp['b_%s1' % name] = jnp.zeros((COUT,), dtype=jnp.float32)
        inp['W_%s2' % name] = jax.random.normal(ks[i], (COUT, COUT), dtype=jnp.float32) / np.sqrt(COUT); i += 1
        inp['b_%s2' % name] = jnp.zeros((COUT,), dtype=jnp.float32)
    return inp


def reference(xyz, mad, adj, pt, mad_fea, adj_fea, pt_fea, cst_fea,
              W_mad1, b_mad1, W_mad2, b_mad2,
              W_adj1, b_adj1, W_adj2, b_adj2,
              W_pt1, b_pt1, W_pt2, b_pt2,
              W_cst1, b_cst1, W_cst2, b_cst2):
    # n_center is None branch of QuarticSSA.forward
    g_mad = mad
    g_adj = jnp.tile(adj, (1, 1, 2))      # adj.repeat(1,1,2) -> [bs, n, 4]
    g_pt = jnp.tile(pt, (1, 1, 2))        # pt.repeat(1,1,2)  -> [bs, n, 8]
    g_xyz = xyz
    g_mad_fea = jnp.max(jnp.concatenate([mad_fea, g_mad], axis=-1), axis=1)
    g_adj_fea = jnp.max(jnp.concatenate([adj_fea, g_adj], axis=-1), axis=1)
    g_pt_fea = jnp.max(jnp.concatenate([pt_fea, g_pt], axis=-1), axis=1)
    g_cst_fea = jnp.max(jnp.concatenate([cst_fea, g_xyz], axis=-1), axis=1)
    g_mad_fea = _mlp(g_mad_fea, W_mad1, b_mad1, W_mad2, b_mad2)
    g_adj_fea = _mlp(g_adj_fea, W_adj1, b_adj1, W_adj2, b_adj2)
    g_pt_fea = _mlp(g_pt_fea, W_pt1, b_pt1, W_pt2, b_pt2)
    g_cst_fea = _mlp(g_cst_fea, W_cst1, b_cst1, W_cst2, b_cst2)
    return (g_mad_fea, g_adj_fea, g_pt_fea, g_cst_fea)

if __name__ == "__main__":
    import jax
    _d = setup_inputs()
    print(jax.jit(kernel)(*tuple(_d.values())))

</pallas_src>

<mosaic_0001>
#map = affine_map<(d0, d1) -> (0, 0, 0)>
#map1 = affine_map<(d0, d1) -> (0, 0, 0, 0)>
module attributes {stable_mosaic.version = 14 : i64} {
  func.func @_sc_reduce_body(%arg0: i32, %arg1: i32, %arg2: memref<8x16384x128xf32, #tpu.memory_space<hbm>>, %arg3: memref<8x16384x128xf32, #tpu.memory_space<hbm>>, %arg4: memref<8x16384x128xf32, #tpu.memory_space<hbm>>, %arg5: memref<8x16384x128xf32, #tpu.memory_space<hbm>>, %arg6: memref<4x4x8x128xf32, #tpu.memory_space<hbm>>, %arg7: memref<2x256x128xf32, #tpu.memory_space<vmem>>, %arg8: memref<128xf32, #tpu.memory_space<vmem>>, %arg9: memref<!tpu.dma_semaphore, #tpu.memory_space<semaphore_mem>>, %arg10: memref<!tpu.dma_semaphore, #tpu.memory_space<semaphore_mem>>) attributes {dimension_semantics = [#tpu.dimension_semantics<core_parallel>, #tpu.dimension_semantics<subcore_parallel>], iteration_bounds = array<i64: 2, 16>, scalar_prefetch = 0 : i64, scratch_operands = 4 : i64, tpu.core_type = #tpu.core_type<sc_vector_subcore>, window_params = [{transform_indices = #map}, {transform_indices = #map}, {transform_indices = #map}, {transform_indices = #map}, {transform_indices = #map1}]} {
    %mul3A = arith.constant 2 : i32
    %mul3A_0 = arith.muli %arg1, %mul3A : i32
    %add3A = arith.addi %mul3A_0, %arg0 : i32
    %jit3A = arith.constant 8 : i32
    %div3A = arith.divsi %add3A, %jit3A : i32
    %sign3A = arith.constant 0 : i32
    %sign3A_1 = arith.cmpi sgt, %add3A, %sign3A : i32
    %sign3A_2 = arith.extui %sign3A_1 : i1 to i32
    %sign3A_3 = arith.constant 0 : i32
    %sign3A_4 = arith.cmpi slt, %add3A, %sign3A_3 : i32
    %sign3A_5 = arith.extui %sign3A_4 : i1 to i32
    %sign3A_6 = arith.subi %sign3A_2, %sign3A_5 : i32
    %sign3A_7 = arith.constant 0 : i32
    %sign3A_8 = arith.cmpi sgt, %jit3A, %sign3A_7 : i32
    %sign3A_9 = arith.extui %sign3A_8 : i1 to i32
    %sign3A_10 = arith.constant 0 : i32
    %sign3A_11 = arith.cmpi slt, %jit3A, %sign3A_10 : i32
    %sign3A_12 = arith.extui %sign3A_11 : i1 to i32
    %sign3A_13 = arith.subi %sign3A_9, %sign3A_12 : i32
    %ne3A = arith.cmpi ne, %sign3A_6, %sign3A_13 : i32
    %rem3A = arith.remsi %add3A, %jit3A : i32
    %ne3A_14 = arith.constant 0 : i32
    %ne3A_15 = arith.cmpi ne, %rem3A, %ne3A_14 : i32
    %and3A = arith.andi %ne3A, %ne3A_15 : i1
    %sub3A = arith.constant 1 : i32
    %sub3A_16 = arith.subi %div3A, %sub3A : i32
    %select_n3A = arith.select %and3A, %sub3A_16, %div3A : i32
    %jit3A_17 = arith.constant 8 : i32
    %eq3A = arith.constant 0 : i32
    %eq3A_18 = arith.cmpi eq, %jit3A_17, %eq3A : i32
    %jit3A_19 = arith.constant 1 : i32
    %select_n3A_20 = arith.select %eq3A_18, %jit3A_19, %jit3A_17 : i32
    %rem3A_21 = arith.remsi %add3A, %select_n3A_20 : i32
    %ne3A_22 = arith.constant 0 : i32
    %ne3A_23 = arith.cmpi ne, %rem3A_21, %ne3A_22 : i32
    %lt3A = arith.constant 0 : i32
    %lt3A_24 = arith.cmpi slt, %rem3A_21, %lt3A : i32
    %lt3A_25 = arith.constant 0 : i32
    %lt3A_26 = arith.cmpi slt, %select_n3A_20, %lt3A_25 : i32
    %ne3A_27 = arith.xori %lt3A_24, %lt3A_26 : i1
    %and3A_28 = arith.andi %ne3A_27, %ne3A_23 : i1
    %add3A_29 = arith.addi %rem3A_21, %select_n3A_20 : i32
    %select_n3A_30 = arith.select %and3A_28, %add3A_29, %rem3A_21 : i32
    %mul3A_31 = arith.constant 512 : i32
    %mul3A_32 = arith.muli %select_n3A, %mul3A_31 : i32
    %dma_start3A = arith.constant 0 : i32
    %dma_start3A_33 = arith.constant 0 : i32
    %dma_start3A_34 = arith.constant 0 : i32
    %dma_start3A_35 = tpu.memref_slice %arg7[%dma_start3A, %dma_start3A_33, %dma_start3A_34] : memref<2x256x128xf32, #tpu.memory_space<vmem>> -> memref<1x256x128xf32, #tpu.memory_space<vmem>>
    %dma_start3A_36 = tpu.memref_squeeze %dma_start3A_35 : memref<1x256x128xf32, #tpu.memory_space<vmem>> -> memref<256x128xf32, #tpu.memory_space<vmem>>
    %dma_start3A_37 = arith.constant 0 : i32
    %dma_start3A_38 = tpu.memref_slice %arg2[%select_n3A_30, %mul3A_32, %dma_start3A_37] : memref<8x16384x128xf32, #tpu.memory_space<hbm>> -> memref<1x256x128xf32, #tpu.memory_space<hbm>>
    %dma_start3A_39 = tpu.memref_squeeze %dma_start3A_38 : memref<1x256x128xf32, #tpu.memory_space<hbm>> -> memref<256x128xf32, #tpu.memory_space<hbm>>
    %dma_start3A_40 = arith.constant 0 : i32
    %dma_start3A_41 = arith.constant 0 : i32
    %dma_start3A_42 = tpu.memref_slice %arg7[%dma_start3A, %dma_start3A_40, %dma_start3A_41] : memref<2x256x128xf32, #tpu.memory_space<vmem>> -> memref<1x256x128xf32, #tpu.memory_space<vmem>>
    %dma_start3A_43 = tpu.memref_squeeze %dma_start3A_42 : memref<1x256x128xf32, #tpu.memory_space<vmem>> -> memref<256x128xf32, #tpu.memory_space<vmem>>
    %dma_start3A_44 = arith.constant 0 : i32
    %dma_start3A_45 = tpu.memref_slice %arg2[%select_n3A_30, %mul3A_32, %dma_start3A_44] : memref<8x16384x128xf32, #tpu.memory_space<hbm>> -> memref<1x256x128xf32, #tpu.memory_space<hbm>>
    %dma_start3A_46 = tpu.memref_squeeze %dma_start3A_45 : memref<1x256x128xf32, #tpu.memory_space<hbm>> -> memref<256x128xf32, #tpu.memory_space<hbm>>
    tpu.enqueue_dma source(%dma_start3A_46 : memref<256x128xf32, #tpu.memory_space<hbm>>) target(%dma_start3A_43 : memref<256x128xf32, #tpu.memory_space<vmem>>) target_semaphore(%arg9 : memref<!tpu.dma_semaphore, #tpu.memory_space<semaphore_mem>>)
    %add3A_47 = arith.constant 256 : i32
    %add3A_48 = arith.addi %mul3A_32, %add3A_47 : i32
    %dma_start3A_49 = arith.constant 1 : i32
    %dma_start3A_50 = arith.constant 0 : i32
    %dma_start3A_51 = arith.constant 0 : i32
    %dma_start3A_52 = tpu.memref_slice %arg7[%dma_start3A_49, %dma_start3A_50, %dma_start3A_51] : memref<2x256x128xf32, #tpu.memory_space<vmem>> -> memref<1x256x128xf32, #tpu.memory_space<vmem>>
    %dma_start3A_53 = tpu.memref_squeeze %dma_start3A_52 : memref<1x256x128xf32, #tpu.memory_space<vmem>> -> memref<256x128xf32, #tpu.memory_space<vmem>>
    %dma_start3A_54 = arith.constant 0 : i32
    %dma_start3A_55 = tpu.memref_slice %arg2[%select_n3A_30, %add3A_48, %dma_start3A_54] : memref<8x16384x128xf32, #tpu.memory_space<hbm>> -> memref<1x256x128xf32, #tpu.memory_space<hbm>>
    %dma_start3A_56 = tpu.memref_squeeze %dma_start3A_55 : memref<1x256x128xf32, #tpu.memory_space<hbm>> -> memref<256x128xf32, #tpu.memory_space<hbm>>
    %dma_start3A_57 = arith.constant 0 : i32
    %dma_start3A_58 = arith.constant 0 : i32
    %dma_start3A_59 = tpu.memref_slice %arg7[%dma_start3A_49, %dma_start3A_57, %dma_start3A_58] : memref<2x256x128xf32, #tpu.memory_space<vmem>> -> memref<1x256x128xf32, #tpu.memory_space<vmem>>
    %dma_start3A_60 = tpu.memref_squeeze %dma_start3A_59 : memref<1x256x128xf32, #tpu.memory_space<vmem>> -> memref<256x128xf32, #tpu.memory_space<vmem>>
    %dma_start3A_61 = arith.constant 0 : i32
    %dma_start3A_62 = tpu.memref_slice %arg2[%select_n3A_30, %add3A_48, %dma_start3A_61] : memref<8x16384x128xf32, #tpu.memory_space<hbm>> -> memref<1x256x128xf32, #tpu.memory_space<hbm>>
    %dma_start3A_63 = tpu.memref_squeeze %dma_start3A_62 : memref<1x256x128xf32, #tpu.memory_space<hbm>> -> memref<256x128xf32, #tpu.memory_space<hbm>>
    tpu.enqueue_dma source(%dma_start3A_63 : memref<256x128xf32, #tpu.memory_space<hbm>>) target(%dma_start3A_60 : memref<256x128xf32, #tpu.memory_space<vmem>>) target_semaphore(%arg10 : memref<!tpu.dma_semaphore, #tpu.memory_space<semaphore_mem>>)
    %broadcast_in_dim3A = arith.constant 0xFF800000 : f32
    %broadcast_in_dim3A_64 = vector.broadcast %broadcast_in_dim3A : f32 to vector<16xf32>
    %broadcast_in_dim3A_65 = arith.constant 0xFF800000 : f32
    %broadcast_in_dim3A_66 = vector.broadcast %broadcast_in_dim3A_65 : f32 to vector<16xf32>
    %broadcast_in_dim3A_67 = arith.constant 0xFF800000 : f32
    %broadcast_in_dim3A_68 = vector.broadcast %broadcast_in_dim3A_67 : f32 to vector<16xf32>
    %broadcast_in_dim3A_69 = arith.constant 0xFF800000 : f32
    %broadcast_in_dim3A_70 = vector.broadcast %broadcast_in_dim3A_69 : f32 to vector<16xf32>
    %broadcast_in_dim3A_71 = arith.constant 0xFF800000 : f32
    %broadcast_in_dim3A_72 = vector.broadcast %broadcast_in_dim3A_71 : f32 to vector<16xf32>
    %broadcast_in_dim3A_73 = arith.constant 0xFF800000 : f32
    %broadcast_in_dim3A_74 = vector.broadcast %broadcast_in_dim3A_73 : f32 to vector<16xf32>
    %broadcast_in_dim3A_75 = arith.constant 0xFF800000 : f32
    %broadcast_in_dim3A_76 = vector.broadcast %broadcast_in_dim3A_75 : f32 to vector<16xf32>
    %broadcast_in_dim3A_77 = arith.constant 0xFF800000 : f32
    %broadcast_in_dim3A_78 = vector.broadcast %broadcast_in_dim3A_77 : f32 to vector<16xf32>
    %scan3A = arith.constant 0 : i32
    %dma_wait3A = arith.constant 0 : i32
    %dma_wait3A_79 = arith.constant 0 : i32
    %dma_wait3A_80 = arith.constant 0 : i32
    %dma_wait3A_81 = tpu.memref_slice %arg7[%dma_wait3A, %dma_wait3A_79, %dma_wait3A_80] : memref<2x256x128xf32, #tpu.memory_space<vmem>> -> memref<1x256x128xf32, #tpu.memory_space<vmem>>
    %dma_wait3A_82 = tpu.memref_squeeze %dma_wait3A_81 : memref<1x256x128xf32, #tpu.memory_space<vmem>> -> memref<256x128xf32, #tpu.memory_space<vmem>>
    %dma_wait3A_83 = arith.constant 0 : i32
    %dma_wait3A_84 = tpu.memref_slice %arg2[%select_n3A_30, %mul3A_32, %dma_wait3A_83] : memref<8x16384x128xf32, #tpu.memory_space<hbm>> -> memref<1x256x128xf32, #tpu.memory_space<hbm>>
    %dma_wait3A_85 = tpu.memref_squeeze %dma_wait3A_84 : memref<1x256x128xf32, #tpu.memory_space<hbm>> -> memref<256x128xf32, #tpu.memory_space<hbm>>
    %dma_wait3A_86 = arith.constant 0 : i32
    %dma_wait3A_87 = arith.constant 0 : i32
    %dma_wait3A_88 = tpu.memref_slice %arg7[%dma_wait3A, %dma_wait3A_86, %dma_wait3A_87] : memref<2x256x128xf32, #tpu.memory_space<vmem>> -> memref<1x256x128xf32, #tpu.memory_space<vmem>>
    %dma_wait3A_89 = tpu.memref_squeeze %dma_wait3A_88 : memref<1x256x128xf32, #tpu.memory_space<vmem>> -> memref<256x128xf32, #tpu.memory_space<vmem>>
    %dma_wait3A_90 = arith.constant 0 : i32
    %dma_wait3A_91 = tpu.memref_slice %arg2[%select_n3A_30, %mul3A_32, %dma_wait3A_90] : memref<8x16384x128xf32, #tpu.memory_space<hbm>> -> memref<1x256x128xf32, #tpu.memory_space<hbm>>
    %dma_wait3A_92 = tpu.memref_squeeze %dma_wait3A_91 : memref<1x256x128xf32, #tpu.memory_space<hbm>> -> memref<256x128xf32, #tpu.memory_space<hbm>>
    tpu.wait_dma2 semaphore(%arg9 : memref<!tpu.dma_semaphore, #tpu.memory_space<semaphore_mem>>) src(%dma_wait3A_92 : memref<256x128xf32, #tpu.memory_space<hbm>>) dst(%dma_wait3A_89 : memref<256x128xf32, #tpu.memory_space<vmem>>)
    %scan3A_93 = arith.constant 0 : i32
    %scan3A_94 = arith.constant 256 : i32
    %scan3A_95 = arith.addi %scan3A_93, %scan3A_94 : i32
    %scan3A_96 = arith.constant 4 : i32
    %scan3A_97:8 = scf.for %scan3A_613 = %scan3A_93 to %scan3A_95 step %scan3A_96 iter_args(%scan3A_614 = %broadcast_in_dim3A_64, %scan3A_615 = %broadcast_in_dim3A_66, %scan3A_616 = %broadcast_in_dim3A_68, %scan3A_617 = %broadcast_in_dim3A_70, %scan3A_618 = %broadcast_in_dim3A_72, %scan3A_619 = %broadcast_in_dim3A_74, %scan3A_620 = %broadcast_in_dim3A_76, %scan3A_621 = %broadcast_in_dim3A_78) -> (vector<16xf32>, vector<16xf32>, vector<16xf32>, vector<16xf32>, vector<16xf32>, vector<16xf32>, vector<16xf32>, vector<16xf32>)  : i32 {
      %get3A = arith.constant 0 : i32
      %get3A_622 = arith.index_cast %get3A : i32 to index
      %get3A_623 = arith.index_cast %scan3A_613 : i32 to index
      %get3A_624 = arith.constant 0 : index
      %get3A_625 = tpu.vector_load %arg7[%get3A_622, %get3A_623, %get3A_624] {strides = array<i32>} : memref<2x256x128xf32, #tpu.memory_space<vmem>>, vector<1x1x16xf32>,
      %get3A_626 = vector.shape_cast %get3A_625 : vector<1x1x16xf32> to vector<16xf32>
      %max3A = arith.maximumf %scan3A_614, %get3A_626 : vector<16xf32>
      %get3A_627 = arith.constant 0 : i32
      %get3A_628 = arith.index_cast %get3A_627 : i32 to index
      %get3A_629 = arith.index_cast %scan3A_613 : i32 to index
      %get3A_630 = arith.constant 16 : index
      %get3A_631 = tpu.vector_load %arg7[%get3A_628, %get3A_629, %get3A_630] {strides = array<i32>} : memref<2x256x128xf32, #tpu.memory_space<vmem>>, vector<1x1x16xf32>,
      %get3A_632 = vector.shape_cast %get3A_631 : vector<1x1x16xf32> to vector<16xf32>
      %max3A_633 = arith.maximumf %scan3A_615, %get3A_632 : vector<16xf32>
      %get3A_634 = arith.constant 0 : i32
      %get3A_635 = arith.index_cast %get3A_634 : i32 to index
      %get3A_636 = arith.index_cast %scan3A_613 : i32 to index
      %get3A_637 = arith.constant 32 : index
      %get3A_638 = tpu.vector_load %arg7[%get3A_635, %get3A_636, %get3A_637] {strides = array<i32>} : memref<2x256x128xf32, #tpu.memory_space<vmem>>, vector<1x1x16xf32>,
      %get3A_639 = vector.shape_cast %get3A_638 : vector<1x1x16xf32> to vector<16xf32>
      %max3A_640 = arith.maximumf %scan3A_616, %get3A_639 : vector<16xf32>
      %get3A_641 = arith.constant 0 : i32
      %get3A_642 = arith.index_cast %get3A_641 : i32 to index
      %get3A_643 = arith.index_cast %scan3A_613 : i32 to index
      %get3A_644 = arith.constant 48 : index
      %get3A_645 = tpu.vector_load %arg7[%get3A_642, %get3A_643, %get3A_644] {strides = array<i32>} : memref<2x256x128xf32, #tpu.memory_space<vmem>>, vector<1x1x16xf32>,
      %get3A_646 = vector.shape_cast %get3A_645 : vector<1x1x16xf32> to vector<16xf32>
      %max3A_647 = arith.maximumf %scan3A_617, %get3A_646 : vector<16xf32>
      %get3A_648 = arith.constant 0 : i32
      %get3A_649 = arith.index_cast %get3A_648 : i32 to index
      %get3A_650 = arith.index_cast %scan3A_613 : i32 to index
      %get3A_651 = arith.constant 64 : index
      %get3A_652 = tpu.vector_load %arg7[%get3A_649, %get3A_650, %get3A_651] {strides = array<i32>} : memref<2x256x128xf32, #tpu.memory_space<vmem>>, vector<1x1x16xf32>,
      %get3A_653 = vector.shape_cast %get3A_652 : vector<1x1x16xf32> to vector<16xf32>
      %max3A_654 = arith.maximumf %scan3A_618, %get3A_653 : vector<16xf32>
      %get3A_655 = arith.constant 0 : i32
      %get3A_656 = arith.index_cast %get3A_655 : i32 to index
      %get3A_657 = arith.index_cast %scan3A_613 : i32 to index
      %get3A_658 = arith.constant 80 : index
      %get3A_659 = tpu.vector_load %arg7[%get3A_656, %get3A_657, %get3A_658] {strides = array<i32>} : memref<2x256x128xf32, #tpu.memory_space<vmem>>, vector<1x1x16xf32>,
      %get3A_660 = vector.shape_cast %get3A_659 : vector<1x1x16xf32> to vector<16xf32>
      %max3A_661 = arith.maximumf %scan3A_619, %get3A_660 : vector<16xf32>
      %get3A_662 = arith.constant 0 : i32
      %get3A_663 = arith.index_cast %get3A_662 : i32 to index
      %get3A_664 = arith.index_cast %scan3A_613 : i32 to index
      %get3A_665 = arith.constant 96 : index
      %get3A_666 = tpu.vector_load %arg7[%get3A_663, %get3A_664, %get3A_665] {strides = array<i32>} : memref<2x256x128xf32, #tpu.memory_space<vmem>>, vector<1x1x16xf32>,
      %get3A_667 = vector.shape_cast %get3A_666 : vector<1x1x16xf32> to vector<16xf32>
      %max3A_668 = arith.maximumf %scan3A_620, %get3A_667 : vector<16xf32>
      %get3A_669 = arith.constant 0 : i32
      %get3A_670 = arith.index_cast %get3A_669 : i32 to index
      %get3A_671 = arith.index_cast %scan3A_613 : i32 to index
      %get3A_672 = arith.constant 112 : index
      %get3A_673 = tpu.vector_load %arg7[%get3A_670, %get3A_671, %get3A_672] {strides = array<i32>} : memref<2x256x128xf32, #tpu.memory_space<vmem>>, vector<1x1x16xf32>,
      %get3A_674 = vector.shape_cast %get3A_673 : vector<1x1x16xf32> to vector<16xf32>
      %max3A_675 = arith.maximumf %scan3A_621, %get3A_674 : vector<16xf32>
      %scan3A_676 = arith.constant 1 : i32
      %scan3A_677 = arith.addi %scan3A_613, %scan3A_676 : i32
      %get3A_678 = arith.constant 0 : i32
      %get3A_679 = arith.index_cast %get3A_678 : i32 to index
      %get3A_680 = arith.index_cast %scan3A_677 : i32 to index
      %get3A_681 = arith.constant 0 : index
      %get3A_682 = tpu.vector_load %arg7[%get3A_679, %get3A_680, %get3A_681] {strides = array<i32>} : memref<2x256x128xf32, #tpu.memory_space<vmem>>, vector<1x1x16xf32>,
      %get3A_683 = vector.shape_cast %get3A_682 : vector<1x1x16xf32> to vector<16xf32>
      %max3A_684 = arith.maximumf %max3A, %get3A_683 : vector<16xf32>
      %get3A_685 = arith.constant 0 : i32
      %get3A_686 = arith.index_cast %get3A_685 : i32 to index
      %get3A_687 = arith.index_cast %scan3A_677 : i32 to index
      %get3A_688 = arith.constant 16 : index
      %get3A_689 = tpu.vector_load %arg7[%get3A_686, %get3A_687, %get3A_688] {strides = array<i32>} : memref<2x256x128xf32, #tpu.memory_space<vmem>>, vector<1x1x16xf32>,
      %get3A_690 = vector.shape_cast %get3A_689 : vector<1x1x16xf32> to vector<16xf32>
      %max3A_691 = arith.maximumf %max3A_633, %get3A_690 : vector<16xf32>
      %get3A_692 = arith.constant 0 : i32
      %get3A_693 = arith.index_cast %get3A_692 : i32 to index
      %get3A_694 = arith.index_cast %scan3A_677 : i32 to index
      %get3A_695 = arith.constant 32 : index
      %get3A_696 = tpu.vector_load %arg7[%get3A_693, %get3A_694, %get3A_695] {strides = array<i32>} : memref<2x256x128xf32, #tpu.memory_space<vmem>>, vector<1x1x16xf32>,
      %get3A_697 = vector.shape_cast %get3A_696 : vector<1x1x16xf32> to vector<16xf32>
      %max3A_698 = arith.maximumf %max3A_640, %get3A_697 : vector<16xf32>
      %get3A_699 = arith.constant 0 : i32
      %get3A_700 = arith.index_cast %get3A_699 : i32 to index
      %get3A_701 = arith.index_cast %scan3A_677 : i32 to index
      %get3A_702 = arith.constant 48 : index
      %get3A_703 = tpu.vector_load %arg7[%get3A_700, %get3A_701, %get3A_702] {strides = array<i32>} : memref<2x256x128xf32, #tpu.memory_space<vmem>>, vector<1x1x16xf32>,
      %get3A_704 = vector.shape_cast %get3A_703 : vector<1x1x16xf32> to vector<16xf32>
      %max3A_705 = arith.maximumf %max3A_647, %get3A_704 : vector<16xf32>
      %get3A_706 = arith.constant 0 : i32
      %get3A_707 = arith.index_cast %get3A_706 : i32 to index
      %get3A_708 = arith.index_cast %scan3A_677 : i32 to index
      %get3A_709 = arith.constant 64 : index
      %get3A_710 = tpu.vector_load %arg7[%get3A_707, %get3A_708, %get3A_709] {strides = array<i32>} : memref<2x256x128xf32, #tpu.memory_space<vmem>>, vector<1x1x16xf32>,
      %get3A_711 = vector.shape_cast %get3A_710 : vector<1x1x16xf32> to vector<16xf32>
      %max3A_712 = arith.maximumf %max3A_654, %get3A_711 : vector<16xf32>
      %get3A_713 = arith.constant 0 : i32
      %get3A_714 = arith.index_cast %get3A_713 : i32 to index
      %get3A_715 = arith.index_cast %scan3A_677 : i32 to index
      %get3A_716 = arith.constant 80 : index
      %get3A_717 = tpu.vector_load %arg7[%get3A_714, %get3A_715, %get3A_716] {strides = array<i32>} : memref<2x256x128xf32, #tpu.memory_space<vmem>>, vector<1x1x16xf32>,
      %get3A_718 = vector.shape_cast %get3A_717 : vector<1x1x16xf32> to vector<16xf32>
      %max3A_719 = arith.maximumf %max3A_661, %get3A_718 : vector<16xf32>
      %get3A_720 = arith.constant 0 : i32
      %get3A_721 = arith.index_cast %get3A_720 : i32 to index
      %get3A_722 = arith.index_cast %scan3A_677 : i32 to index
      %get3A_723 = arith.constant 96 : index
      %get3A_724 = tpu.vector_load %arg7[%get3A_721, %get3A_722, %get3A_723] {strides = array<i32>} : memref<2x256x128xf32, #tpu.memory_space<vmem>>, vector<1x1x16xf32>,
      %get3A_725 = vector.shape_cast %get3A_724 : vector<1x1x16xf32> to vector<16xf32>
      %max3A_726 = arith.maximumf %max3A_668, %get3A_725 : vector<16xf32>
      %get3A_727 = arith.constant 0 : i32
      %get3A_728 = arith.index_cast %get3A_727 : i32 to index
      %get3A_729 = arith.index_cast %scan3A_677 : i32 to index
      %get3A_730 = arith.constant 112 : index
      %get3A_731 = tpu.vector_load %arg7[%get3A_728, %get3A_729, %get3A_730] {strides = array<i32>} : memref<2x256x128xf32, #tpu.memory_space<vmem>>, vector<1x1x16xf32>,
      %get3A_732 = vector.shape_cast %get3A_731 : vector<1x1x16xf32> to vector<16xf32>
      %max3A_733 = arith.maximumf %max3A_675, %get3A_732 : vector<16xf32>
      %scan3A_734 = arith.constant 2 : i32
      %scan3A_735 = arith.addi %scan3A_613, %scan3A_734 : i32
      %get3A_736 = arith.constant 0 : i32
      %get3A_737 = arith.index_cast %get3A_736 : i32 to index
      %get3A_738 = arith.index_cast %scan3A_735 : i32 to index
      %get3A_739 = arith.constant 0 : index
      %get3A_740 = tpu.vector_load %arg7[%get3A_737, %get3A_738, %get3A_739] {strides = array<i32>} : memref<2x256x128xf32, #tpu.memory_space<vmem>>, vector<1x1x16xf32>,
      %get3A_741 = vector.shape_cast %get3A_740 : vector<1x1x16xf32> to vector<16xf32>
      %max3A_742 = arith.maximumf %max3A_684, %get3A_741 : vector<16xf32>
      %get3A_743 = arith.constant 0 : i32
      %get3A_744 = arith.index_cast %get3A_743 : i32 to index
      %get3A_745 = arith.index_cast %scan3A_735 : i32 to index
      %get3A_746 = arith.constant 16 : index
      %get3A_747 = tpu.vector_load %arg7[%get3A_744, %get3A_745, %get3A_746] {strides = array<i32>} : memref<2x256x128xf32, #tpu.memory_space<vmem>>, vector<1x1x16xf32>,
      %get3A_748 = vector.shape_cast %get3A_747 : vector<1x1x16xf32> to vector<16xf32>
      %max3A_749 = arith.maximumf %max3A_691, %get3A_748 : vector<16xf32>
      %get3A_750 = arith.constant 0 : i32
      %get3A_751 = arith.index_cast %get3A_750 : i32 to index
      %get3A_752 = arith.index_cast %scan3A_735 : i32 to index
      %get3A_753 = arith.constant 32 : index
      %get3A_754 = tpu.vector_load %arg7[%get3A_751, %get3A_752, %get3A_753] {strides = array<i32>} : memref<2x256x128xf32, #tpu.memory_space<vmem>>, vector<1x1x16xf32>,
      %get3A_755 = vector.shape_cast %get3A_754 : vector<1x1x16xf32> to vector<16xf32>
      %max3A_756 = arith.maximumf %max3A_698, %get3A_755 : vector<16xf32>
      %get3A_757 = arith.constant 0 : i32
      %get3A_758 = arith.index_cast %get3A_757 : i32 to index
      %get3A_759 = arith.index_cast %scan3A_735 : i32 to index
      %get3A_760 = arith.constant 48 : index
      %get3A_761 = tpu.vector_load %arg7[%get3A_758, %get3A_759, %get3A_760] {strides = array<i32>} : memref<2x256x128xf32, #tpu.memory_space<vmem>>, vector<1x1x16xf32>,
      %get3A_762 = vector.shape_cast %get3A_761 : vector<1x1x16xf32> to vector<16xf32>
      %max3A_763 = arith.maximumf %max3A_705, %get3A_762 : vector<16xf32>
      %get3A_764 = arith.constant 0 : i32
      %get3A_765 = arith.index_cast %get3A_764 : i32 to index
      %get3A_766 = arith.index_cast %scan3A_735 : i32 to index
      %get3A_767 = arith.constant 64 : index
      %get3A_768 = tpu.vector_load %arg7[%get3A_765, %get3A_766, %get3A_767] {strides = array<i32>} : memref<2x256x128xf32, #tpu.memory_space<vmem>>, vector<1x1x16xf32>,
      %get3A_769 = vector.shape_cast %get3A_768 : vector<1x1x16xf32> to vector<16xf32>
      %max3A_770 = arith.maximumf %max3A_712, %get3A_769 : vector<16xf32>
      %get3A_771 = arith.constant 0 : i32
      %get3A_772 = arith.index_cast %get3A_771 : i32 to index
      %get3A_773 = arith.index_cast %scan3A_735 : i32 to index
      %get3A_774 = arith.constant 80 : index
      %get3A_775 = tpu.vector_load %arg7[%get3A_772, %get3A_773, %get3A_774] {strides = array<i32>} : memref<2x256x128xf32, #tpu.memory_space<vmem>>, vector<1x1x16xf32>,
      %get3A_776 = vector.shape_cast %get3A_775 : vector<1x1x16xf32> to vector<16xf32>
      %max3A_777 = arith.maximumf %max3A_719, %get3A_776 : vector<16xf32>
      %get3A_778 = arith.constant 0 : i32
      %get3A_779 = arith.index_cast %get3A_778 : i32 to index
      %get3A_780 = arith.index_cast %scan3A_735 : i32 to index
      %get3A_781 = arith.constant 96 : index
      %get3A_782 = tpu.vector_load %arg7[%get3A_779, %get3A_780, %get3A_781] {strides = array<i32>} : memref<2x256x128xf32, #tpu.memory_space<vmem>>, vector<1x1x16xf32>,
      %get3A_783 = vector.shape_cast %get3A_782 : vector<1x1x16xf32> to vector<16xf32>
      %max3A_784 = arith.maximumf %max3A_726, %get3A_783 : vector<16xf32>
      %get3A_785 = arith.constant 0 : i32
      %get3A_786 = arith.index_cast %get3A_785 : i32 to index
      %get3A_787 = arith.index_cast %scan3A_735 : i32 to index
      %get3A_788 = arith.constant 112 : index
      %get3A_789 = tpu.vector_load %arg7[%get3A_786, %get3A_787, %get3A_788] {strides = array<i32>} : memref<2x256x128xf32, #tpu.memory_space<vmem>>, vector<1x1x16xf32>,
      %get3A_790 = vector.shape_cast %get3A_789 : vector<1x1x16xf32> to vector<16xf32>
      %max3A_791 = arith.maximumf %max3A_733, %get3A_790 : vector<16xf32>
      %scan3A_792 = arith.constant 3 : i32
      %scan3A_793 = arith.addi %scan3A_613, %scan3A_792 : i32
      %get3A_794 = arith.constant 0 : i32
      %get3A_795 = arith.index_cast %get3A_794 : i32 to index
      %get3A_796 = arith.index_cast %scan3A_793 : i32 to index
      %get3A_797 = arith.constant 0 : index
      %get3A_798 = tpu.vector_load %arg7[%get3A_795, %get3A_796, %get3A_797] {strides = array<i32>} : memref<2x256x128xf32, #tpu.memory_space<vmem>>, vector<1x1x16xf32>,
      %get3A_799 = vector.shape_cast %get3A_798 : vector<1x1x16xf32> to vector<16xf32>
      %max3A_800 = arith.maximumf %max3A_742, %get3A_799 : vector<16xf32>
      %get3A_801 = arith.constant 0 : i32
      %get3A_802 = arith.index_cast %get3A_801 : i32 to index
      %get3A_803 = arith.index_cast %scan3A_793 : i32 to index
      %get3A_804 = arith.constant 16 : index
      %get3A_805 = tpu.vector_load %arg7[%get3A_802, %get3A_803, %get3A_804] {strides = array<i32>} : memref<2x256x128xf32, #tpu.memory_space<vmem>>, vector<1x1x16xf32>,
      %get3A_806 = vector.shape_cast %get3A_805 : vector<1x1x16xf32> to vector<16xf32>
      %max3A_807 = arith.maximumf %max3A_749, %get3A_806 : vector<16xf32>
      %get3A_808 = arith.constant 0 : i32
      %get3A_809 = arith.index_cast %get3A_808 : i32 to index
      %get3A_810 = arith.index_cast %scan3A_793 : i32 to index
      %get3A_811 = arith.constant 32 : index
      %get3A_812 = tpu.vector_load %arg7[%get3A_809, %get3A_810, %get3A_811] {strides = array<i32>} : memref<2x256x128xf32, #tpu.memory_space<vmem>>, vector<1x1x16xf32>,
      %get3A_813 = vector.shape_cast %get3A_812 : vector<1x1x16xf32> to vector<16xf32>
      %max3A_814 = arith.maximumf %max3A_756, %get3A_813 : vector<16xf32>
      %get3A_815 = arith.constant 0 : i32
      %get3A_816 = arith.index_cast %get3A_815 : i32 to index
      %get3A_817 = arith.index_cast %scan3A_793 : i32 to index
      %get3A_818 = arith.constant 48 : index
      %get3A_819 = tpu.vector_load %arg7[%get3A_816, %get3A_817, %get3A_818] {strides = array<i32>} : memref<2x256x128xf32, #tpu.memory_space<vmem>>, vector<1x1x16xf32>,
      %get3A_820 = vector.shape_cast %get3A_819 : vector<1x1x16xf32> to vector<16xf32>
      %max3A_821 = arith.maximumf %max3A_763, %get3A_820 : vector<16xf32>
      %get3A_822 = arith.constant 0 : i32
      %get3A_823 = arith.index_cast %get3A_822 : i32 to index
      %get3A_824 = arith.index_cast %scan3A_793 : i32 to index
      %get3A_825 = arith.constant 64 : index
      %get3A_826 = tpu.vector_load %arg7[%get3A_823, %get3A_824, %get3A_825] {strides = array<i32>} : memref<2x256x128xf32, #tpu.memory_space<vmem>>, vector<1x1x16xf32>,
      %get3A_827 = vector.shape_cast %get3A_826 : vector<1x1x16xf32> to vector<16xf32>
      %max3A_828 = arith.maximumf %max3A_770, %get3A_827 : vector<16xf32>
      %get3A_829 = arith.constant 0 : i32
      %get3A_830 = arith.index_cast %get3A_829 : i32 to index
      %get3A_831 = arith.index_cast %scan3A_793 : i32 to index
      %get3A_832 = arith.constant 80 : index
      %get3A_833 = tpu.vector_load %arg7[%get3A_830, %get3A_831, %get3A_832] {strides = array<i32>} : memref<2x256x128xf32, #tpu.memory_space<vmem>>, vector<1x1x16xf32>,
      %get3A_834 = vector.shape_cast %get3A_833 : vector<1x1x16xf32> to vector<16xf32>
      %max3A_835 = arith.maximumf %max3A_777, %get3A_834 : vector<16xf32>
      %get3A_836 = arith.constant 0 : i32
      %get3A_837 = arith.index_cast %get3A_836 : i32 to index
      %get3A_838 = arith.index_cast %scan3A_793 : i32 to index
      %get3A_839 = arith.constant 96 : index
      %get3A_840 = tpu.vector_load %arg7[%get3A_837, %get3A_838, %get3A_839] {strides = array<i32>} : memref<2x256x128xf32, #tpu.memory_space<vmem>>, vector<1x1x16xf32>,
      %get3A_841 = vector.shape_cast %get3A_840 : vector<1x1x16xf32> to vector<16xf32>
      %max3A_842 = arith.maximumf %max3A_784, %get3A_841 : vector<16xf32>
      %get3A_843 = arith.constant 0 : i32
      %get3A_844 = arith.index_cast %get3A_843 : i32 to index
      %get3A_845 = arith.index_cast %scan3A_793 : i32 to index
      %get3A_846 = arith.constant 112 : index
      %get3A_847 = tpu.vector_load %arg7[%get3A_844, %get3A_845, %get3A_846] {strides = array<i32>} : memref<2x256x128xf32, #tpu.memory_space<vmem>>, vector<1x1x16xf32>,
      %get3A_848 = vector.shape_cast %get3A_847 : vector<1x1x16xf32> to vector<16xf32>
      %max3A_849 = arith.maximumf %max3A_791, %get3A_848 : vector<16xf32>
      scf.yield %max3A_800, %max3A_807, %max3A_814, %max3A_821, %max3A_828, %max3A_835, %max3A_842, %max3A_849 : vector<16xf32>, vector<16xf32>, vector<16xf32>, vector<16xf32>, vector<16xf32>, vector<16xf32>, vector<16xf32>, vector<16xf32>
    }
    %scan3A_98 = arith.constant 256 : i32
    %mul3A_99 = arith.constant 2 : i32
    %mul3A_100 = arith.muli %scan3A, %mul3A_99 : i32
    %add3A_101 = arith.constant 0 : i32
    %add3A_102 = arith.addi %mul3A_100, %add3A_101 : i32
    %add3A_103 = arith.constant 2 : i32
    %add3A_104 = arith.addi %add3A_102, %add3A_103 : i32
    %lt3A_105 = arith.constant 2 : i32
    %lt3A_106 = arith.cmpi slt, %add3A_104, %lt3A_105 : i32
    %convert_element_type3A = arith.extui %lt3A_106 : i1 to i32
    %cond3A = arith.constant 0 : i32
    %cond3A_107 = arith.cmpi ne, %convert_element_type3A, %cond3A : i32
    scf.if %cond3A_107 {
      %mul3A_613 = arith.constant 256 : i32
      %mul3A_614 = arith.muli %add3A_104, %mul3A_613 : i32
      %add3A_615 = arith.addi %mul3A_32, %mul3A_614 : i32
      %dma_start3A_616 = arith.constant 0 : i32
      %dma_start3A_617 = arith.constant 0 : i32
      %dma_start3A_618 = arith.constant 0 : i32
      %dma_start3A_619 = tpu.memref_slice %arg7[%dma_start3A_616, %dma_start3A_617, %dma_start3A_618] : memref<2x256x128xf32, #tpu.memory_space<vmem>> -> memref<1x256x128xf32, #tpu.memory_space<vmem>>
      %dma_start3A_620 = tpu.memref_squeeze %dma_start3A_619 : memref<1x256x128xf32, #tpu.memory_space<vmem>> -> memref<256x128xf32, #tpu.memory_space<vmem>>
      %dma_start3A_621 = arith.constant 0 : i32
      %dma_start3A_622 = tpu.memref_slice %arg2[%select_n3A_30, %add3A_615, %dma_start3A_621] : memref<8x16384x128xf32, #tpu.memory_space<hbm>> -> memref<1x256x128xf32, #tpu.memory_space<hbm>>
      %dma_start3A_623 = tpu.memref_squeeze %dma_start3A_622 : memref<1x256x128xf32, #tpu.memory_space<hbm>> -> memref<256x128xf32, #tpu.memory_space<hbm>>
      %dma_start3A_624 = arith.constant 0 : i32
      %dma_start3A_625 = arith.constant 0 : i32
      %dma_start3A_626 = tpu.memref_slice %arg7[%dma_start3A_616, %dma_start3A_624, %dma_start3A_625] : memref<2x256x128xf32, #tpu.memory_space<vmem>> -> memref<1x256x128xf32, #tpu.memory_space<vmem>>
      %dma_start3A_627 = tpu.memref_squeeze %dma_start3A_626 : memref<1x256x128xf32, #tpu.memory_space<vmem>> -> memref<256x128xf32, #tpu.memory_space<vmem>>
      %dma_start3A_628 = arith.constant 0 : i32
      %dma_start3A_629 = tpu.memref_slice %arg2[%select_n3A_30, %add3A_615, %dma_start3A_628] : memref<8x16384x128xf32, #tpu.memory_space<hbm>> -> memref<1x256x128xf32, #tpu.memory_space<hbm>>
      %dma_start3A_630 = tpu.memref_squeeze %dma_start3A_629 : memref<1x256x128xf32, #tpu.memory_space<hbm>> -> memref<256x128xf32, #tpu.memory_space<hbm>>
      tpu.enqueue_dma source(%dma_start3A_630 : memref<256x128xf32, #tpu.memory_space<hbm>>) target(%dma_start3A_627 : memref<256x128xf32, #tpu.memory_space<vmem>>) target_semaphore(%arg9 : memref<!tpu.dma_semaphore, #tpu.memory_space<semaphore_mem>>)
    } else {
    }
    %dma_wait3A_108 = arith.constant 1 : i32
    %dma_wait3A_109 = arith.constant 0 : i32
    %dma_wait3A_110 = arith.constant 0 : i32
    %dma_wait3A_111 = tpu.memref_slice %arg7[%dma_wait3A_108, %dma_wait3A_109, %dma_wait3A_110] : memref<2x256x128xf32, #tpu.memory_space<vmem>> -> memref<1x256x128xf32, #tpu.memory_space<vmem>>
    %dma_wait3A_112 = tpu.memref_squeeze %dma_wait3A_111 : memref<1x256x128xf32, #tpu.memory_space<vmem>> -> memref<256x128xf32, #tpu.memory_space<vmem>>
    %dma_wait3A_113 = arith.constant 0 : i32
    %dma_wait3A_114 = tpu.memref_slice %arg2[%select_n3A_30, %mul3A_32, %dma_wait3A_113] : memref<8x16384x128xf32, #tpu.memory_space<hbm>> -> memref<1x256x128xf32, #tpu.memory_space<hbm>>
    %dma_wait3A_115 = tpu.memref_squeeze %dma_wait3A_114 : memref<1x256x128xf32, #tpu.memory_space<hbm>> -> memref<256x128xf32, #tpu.memory_space<hbm>>
    %dma_wait3A_116 = arith.constant 0 : i32
    %dma_wait3A_117 = arith.constant 0 : i32
    %dma_wait3A_118 = tpu.memref_slice %arg7[%dma_wait3A_108, %dma_wait3A_116, %dma_wait3A_117] : memref<2x256x128xf32, #tpu.memory_space<vmem>> -> memref<1x256x128xf32, #tpu.memory_space<vmem>>
    %dma_wait3A_119 = tpu.memref_squeeze %dma_wait3A_118 : memref<1x256x128xf32, #tpu.memory_space<vmem>> -> memref<256x128xf32, #tpu.memory_space<vmem>>
    %dma_wait3A_120 = arith.constant 0 : i32
    %dma_wait3A_121 = tpu.memref_slice %arg2[%select_n3A_30, %mul3A_32, %dma_wait3A_120] : memref<8x16384x128xf32, #tpu.memory_space<hbm>> -> memref<1x256x128xf32, #tpu.memory_space<hbm>>
    %dma_wait3A_122 = tpu.memref_squeeze %dma_wait3A_121 : memref<1x256x128xf32, #tpu.memory_space<hbm>> -> memref<256x128xf32, #tpu.memory_space<hbm>>
    tpu.wait_dma2 semaphore(%arg10 : memref<!tpu.dma_semaphore, #tpu.memory_space<semaphore_mem>>) src(%dma_wait3A_122 : memref<256x128xf32, #tpu.memory_space<hbm>>) dst(%dma_wait3A_119 : memref<256x128xf32, #tpu.memory_space<vmem>>)
    %scan3A_123 = arith.constant 0 : i32
    %scan3A_124 = arith.constant 256 : i32
    %scan3A_125 = arith.addi %scan3A_123, %scan3A_124 : i32
    %scan3A_126 = arith.constant 4 : i32
    %scan3A_127:8 = scf.for %scan3A_613 = %scan3A_123 to %scan3A_125 step %scan3A_126 iter_args(%scan3A_614 = %scan3A_97#0, %scan3A_615 = %scan3A_97#1, %scan3A_616 = %scan3A_97#2, %scan3A_617 = %scan3A_97#3, %scan3A_618 = %scan3A_97#4, %scan3A_619 = %scan3A_97#5, %scan3A_620 = %scan3A_97#6, %scan3A_621 = %scan3A_97#7) -> (vector<16xf32>, vector<16xf32>, vector<16xf32>, vector<16xf32>, vector<16xf32>, vector<16xf32>, vector<16xf32>, vector<16xf32>)  : i32 {
      %get3A = arith.constant 1 : i32
      %get3A_622 = arith.index_cast %get3A : i32 to index
      %get3A_623 = arith.index_cast %scan3A_613 : i32 to index
      %get3A_624 = arith.constant 0 : index
      %get3A_625 = tpu.vector_load %arg7[%get3A_622, %get3A_623, %get3A_624] {strides = array<i32>} : memref<2x256x128xf32, #tpu.memory_space<vmem>>, vector<1x1x16xf32>,
      %get3A_626 = vector.shape_cast %get3A_625 : vector<1x1x16xf32> to vector<16xf32>
      %max3A = arith.maximumf %scan3A_614, %get3A_626 : vector<16xf32>
      %get3A_627 = arith.constant 1 : i32
      %get3A_628 = arith.index_cast %get3A_627 : i32 to index
      %get3A_629 = arith.index_cast %scan3A_613 : i32 to index
      %get3A_630 = arith.constant 16 : index
      %get3A_631 = tpu.vector_load %arg7[%get3A_628, %get3A_629, %get3A_630] {strides = array<i32>} : memref<2x256x128xf32, #tpu.memory_space<vmem>>, vector<1x1x16xf32>,
      %get3A_632 = vector.shape_cast %get3A_631 : vector<1x1x16xf32> to vector<16xf32>
      %max3A_633 = arith.maximumf %scan3A_615, %get3A_632 : vector<16xf32>
      %get3A_634 = arith.constant 1 : i32
      %get3A_635 = arith.index_cast %get3A_634 : i32 to index
      %get3A_636 = arith.index_cast %scan3A_613 : i32 to index
      %get3A_637 = arith.constant 32 : index
      %get3A_638 = tpu.vector_load %arg7[%get3A_635, %get3A_636, %get3A_637] {strides = array<i32>} : memref<2x256x128xf32, #tpu.memory_space<vmem>>, vector<1x1x16xf32>,
      %get3A_639 = vector.shape_cast %get3A_638 : vector<1x1x16xf32> to vector<16xf32>
      %max3A_640 = arith.maximumf %scan3A_616, %get3A_639 : vector<16xf32>
      %get3A_641 = arith.constant 1 : i32
      %get3A_642 = arith.index_cast %get3A_641 : i32 to index
      %get3A_643 = arith.index_cast %scan3A_613 : i32 to index
      %get3A_644 = arith.constant 48 : index
      %get3A_645 = tpu.vector_load %arg7[%get3A_642, %get3A_643, %get3A_644] {strides = array<i32>} : memref<2x256x128xf32, #tpu.memory_space<vmem>>, vector<1x1x16xf32>,
      %get3A_646 = vector.shape_cast %get3A_645 : vector<1x1x16xf32> to vector<16xf32>
      %max3A_647 = arith.maximumf %scan3A_617, %get3A_646 : vector<16xf32>
      %get3A_648 = arith.constant 1 : i32
      %get3A_649 = arith.index_cast %get3A_648 : i32 to index
      %get3A_650 = arith.index_cast %scan3A_613 : i32 to index
      %get3A_651 = arith.constant 64 : index
      %get3A_652 = tpu.vector_load %arg7[%get3A_649, %get3A_650, %get3A_651] {strides = array<i32>} : memref<2x256x128xf32, #tpu.memory_space<vmem>>, vector<1x1x16xf32>,
      %get3A_653 = vector.shape_cast %get3A_652 : vector<1x1x16xf32> to vector<16xf32>
      %max3A_654 = arith.maximumf %scan3A_618, %get3A_653 : vector<16xf32>
      %get3A_655 = arith.constant 1 : i32
      %get3A_656 = arith.index_cast %get3A_655 : i32 to index
      %get3A_657 = arith.index_cast %scan3A_613 : i32 to index
      %get3A_658 = arith.constant 80 : index
      %get3A_659 = tpu.vector_load %arg7[%get3A_656, %get3A_657, %get3A_658] {strides = array<i32>} : memref<2x256x128xf32, #tpu.memory_space<vmem>>, vector<1x1x16xf32>,
      %get3A_660 = vector.shape_cast %get3A_659 : vector<1x1x16xf32> to vector<16xf32>
      %max3A_661 = arith.maximumf %scan3A_619, %get3A_660 : vector<16xf32>
      %get3A_662 = arith.constant 1 : i32
      %get3A_663 = arith.index_cast %get3A_662 : i32 to index
      %get3A_664 = arith.index_cast %scan3A_613 : i32 to index
      %get3A_665 = arith.constant 96 : index
      %get3A_666 = tpu.vector_load %arg7[%get3A_663, %get3A_664, %get3A_665] {strides = array<i32>} : memref<2x256x128xf32, #tpu.memory_space<vmem>>, vector<1x1x16xf32>,
      %get3A_667 = vector.shape_cast %get3A_666 : vector<1x1x16xf32> to vector<16xf32>
      %max3A_668 = arith.maximumf %scan3A_620, %get3A_667 : vector<16xf32>
      %get3A_669 = arith.constant 1 : i32
      %get3A_670 = arith.index_cast %get3A_669 : i32 to index
      %get3A_671 = arith.index_cast %scan3A_613 : i32 to index
      %get3A_672 = arith.constant 112 : index
      %get3A_673 = tpu.vector_load %arg7[%get3A_670, %get3A_671, %get3A_672] {strides = array<i32>} : memref<2x256x128xf32, #tpu.memory_space<vmem>>, vector<1x1x16xf32>,
      %get3A_674 = vector.shape_cast %get3A_673 : vector<1x1x16xf32> to vector<16xf32>
      %max3A_675 = arith.maximumf %scan3A_621, %get3A_674 : vector<16xf32>
      %scan3A_676 = arith.constant 1 : i32
      %scan3A_677 = arith.addi %scan3A_613, %scan3A_676 : i32
      %get3A_678 = arith.constant 1 : i32
      %get3A_679 = arith.index_cast %get3A_678 : i32 to index
      %get3A_680 = arith.index_cast %scan3A_677 : i32 to index
      %get3A_681 = arith.constant 0 : index
      %get3A_682 = tpu.vector_load %arg7[%get3A_679, %get3A_680, %get3A_681] {strides = array<i32>} : memref<2x256x128xf32, #tpu.memory_space<vmem>>, vector<1x1x16xf32>,
      %get3A_683 = vector.shape_cast %get3A_682 : vector<1x1x16xf32> to vector<16xf32>
      %max3A_684 = arith.maximumf %max3A, %get3A_683 : vector<16xf32>
      %get3A_685 = arith.constant 1 : i32
      %get3A_686 = arith.index_cast %get3A_685 : i32 to index
      %get3A_687 = arith.index_cast %scan3A_677 : i32 to index
      %get3A_688 = arith.constant 16 : index
      %get3A_689 = tpu.vector_load %arg7[%get3A_686, %get3A_687, %get3A_688] {strides = array<i32>} : memref<2x256x128xf32, #tpu.memory_space<vmem>>, vector<1x1x16xf32>,
      %get3A_690 = vector.shape_cast %get3A_689 : vector<1x1x16xf32> to vector<16xf32>
      %max3A_691 = arith.maximumf %max3A_633, %get3A_690 : vector<16xf32>
      %get3A_692 = arith.constant 1 : i32
      %get3A_693 = arith.index_cast %get3A_692 : i32 to index
      %get3A_694 = arith.index_cast %scan3A_677 : i32 to index
      %get3A_695 = arith.constant 32 : index
      %get3A_696 = tpu.vector_load %arg7[%get3A_693, %get3A_694, %get3A_695] {strides = array<i32>} : memref<2x256x128xf32, #tpu.memory_space<vmem>>, vector<1x1x16xf32>,
      %get3A_697 = vector.shape_cast %get3A_696 : vector<1x1x16xf32> to vector<16xf32>
      %max3A_698 = arith.maximumf %max3A_640, %get3A_697 : vector<16xf32>
      %get3A_699 = arith.constant 1 : i32
      %get3A_700 = arith.index_cast %get3A_699 : i32 to index
      %get3A_701 = arith.index_cast %scan3A_677 : i32 to index
      %get3A_702 = arith.constant 48 : index
      %get3A_703 = tpu.vector_load %arg7[%get3A_700, %get3A_701, %get3A_702] {strides = array<i32>} : memref<2x256x128xf32, #tpu.memory_space<vmem>>, vector<1x1x16xf32>,
      %get3A_704 = vector.shape_cast %get3A_703 : vector<1x1x16xf32> to vector<16xf32>
      %max3A_705 = arith.maximumf %max3A_647, %get3A_704 : vector<16xf32>
      %get3A_706 = arith.constant 1 : i32
      %get3A_707 = arith.index_cast %get3A_706 : i32 to index
      %get3A_708 = arith.index_cast %scan3A_677 : i32 to index
      %get3A_709 = arith.constant 64 : index
      %get3A_710 = tpu.vector_load %arg7[%get3A_707, %get3A_708, %get3A_709] {strides = array<i32>} : memref<2x256x128xf32, #tpu.memory_space<vmem>>, vector<1x1x16xf32>,
      %get3A_711 = vector.shape_cast %get3A_710 : vector<1x1x16xf32> to vector<16xf32>
      %max3A_712 = arith.maximumf %max3A_654, %get3A_711 : vector<16xf32>
      %get3A_713 = arith.constant 1 : i32
      %get3A_714 = arith.index_cast %get3A_713 : i32 to index
      %get3A_715 = arith.index_cast %scan3A_677 : i32 to index
      %get3A_716 = arith.constant 80 : index
      %get3A_717 = tpu.vector_load %arg7[%get3A_714, %get3A_715, %get3A_716] {strides = array<i32>} : memref<2x256x128xf32, #tpu.memory_space<vmem>>, vector<1x1x16xf32>,
      %get3A_718 = vector.shape_cast %get3A_717 : vector<1x1x16xf32> to vector<16xf32>
      %max3A_719 = arith.maximumf %max3A_661, %get3A_718 : vector<16xf32>
      %get3A_720 = arith.constant 1 : i32
      %get3A_721 = arith.index_cast %get3A_720 : i32 to index
      %get3A_722 = arith.index_cast %scan3A_677 : i32 to index
      %get3A_723 = arith.constant 96 : index
      %get3A_724 = tpu.vector_load %arg7[%get3A_721, %get3A_722, %get3A_723] {strides = array<i32>} : memref<2x256x128xf32, #tpu.memory_space<vmem>>, vector<1x1x16xf32>,
      %get3A_725 = vector.shape_cast %get3A_724 : vector<1x1x16xf32> to vector<16xf32>
      %max3A_726 = arith.maximumf %max3A_668, %get3A_725 : vector<16xf32>
      %get3A_727 = arith.constant 1 : i32
      %get3A_728 = arith.index_cast %get3A_727 : i32 to index
      %get3A_729 = arith.index_cast %scan3A_677 : i32 to index
      %get3A_730 = arith.constant 112 : index
      %get3A_731 = tpu.vector_load %arg7[%get3A_728, %get3A_729, %get3A_730] {strides = array<i32>} : memref<2x256x128xf32, #tpu.memory_space<vmem>>, vector<1x1x16xf32>,
      %get3A_732 = vector.shape_cast %get3A_731 : vector<1x1x16xf32> to vector<16xf32>
      %max3A_733 = arith.maximumf %max3A_675, %get3A_732 : vector<16xf32>
      %scan3A_734 = arith.constant 2 : i32
      %scan3A_735 = arith.addi %scan3A_613, %scan3A_734 : i32
      %get3A_736 = arith.constant 1 : i32
      %get3A_737 = arith.index_cast %get3A_736 : i32 to index
      %get3A_738 = arith.index_cast %scan3A_735 : i32 to index
      %get3A_739 = arith.constant 0 : index
      %get3A_740 = tpu.vector_load %arg7[%get3A_737, %get3A_738, %get3A_739] {strides = array<i32>} : memref<2x256x128xf32, #tpu.memory_space<vmem>>, vector<1x1x16xf32>,
      %get3A_741 = vector.shape_cast %get3A_740 : vector<1x1x16xf32> to vector<16xf32>
      %max3A_742 = arith.maximumf %max3A_684, %get3A_741 : vector<16xf32>
      %get3A_743 = arith.constant 1 : i32
      %get3A_744 = arith.index_cast %get3A_743 : i32 to index
      %get3A_745 = arith.index_cast %scan3A_735 : i32 to index
      %get3A_746 = arith.constant 16 : index
      %get3A_747 = tpu.vector_load %arg7[%get3A_744, %get3A_745, %get3A_746] {strides = array<i32>} : memref<2x256x128xf32, #tpu.memory_space<vmem>>, vector<1x1x16xf32>,
      %get3A_748 = vector.shape_cast %get3A_747 : vector<1x1x16xf32> to vector<16xf32>
      %max3A_749 = arith.maximumf %max3A_691, %get3A_748 : vector<16xf32>
      %get3A_750 = arith.constant 1 : i32
      %get3A_751 = arith.index_cast %get3A_750 : i32 to index
      %get3A_752 = arith.index_cast %scan3A_735 : i32 to index
      %get3A_753 = arith.constant 32 : index
      %get3A_754 = tpu.vector_load %arg7[%get3A_751, %get3A_752, %get3A_753] {strides = array<i32>} : memref<2x256x128xf32, #tpu.memory_space<vmem>>, vector<1x1x16xf32>,
      %get3A_755 = vector.shape_cast %get3A_754 : vector<1x1x16xf32> to vector<16xf32>
      %max3A_756 = arith.maximumf %max3A_698, %get3A_755 : vector<16xf32>
      %get3A_757 = arith.constant 1 : i32
      %get3A_758 = arith.index_cast %get3A_757 : i32 to index
      %get3A_759 = arith.index_cast %scan3A_735 : i32 to index
      %get3A_760 = arith.constant 48 : index
      %get3A_761 = tpu.vector_load %arg7[%get3A_758, %get3A_759, %get3A_760] {strides = array<i32>} : memref<2x256x128xf32, #tpu.memory_space<vmem>>, vector<1x1x16xf32>,
      %get3A_762 = vector.shape_cast %get3A_761 : vector<1x1x16xf32> to vector<16xf32>
      %max3A_763 = arith.maximumf %max3A_705, %get3A_762 : vector<16xf32>
      %get3A_764 = arith.constant 1 : i32
      %get3A_765 = arith.index_cast %get3A_764 : i32 to index
      %get3A_766 = arith.index_cast %scan3A_735 : i32 to index
      %get3A_767 = arith.constant 64 : index
      %get3A_768 = tpu.vector_load %arg7[%get3A_765, %get3A_766, %get3A_767] {strides = array<i32>} : memref<2x256x128xf32, #tpu.memory_space<vmem>>, vector<1x1x16xf32>,
      %get3A_769 = vector.shape_cast %get3A_768 : vector<1x1x16xf32> to vector<16xf32>
      %max3A_770 = arith.maximumf %max3A_712, %get3A_769 : vector<16xf32>
      %get3A_771 = arith.constant 1 : i32
      %get3A_772 = arith.index_cast %get3A_771 : i32 to index
      %get3A_773 = arith.index_cast %scan3A_735 : i32 to index
      %get3A_774 = arith.constant 80 : index
      %get3A_775 = tpu.vector_load %arg7[%get3A_772, %get3A_773, %get3A_774] {strides = array<i32>} : memref<2x256x128xf32, #tpu.memory_space<vmem>>, vector<1x1x16xf32>,
      %get3A_776 = vector.shape_cast %get3A_775 : vector<1x1x16xf32> to vector<16xf32>
      %max3A_777 = arith.maximumf %max3A_719, %get3A_776 : vector<16xf32>
      %get3A_778 = arith.constant 1 : i32
      %get3A_779 = arith.index_cast %get3A_778 : i32 to index
      %get3A_780 = arith.index_cast %scan3A_735 : i32 to index
      %get3A_781 = arith.constant 96 : index
      %get3A_782 = tpu.vector_load %arg7[%get3A_779, %get3A_780, %get3A_781] {strides = array<i32>} : memref<2x256x128xf32, #tpu.memory_space<vmem>>, vector<1x1x16xf32>,
      %get3A_783 = vector.shape_cast %get3A_782 : vector<1x1x16xf32> to vector<16xf32>
      %max3A_784 = arith.maximumf %max3A_726, %get3A_783 : vector<16xf32>
      %get3A_785 = arith.constant 1 : i32
      %get3A_786 = arith.index_cast %get3A_785 : i32 to index
      %get3A_787 = arith.index_cast %scan3A_735 : i32 to index
      %get3A_788 = arith.constant 112 : index
      %get3A_789 = tpu.vector_load %arg7[%get3A_786, %get3A_787, %get3A_788] {strides = array<i32>} : memref<2x256x128xf32, #tpu.memory_space<vmem>>, vector<1x1x16xf32>,
      %get3A_790 = vector.shape_cast %get3A_789 : vector<1x1x16xf32> to vector<16xf32>
      %max3A_791 = arith.maximumf %max3A_733, %get3A_790 : vector<16xf32>
      %scan3A_792 = arith.constant 3 : i32
      %scan3A_793 = arith.addi %scan3A_613, %scan3A_792 : i32
      %get3A_794 = arith.constant 1 : i32
      %get3A_795 = arith.index_cast %get3A_794 : i32 to index
      %get3A_796 = arith.index_cast %scan3A_793 : i32 to index
      %get3A_797 = arith.constant 0 : index
      %get3A_798 = tpu.vector_load %arg7[%get3A_795, %get3A_796, %get3A_797] {strides = array<i32>} : memref<2x256x128xf32, #tpu.memory_space<vmem>>, vector<1x1x16xf32>,
      %get3A_799 = vector.shape_cast %get3A_798 : vector<1x1x16xf32> to vector<16xf32>
      %max3A_800 = arith.maximumf %max3A_742, %get3A_799 : vector<16xf32>
      %get3A_801 = arith.constant 1 : i32
      %get3A_802 = arith.index_cast %get3A_801 : i32 to index
      %get3A_803 = arith.index_cast %scan3A_793 : i32 to index
      %get3A_804 = arith.constant 16 : index
      %get3A_805 = tpu.vector_load %arg7[%get3A_802, %get3A_803, %get3A_804] {strides = array<i32>} : memref<2x256x128xf32, #tpu.memory_space<vmem>>, vector<1x1x16xf32>,
      %get3A_806 = vector.shape_cast %get3A_805 : vector<1x1x16xf32> to vector<16xf32>
      %max3A_807 = arith.maximumf %max3A_749, %get3A_806 : vector<16xf32>
      %get3A_808 = arith.constant 1 : i32
      %get3A_809 = arith.index_cast %get3A_808 : i32 to index
      %get3A_810 = arith.index_cast %scan3A_793 : i32 to index
      %get3A_811 = arith.constant 32 : index
      %get3A_812 = tpu.vector_load %arg7[%get3A_809, %get3A_810, %get3A_811] {strides = array<i32>} : memref<2x256x128xf32, #tpu.memory_space<vmem>>, vector<1x1x16xf32>,
      %get3A_813 = vector.shape_cast %get3A_812 : vector<1x1x16xf32> to vector<16xf32>
      %max3A_814 = arith.maximumf %max3A_756, %get3A_813 : vector<16xf32>
      %get3A_815 = arith.constant 1 : i32
      %get3A_816 = arith.index_cast %get3A_815 : i32 to index
      %get3A_817 = arith.index_cast %scan3A_793 : i32 to index
      %get3A_818 = arith.constant 48 : index
      %get3A_819 = tpu.vector_load %arg7[%get3A_816, %get3A_817, %get3A_818] {strides = array<i32>} : memref<2x256x128xf32, #tpu.memory_space<vmem>>, vector<1x1x16xf32>,
      %get3A_820 = vector.shape_cast %get3A_819 : vector<1x1x16xf32> to vector<16xf32>
      %max3A_821 = arith.maximumf %max3A_763, %get3A_820 : vector<16xf32>
      %get3A_822 = arith.constant 1 : i32
      %get3A_823 = arith.index_cast %get3A_822 : i32 to index
      %get3A_824 = arith.index_cast %scan3A_793 : i32 to index
      %get3A_825 = arith.constant 64 : index
      %get3A_826 = tpu.vector_load %arg7[%get3A_823, %get3A_824, %get3A_825] {strides = array<i32>} : memref<2x256x128xf32, #tpu.memory_space<vmem>>, vector<1x1x16xf32>,
      %get3A_827 = vector.shape_cast %get3A_826 : vector<1x1x16xf32> to vector<16xf32>
      %max3A_828 = arith.maximumf %max3A_770, %get3A_827 : vector<16xf32>
      %get3A_829 = arith.constant 1 : i32
      %get3A_830 = arith.index_cast %get3A_829 : i32 to index
      %get3A_831 = arith.index_cast %scan3A_793 : i32 to index
      %get3A_832 = arith.constant 80 : index
      %get3A_833 = tpu.vector_load %arg7[%get3A_830, %get3A_831, %get3A_832] {strides = array<i32>} : memref<2x256x128xf32, #tpu.memory_space<vmem>>, vector<1x1x16xf32>,
      %get3A_834 = vector.shape_cast %get3A_833 : vector<1x1x16xf32> to vector<16xf32>
      %max3A_835 = arith.maximumf %max3A_777, %get3A_834 : vector<16xf32>
      %get3A_836 = arith.constant 1 : i32
      %get3A_837 = arith.index_cast %get3A_836 : i32 to index
      %get3A_838 = arith.index_cast %scan3A_793 : i32 to index
      %get3A_839 = arith.constant 96 : index
      %get3A_840 = tpu.vector_load %arg7[%get3A_837, %get3A_838, %get3A_839] {strides = array<i32>} : memref<2x256x128xf32, #tpu.memory_space<vmem>>, vector<1x1x16xf32>,
      %get3A_841 = vector.shape_cast %get3A_840 : vector<1x1x16xf32> to vector<16xf32>
      %max3A_842 = arith.maximumf %max3A_784, %get3A_841 : vector<16xf32>
      %get3A_843 = arith.constant 1 : i32
      %get3A_844 = arith.index_cast %get3A_843 : i32 to index
      %get3A_845 = arith.index_cast %scan3A_793 : i32 to index
      %get3A_846 = arith.constant 112 : index
      %get3A_847 = tpu.vector_load %arg7[%get3A_844, %get3A_845, %get3A_846] {strides = array<i32>} : memref<2x256x128xf32, #tpu.memory_space<vmem>>, vector<1x1x16xf32>,
      %get3A_848 = vector.shape_cast %get3A_847 : vector<1x1x16xf32> to vector<16xf32>
      %max3A_849 = arith.maximumf %max3A_791, %get3A_848 : vector<16xf32>
      scf.yield %max3A_800, %max3A_807, %max3A_814, %max3A_821, %max3A_828, %max3A_835, %max3A_842, %max3A_849 : vector<16xf32>, vector<16xf32>, vector<16xf32>, vector<16xf32>, vector<16xf32>, vector<16xf32>, vector<16xf32>, vector<16xf32>
    }
    %scan3A_128 = arith.constant 256 : i32
    %mul3A_129 = arith.constant 2 : i32
    %mul3A_130 = arith.muli %scan3A, %mul3A_129 : i32
    %add3A_131 = arith.constant 1 : i32
    %add3A_132 = arith.addi %mul3A_130, %add3A_131 : i32
    %add3A_133 = arith.constant 2 : i32
    %add3A_134 = arith.addi %add3A_132, %add3A_133 : i32
    %lt3A_135 = arith.constant 2 : i32
    %lt3A_136 = arith.cmpi slt, %add3A_134, %lt3A_135 : i32
    %convert_element_type3A_137 = arith.extui %lt3A_136 : i1 to i32
    %cond3A_138 = arith.constant 0 : i32
    %cond3A_139 = arith.cmpi ne, %convert_element_type3A_137, %cond3A_138 : i32
    scf.if %cond3A_139 {
      %mul3A_613 = arith.constant 256 : i32
      %mul3A_614 = arith.muli %add3A_134, %mul3A_613 : i32
      %add3A_615 = arith.addi %mul3A_32, %mul3A_614 : i32
      %dma_start3A_616 = arith.constant 1 : i32
      %dma_start3A_617 = arith.constant 0 : i32
      %dma_start3A_618 = arith.constant 0 : i32
      %dma_start3A_619 = tpu.memref_slice %arg7[%dma_start3A_616, %dma_start3A_617, %dma_start3A_618] : memref<2x256x128xf32, #tpu.memory_space<vmem>> -> memref<1x256x128xf32, #tpu.memory_space<vmem>>
      %dma_start3A_620 = tpu.memref_squeeze %dma_start3A_619 : memref<1x256x128xf32, #tpu.memory_space<vmem>> -> memref<256x128xf32, #tpu.memory_space<vmem>>
      %dma_start3A_621 = arith.constant 0 : i32
      %dma_start3A_622 = tpu.memref_slice %arg2[%select_n3A_30, %add3A_615, %dma_start3A_621] : memref<8x16384x128xf32, #tpu.memory_space<hbm>> -> memref<1x256x128xf32, #tpu.memory_space<hbm>>
      %dma_start3A_623 = tpu.memref_squeeze %dma_start3A_622 : memref<1x256x128xf32, #tpu.memory_space<hbm>> -> memref<256x128xf32, #tpu.memory_space<hbm>>
      %dma_start3A_624 = arith.constant 0 : i32
      %dma_start3A_625 = arith.constant 0 : i32
      %dma_start3A_626 = tpu.memref_slice %arg7[%dma_start3A_616, %dma_start3A_624, %dma_start3A_625] : memref<2x256x128xf32, #tpu.memory_space<vmem>> -> memref<1x256x128xf32, #tpu.memory_space<vmem>>
      %dma_start3A_627 = tpu.memref_squeeze %dma_start3A_626 : memref<1x256x128xf32, #tpu.memory_space<vmem>> -> memref<256x128xf32, #tpu.memory_space<vmem>>
      %dma_start3A_628 = arith.constant 0 : i32
      %dma_start3A_629 = tpu.memref_slice %arg2[%select_n3A_30, %add3A_615, %dma_start3A_628] : memref<8x16384x128xf32, #tpu.memory_space<hbm>> -> memref<1x256x128xf32, #tpu.memory_space<hbm>>
      %dma_start3A_630 = tpu.memref_squeeze %dma_start3A_629 : memref<1x256x128xf32, #tpu.memory_space<hbm>> -> memref<256x128xf32, #tpu.memory_space<hbm>>
      tpu.enqueue_dma source(%dma_start3A_630 : memref<256x128xf32, #tpu.memory_space<hbm>>) target(%dma_start3A_627 : memref<256x128xf32, #tpu.memory_space<vmem>>) target_semaphore(%arg10 : memref<!tpu.dma_semaphore, #tpu.memory_space<semaphore_mem>>)
    } else {
    }
    %scan3A_140 = arith.constant 1 : i32
    %swap3A = arith.constant 0 : index
    %swap3A_141 = tpu.vector_load %arg8[%swap3A] {strides = array<i32>} : memref<128xf32, #tpu.memory_space<vmem>>, vector<16xf32>,
    %swap3A_142 = vector.shape_cast %swap3A_141 : vector<16xf32> to vector<16xf32>
    %swap3A_143 = vector.shape_cast %scan3A_127#0 : vector<16xf32> to vector<16xf32>
    tpu.vector_store %arg8[%swap3A], %swap3A_143 {strides = array<i32>} : memref<128xf32, #tpu.memory_space<vmem>>, vector<16xf32>,
    %swap3A_144 = arith.constant 16 : index
    %swap3A_145 = tpu.vector_load %arg8[%swap3A_144] {strides = array<i32>} : memref<128xf32, #tpu.memory_space<vmem>>, vector<16xf32>,
    %swap3A_146 = vector.shape_cast %swap3A_145 : vector<16xf32> to vector<16xf32>
    %swap3A_147 = vector.shape_cast %scan3A_127#1 : vector<16xf32> to vector<16xf32>
    tpu.vector_store %arg8[%swap3A_144], %swap3A_147 {strides = array<i32>} : memref<128xf32, #tpu.memory_space<vmem>>, vector<16xf32>,
    %swap3A_148 = arith.constant 32 : index
    %swap3A_149 = tpu.vector_load %arg8[%swap3A_148] {strides = array<i32>} : memref<128xf32, #tpu.memory_space<vmem>>, vector<16xf32>,
    %swap3A_150 = vector.shape_cast %swap3A_149 : vector<16xf32> to vector<16xf32>
    %swap3A_151 = vector.shape_cast %scan3A_127#2 : vector<16xf32> to vector<16xf32>
    tpu.vector_store %arg8[%swap3A_148], %swap3A_151 {strides = array<i32>} : memref<128xf32, #tpu.memory_space<vmem>>, vector<16xf32>,
    %swap3A_152 = arith.constant 48 : index
    %swap3A_153 = tpu.vector_load %arg8[%swap3A_152] {strides = array<i32>} : memref<128xf32, #tpu.memory_space<vmem>>, vector<16xf32>,
    %swap3A_154 = vector.shape_cast %swap3A_153 : vector<16xf32> to vector<16xf32>
    %swap3A_155 = vector.shape_cast %scan3A_127#3 : vector<16xf32> to vector<16xf32>
    tpu.vector_store %arg8[%swap3A_152], %swap3A_155 {strides = array<i32>} : memref<128xf32, #tpu.memory_space<vmem>>, vector<16xf32>,
    %swap3A_156 = arith.constant 64 : index
    %swap3A_157 = tpu.vector_load %arg8[%swap3A_156] {strides = array<i32>} : memref<128xf32, #tpu.memory_space<vmem>>, vector<16xf32>,
    %swap3A_158 = vector.shape_cast %swap3A_157 : vector<16xf32> to vector<16xf32>
    %swap3A_159 = vector.shape_cast %scan3A_127#4 : vector<16xf32> to vector<16xf32>
    tpu.vector_store %arg8[%swap3A_156], %swap3A_159 {strides = array<i32>} : memref<128xf32, #tpu.memory_space<vmem>>, vector<16xf32>,
    %swap3A_160 = arith.constant 80 : index
    %swap3A_161 = tpu.vector_load %arg8[%swap3A_160] {strides = array<i32>} : memref<128xf32, #tpu.memory_space<vmem>>, vector<16xf32>,
    %swap3A_162 = vector.shape_cast %swap3A_161 : vector<16xf32> to vector<16xf32>
    %swap3A_163 = vector.shape_cast %scan3A_127#5 : vector<16xf32> to vector<16xf32>
    tpu.vector_store %arg8[%swap3A_160], %swap3A_163 {strides = array<i32>} : memref<128xf32, #tpu.memory_space<vmem>>, vector<16xf32>,
    %swap3A_164 = arith.constant 96 : index
    %swap3A_165 = tpu.vector_load %arg8[%swap3A_164] {strides = array<i32>} : memref<128xf32, #tpu.memory_space<vmem>>, vector<16xf32>,
    %swap3A_166 = vector.shape_cast %swap3A_165 : vector<16xf32> to vector<16xf32>
    %swap3A_167 = vector.shape_cast %scan3A_127#6 : vector<16xf32> to vector<16xf32>
    tpu.vector_store %arg8[%swap3A_164], %swap3A_167 {strides = array<i32>} : memref<128xf32, #tpu.memory_space<vmem>>, vector<16xf32>,
    %swap3A_168 = arith.constant 112 : index
    %swap3A_169 = tpu.vector_load %arg8[%swap3A_168] {strides = array<i32>} : memref<128xf32, #tpu.memory_space<vmem>>, vector<16xf32>,
    %swap3A_170 = vector.shape_cast %swap3A_169 : vector<16xf32> to vector<16xf32>
    %swap3A_171 = vector.shape_cast %scan3A_127#7 : vector<16xf32> to vector<16xf32>
    tpu.vector_store %arg8[%swap3A_168], %swap3A_171 {strides = array<i32>} : memref<128xf32, #tpu.memory_space<vmem>>, vector<16xf32>,
    %run_scoped3A = arith.constant 0 : i32
    "tpu.region"() ({
      %run_scoped3A_613 = tpu.sem_alloc : memref<!tpu.dma_semaphore, #tpu.memory_space<semaphore_mem>>
      %dma_start3A_614 = arith.constant 0 : i32
      %dma_start3A_615 = tpu.memref_slice %arg6[%run_scoped3A, %select_n3A, %select_n3A_30, %dma_start3A_614] : memref<4x4x8x128xf32, #tpu.memory_space<hbm>> -> memref<1x1x1x128xf32, #tpu.memory_space<hbm>>
      %dma_start3A_616 = tpu.memref_squeeze %dma_start3A_615 : memref<1x1x1x128xf32, #tpu.memory_space<hbm>> -> memref<128xf32, #tpu.memory_space<hbm>>
      %dma_start3A_617 = arith.constant 0 : i32
      %dma_start3A_618 = tpu.memref_slice %arg6[%run_scoped3A, %select_n3A, %select_n3A_30, %dma_start3A_617] : memref<4x4x8x128xf32, #tpu.memory_space<hbm>> -> memref<1x1x1x128xf32, #tpu.memory_space<hbm>>
      %dma_start3A_619 = tpu.memref_squeeze %dma_start3A_618 : memref<1x1x1x128xf32, #tpu.memory_space<hbm>> -> memref<128xf32, #tpu.memory_space<hbm>>
      tpu.enqueue_dma source(%arg8 : memref<128xf32, #tpu.memory_space<vmem>>) target(%dma_start3A_619 : memref<128xf32, #tpu.memory_space<hbm>>) target_semaphore(%run_scoped3A_613 : memref<!tpu.dma_semaphore, #tpu.memory_space<semaphore_mem>>)
      %dma_wait3A_620 = arith.constant 0 : i32
      %dma_wait3A_621 = tpu.memref_slice %arg6[%run_scoped3A, %select_n3A, %select_n3A_30, %dma_wait3A_620] : memref<4x4x8x128xf32, #tpu.memory_space<hbm>> -> memref<1x1x1x128xf32, #tpu.memory_space<hbm>>
      %dma_wait3A_622 = tpu.memref_squeeze %dma_wait3A_621 : memref<1x1x1x128xf32, #tpu.memory_space<hbm>> -> memref<128xf32, #tpu.memory_space<hbm>>
      %dma_wait3A_623 = arith.constant 0 : i32
      %dma_wait3A_624 = tpu.memref_slice %arg6[%run_scoped3A, %select_n3A, %select_n3A_30, %dma_wait3A_623] : memref<4x4x8x128xf32, #tpu.memory_space<hbm>> -> memref<1x1x1x128xf32, #tpu.memory_space<hbm>>
      %dma_wait3A_625 = tpu.memref_squeeze %dma_wait3A_624 : memref<1x1x1x128xf32, #tpu.memory_space<hbm>> -> memref<128xf32, #tpu.memory_space<hbm>>
      tpu.wait_dma2 semaphore(%run_scoped3A_613 : memref<!tpu.dma_semaphore, #tpu.memory_space<semaphore_mem>>) src(%arg8 : memref<128xf32, #tpu.memory_space<vmem>>) dst(%dma_wait3A_625 : memref<128xf32, #tpu.memory_space<hbm>>)
      tpu.yield
    }) : () -> ()
    %dma_start3A_172 = arith.constant 0 : i32
    %dma_start3A_173 = arith.constant 0 : i32
    %dma_start3A_174 = arith.constant 0 : i32
    %dma_start3A_175 = tpu.memref_slice %arg7[%dma_start3A_172, %dma_start3A_173, %dma_start3A_174] : memref<2x256x128xf32, #tpu.memory_space<vmem>> -> memref<1x256x128xf32, #tpu.memory_space<vmem>>
    %dma_start3A_176 = tpu.memref_squeeze %dma_start3A_175 : memref<1x256x128xf32, #tpu.memory_space<vmem>> -> memref<256x128xf32, #tpu.memory_space<vmem>>
    %dma_start3A_177 = arith.constant 0 : i32
    %dma_start3A_178 = tpu.memref_slice %arg3[%select_n3A_30, %mul3A_32, %dma_start3A_177] : memref<8x16384x128xf32, #tpu.memory_space<hbm>> -> memref<1x256x128xf32, #tpu.memory_space<hbm>>
    %dma_start3A_179 = tpu.memref_squeeze %dma_start3A_178 : memref<1x256x128xf32, #tpu.memory_space<hbm>> -> memref<256x128xf32, #tpu.memory_space<hbm>>
    %dma_start3A_180 = arith.constant 0 : i32
    %dma_start3A_181 = arith.constant 0 : i32
    %dma_start3A_182 = tpu.memref_slice %arg7[%dma_start3A_172, %dma_start3A_180, %dma_start3A_181] : memref<2x256x128xf32, #tpu.memory_space<vmem>> -> memref<1x256x128xf32, #tpu.memory_space<vmem>>
    %dma_start3A_183 = tpu.memref_squeeze %dma_start3A_182 : memref<1x256x128xf32, #tpu.memory_space<vmem>> -> memref<256x128xf32, #tpu.memory_space<vmem>>
    %dma_start3A_184 = arith.constant 0 : i32
    %dma_start3A_185 = tpu.memref_slice %arg3[%select_n3A_30, %mul3A_32, %dma_start3A_184] : memref<8x16384x128xf32, #tpu.memory_space<hbm>> -> memref<1x256x128xf32, #tpu.memory_space<hbm>>
    %dma_start3A_186 = tpu.memref_squeeze %dma_start3A_185 : memref<1x256x128xf32, #tpu.memory_space<hbm>> -> memref<256x128xf32, #tpu.memory_space<hbm>>
    tpu.enqueue_dma source(%dma_start3A_186 : memref<256x128xf32, #tpu.memory_space<hbm>>) target(%dma_start3A_183 : memref<256x128xf32, #tpu.memory_space<vmem>>) target_semaphore(%arg9 : memref<!tpu.dma_semaphore, #tpu.memory_space<semaphore_mem>>)
    %add3A_187 = arith.constant 256 : i32
    %add3A_188 = arith.addi %mul3A_32, %add3A_187 : i32
    %dma_start3A_189 = arith.constant 1 : i32
    %dma_start3A_190 = arith.constant 0 : i32
    %dma_start3A_191 = arith.constant 0 : i32
    %dma_start3A_192 = tpu.memref_slice %arg7[%dma_start3A_189, %dma_start3A_190, %dma_start3A_191] : memref<2x256x128xf32, #tpu.memory_space<vmem>> -> memref<1x256x128xf32, #tpu.memory_space<vmem>>
    %dma_start3A_193 = tpu.memref_squeeze %dma_start3A_192 : memref<1x256x128xf32, #tpu.memory_space<vmem>> -> memref<256x128xf32, #tpu.memory_space<vmem>>
    %dma_start3A_194 = arith.constant 0 : i32
    %dma_start3A_195 = tpu.memref_slice %arg3[%select_n3A_30, %add3A_188, %dma_start3A_194] : memref<8x16384x128xf32, #tpu.memory_space<hbm>> -> memref<1x256x128xf32, #tpu.memory_space<hbm>>
    %dma_start3A_196 = tpu.memref_squeeze %dma_start3A_195 : memref<1x256x128xf32, #tpu.memory_space<hbm>> -> memref<256x128xf32, #tpu.memory_space<hbm>>
    %dma_start3A_197 = arith.constant 0 : i32
    %dma_start3A_198 = arith.constant 0 : i32
    %dma_start3A_199 = tpu.memref_slice %arg7[%dma_start3A_189, %dma_start3A_197, %dma_start3A_198] : memref<2x256x128xf32, #tpu.memory_space<vmem>> -> memref<1x256x128xf32, #tpu.memory_space<vmem>>
    %dma_start3A_200 = tpu.memref_squeeze %dma_start3A_199 : memref<1x256x128xf32, #tpu.memory_space<vmem>> -> memref<256x128xf32, #tpu.memory_space<vmem>>
    %dma_start3A_201 = arith.constant 0 : i32
    %dma_start3A_202 = tpu.memref_slice %arg3[%select_n3A_30, %add3A_188, %dma_start3A_201] : memref<8x16384x128xf32, #tpu.memory_space<hbm>> -> memref<1x256x128xf32, #tpu.memory_space<hbm>>
    %dma_start3A_203 = tpu.memref_squeeze %dma_start3A_202 : memref<1x256x128xf32, #tpu.memory_space<hbm>> -> memref<256x128xf32, #tpu.memory_space<hbm>>
    tpu.enqueue_dma source(%dma_start3A_203 : memref<256x128xf32, #tpu.memory_space<hbm>>) target(%dma_start3A_200 : memref<256x128xf32, #tpu.memory_space<vmem>>) target_semaphore(%arg10 : memref<!tpu.dma_semaphore, #tpu.memory_space<semaphore_mem>>)
    %broadcast_in_dim3A_204 = arith.constant 0xFF800000 : f32
    %broadcast_in_dim3A_205 = vector.broadcast %broadcast_in_dim3A_204 : f32 to vector<16xf32>
    %broadcast_in_dim3A_206 = arith.constant 0xFF800000 : f32
    %broadcast_in_dim3A_207 = vector.broadcast %broadcast_in_dim3A_206 : f32 to vector<16xf32>
    %broadcast_in_dim3A_208 = arith.constant 0xFF800000 : f32
    %broadcast_in_dim3A_209 = vector.broadcast %broadcast_in_dim3A_208 : f32 to vector<16xf32>
    %broadcast_in_dim3A_210 = arith.constant 0xFF800000 : f32
    %broadcast_in_dim3A_211 = vector.broadcast %broadcast_in_dim3A_210 : f32 to vector<16xf32>
    %broadcast_in_dim3A_212 = arith.constant 0xFF800000 : f32
    %broadcast_in_dim3A_213 = vector.broadcast %broadcast_in_dim3A_212 : f32 to vector<16xf32>
    %broadcast_in_dim3A_214 = arith.constant 0xFF800000 : f32
    %broadcast_in_dim3A_215 = vector.broadcast %broadcast_in_dim3A_214 : f32 to vector<16xf32>
    %broadcast_in_dim3A_216 = arith.constant 0xFF800000 : f32
    %broadcast_in_dim3A_217 = vector.broadcast %broadcast_in_dim3A_216 : f32 to vector<16xf32>
    %broadcast_in_dim3A_218 = arith.constant 0xFF800000 : f32
    %broadcast_in_dim3A_219 = vector.broadcast %broadcast_in_dim3A_218 : f32 to vector<16xf32>
    %scan3A_220 = arith.constant 0 : i32
    %dma_wait3A_221 = arith.constant 0 : i32
    %dma_wait3A_222 = arith.constant 0 : i32
    %dma_wait3A_223 = arith.constant 0 : i32
    %dma_wait3A_224 = tpu.memref_slice %arg7[%dma_wait3A_221, %dma_wait3A_222, %dma_wait3A_223] : memref<2x256x128xf32, #tpu.memory_space<vmem>> -> memref<1x256x128xf32, #tpu.memory_space<vmem>>
    %dma_wait3A_225 = tpu.memref_squeeze %dma_wait3A_224 : memref<1x256x128xf32, #tpu.memory_space<vmem>> -> memref<256x128xf32, #tpu.memory_space<vmem>>
    %dma_wait3A_226 = arith.constant 0 : i32
    %dma_wait3A_227 = tpu.memref_slice %arg3[%select_n3A_30, %mul3A_32, %dma_wait3A_226] : memref<8x16384x128xf32, #tpu.memory_space<hbm>> -> memref<1x256x128xf32, #tpu.memory_space<hbm>>
    %dma_wait3A_228 = tpu.memref_squeeze %dma_wait3A_227 : memref<1x256x128xf32, #tpu.memory_space<hbm>> -> memref<256x128xf32, #tpu.memory_space<hbm>>
    %dma_wait3A_229 = arith.constant 0 : i32
    %dma_wait3A_230 = arith.constant 0 : i32
    %dma_wait3A_231 = tpu.memref_slice %arg7[%dma_wait3A_221, %dma_wait3A_229, %dma_wait3A_230] : memref<2x256x128xf32, #tpu.memory_space<vmem>> -> memref<1x256x128xf32, #tpu.memory_space<vmem>>
    %dma_wait3A_232 = tpu.memref_squeeze %dma_wait3A_231 : memref<1x256x128xf32, #tpu.memory_space<vmem>> -> memref<256x128xf32, #tpu.memory_space<vmem>>
    %dma_wait3A_233 = arith.constant 0 : i32
    %dma_wait3A_234 = tpu.memref_slice %arg3[%select_n3A_30, %mul3A_32, %dma_wait3A_233] : memref<8x16384x128xf32, #tpu.memory_space<hbm>> -> memref<1x256x128xf32, #tpu.memory_space<hbm>>
    %dma_wait3A_235 = tpu.memref_squeeze %dma_wait3A_234 : memref<1x256x128xf32, #tpu.memory_space<hbm>> -> memref<256x128xf32, #tpu.memory_space<hbm>>
    tpu.wait_dma2 semaphore(%arg9 : memref<!tpu.dma_semaphore, #tpu.memory_space<semaphore_mem>>) src(%dma_wait3A_235 : memref<256x128xf32, #tpu.memory_space<hbm>>) dst(%dma_wait3A_232 : memref<256x128xf32, #tpu.memory_space<vmem>>)
    %scan3A_236 = arith.constant 0 : i32
    %scan3A_237 = arith.constant 256 : i32
    %scan3A_238 = arith.addi %scan3A_236, %scan3A_237 : i32
    %scan3A_239 = arith.constant 4 : i32
    %scan3A_240:8 = scf.for %scan3A_613 = %scan3A_236 to %scan3A_238 step %scan3A_239 iter_args(%scan3A_614 = %broadcast_in_dim3A_205, %scan3A_615 = %broadcast_in_dim3A_207, %scan3A_616 = %broadcast_in_dim3A_209, %scan3A_617 = %broadcast_in_dim3A_211, %scan3A_618 = %broadcast_in_dim3A_213, %scan3A_619 = %broadcast_in_dim3A_215, %scan3A_620 = %broadcast_in_dim3A_217, %scan3A_621 = %broadcast_in_dim3A_219) -> (vector<16xf32>, vector<16xf32>, vector<16xf32>, vector<16xf32>, vector<16xf32>, vector<16xf32>, vector<16xf32>, vector<16xf32>)  : i32 {
      %get3A = arith.constant 0 : i32
      %get3A_622 = arith.index_cast %get3A : i32 to index
      %get3A_623 = arith.index_cast %scan3A_613 : i32 to index
      %get3A_624 = arith.constant 0 : index
      %get3A_625 = tpu.vector_load %arg7[%get3A_622, %get3A_623, %get3A_624] {strides = array<i32>} : memref<2x256x128xf32, #tpu.memory_space<vmem>>, vector<1x1x16xf32>,
      %get3A_626 = vector.shape_cast %get3A_625 : vector<1x1x16xf32> to vector<16xf32>
      %max3A = arith.maximumf %scan3A_614, %get3A_626 : vector<16xf32>
      %get3A_627 = arith.constant 0 : i32
      %get3A_628 = arith.index_cast %get3A_627 : i32 to index
      %get3A_629 = arith.index_cast %scan3A_613 : i32 to index
      %get3A_630 = arith.constant 16 : index
      %get3A_631 = tpu.vector_load %arg7[%get3A_628, %get3A_629, %get3A_630] {strides = array<i32>} : memref<2x256x128xf32, #tpu.memory_space<vmem>>, vector<1x1x16xf32>,
      %get3A_632 = vector.shape_cast %get3A_631 : vector<1x1x16xf32> to vector<16xf32>
      %max3A_633 = arith.maximumf %scan3A_615, %get3A_632 : vector<16xf32>
      %get3A_634 = arith.constant 0 : i32
      %get3A_635 = arith.index_cast %get3A_634 : i32 to index
      %get3A_636 = arith.index_cast %scan3A_613 : i32 to index
      %get3A_637 = arith.constant 32 : index
      %get3A_638 = tpu.vector_load %arg7[%get3A_635, %get3A_636, %get3A_637] {strides = array<i32>} : memref<2x256x128xf32, #tpu.memory_space<vmem>>, vector<1x1x16xf32>,
      %get3A_639 = vector.shape_cast %get3A_638 : vector<1x1x16xf32> to vector<16xf32>
      %max3A_640 = arith.maximumf %scan3A_616, %get3A_639 : vector<16xf32>
      %get3A_641 = arith.constant 0 : i32
      %get3A_642 = arith.index_cast %get3A_641 : i32 to index
      %get3A_643 = arith.index_cast %scan3A_613 : i32 to index
      %get3A_644 = arith.constant 48 : index
      %get3A_645 = tpu.vector_load %arg7[%get3A_642, %get3A_643, %get3A_644] {strides = array<i32>} : memref<2x256x128xf32, #tpu.memory_space<vmem>>, vector<1x1x16xf32>,
      %get3A_646 = vector.shape_cast %get3A_645 : vector<1x1x16xf32> to vector<16xf32>
      %max3A_647 = arith.maximumf %scan3A_617, %get3A_646 : vector<16xf32>
      %get3A_648 = arith.constant 0 : i32
      %get3A_649 = arith.index_cast %get3A_648 : i32 to index
      %get3A_650 = arith.index_cast %scan3A_613 : i32 to index
      %get3A_651 = arith.constant 64 : index
      %get3A_652 = tpu.vector_load %arg7[%get3A_649, %get3A_650, %get3A_651] {strides = array<i32>} : memref<2x256x128xf32, #tpu.memory_space<vmem>>, vector<1x1x16xf32>,
      %get3A_653 = vector.shape_cast %get3A_652 : vector<1x1x16xf32> to vector<16xf32>
      %max3A_654 = arith.maximumf %scan3A_618, %get3A_653 : vector<16xf32>
      %get3A_655 = arith.constant 0 : i32
      %get3A_656 = arith.index_cast %get3A_655 : i32 to index
      %get3A_657 = arith.index_cast %scan3A_613 : i32 to index
      %get3A_658 = arith.constant 80 : index
      %get3A_659 = tpu.vector_load %arg7[%get3A_656, %get3A_657, %get3A_658] {strides = array<i32>} : memref<2x256x128xf32, #tpu.memory_space<vmem>>, vector<1x1x16xf32>,
      %get3A_660 = vector.shape_cast %get3A_659 : vector<1x1x16xf32> to vector<16xf32>
      %max3A_661 = arith.maximumf %scan3A_619, %get3A_660 : vector<16xf32>
      %get3A_662 = arith.constant 0 : i32
      %get3A_663 = arith.index_cast %get3A_662 : i32 to index
      %get3A_664 = arith.index_cast %scan3A_613 : i32 to index
      %get3A_665 = arith.constant 96 : index
      %get3A_666 = tpu.vector_load %arg7[%get3A_663, %get3A_664, %get3A_665] {strides = array<i32>} : memref<2x256x128xf32, #tpu.memory_space<vmem>>, vector<1x1x16xf32>,
      %get3A_667 = vector.shape_cast %get3A_666 : vector<1x1x16xf32> to vector<16xf32>
      %max3A_668 = arith.maximumf %scan3A_620, %get3A_667 : vector<16xf32>
      %get3A_669 = arith.constant 0 : i32
      %get3A_670 = arith.index_cast %get3A_669 : i32 to index
      %get3A_671 = arith.index_cast %scan3A_613 : i32 to index
      %get3A_672 = arith.constant 112 : index
      %get3A_673 = tpu.vector_load %arg7[%get3A_670, %get3A_671, %get3A_672] {strides = array<i32>} : memref<2x256x128xf32, #tpu.memory_space<vmem>>, vector<1x1x16xf32>,
      %get3A_674 = vector.shape_cast %get3A_673 : vector<1x1x16xf32> to vector<16xf32>
      %max3A_675 = arith.maximumf %scan3A_621, %get3A_674 : vector<16xf32>
      %scan3A_676 = arith.constant 1 : i32
      %scan3A_677 = arith.addi %scan3A_613, %scan3A_676 : i32
      %get3A_678 = arith.constant 0 : i32
      %get3A_679 = arith.index_cast %get3A_678 : i32 to index
      %get3A_680 = arith.index_cast %scan3A_677 : i32 to index
      %get3A_681 = arith.constant 0 : index
      %get3A_682 = tpu.vector_load %arg7[%get3A_679, %get3A_680, %get3A_681] {strides = array<i32>} : memref<2x256x128xf32, #tpu.memory_space<vmem>>, vector<1x1x16xf32>,
      %get3A_683 = vector.shape_cast %get3A_682 : vector<1x1x16xf32> to vector<16xf32>
      %max3A_684 = arith.maximumf %max3A, %get3A_683 : vector<16xf32>
      %get3A_685 = arith.constant 0 : i32
      %get3A_686 = arith.index_cast %get3A_685 : i32 to index
      %get3A_687 = arith.index_cast %scan3A_677 : i32 to index
      %get3A_688 = arith.constant 16 : index
      %get3A_689 = tpu.vector_load %arg7[%get3A_686, %get3A_687, %get3A_688] {strides = array<i32>} : memref<2x256x128xf32, #tpu.memory_space<vmem>>, vector<1x1x16xf32>,
      %get3A_690 = vector.shape_cast %get3A_689 : vector<1x1x16xf32> to vector<16xf32>
      %max3A_691 = arith.maximumf %max3A_633, %get3A_690 : vector<16xf32>
      %get3A_692 = arith.constant 0 : i32
      %get3A_693 = arith.index_cast %get3A_692 : i32 to index
      %get3A_694 = arith.index_cast %scan3A_677 : i32 to index
      %get3A_695 = arith.constant 32 : index
      %get3A_696 = tpu.vector_load %arg7[%get3A_693, %get3A_694, %get3A_695] {strides = array<i32>} : memref<2x256x128xf32, #tpu.memory_space<vmem>>, vector<1x1x16xf32>,
      %get3A_697 = vector.shape_cast %get3A_696 : vector<1x1x16xf32> to vector<16xf32>
      %max3A_698 = arith.maximumf %max3A_640, %get3A_697 : vector<16xf32>
      %get3A_699 = arith.constant 0 : i32
      %get3A_700 = arith.index_cast %get3A_699 : i32 to index
      %get3A_701 = arith.index_cast %scan3A_677 : i32 to index
      %get3A_702 = arith.constant 48 : index
      %get3A_703 = tpu.vector_load %arg7[%get3A_700, %get3A_701, %get3A_702] {strides = array<i32>} : memref<2x256x128xf32, #tpu.memory_space<vmem>>, vector<1x1x16xf32>,
      %get3A_704 = vector.shape_cast %get3A_703 : vector<1x1x16xf32> to vector<16xf32>
      %max3A_705 = arith.maximumf %max3A_647, %get3A_704 : vector<16xf32>
      %get3A_706 = arith.constant 0 : i32
      %get3A_707 = arith.index_cast %get3A_706 : i32 to index
      %get3A_708 = arith.index_cast %scan3A_677 : i32 to index
      %get3A_709 = arith.constant 64 : index
      %get3A_710 = tpu.vector_load %arg7[%get3A_707, %get3A_708, %get3A_709] {strides = array<i32>} : memref<2x256x128xf32, #tpu.memory_space<vmem>>, vector<1x1x16xf32>,
      %get3A_711 = vector.shape_cast %get3A_710 : vector<1x1x16xf32> to vector<16xf32>
      %max3A_712 = arith.maximumf %max3A_654, %get3A_711 : vector<16xf32>
      %get3A_713 = arith.constant 0 : i32
      %get3A_714 = arith.index_cast %get3A_713 : i32 to index
      %get3A_715 = arith.index_cast %scan3A_677 : i32 to index
      %get3A_716 = arith.constant 80 : index
      %get3A_717 = tpu.vector_load %arg7[%get3A_714, %get3A_715, %get3A_716] {strides = array<i32>} : memref<2x256x128xf32, #tpu.memory_space<vmem>>, vector<1x1x16xf32>,
      %get3A_718 = vector.shape_cast %get3A_717 : vector<1x1x16xf32> to vector<16xf32>
      %max3A_719 = arith.maximumf %max3A_661, %get3A_718 : vector<16xf32>
      %get3A_720 = arith.constant 0 : i32
      %get3A_721 = arith.index_cast %get3A_720 : i32 to index
      %get3A_722 = arith.index_cast %scan3A_677 : i32 to index
      %get3A_723 = arith.constant 96 : index
      %get3A_724 = tpu.vector_load %arg7[%get3A_721, %get3A_722, %get3A_723] {strides = array<i32>} : memref<2x256x128xf32, #tpu.memory_space<vmem>>, vector<1x1x16xf32>,
      %get3A_725 = vector.shape_cast %get3A_724 : vector<1x1x16xf32> to vector<16xf32>
      %max3A_726 = arith.maximumf %max3A_668, %get3A_725 : vector<16xf32>
      %get3A_727 = arith.constant 0 : i32
      %get3A_728 = arith.index_cast %get3A_727 : i32 to index
      %get3A_729 = arith.index_cast %scan3A_677 : i32 to index
      %get3A_730 = arith.constant 112 : index
      %get3A_731 = tpu.vector_load %arg7[%get3A_728, %get3A_729, %get3A_730] {strides = array<i32>} : memref<2x256x128xf32, #tpu.memory_space<vmem>>, vector<1x1x16xf32>,
      %get3A_732 = vector.shape_cast %get3A_731 : vector<1x1x16xf32> to vector<16xf32>
      %max3A_733 = arith.maximumf %max3A_675, %get3A_732 : vector<16xf32>
      %scan3A_734 = arith.constant 2 : i32
      %scan3A_735 = arith.addi %scan3A_613, %scan3A_734 : i32
      %get3A_736 = arith.constant 0 : i32
      %get3A_737 = arith.index_cast %get3A_736 : i32 to index
      %get3A_738 = arith.index_cast %scan3A_735 : i32 to index
      %get3A_739 = arith.constant 0 : index
      %get3A_740 = tpu.vector_load %arg7[%get3A_737, %get3A_738, %get3A_739] {strides = array<i32>} : memref<2x256x128xf32, #tpu.memory_space<vmem>>, vector<1x1x16xf32>,
      %get3A_741 = vector.shape_cast %get3A_740 : vector<1x1x16xf32> to vector<16xf32>
      %max3A_742 = arith.maximumf %max3A_684, %get3A_741 : vector<16xf32>
      %get3A_743 = arith.constant 0 : i32
      %get3A_744 = arith.index_cast %get3A_743 : i32 to index
      %get3A_745 = arith.index_cast %scan3A_735 : i32 to index
      %get3A_746 = arith.constant 16 : index
      %get3A_747 = tpu.vector_load %arg7[%get3A_744, %get3A_745, %get3A_746] {strides = array<i32>} : memref<2x256x128xf32, #tpu.memory_space<vmem>>, vector<1x1x16xf32>,
      %get3A_748 = vector.shape_cast %get3A_747 : vector<1x1x16xf32> to vector<16xf32>
      %max3A_749 = arith.maximumf %max3A_691, %get3A_748 : vector<16xf32>
      %get3A_750 = arith.constant 0 : i32
      %get3A_751 = arith.index_cast %get3A_750 : i32 to index
      %get3A_752 = arith.index_cast %scan3A_735 : i32 to index
      %get3A_753 = arith.constant 32 : index
      %get3A_754 = tpu.vector_load %arg7[%get3A_751, %get3A_752, %get3A_753] {strides = array<i32>} : memref<2x256x128xf32, #tpu.memory_space<vmem>>, vector<1x1x16xf32>,
      %get3A_755 = vector.shape_cast %get3A_754 : vector<1x1x16xf32> to vector<16xf32>
      %max3A_756 = arith.maximumf %max3A_698, %get3A_755 : vector<16xf32>
      %get3A_757 = arith.constant 0 : i32
      %get3A_758 = arith.index_cast %get3A_757 : i32 to index
      %get3A_759 = arith.index_cast %scan3A_735 : i32 to index
      %get3A_760 = arith.constant 48 : index
      %get3A_761 = tpu.vector_load %arg7[%get3A_758, %get3A_759, %get3A_760] {strides = array<i32>} : memref<2x256x128xf32, #tpu.memory_space<vmem>>, vector<1x1x16xf32>,
      %get3A_762 = vector.shape_cast %get3A_761 : vector<1x1x16xf32> to vector<16xf32>
      %max3A_763 = arith.maximumf %max3A_705, %get3A_762 : vector<16xf32>
      %get3A_764 = arith.constant 0 : i32
      %get3A_765 = arith.index_cast %get3A_764 : i32 to index
      %get3A_766 = arith.index_cast %scan3A_735 : i32 to index
      %get3A_767 = arith.constant 64 : index
      %get3A_768 = tpu.vector_load %arg7[%get3A_765, %get3A_766, %get3A_767] {strides = array<i32>} : memref<2x256x128xf32, #tpu.memory_space<vmem>>, vector<1x1x16xf32>,
      %get3A_769 = vector.shape_cast %get3A_768 : vector<1x1x16xf32> to vector<16xf32>
      %max3A_770 = arith.maximumf %max3A_712, %get3A_769 : vector<16xf32>
      %get3A_771 = arith.constant 0 : i32
      %get3A_772 = arith.index_cast %get3A_771 : i32 to index
      %get3A_773 = arith.index_cast %scan3A_735 : i32 to index
      %get3A_774 = arith.constant 80 : index
      %get3A_775 = tpu.vector_load %arg7[%get3A_772, %get3A_773, %get3A_774] {strides = array<i32>} : memref<2x256x128xf32, #tpu.memory_space<vmem>>, vector<1x1x16xf32>,
      %get3A_776 = vector.shape_cast %get3A_775 : vector<1x1x16xf32> to vector<16xf32>
      %max3A_777 = arith.maximumf %max3A_719, %get3A_776 : vector<16xf32>
      %get3A_778 = arith.constant 0 : i32
      %get3A_779 = arith.index_cast %get3A_778 : i32 to index
      %get3A_780 = arith.index_cast %scan3A_735 : i32 to index
      %get3A_781 = arith.constant 96 : index
      %get3A_782 = tpu.vector_load %arg7[%get3A_779, %get3A_780, %get3A_781] {strides = array<i32>} : memref<2x256x128xf32, #tpu.memory_space<vmem>>, vector<1x1x16xf32>,
      %get3A_783 = vector.shape_cast %get3A_782 : vector<1x1x16xf32> to vector<16xf32>
      %max3A_784 = arith.maximumf %max3A_726, %get3A_783 : vector<16xf32>
      %get3A_785 = arith.constant 0 : i32
      %get3A_786 = arith.index_cast %get3A_785 : i32 to index
      %get3A_787 = arith.index_cast %scan3A_735 : i32 to index
      %get3A_788 = arith.constant 112 : index
      %get3A_789 = tpu.vector_load %arg7[%get3A_786, %get3A_787, %get3A_788] {strides = array<i32>} : memref<2x256x128xf32, #tpu.memory_space<vmem>>, vector<1x1x16xf32>,
      %get3A_790 = vector.shape_cast %get3A_789 : vector<1x1x16xf32> to vector<16xf32>
      %max3A_791 = arith.maximumf %max3A_733, %get3A_790 : vector<16xf32>
      %scan3A_792 = arith.constant 3 : i32
      %scan3A_793 = arith.addi %scan3A_613, %scan3A_792 : i32
      %get3A_794 = arith.constant 0 : i32
      %get3A_795 = arith.index_cast %get3A_794 : i32 to index
      %get3A_796 = arith.index_cast %scan3A_793 : i32 to index
      %get3A_797 = arith.constant 0 : index
      %get3A_798 = tpu.vector_load %arg7[%get3A_795, %get3A_796, %get3A_797] {strides = array<i32>} : memref<2x256x128xf32, #tpu.memory_space<vmem>>, vector<1x1x16xf32>,
      %get3A_799 = vector.shape_cast %get3A_798 : vector<1x1x16xf32> to vector<16xf32>
      %max3A_800 = arith.maximumf %max3A_742, %get3A_799 : vector<16xf32>
      %get3A_801 = arith.constant 0 : i32
      %get3A_802 = arith.index_cast %get3A_801 : i32 to index
      %get3A_803 = arith.index_cast %scan3A_793 : i32 to index
      %get3A_804 = arith.constant 16 : index
      %get3A_805 = tpu.vector_load %arg7[%get3A_802, %get3A_803, %get3A_804] {strides = array<i32>} : memref<2x256x128xf32, #tpu.memory_space<vmem>>, vector<1x1x16xf32>,
      %get3A_806 = vector.shape_cast %get3A_805 : vector<1x1x16xf32> to vector<16xf32>
      %max3A_807 = arith.maximumf %max3A_749, %get3A_806 : vector<16xf32>
      %get3A_808 = arith.constant 0 : i32
      %get3A_809 = arith.index_cast %get3A_808 : i32 to index
      %get3A_810 = arith.index_cast %scan3A_793 : i32 to index
      %get3A_811 = arith.constant 32 : index
      %get3A_812 = tpu.vector_load %arg7[%get3A_809, %get3A_810, %get3A_811] {strides = array<i32>} : memref<2x256x128xf32, #tpu.memory_space<vmem>>, vector<1x1x16xf32>,
      %get3A_813 = vector.shape_cast %get3A_812 : vector<1x1x16xf32> to vector<16xf32>
      %max3A_814 = arith.maximumf %max3A_756, %get3A_813 : vector<16xf32>
      %get3A_815 = arith.constant 0 : i32
      %get3A_816 = arith.index_cast %get3A_815 : i32 to index
      %get3A_817 = arith.index_cast %scan3A_793 : i32 to index
      %get3A_818 = arith.constant 48 : index
      %get3A_819 = tpu.vector_load %arg7[%get3A_816, %get3A_817, %get3A_818] {strides = array<i32>} : memref<2x256x128xf32, #tpu.memory_space<vmem>>, vector<1x1x16xf32>,
      %get3A_820 = vector.shape_cast %get3A_819 : vector<1x1x16xf32> to vector<16xf32>
      %max3A_821 = arith.maximumf %max3A_763, %get3A_820 : vector<16xf32>
      %get3A_822 = arith.constant 0 : i32
      %get3A_823 = arith.index_cast %get3A_822 : i32 to index
      %get3A_824 = arith.index_cast %scan3A_793 : i32 to index
      %get3A_825 = arith.constant 64 : index
      %get3A_826 = tpu.vector_load %arg7[%get3A_823, %get3A_824, %get3A_825] {strides = array<i32>} : memref<2x256x128xf32, #tpu.memory_space<vmem>>, vector<1x1x16xf32>,
      %get3A_827 = vector.shape_cast %get3A_826 : vector<1x1x16xf32> to vector<16xf32>
      %max3A_828 = arith.maximumf %max3A_770, %get3A_827 : vector<16xf32>
      %get3A_829 = arith.constant 0 : i32
      %get3A_830 = arith.index_cast %get3A_829 : i32 to index
      %get3A_831 = arith.index_cast %scan3A_793 : i32 to index
      %get3A_832 = arith.constant 80 : index
      %get3A_833 = tpu.vector_load %arg7[%get3A_830, %get3A_831, %get3A_832] {strides = array<i32>} : memref<2x256x128xf32, #tpu.memory_space<vmem>>, vector<1x1x16xf32>,
      %get3A_834 = vector.shape_cast %get3A_833 : vector<1x1x16xf32> to vector<16xf32>
      %max3A_835 = arith.maximumf %max3A_777, %get3A_834 : vector<16xf32>
      %get3A_836 = arith.constant 0 : i32
      %get3A_837 = arith.index_cast %get3A_836 : i32 to index
      %get3A_838 = arith.index_cast %scan3A_793 : i32 to index
      %get3A_839 = arith.constant 96 : index
      %get3A_840 = tpu.vector_load %arg7[%get3A_837, %get3A_838, %get3A_839] {strides = array<i32>} : memref<2x256x128xf32, #tpu.memory_space<vmem>>, vector<1x1x16xf32>,
      %get3A_841 = vector.shape_cast %get3A_840 : vector<1x1x16xf32> to vector<16xf32>
      %max3A_842 = arith.maximumf %max3A_784, %get3A_841 : vector<16xf32>
      %get3A_843 = arith.constant 0 : i32
      %get3A_844 = arith.index_cast %get3A_843 : i32 to index
      %get3A_845 = arith.index_cast %scan3A_793 : i32 to index
      %get3A_846 = arith.constant 112 : index
      %get3A_847 = tpu.vector_load %arg7[%get3A_844, %get3A_845, %get3A_846] {strides = array<i32>} : memref<2x256x128xf32, #tpu.memory_space<vmem>>, vector<1x1x16xf32>,
      %get3A_848 = vector.shape_cast %get3A_847 : vector<1x1x16xf32> to vector<16xf32>
      %max3A_849 = arith.maximumf %max3A_791, %get3A_848 : vector<16xf32>
      scf.yield %max3A_800, %max3A_807, %max3A_814, %max3A_821, %max3A_828, %max3A_835, %max3A_842, %max3A_849 : vector<16xf32>, vector<16xf32>, vector<16xf32>, vector<16xf32>, vector<16xf32>, vector<16xf32>, vector<16xf32>, vector<16xf32>
    }
    %scan3A_241 = arith.constant 256 : i32
    %mul3A_242 = arith.constant 2 : i32
    %mul3A_243 = arith.muli %scan3A_220, %mul3A_242 : i32
    %add3A_244 = arith.constant 0 : i32
    %add3A_245 = arith.addi %mul3A_243, %add3A_244 : i32
    %add3A_246 = arith.constant 2 : i32
    %add3A_247 = arith.addi %add3A_245, %add3A_246 : i32
    %lt3A_248 = arith.constant 2 : i32
    %lt3A_249 = arith.cmpi slt, %add3A_247, %lt3A_248 : i32
    %convert_element_type3A_250 = arith.extui %lt3A_249 : i1 to i32
    %cond3A_251 = arith.constant 0 : i32
    %cond3A_252 = arith.cmpi ne, %convert_element_type3A_250, %cond3A_251 : i32
    scf.if %cond3A_252 {
      %mul3A_613 = arith.constant 256 : i32
      %mul3A_614 = arith.muli %add3A_247, %mul3A_613 : i32
      %add3A_615 = arith.addi %mul3A_32, %mul3A_614 : i32
      %dma_start3A_616 = arith.constant 0 : i32
      %dma_start3A_617 = arith.constant 0 : i32
      %dma_start3A_618 = arith.constant 0 : i32
      %dma_start3A_619 = tpu.memref_slice %arg7[%dma_start3A_616, %dma_start3A_617, %dma_start3A_618] : memref<2x256x128xf32, #tpu.memory_space<vmem>> -> memref<1x256x128xf32, #tpu.memory_space<vmem>>
      %dma_start3A_620 = tpu.memref_squeeze %dma_start3A_619 : memref<1x256x128xf32, #tpu.memory_space<vmem>> -> memref<256x128xf32, #tpu.memory_space<vmem>>
      %dma_start3A_621 = arith.constant 0 : i32
      %dma_start3A_622 = tpu.memref_slice %arg3[%select_n3A_30, %add3A_615, %dma_start3A_621] : memref<8x16384x128xf32, #tpu.memory_space<hbm>> -> memref<1x256x128xf32, #tpu.memory_space<hbm>>
      %dma_start3A_623 = tpu.memref_squeeze %dma_start3A_622 : memref<1x256x128xf32, #tpu.memory_space<hbm>> -> memref<256x128xf32, #tpu.memory_space<hbm>>
      %dma_start3A_624 = arith.constant 0 : i32
      %dma_start3A_625 = arith.constant 0 : i32
      %dma_start3A_626 = tpu.memref_slice %arg7[%dma_start3A_616, %dma_start3A_624, %dma_start3A_625] : memref<2x256x128xf32, #tpu.memory_space<vmem>> -> memref<1x256x128xf32, #tpu.memory_space<vmem>>
      %dma_start3A_627 = tpu.memref_squeeze %dma_start3A_626 : memref<1x256x128xf32, #tpu.memory_space<vmem>> -> memref<256x128xf32, #tpu.memory_space<vmem>>
      %dma_start3A_628 = arith.constant 0 : i32
      %dma_start3A_629 = tpu.memref_slice %arg3[%select_n3A_30, %add3A_615, %dma_start3A_628] : memref<8x16384x128xf32, #tpu.memory_space<hbm>> -> memref<1x256x128xf32, #tpu.memory_space<hbm>>
      %dma_start3A_630 = tpu.memref_squeeze %dma_start3A_629 : memref<1x256x128xf32, #tpu.memory_space<hbm>> -> memref<256x128xf32, #tpu.memory_space<hbm>>
      tpu.enqueue_dma source(%dma_start3A_630 : memref<256x128xf32, #tpu.memory_space<hbm>>) target(%dma_start3A_627 : memref<256x128xf32, #tpu.memory_space<vmem>>) target_semaphore(%arg9 : memref<!tpu.dma_semaphore, #tpu.memory_space<semaphore_mem>>)
    } else {
    }
    %dma_wait3A_253 = arith.constant 1 : i32
    %dma_wait3A_254 = arith.constant 0 : i32
    %dma_wait3A_255 = arith.constant 0 : i32
    %dma_wait3A_256 = tpu.memref_slice %arg7[%dma_wait3A_253, %dma_wait3A_254, %dma_wait3A_255] : memref<2x256x128xf32, #tpu.memory_space<vmem>> -> memref<1x256x128xf32, #tpu.memory_space<vmem>>
    %dma_wait3A_257 = tpu.memref_squeeze %dma_wait3A_256 : memref<1x256x128xf32, #tpu.memory_space<vmem>> -> memref<256x128xf32, #tpu.memory_space<vmem>>
    %dma_wait3A_258 = arith.constant 0 : i32
    %dma_wait3A_259 = tpu.memref_slice %arg3[%select_n3A_30, %mul3A_32, %dma_wait3A_258] : memref<8x16384x128xf32, #tpu.memory_space<hbm>> -> memref<1x256x128xf32, #tpu.memory_space<hbm>>
    %dma_wait3A_260 = tpu.memref_squeeze %dma_wait3A_259 : memref<1x256x128xf32, #tpu.memory_space<hbm>> -> memref<256x128xf32, #tpu.memory_space<hbm>>
    %dma_wait3A_261 = arith.constant 0 : i32
    %dma_wait3A_262 = arith.constant 0 : i32
    %dma_wait3A_263 = tpu.memref_slice %arg7[%dma_wait3A_253, %dma_wait3A_261, %dma_wait3A_262] : memref<2x256x128xf32, #tpu.memory_space<vmem>> -> memref<1x256x128xf32, #tpu.memory_space<vmem>>
    %dma_wait3A_264 = tpu.memref_squeeze %dma_wait3A_263 : memref<1x256x128xf32, #tpu.memory_space<vmem>> -> memref<256x128xf32, #tpu.memory_space<vmem>>
    %dma_wait3A_265 = arith.constant 0 : i32
    %dma_wait3A_266 = tpu.memref_slice %arg3[%select_n3A_30, %mul3A_32, %dma_wait3A_265] : memref<8x16384x128xf32, #tpu.memory_space<hbm>> -> memref<1x256x128xf32, #tpu.memory_space<hbm>>
    %dma_wait3A_267 = tpu.memref_squeeze %dma_wait3A_266 : memref<1x256x128xf32, #tpu.memory_space<hbm>> -> memref<256x128xf32, #tpu.memory_space<hbm>>
    tpu.wait_dma2 semaphore(%arg10 : memref<!tpu.dma_semaphore, #tpu.memory_space<semaphore_mem>>) src(%dma_wait3A_267 : memref<256x128xf32, #tpu.memory_space<hbm>>) dst(%dma_wait3A_264 : memref<256x128xf32, #tpu.memory_space<vmem>>)
    %scan3A_268 = arith.constant 0 : i32
    %scan3A_269 = arith.constant 256 : i32
    %scan3A_270 = arith.addi %scan3A_268, %scan3A_269 : i32
    %scan3A_271 = arith.constant 4 : i32
    %scan3A_272:8 = scf.for %scan3A_613 = %scan3A_268 to %scan3A_270 step %scan3A_271 iter_args(%scan3A_614 = %scan3A_240#0, %scan3A_615 = %scan3A_240#1, %scan3A_616 = %scan3A_240#2, %scan3A_617 = %scan3A_240#3, %scan3A_618 = %scan3A_240#4, %scan3A_619 = %scan3A_240#5, %scan3A_620 = %scan3A_240#6, %scan3A_621 = %scan3A_240#7) -> (vector<16xf32>, vector<16xf32>, vector<16xf32>, vector<16xf32>, vector<16xf32>, vector<16xf32>, vector<16xf32>, vector<16xf32>)  : i32 {
      %get3A = arith.constant 1 : i32
      %get3A_622 = arith.index_cast %get3A : i32 to index
      %get3A_623 = arith.index_cast %scan3A_613 : i32 to index
      %get3A_624 = arith.constant 0 : index
      %get3A_625 = tpu.vector_load %arg7[%get3A_622, %get3A_623, %get3A_624] {strides = array<i32>} : memref<2x256x128xf32, #tpu.memory_space<vmem>>, vector<1x1x16xf32>,
      %get3A_626 = vector.shape_cast %get3A_625 : vector<1x1x16xf32> to vector<16xf32>
      %max3A = arith.maximumf %scan3A_614, %get3A_626 : vector<16xf32>
      %get3A_627 = arith.constant 1 : i32
      %get3A_628 = arith.index_cast %get3A_627 : i32 to index
      %get3A_629 = arith.index_cast %scan3A_613 : i32 to index
      %get3A_630 = arith.constant 16 : index
      %get3A_631 = tpu.vector_load %arg7[%get3A_628, %get3A_629, %get3A_630] {strides = array<i32>} : memref<2x256x128xf32, #tpu.memory_space<vmem>>, vector<1x1x16xf32>,
      %get3A_632 = vector.shape_cast %get3A_631 : vector<1x1x16xf32> to vector<16xf32>
      %max3A_633 = arith.maximumf %scan3A_615, %get3A_632 : vector<16xf32>
      %get3A_634 = arith.constant 1 : i32
      %get3A_635 = arith.index_cast %get3A_634 : i32 to index
      %get3A_636 = arith.index_cast %scan3A_613 : i32 to index
      %get3A_637 = arith.constant 32 : index
      %get3A_638 = tpu.vector_load %arg7[%get3A_635, %get3A_636, %get3A_637] {strides = array<i32>} : memref<2x256x128xf32, #tpu.memory_space<vmem>>, vector<1x1x16xf32>,
      %get3A_639 = vector.shape_cast %get3A_638 : vector<1x1x16xf32> to vector<16xf32>
      %max3A_640 = arith.maximumf %scan3A_616, %get3A_639 : vector<16xf32>
      %get3A_641 = arith.constant 1 : i32
      %get3A_642 = arith.index_cast %get3A_641 : i32 to index
      %get3A_643 = arith.index_cast %scan3A_613 : i32 to index
      %get3A_644 = arith.constant 48 : index
      %get3A_645 = tpu.vector_load %arg7[%get3A_642, %get3A_643, %get3A_644] {strides = array<i32>} : memref<2x256x128xf32, #tpu.memory_space<vmem>>, vector<1x1x16xf32>,
      %get3A_646 = vector.shape_cast %get3A_645 : vector<1x1x16xf32> to vector<16xf32>
      %max3A_647 = arith.maximumf %scan3A_617, %get3A_646 : vector<16xf32>
      %get3A_648 = arith.constant 1 : i32
      %get3A_649 = arith.index_cast %get3A_648 : i32 to index
      %get3A_650 = arith.index_cast %scan3A_613 : i32 to index
      %get3A_651 = arith.constant 64 : index
      %get3A_652 = tpu.vector_load %arg7[%get3A_649, %get3A_650, %get3A_651] {strides = array<i32>} : memref<2x256x128xf32, #tpu.memory_space<vmem>>, vector<1x1x16xf32>,
      %get3A_653 = vector.shape_cast %get3A_652 : vector<1x1x16xf32> to vector<16xf32>
      %max3A_654 = arith.maximumf %scan3A_618, %get3A_653 : vector<16xf32>
      %get3A_655 = arith.constant 1 : i32
      %get3A_656 = arith.index_cast %get3A_655 : i32 to index
      %get3A_657 = arith.index_cast %scan3A_613 : i32 to index
      %get3A_658 = arith.constant 80 : index
      %get3A_659 = tpu.vector_load %arg7[%get3A_656, %get3A_657, %get3A_658] {strides = array<i32>} : memref<2x256x128xf32, #tpu.memory_space<vmem>>, vector<1x1x16xf32>,
      %get3A_660 = vector.shape_cast %get3A_659 : vector<1x1x16xf32> to vector<16xf32>
      %max3A_661 = arith.maximumf %scan3A_619, %get3A_660 : vector<16xf32>
      %get3A_662 = arith.constant 1 : i32
      %get3A_663 = arith.index_cast %get3A_662 : i32 to index
      %get3A_664 = arith.index_cast %scan3A_613 : i32 to index
      %get3A_665 = arith.constant 96 : index
      %get3A_666 = tpu.vector_load %arg7[%get3A_663, %get3A_664, %get3A_665] {strides = array<i32>} : memref<2x256x128xf32, #tpu.memory_space<vmem>>, vector<1x1x16xf32>,
      %get3A_667 = vector.shape_cast %get3A_666 : vector<1x1x16xf32> to vector<16xf32>
      %max3A_668 = arith.maximumf %scan3A_620, %get3A_667 : vector<16xf32>
      %get3A_669 = arith.constant 1 : i32
      %get3A_670 = arith.index_cast %get3A_669 : i32 to index
      %get3A_671 = arith.index_cast %scan3A_613 : i32 to index
      %get3A_672 = arith.constant 112 : index
      %get3A_673 = tpu.vector_load %arg7[%get3A_670, %get3A_671, %get3A_672] {strides = array<i32>} : memref<2x256x128xf32, #tpu.memory_space<vmem>>, vector<1x1x16xf32>,
      %get3A_674 = vector.shape_cast %get3A_673 : vector<1x1x16xf32> to vector<16xf32>
      %max3A_675 = arith.maximumf %scan3A_621, %get3A_674 : vector<16xf32>
      %scan3A_676 = arith.constant 1 : i32
      %scan3A_677 = arith.addi %scan3A_613, %scan3A_676 : i32
      %get3A_678 = arith.constant 1 : i32
      %get3A_679 = arith.index_cast %get3A_678 : i32 to index
      %get3A_680 = arith.index_cast %scan3A_677 : i32 to index
      %get3A_681 = arith.constant 0 : index
      %get3A_682 = tpu.vector_load %arg7[%get3A_679, %get3A_680, %get3A_681] {strides = array<i32>} : memref<2x256x128xf32, #tpu.memory_space<vmem>>, vector<1x1x16xf32>,
      %get3A_683 = vector.shape_cast %get3A_682 : vector<1x1x16xf32> to vector<16xf32>
      %max3A_684 = arith.maximumf %max3A, %get3A_683 : vector<16xf32>
      %get3A_685 = arith.constant 1 : i32
      %get3A_686 = arith.index_cast %get3A_685 : i32 to index
      %get3A_687 = arith.index_cast %scan3A_677 : i32 to index
      %get3A_688 = arith.constant 16 : index
      %get3A_689 = tpu.vector_load %arg7[%get3A_686, %get3A_687, %get3A_688] {strides = array<i32>} : memref<2x256x128xf32, #tpu.memory_space<vmem>>, vector<1x1x16xf32>,
      %get3A_690 = vector.shape_cast %get3A_689 : vector<1x1x16xf32> to vector<16xf32>
      %max3A_691 = arith.maximumf %max3A_633, %get3A_690 : vector<16xf32>
      %get3A_692 = arith.constant 1 : i32
      %get3A_693 = arith.index_cast %get3A_692 : i32 to index
      %get3A_694 = arith.index_cast %scan3A_677 : i32 to index
      %get3A_695 = arith.constant 32 : index
      %get3A_696 = tpu.vector_load %arg7[%get3A_693, %get3A_694, %get3A_695] {strides = array<i32>} : memref<2x256x128xf32, #tpu.memory_space<vmem>>, vector<1x1x16xf32>,
      %get3A_697 = vector.shape_cast %get3A_696 : vector<1x1x16xf32> to vector<16xf32>
      %max3A_698 = arith.maximumf %max3A_640, %get3A_697 : vector<16xf32>
      %get3A_699 = arith.constant 1 : i32
      %get3A_700 = arith.index_cast %get3A_699 : i32 to index
      %get3A_701 = arith.index_cast %scan3A_677 : i32 to index
      %get3A_702 = arith.constant 48 : index
      %get3A_703 = tpu.vector_load %arg7[%get3A_700, %get3A_701, %get3A_702] {strides = array<i32>} : memref<2x256x128xf32, #tpu.memory_space<vmem>>, vector<1x1x16xf32>,
      %get3A_704 = vector.shape_cast %get3A_703 : vector<1x1x16xf32> to vector<16xf32>
      %max3A_705 = arith.maximumf %max3A_647, %get3A_704 : vector<16xf32>
      %get3A_706 = arith.constant 1 : i32
      %get3A_707 = arith.index_cast %get3A_706 : i32 to index
      %get3A_708 = arith.index_cast %scan3A_677 : i32 to index
      %get3A_709 = arith.constant 64 : index
      %get3A_710 = tpu.vector_load %arg7[%get3A_707, %get3A_708, %get3A_709] {strides = array<i32>} : memref<2x256x128xf32, #tpu.memory_space<vmem>>, vector<1x1x16xf32>,
      %get3A_711 = vector.shape_cast %get3A_710 : vector<1x1x16xf32> to vector<16xf32>
      %max3A_712 = arith.maximumf %max3A_654, %get3A_711 : vector<16xf32>
      %get3A_713 = arith.constant 1 : i32
      %get3A_714 = arith.index_cast %get3A_713 : i32 to index
      %get3A_715 = arith.index_cast %scan3A_677 : i32 to index
      %get3A_716 = arith.constant 80 : index
      %get3A_717 = tpu.vector_load %arg7[%get3A_714, %get3A_715, %get3A_716] {strides = array<i32>} : memref<2x256x128xf32, #tpu.memory_space<vmem>>, vector<1x1x16xf32>,
      %get3A_718 = vector.shape_cast %get3A_717 : vector<1x1x16xf32> to vector<16xf32>
      %max3A_719 = arith.maximumf %max3A_661, %get3A_718 : vector<16xf32>
      %get3A_720 = arith.constant 1 : i32
      %get3A_721 = arith.index_cast %get3A_720 : i32 to index
      %get3A_722 = arith.index_cast %scan3A_677 : i32 to index
      %get3A_723 = arith.constant 96 : index
      %get3A_724 = tpu.vector_load %arg7[%get3A_721, %get3A_722, %get3A_723] {strides = array<i32>} : memref<2x256x128xf32, #tpu.memory_space<vmem>>, vector<1x1x16xf32>,
      %get3A_725 = vector.shape_cast %get3A_724 : vector<1x1x16xf32> to vector<16xf32>
      %max3A_726 = arith.maximumf %max3A_668, %get3A_725 : vector<16xf32>
      %get3A_727 = arith.constant 1 : i32
      %get3A_728 = arith.index_cast %get3A_727 : i32 to index
      %get3A_729 = arith.index_cast %scan3A_677 : i32 to index
      %get3A_730 = arith.constant 112 : index
      %get3A_731 = tpu.vector_load %arg7[%get3A_728, %get3A_729, %get3A_730] {strides = array<i32>} : memref<2x256x128xf32, #tpu.memory_space<vmem>>, vector<1x1x16xf32>,
      %get3A_732 = vector.shape_cast %get3A_731 : vector<1x1x16xf32> to vector<16xf32>
      %max3A_733 = arith.maximumf %max3A_675, %get3A_732 : vector<16xf32>
      %scan3A_734 = arith.constant 2 : i32
      %scan3A_735 = arith.addi %scan3A_613, %scan3A_734 : i32
      %get3A_736 = arith.constant 1 : i32
      %get3A_737 = arith.index_cast %get3A_736 : i32 to index
      %get3A_738 = arith.index_cast %scan3A_735 : i32 to index
      %get3A_739 = arith.constant 0 : index
      %get3A_740 = tpu.vector_load %arg7[%get3A_737, %get3A_738, %get3A_739] {strides = array<i32>} : memref<2x256x128xf32, #tpu.memory_space<vmem>>, vector<1x1x16xf32>,
      %get3A_741 = vector.shape_cast %get3A_740 : vector<1x1x16xf32> to vector<16xf32>
      %max3A_742 = arith.maximumf %max3A_684, %get3A_741 : vector<16xf32>
      %get3A_743 = arith.constant 1 : i32
      %get3A_744 = arith.index_cast %get3A_743 : i32 to index
      %get3A_745 = arith.index_cast %scan3A_735 : i32 to index
      %get3A_746 = arith.constant 16 : index
      %get3A_747 = tpu.vector_load %arg7[%get3A_744, %get3A_745, %get3A_746] {strides = array<i32>} : memref<2x256x128xf32, #tpu.memory_space<vmem>>, vector<1x1x16xf32>,
      %get3A_748 = vector.shape_cast %get3A_747 : vector<1x1x16xf32> to vector<16xf32>
      %max3A_749 = arith.maximumf %max3A_691, %get3A_748 : vector<16xf32>
      %get3A_750 = arith.constant 1 : i32
      %get3A_751 = arith.index_cast %get3A_750 : i32 to index
      %get3A_752 = arith.index_cast %scan3A_735 : i32 to index
      %get3A_753 = arith.constant 32 : index
      %get3A_754 = tpu.vector_load %arg7[%get3A_751, %get3A_752, %get3A_753] {strides = array<i32>} : memref<2x256x128xf32, #tpu.memory_space<vmem>>, vector<1x1x16xf32>,
      %get3A_755 = vector.shape_cast %get3A_754 : vector<1x1x16xf32> to vector<16xf32>
      %max3A_756 = arith.maximumf %max3A_698, %get3A_755 : vector<16xf32>
      %get3A_757 = arith.constant 1 : i32
      %get3A_758 = arith.index_cast %get3A_757 : i32 to index
      %get3A_759 = arith.index_cast %scan3A_735 : i32 to index
      %get3A_760 = arith.constant 48 : index
      %get3A_761 = tpu.vector_load %arg7[%get3A_758, %get3A_759, %get3A_760] {strides = array<i32>} : memref<2x256x128xf32, #tpu.memory_space<vmem>>, vector<1x1x16xf32>,
      %get3A_762 = vector.shape_cast %get3A_761 : vector<1x1x16xf32> to vector<16xf32>
      %max3A_763 = arith.maximumf %max3A_705, %get3A_762 : vector<16xf32>
      %get3A_764 = arith.constant 1 : i32
      %get3A_765 = arith.index_cast %get3A_764 : i32 to index
      %get3A_766 = arith.index_cast %scan3A_735 : i32 to index
      %get3A_767 = arith.constant 64 : index
      %get3A_768 = tpu.vector_load %arg7[%get3A_765, %get3A_766, %get3A_767] {strides = array<i32>} : memref<2x256x128xf32, #tpu.memory_space<vmem>>, vector<1x1x16xf32>,
      %get3A_769 = vector.shape_cast %get3A_768 : vector<1x1x16xf32> to vector<16xf32>
      %max3A_770 = arith.maximumf %max3A_712, %get3A_769 : vector<16xf32>
      %get3A_771 = arith.constant 1 : i32
      %get3A_772 = arith.index_cast %get3A_771 : i32 to index
      %get3A_773 = arith.index_cast %scan3A_735 : i32 to index
      %get3A_774 = arith.constant 80 : index
      %get3A_775 = tpu.vector_load %arg7[%get3A_772, %get3A_773, %get3A_774] {strides = array<i32>} : memref<2x256x128xf32, #tpu.memory_space<vmem>>, vector<1x1x16xf32>,
      %get3A_776 = vector.shape_cast %get3A_775 : vector<1x1x16xf32> to vector<16xf32>
      %max3A_777 = arith.maximumf %max3A_719, %get3A_776 : vector<16xf32>
      %get3A_778 = arith.constant 1 : i32
      %get3A_779 = arith.index_cast %get3A_778 : i32 to index
      %get3A_780 = arith.index_cast %scan3A_735 : i32 to index
      %get3A_781 = arith.constant 96 : index
      %get3A_782 = tpu.vector_load %arg7[%get3A_779, %get3A_780, %get3A_781] {strides = array<i32>} : memref<2x256x128xf32, #tpu.memory_space<vmem>>, vector<1x1x16xf32>,
      %get3A_783 = vector.shape_cast %get3A_782 : vector<1x1x16xf32> to vector<16xf32>
      %max3A_784 = arith.maximumf %max3A_726, %get3A_783 : vector<16xf32>
      %get3A_785 = arith.constant 1 : i32
      %get3A_786 = arith.index_cast %get3A_785 : i32 to index
      %get3A_787 = arith.index_cast %scan3A_735 : i32 to index
      %get3A_788 = arith.constant 112 : index
      %get3A_789 = tpu.vector_load %arg7[%get3A_786, %get3A_787, %get3A_788] {strides = array<i32>} : memref<2x256x128xf32, #tpu.memory_space<vmem>>, vector<1x1x16xf32>,
      %get3A_790 = vector.shape_cast %get3A_789 : vector<1x1x16xf32> to vector<16xf32>
      %max3A_791 = arith.maximumf %max3A_733, %get3A_790 : vector<16xf32>
      %scan3A_792 = arith.constant 3 : i32
      %scan3A_793 = arith.addi %scan3A_613, %scan3A_792 : i32
      %get3A_794 = arith.constant 1 : i32
      %get3A_795 = arith.index_cast %get3A_794 : i32 to index
      %get3A_796 = arith.index_cast %scan3A_793 : i32 to index
      %get3A_797 = arith.constant 0 : index
      %get3A_798 = tpu.vector_load %arg7[%get3A_795, %get3A_796, %get3A_797] {strides = array<i32>} : memref<2x256x128xf32, #tpu.memory_space<vmem>>, vector<1x1x16xf32>,
      %get3A_799 = vector.shape_cast %get3A_798 : vector<1x1x16xf32> to vector<16xf32>
      %max3A_800 = arith.maximumf %max3A_742, %get3A_799 : vector<16xf32>
      %get3A_801 = arith.constant 1 : i32
      %get3A_802 = arith.index_cast %get3A_801 : i32 to index
      %get3A_803 = arith.index_cast %scan3A_793 : i32 to index
      %get3A_804 = arith.constant 16 : index
      %get3A_805 = tpu.vector_load %arg7[%get3A_802, %get3A_803, %get3A_804] {strides = array<i32>} : memref<2x256x128xf32, #tpu.memory_space<vmem>>, vector<1x1x16xf32>,
      %get3A_806 = vector.shape_cast %get3A_805 : vector<1x1x16xf32> to vector<16xf32>
      %max3A_807 = arith.maximumf %max3A_749, %get3A_806 : vector<16xf32>
      %get3A_808 = arith.constant 1 : i32
      %get3A_809 = arith.index_cast %get3A_808 : i32 to index
      %get3A_810 = arith.index_cast %scan3A_793 : i32 to index
      %get3A_811 = arith.constant 32 : index
      %get3A_812 = tpu.vector_load %arg7[%get3A_809, %get3A_810, %get3A_811] {strides = array<i32>} : memref<2x256x128xf32, #tpu.memory_space<vmem>>, vector<1x1x16xf32>,
      %get3A_813 = vector.shape_cast %get3A_812 : vector<1x1x16xf32> to vector<16xf32>
      %max3A_814 = arith.maximumf %max3A_756, %get3A_813 : vector<16xf32>
      %get3A_815 = arith.constant 1 : i32
      %get3A_816 = arith.index_cast %get3A_815 : i32 to index
      %get3A_817 = arith.index_cast %scan3A_793 : i32 to index
      %get3A_818 = arith.constant 48 : index
      %get3A_819 = tpu.vector_load %arg7[%get3A_816, %get3A_817, %get3A_818] {strides = array<i32>} : memref<2x256x128xf32, #tpu.memory_space<vmem>>, vector<1x1x16xf32>,
      %get3A_820 = vector.shape_cast %get3A_819 : vector<1x1x16xf32> to vector<16xf32>
      %max3A_821 = arith.maximumf %max3A_763, %get3A_820 : vector<16xf32>
      %get3A_822 = arith.constant 1 : i32
      %get3A_823 = arith.index_cast %get3A_822 : i32 to index
      %get3A_824 = arith.index_cast %scan3A_793 : i32 to index
      %get3A_825 = arith.constant 64 : index
      %get3A_826 = tpu.vector_load %arg7[%get3A_823, %get3A_824, %get3A_825] {strides = array<i32>} : memref<2x256x128xf32, #tpu.memory_space<vmem>>, vector<1x1x16xf32>,
      %get3A_827 = vector.shape_cast %get3A_826 : vector<1x1x16xf32> to vector<16xf32>
      %max3A_828 = arith.maximumf %max3A_770, %get3A_827 : vector<16xf32>
      %get3A_829 = arith.constant 1 : i32
      %get3A_830 = arith.index_cast %get3A_829 : i32 to index
      %get3A_831 = arith.index_cast %scan3A_793 : i32 to index
      %get3A_832 = arith.constant 80 : index
      %get3A_833 = tpu.vector_load %arg7[%get3A_830, %get3A_831, %get3A_832] {strides = array<i32>} : memref<2x256x128xf32, #tpu.memory_space<vmem>>, vector<1x1x16xf32>,
      %get3A_834 = vector.shape_cast %get3A_833 : vector<1x1x16xf32> to vector<16xf32>
      %max3A_835 = arith.maximumf %max3A_777, %get3A_834 : vector<16xf32>
      %get3A_836 = arith.constant 1 : i32
      %get3A_837 = arith.index_cast %get3A_836 : i32 to index
      %get3A_838 = arith.index_cast %scan3A_793 : i32 to index
      %get3A_839 = arith.constant 96 : index
      %get3A_840 = tpu.vector_load %arg7[%get3A_837, %get3A_838, %get3A_839] {strides = array<i32>} : memref<2x256x128xf32, #tpu.memory_space<vmem>>, vector<1x1x16xf32>,
      %get3A_841 = vector.shape_cast %get3A_840 : vector<1x1x16xf32> to vector<16xf32>
      %max3A_842 = arith.maximumf %max3A_784, %get3A_841 : vector<16xf32>
      %get3A_843 = arith.constant 1 : i32
      %get3A_844 = arith.index_cast %get3A_843 : i32 to index
      %get3A_845 = arith.index_cast %scan3A_793 : i32 to index
      %get3A_846 = arith.constant 112 : index
      %get3A_847 = tpu.vector_load %arg7[%get3A_844, %get3A_845, %get3A_846] {strides = array<i32>} : memref<2x256x128xf32, #tpu.memory_space<vmem>>, vector<1x1x16xf32>,
      %get3A_848 = vector.shape_cast %get3A_847 : vector<1x1x16xf32> to vector<16xf32>
      %max3A_849 = arith.maximumf %max3A_791, %get3A_848 : vector<16xf32>
      scf.yield %max3A_800, %max3A_807, %max3A_814, %max3A_821, %max3A_828, %max3A_835, %max3A_842, %max3A_849 : vector<16xf32>, vector<16xf32>, vector<16xf32>, vector<16xf32>, vector<16xf32>, vector<16xf32>, vector<16xf32>, vector<16xf32>
    }
    %scan3A_273 = arith.constant 256 : i32
    %mul3A_274 = arith.constant 2 : i32
    %mul3A_275 = arith.muli %scan3A_220, %mul3A_274 : i32
    %add3A_276 = arith.constant 1 : i32
    %add3A_277 = arith.addi %mul3A_275, %add3A_276 : i32
    %add3A_278 = arith.constant 2 : i32
    %add3A_279 = arith.addi %add3A_277, %add3A_278 : i32
    %lt3A_280 = arith.constant 2 : i32
    %lt3A_281 = arith.cmpi slt, %add3A_279, %lt3A_280 : i32
    %convert_element_type3A_282 = arith.extui %lt3A_281 : i1 to i32
    %cond3A_283 = arith.constant 0 : i32
    %cond3A_284 = arith.cmpi ne, %convert_element_type3A_282, %cond3A_283 : i32
    scf.if %cond3A_284 {
      %mul3A_613 = arith.constant 256 : i32
      %mul3A_614 = arith.muli %add3A_279, %mul3A_613 : i32
      %add3A_615 = arith.addi %mul3A_32, %mul3A_614 : i32
      %dma_start3A_616 = arith.constant 1 : i32
      %dma_start3A_617 = arith.constant 0 : i32
      %dma_start3A_618 = arith.constant 0 : i32
      %dma_start3A_619 = tpu.memref_slice %arg7[%dma_start3A_616, %dma_start3A_617, %dma_start3A_618] : memref<2x256x128xf32, #tpu.memory_space<vmem>> -> memref<1x256x128xf32, #tpu.memory_space<vmem>>
      %dma_start3A_620 = tpu.memref_squeeze %dma_start3A_619 : memref<1x256x128xf32, #tpu.memory_space<vmem>> -> memref<256x128xf32, #tpu.memory_space<vmem>>
      %dma_start3A_621 = arith.constant 0 : i32
      %dma_start3A_622 = tpu.memref_slice %arg3[%select_n3A_30, %add3A_615, %dma_start3A_621] : memref<8x16384x128xf32, #tpu.memory_space<hbm>> -> memref<1x256x128xf32, #tpu.memory_space<hbm>>
      %dma_start3A_623 = tpu.memref_squeeze %dma_start3A_622 : memref<1x256x128xf32, #tpu.memory_space<hbm>> -> memref<256x128xf32, #tpu.memory_space<hbm>>
      %dma_start3A_624 = arith.constant 0 : i32
      %dma_start3A_625 = arith.constant 0 : i32
      %dma_start3A_626 = tpu.memref_slice %arg7[%dma_start3A_616, %dma_start3A_624, %dma_start3A_625] : memref<2x256x128xf32, #tpu.memory_space<vmem>> -> memref<1x256x128xf32, #tpu.memory_space<vmem>>
      %dma_start3A_627 = tpu.memref_squeeze %dma_start3A_626 : memref<1x256x128xf32, #tpu.memory_space<vmem>> -> memref<256x128xf32, #tpu.memory_space<vmem>>
      %dma_start3A_628 = arith.constant 0 : i32
      %dma_start3A_629 = tpu.memref_slice %arg3[%select_n3A_30, %add3A_615, %dma_start3A_628] : memref<8x16384x128xf32, #tpu.memory_space<hbm>> -> memref<1x256x128xf32, #tpu.memory_space<hbm>>
      %dma_start3A_630 = tpu.memref_squeeze %dma_start3A_629 : memref<1x256x128xf32, #tpu.memory_space<hbm>> -> memref<256x128xf32, #tpu.memory_space<hbm>>
      tpu.enqueue_dma source(%dma_start3A_630 : memref<256x128xf32, #tpu.memory_space<hbm>>) target(%dma_start3A_627 : memref<256x128xf32, #tpu.memory_space<vmem>>) target_semaphore(%arg10 : memref<!tpu.dma_semaphore, #tpu.memory_space<semaphore_mem>>)
    } else {
    }
    %scan3A_285 = arith.constant 1 : i32
    %swap3A_286 = arith.constant 0 : index
    %swap3A_287 = tpu.vector_load %arg8[%swap3A_286] {strides = array<i32>} : memref<128xf32, #tpu.memory_space<vmem>>, vector<16xf32>,
    %swap3A_288 = vector.shape_cast %swap3A_287 : vector<16xf32> to vector<16xf32>
    %swap3A_289 = vector.shape_cast %scan3A_272#0 : vector<16xf32> to vector<16xf32>
    tpu.vector_store %arg8[%swap3A_286], %swap3A_289 {strides = array<i32>} : memref<128xf32, #tpu.memory_space<vmem>>, vector<16xf32>,
    %swap3A_290 = arith.constant 16 : index
    %swap3A_291 = tpu.vector_load %arg8[%swap3A_290] {strides = array<i32>} : memref<128xf32, #tpu.memory_space<vmem>>, vector<16xf32>,
    %swap3A_292 = vector.shape_cast %swap3A_291 : vector<16xf32> to vector<16xf32>
    %swap3A_293 = vector.shape_cast %scan3A_272#1 : vector<16xf32> to vector<16xf32>
    tpu.vector_store %arg8[%swap3A_290], %swap3A_293 {strides = array<i32>} : memref<128xf32, #tpu.memory_space<vmem>>, vector<16xf32>,
    %swap3A_294 = arith.constant 32 : index
    %swap3A_295 = tpu.vector_load %arg8[%swap3A_294] {strides = array<i32>} : memref<128xf32, #tpu.memory_space<vmem>>, vector<16xf32>,
    %swap3A_296 = vector.shape_cast %swap3A_295 : vector<16xf32> to vector<16xf32>
    %swap3A_297 = vector.shape_cast %scan3A_272#2 : vector<16xf32> to vector<16xf32>
    tpu.vector_store %arg8[%swap3A_294], %swap3A_297 {strides = array<i32>} : memref<128xf32, #tpu.memory_space<vmem>>, vector<16xf32>,
    %swap3A_298 = arith.constant 48 : index
    %swap3A_299 = tpu.vector_load %arg8[%swap3A_298] {strides = array<i32>} : memref<128xf32, #tpu.memory_space<vmem>>, vector<16xf32>,
    %swap3A_300 = vector.shape_cast %swap3A_299 : vector<16xf32> to vector<16xf32>
    %swap3A_301 = vector.shape_cast %scan3A_272#3 : vector<16xf32> to vector<16xf32>
    tpu.vector_store %arg8[%swap3A_298], %swap3A_301 {strides = array<i32>} : memref<128xf32, #tpu.memory_space<vmem>>, vector<16xf32>,
    %swap3A_302 = arith.constant 64 : index
    %swap3A_303 = tpu.vector_load %arg8[%swap3A_302] {strides = array<i32>} : memref<128xf32, #tpu.memory_space<vmem>>, vector<16xf32>,
    %swap3A_304 = vector.shape_cast %swap3A_303 : vector<16xf32> to vector<16xf32>
    %swap3A_305 = vector.shape_cast %scan3A_272#4 : vector<16xf32> to vector<16xf32>
    tpu.vector_store %arg8[%swap3A_302], %swap3A_305 {strides = array<i32>} : memref<128xf32, #tpu.memory_space<vmem>>, vector<16xf32>,
    %swap3A_306 = arith.constant 80 : index
    %swap3A_307 = tpu.vector_load %arg8[%swap3A_306] {strides = array<i32>} : memref<128xf32, #tpu.memory_space<vmem>>, vector<16xf32>,
    %swap3A_308 = vector.shape_cast %swap3A_307 : vector<16xf32> to vector<16xf32>
    %swap3A_309 = vector.shape_cast %scan3A_272#5 : vector<16xf32> to vector<16xf32>
    tpu.vector_store %arg8[%swap3A_306], %swap3A_309 {strides = array<i32>} : memref<128xf32, #tpu.memory_space<vmem>>, vector<16xf32>,
    %swap3A_310 = arith.constant 96 : index
    %swap3A_311 = tpu.vector_load %arg8[%swap3A_310] {strides = array<i32>} : memref<128xf32, #tpu.memory_space<vmem>>, vector<16xf32>,
    %swap3A_312 = vector.shape_cast %swap3A_311 : vector<16xf32> to vector<16xf32>
    %swap3A_313 = vector.shape_cast %scan3A_272#6 : vector<16xf32> to vector<16xf32>
    tpu.vector_store %arg8[%swap3A_310], %swap3A_313 {strides = array<i32>} : memref<128xf32, #tpu.memory_space<vmem>>, vector<16xf32>,
    %swap3A_314 = arith.constant 112 : index
    %swap3A_315 = tpu.vector_load %arg8[%swap3A_314] {strides = array<i32>} : memref<128xf32, #tpu.memory_space<vmem>>, vector<16xf32>,
    %swap3A_316 = vector.shape_cast %swap3A_315 : vector<16xf32> to vector<16xf32>
    %swap3A_317 = vector.shape_cast %scan3A_272#7 : vector<16xf32> to vector<16xf32>
    tpu.vector_store %arg8[%swap3A_314], %swap3A_317 {strides = array<i32>} : memref<128xf32, #tpu.memory_space<vmem>>, vector<16xf32>,
    %run_scoped3A_318 = arith.constant 1 : i32
    "tpu.region"() ({
      %run_scoped3A_613 = tpu.sem_alloc : memref<!tpu.dma_semaphore, #tpu.memory_space<semaphore_mem>>
      %dma_start3A_614 = arith.constant 0 : i32
      %dma_start3A_615 = tpu.memref_slice %arg6[%run_scoped3A_318, %select_n3A, %select_n3A_30, %dma_start3A_614] : memref<4x4x8x128xf32, #tpu.memory_space<hbm>> -> memref<1x1x1x128xf32, #tpu.memory_space<hbm>>
      %dma_start3A_616 = tpu.memref_squeeze %dma_start3A_615 : memref<1x1x1x128xf32, #tpu.memory_space<hbm>> -> memref<128xf32, #tpu.memory_space<hbm>>
      %dma_start3A_617 = arith.constant 0 : i32
      %dma_start3A_618 = tpu.memref_slice %arg6[%run_scoped3A_318, %select_n3A, %select_n3A_30, %dma_start3A_617] : memref<4x4x8x128xf32, #tpu.memory_space<hbm>> -> memref<1x1x1x128xf32, #tpu.memory_space<hbm>>
      %dma_start3A_619 = tpu.memref_squeeze %dma_start3A_618 : memref<1x1x1x128xf32, #tpu.memory_space<hbm>> -> memref<128xf32, #tpu.memory_space<hbm>>
      tpu.enqueue_dma source(%arg8 : memref<128xf32, #tpu.memory_space<vmem>>) target(%dma_start3A_619 : memref<128xf32, #tpu.memory_space<hbm>>) target_semaphore(%run_scoped3A_613 : memref<!tpu.dma_semaphore, #tpu.memory_space<semaphore_mem>>)
      %dma_wait3A_620 = arith.constant 0 : i32
      %dma_wait3A_621 = tpu.memref_slice %arg6[%run_scoped3A_318, %select_n3A, %select_n3A_30, %dma_wait3A_620] : memref<4x4x8x128xf32, #tpu.memory_space<hbm>> -> memref<1x1x1x128xf32, #tpu.memory_space<hbm>>
      %dma_wait3A_622 = tpu.memref_squeeze %dma_wait3A_621 : memref<1x1x1x128xf32, #tpu.memory_space<hbm>> -> memref<128xf32, #tpu.memory_space<hbm>>
      %dma_wait3A_623 = arith.constant 0 : i32
      %dma_wait3A_624 = tpu.memref_slice %arg6[%run_scoped3A_318, %select_n3A, %select_n3A_30, %dma_wait3A_623] : memref<4x4x8x128xf32, #tpu.memory_space<hbm>> -> memref<1x1x1x128xf32, #tpu.memory_space<hbm>>
      %dma_wait3A_625 = tpu.memref_squeeze %dma_wait3A_624 : memref<1x1x1x128xf32, #tpu.memory_space<hbm>> -> memref<128xf32, #tpu.memory_space<hbm>>
      tpu.wait_dma2 semaphore(%run_scoped3A_613 : memref<!tpu.dma_semaphore, #tpu.memory_space<semaphore_mem>>) src(%arg8 : memref<128xf32, #tpu.memory_space<vmem>>) dst(%dma_wait3A_625 : memref<128xf32, #tpu.memory_space<hbm>>)
      tpu.yield
    }) : () -> ()
    %dma_start3A_319 = arith.constant 0 : i32
    %dma_start3A_320 = arith.constant 0 : i32
    %dma_start3A_321 = arith.constant 0 : i32
    %dma_start3A_322 = tpu.memref_slice %arg7[%dma_start3A_319, %dma_start3A_320, %dma_start3A_321] : memref<2x256x128xf32, #tpu.memory_space<vmem>> -> memref<1x256x128xf32, #tpu.memory_space<vmem>>
    %dma_start3A_323 = tpu.memref_squeeze %dma_start3A_322 : memref<1x256x128xf32, #tpu.memory_space<vmem>> -> memref<256x128xf32, #tpu.memory_space<vmem>>
    %dma_start3A_324 = arith.constant 0 : i32
    %dma_start3A_325 = tpu.memref_slice %arg4[%select_n3A_30, %mul3A_32, %dma_start3A_324] : memref<8x16384x128xf32, #tpu.memory_space<hbm>> -> memref<1x256x128xf32, #tpu.memory_space<hbm>>
    %dma_start3A_326 = tpu.memref_squeeze %dma_start3A_325 : memref<1x256x128xf32, #tpu.memory_space<hbm>> -> memref<256x128xf32, #tpu.memory_space<hbm>>
    %dma_start3A_327 = arith.constant 0 : i32
    %dma_start3A_328 = arith.constant 0 : i32
    %dma_start3A_329 = tpu.memref_slice %arg7[%dma_start3A_319, %dma_start3A_327, %dma_start3A_328] : memref<2x256x128xf32, #tpu.memory_space<vmem>> -> memref<1x256x128xf32, #tpu.memory_space<vmem>>
    %dma_start3A_330 = tpu.memref_squeeze %dma_start3A_329 : memref<1x256x128xf32, #tpu.memory_space<vmem>> -> memref<256x128xf32, #tpu.memory_space<vmem>>
    %dma_start3A_331 = arith.constant 0 : i32
    %dma_start3A_332 = tpu.memref_slice %arg4[%select_n3A_30, %mul3A_32, %dma_start3A_331] : memref<8x16384x128xf32, #tpu.memory_space<hbm>> -> memref<1x256x128xf32, #tpu.memory_space<hbm>>
    %dma_start3A_333 = tpu.memref_squeeze %dma_start3A_332 : memref<1x256x128xf32, #tpu.memory_space<hbm>> -> memref<256x128xf32, #tpu.memory_space<hbm>>
    tpu.enqueue_dma source(%dma_start3A_333 : memref<256x128xf32, #tpu.memory_space<hbm>>) target(%dma_start3A_330 : memref<256x128xf32, #tpu.memory_space<vmem>>) target_semaphore(%arg9 : memref<!tpu.dma_semaphore, #tpu.memory_space<semaphore_mem>>)
    %add3A_334 = arith.constant 256 : i32
    %add3A_335 = arith.addi %mul3A_32, %add3A_334 : i32
    %dma_start3A_336 = arith.constant 1 : i32
    %dma_start3A_337 = arith.constant 0 : i32
    %dma_start3A_338 = arith.constant 0 : i32
    %dma_start3A_339 = tpu.memref_slice %arg7[%dma_start3A_336, %dma_start3A_337, %dma_start3A_338] : memref<2x256x128xf32, #tpu.memory_space<vmem>> -> memref<1x256x128xf32, #tpu.memory_space<vmem>>
    %dma_start3A_340 = tpu.memref_squeeze %dma_start3A_339 : memref<1x256x128xf32, #tpu.memory_space<vmem>> -> memref<256x128xf32, #tpu.memory_space<vmem>>
    %dma_start3A_341 = arith.constant 0 : i32
    %dma_start3A_342 = tpu.memref_slice %arg4[%select_n3A_30, %add3A_335, %dma_start3A_341] : memref<8x16384x128xf32, #tpu.memory_space<hbm>> -> memref<1x256x128xf32, #tpu.memory_space<hbm>>
    %dma_start3A_343 = tpu.memref_squeeze %dma_start3A_342 : memref<1x256x128xf32, #tpu.memory_space<hbm>> -> memref<256x128xf32, #tpu.memory_space<hbm>>
    %dma_start3A_344 = arith.constant 0 : i32
    %dma_start3A_345 = arith.constant 0 : i32
    %dma_start3A_346 = tpu.memref_slice %arg7[%dma_start3A_336, %dma_start3A_344, %dma_start3A_345] : memref<2x256x128xf32, #tpu.memory_space<vmem>> -> memref<1x256x128xf32, #tpu.memory_space<vmem>>
    %dma_start3A_347 = tpu.memref_squeeze %dma_start3A_346 : memref<1x256x128xf32, #tpu.memory_space<vmem>> -> memref<256x128xf32, #tpu.memory_space<vmem>>
    %dma_start3A_348 = arith.constant 0 : i32
    %dma_start3A_349 = tpu.memref_slice %arg4[%select_n3A_30, %add3A_335, %dma_start3A_348] : memref<8x16384x128xf32, #tpu.memory_space<hbm>> -> memref<1x256x128xf32, #tpu.memory_space<hbm>>
    %dma_start3A_350 = tpu.memref_squeeze %dma_start3A_349 : memref<1x256x128xf32, #tpu.memory_space<hbm>> -> memref<256x128xf32, #tpu.memory_space<hbm>>
    tpu.enqueue_dma source(%dma_start3A_350 : memref<256x128xf32, #tpu.memory_space<hbm>>) target(%dma_start3A_347 : memref<256x128xf32, #tpu.memory_space<vmem>>) target_semaphore(%arg10 : memref<!tpu.dma_semaphore, #tpu.memory_space<semaphore_mem>>)
    %broadcast_in_dim3A_351 = arith.constant 0xFF800000 : f32
    %broadcast_in_dim3A_352 = vector.broadcast %broadcast_in_dim3A_351 : f32 to vector<16xf32>
    %broadcast_in_dim3A_353 = arith.constant 0xFF800000 : f32
    %broadcast_in_dim3A_354 = vector.broadcast %broadcast_in_dim3A_353 : f32 to vector<16xf32>
    %broadcast_in_dim3A_355 = arith.constant 0xFF800000 : f32
    %broadcast_in_dim3A_356 = vector.broadcast %broadcast_in_dim3A_355 : f32 to vector<16xf32>
    %broadcast_in_dim3A_357 = arith.constant 0xFF800000 : f32
    %broadcast_in_dim3A_358 = vector.broadcast %broadcast_in_dim3A_357 : f32 to vector<16xf32>
    %broadcast_in_dim3A_359 = arith.constant 0xFF800000 : f32
    %broadcast_in_dim3A_360 = vector.broadcast %broadcast_in_dim3A_359 : f32 to vector<16xf32>
    %broadcast_in_dim3A_361 = arith.constant 0xFF800000 : f32
    %broadcast_in_dim3A_362 = vector.broadcast %broadcast_in_dim3A_361 : f32 to vector<16xf32>
    %broadcast_in_dim3A_363 = arith.constant 0xFF800000 : f32
    %broadcast_in_dim3A_364 = vector.broadcast %broadcast_in_dim3A_363 : f32 to vector<16xf32>
    %broadcast_in_dim3A_365 = arith.constant 0xFF800000 : f32
    %broadcast_in_dim3A_366 = vector.broadcast %broadcast_in_dim3A_365 : f32 to vector<16xf32>
    %scan3A_367 = arith.constant 0 : i32
    %dma_wait3A_368 = arith.constant 0 : i32
    %dma_wait3A_369 = arith.constant 0 : i32
    %dma_wait3A_370 = arith.constant 0 : i32
    %dma_wait3A_371 = tpu.memref_slice %arg7[%dma_wait3A_368, %dma_wait3A_369, %dma_wait3A_370] : memref<2x256x128xf32, #tpu.memory_space<vmem>> -> memref<1x256x128xf32, #tpu.memory_space<vmem>>
    %dma_wait3A_372 = tpu.memref_squeeze %dma_wait3A_371 : memref<1x256x128xf32, #tpu.memory_space<vmem>> -> memref<256x128xf32, #tpu.memory_space<vmem>>
    %dma_wait3A_373 = arith.constant 0 : i32
    %dma_wait3A_374 = tpu.memref_slice %arg4[%select_n3A_30, %mul3A_32, %dma_wait3A_373] : memref<8x16384x128xf32, #tpu.memory_space<hbm>> -> memref<1x256x128xf32, #tpu.memory_space<hbm>>
    %dma_wait3A_375 = tpu.memref_squeeze %dma_wait3A_374 : memref<1x256x128xf32, #tpu.memory_space<hbm>> -> memref<256x128xf32, #tpu.memory_space<hbm>>
    %dma_wait3A_376 = arith.constant 0 : i32
    %dma_wait3A_377 = arith.constant 0 : i32
    %dma_wait3A_378 = tpu.memref_slice %arg7[%dma_wait3A_368, %dma_wait3A_376, %dma_wait3A_377] : memref<2x256x128xf32, #tpu.memory_space<vmem>> -> memref<1x256x128xf32, #tpu.memory_space<vmem>>
    %dma_wait3A_379 = tpu.memref_squeeze %dma_wait3A_378 : memref<1x256x128xf32, #tpu.memory_space<vmem>> -> memref<256x128xf32, #tpu.memory_space<vmem>>
    %dma_wait3A_380 = arith.constant 0 : i32
    %dma_wait3A_381 = tpu.memref_slice %arg4[%select_n3A_30, %mul3A_32, %dma_wait3A_380] : memref<8x16384x128xf32, #tpu.memory_space<hbm>> -> memref<1x256x128xf32, #tpu.memory_space<hbm>>
    %dma_wait3A_382 = tpu.memref_squeeze %dma_wait3A_381 : memref<1x256x128xf32, #tpu.memory_space<hbm>> -> memref<256x128xf32, #tpu.memory_space<hbm>>
    tpu.wait_dma2 semaphore(%arg9 : memref<!tpu.dma_semaphore, #tpu.memory_space<semaphore_mem>>) src(%dma_wait3A_382 : memref<256x128xf32, #tpu.memory_space<hbm>>) dst(%dma_wait3A_379 : memref<256x128xf32, #tpu.memory_space<vmem>>)
    %scan3A_383 = arith.constant 0 : i32
    %scan3A_384 = arith.constant 256 : i32
    %scan3A_385 = arith.addi %scan3A_383, %scan3A_384 : i32
    %scan3A_386 = arith.constant 4 : i32
    %scan3A_387:8 = scf.for %scan3A_613 = %scan3A_383 to %scan3A_385 step %scan3A_386 iter_args(%scan3A_614 = %broadcast_in_dim3A_352, %scan3A_615 = %broadcast_in_dim3A_354, %scan3A_616 = %broadcast_in_dim3A_356, %scan3A_617 = %broadcast_in_dim3A_358, %scan3A_618 = %broadcast_in_dim3A_360, %scan3A_619 = %broadcast_in_dim3A_362, %scan3A_620 = %broadcast_in_dim3A_364, %scan3A_621 = %broadcast_in_dim3A_366) -> (vector<16xf32>, vector<16xf32>, vector<16xf32>, vector<16xf32>, vector<16xf32>, vector<16xf32>, vector<16xf32>, vector<16xf32>)  : i32 {
      %get3A = arith.constant 0 : i32
      %get3A_622 = arith.index_cast %get3A : i32 to index
      %get3A_623 = arith.index_cast %scan3A_613 : i32 to index
      %get3A_624 = arith.constant 0 : index
      %get3A_625 = tpu.vector_load %arg7[%get3A_622, %get3A_623, %get3A_624] {strides = array<i32>} : memref<2x256x128xf32, #tpu.memory_space<vmem>>, vector<1x1x16xf32>,
      %get3A_626 = vector.shape_cast %get3A_625 : vector<1x1x16xf32> to vector<16xf32>
      %max3A = arith.maximumf %scan3A_614, %get3A_626 : vector<16xf32>
      %get3A_627 = arith.constant 0 : i32
      %get3A_628 = arith.index_cast %get3A_627 : i32 to index
      %get3A_629 = arith.index_cast %scan3A_613 : i32 to index
      %get3A_630 = arith.constant 16 : index
      %get3A_631 = tpu.vector_load %arg7[%get3A_628, %get3A_629, %get3A_630] {strides = array<i32>} : memref<2x256x128xf32, #tpu.memory_space<vmem>>, vector<1x1x16xf32>,
      %get3A_632 = vector.shape_cast %get3A_631 : vector<1x1x16xf32> to vector<16xf32>
      %max3A_633 = arith.maximumf %scan3A_615, %get3A_632 : vector<16xf32>
      %get3A_634 = arith.constant 0 : i32
      %get3A_635 = arith.index_cast %get3A_634 : i32 to index
      %get3A_636 = arith.index_cast %scan3A_613 : i32 to index
      %get3A_637 = arith.constant 32 : index
      %get3A_638 = tpu.vector_load %arg7[%get3A_635, %get3A_636, %get3A_637] {strides = array<i32>} : memref<2x256x128xf32, #tpu.memory_space<vmem>>, vector<1x1x16xf32>,
      %get3A_639 = vector.shape_cast %get3A_638 : vector<1x1x16xf32> to vector<16xf32>
      %max3A_640 = arith.maximumf %scan3A_616, %get3A_639 : vector<16xf32>
      %get3A_641 = arith.constant 0 : i32
      %get3A_642 = arith.index_cast %get3A_641 : i32 to index
      %get3A_643 = arith.index_cast %scan3A_613 : i32 to index
      %get3A_644 = arith.constant 48 : index
      %get3A_645 = tpu.vector_load %arg7[%get3A_642, %get3A_643, %get3A_644] {strides = array<i32>} : memref<2x256x128xf32, #tpu.memory_space<vmem>>, vector<1x1x16xf32>,
      %get3A_646 = vector.shape_cast %get3A_645 : vector<1x1x16xf32> to vector<16xf32>
      %max3A_647 = arith.maximumf %scan3A_617, %get3A_646 : vector<16xf32>
      %get3A_648 = arith.constant 0 : i32
      %get3A_649 = arith.index_cast %get3A_648 : i32 to index
      %get3A_650 = arith.index_cast %scan3A_613 : i32 to index
      %get3A_651 = arith.constant 64 : index
      %get3A_652 = tpu.vector_load %arg7[%get3A_649, %get3A_650, %get3A_651] {strides = array<i32>} : memref<2x256x128xf32, #tpu.memory_space<vmem>>, vector<1x1x16xf32>,
      %get3A_653 = vector.shape_cast %get3A_652 : vector<1x1x16xf32> to vector<16xf32>
      %max3A_654 = arith.maximumf %scan3A_618, %get3A_653 : vector<16xf32>
      %get3A_655 = arith.constant 0 : i32
      %get3A_656 = arith.index_cast %get3A_655 : i32 to index
      %get3A_657 = arith.index_cast %scan3A_613 : i32 to index
      %get3A_658 = arith.constant 80 : index
      %get3A_659 = tpu.vector_load %arg7[%get3A_656, %get3A_657, %get3A_658] {strides = array<i32>} : memref<2x256x128xf32, #tpu.memory_space<vmem>>, vector<1x1x16xf32>,
      %get3A_660 = vector.shape_cast %get3A_659 : vector<1x1x16xf32> to vector<16xf32>
      %max3A_661 = arith.maximumf %scan3A_619, %get3A_660 : vector<16xf32>
      %get3A_662 = arith.constant 0 : i32
      %get3A_663 = arith.index_cast %get3A_662 : i32 to index
      %get3A_664 = arith.index_cast %scan3A_613 : i32 to index
      %get3A_665 = arith.constant 96 : index
      %get3A_666 = tpu.vector_load %arg7[%get3A_663, %get3A_664, %get3A_665] {strides = array<i32>} : memref<2x256x128xf32, #tpu.memory_space<vmem>>, vector<1x1x16xf32>,
      %get3A_667 = vector.shape_cast %get3A_666 : vector<1x1x16xf32> to vector<16xf32>
      %max3A_668 = arith.maximumf %scan3A_620, %get3A_667 : vector<16xf32>
      %get3A_669 = arith.constant 0 : i32
      %get3A_670 = arith.index_cast %get3A_669 : i32 to index
      %get3A_671 = arith.index_cast %scan3A_613 : i32 to index
      %get3A_672 = arith.constant 112 : index
      %get3A_673 = tpu.vector_load %arg7[%get3A_670, %get3A_671, %get3A_672] {strides = array<i32>} : memref<2x256x128xf32, #tpu.memory_space<vmem>>, vector<1x1x16xf32>,
      %get3A_674 = vector.shape_cast %get3A_673 : vector<1x1x16xf32> to vector<16xf32>
      %max3A_675 = arith.maximumf %scan3A_621, %get3A_674 : vector<16xf32>
      %scan3A_676 = arith.constant 1 : i32
      %scan3A_677 = arith.addi %scan3A_613, %scan3A_676 : i32
      %get3A_678 = arith.constant 0 : i32
      %get3A_679 = arith.index_cast %get3A_678 : i32 to index
      %get3A_680 = arith.index_cast %scan3A_677 : i32 to index
      %get3A_681 = arith.constant 0 : index
      %get3A_682 = tpu.vector_load %arg7[%get3A_679, %get3A_680, %get3A_681] {strides = array<i32>} : memref<2x256x128xf32, #tpu.memory_space<vmem>>, vector<1x1x16xf32>,
      %get3A_683 = vector.shape_cast %get3A_682 : vector<1x1x16xf32> to vector<16xf32>
      %max3A_684 = arith.maximumf %max3A, %get3A_683 : vector<16xf32>
      %get3A_685 = arith.constant 0 : i32
      %get3A_686 = arith.index_cast %get3A_685 : i32 to index
      %get3A_687 = arith.index_cast %scan3A_677 : i32 to index
      %get3A_688 = arith.constant 16 : index
      %get3A_689 = tpu.vector_load %arg7[%get3A_686, %get3A_687, %get3A_688] {strides = array<i32>} : memref<2x256x128xf32, #tpu.memory_space<vmem>>, vector<1x1x16xf32>,
      %get3A_690 = vector.shape_cast %get3A_689 : vector<1x1x16xf32> to vector<16xf32>
      %max3A_691 = arith.maximumf %max3A_633, %get3A_690 : vector<16xf32>
      %get3A_692 = arith.constant 0 : i32
      %get3A_693 = arith.index_cast %get3A_692 : i32 to index
      %get3A_694 = arith.index_cast %scan3A_677 : i32 to index
      %get3A_695 = arith.constant 32 : index
      %get3A_696 = tpu.vector_load %arg7[%get3A_693, %get3A_694, %get3A_695] {strides = array<i32>} : memref<2x256x128xf32, #tpu.memory_space<vmem>>, vector<1x1x16xf32>,
      %get3A_697 = vector.shape_cast %get3A_696 : vector<1x1x16xf32> to vector<16xf32>
      %max3A_698 = arith.maximumf %max3A_640, %get3A_697 : vector<16xf32>
      %get3A_699 = arith.constant 0 : i32
      %get3A_700 = arith.index_cast %get3A_699 : i32 to index
      %get3A_701 = arith.index_cast %scan3A_677 : i32 to index
      %get3A_702 = arith.constant 48 : index
      %get3A_703 = tpu.vector_load %arg7[%get3A_700, %get3A_701, %get3A_702] {strides = array<i32>} : memref<2x256x128xf32, #tpu.memory_space<vmem>>, vector<1x1x16xf32>,
      %get3A_704 = vector.shape_cast %get3A_703 : vector<1x1x16xf32> to vector<16xf32>
      %max3A_705 = arith.maximumf %max3A_647, %get3A_704 : vector<16xf32>
      %get3A_706 = arith.constant 0 : i32
      %get3A_707 = arith.index_cast %get3A_706 : i32 to index
      %get3A_708 = arith.index_cast %scan3A_677 : i32 to index
      %get3A_709 = arith.constant 64 : index
      %get3A_710 = tpu.vector_load %arg7[%get3A_707, %get3A_708, %get3A_709] {strides = array<i32>} : memref<2x256x128xf32, #tpu.memory_space<vmem>>, vector<1x1x16xf32>,
      %get3A_711 = vector.shape_cast %get3A_710 : vector<1x1x16xf32> to vector<16xf32>
      %max3A_712 = arith.maximumf %max3A_654, %get3A_711 : vector<16xf32>
      %get3A_713 = arith.constant 0 : i32
      %get3A_714 = arith.index_cast %get3A_713 : i32 to index
      %get3A_715 = arith.index_cast %scan3A_677 : i32 to index
      %get3A_716 = arith.constant 80 : index
      %get3A_717 = tpu.vector_load %arg7[%get3A_714, %get3A_715, %get3A_716] {strides = array<i32>} : memref<2x256x128xf32, #tpu.memory_space<vmem>>, vector<1x1x16xf32>,
      %get3A_718 = vector.shape_cast %get3A_717 : vector<1x1x16xf32> to vector<16xf32>
      %max3A_719 = arith.maximumf %max3A_661, %get3A_718 : vector<16xf32>
      %get3A_720 = arith.constant 0 : i32
      %get3A_721 = arith.index_cast %get3A_720 : i32 to index
      %get3A_722 = arith.index_cast %scan3A_677 : i32 to index
      %get3A_723 = arith.constant 96 : index
      %get3A_724 = tpu.vector_load %arg7[%get3A_721, %get3A_722, %get3A_723] {strides = array<i32>} : memref<2x256x128xf32, #tpu.memory_space<vmem>>, vector<1x1x16xf32>,
      %get3A_725 = vector.shape_cast %get3A_724 : vector<1x1x16xf32> to vector<16xf32>
      %max3A_726 = arith.maximumf %max3A_668, %get3A_725 : vector<16xf32>
      %get3A_727 = arith.constant 0 : i32
      %get3A_728 = arith.index_cast %get3A_727 : i32 to index
      %get3A_729 = arith.index_cast %scan3A_677 : i32 to index
      %get3A_730 = arith.constant 112 : index
      %get3A_731 = tpu.vector_load %arg7[%get3A_728, %get3A_729, %get3A_730] {strides = array<i32>} : memref<2x256x128xf32, #tpu.memory_space<vmem>>, vector<1x1x16xf32>,
      %get3A_732 = vector.shape_cast %get3A_731 : vector<1x1x16xf32> to vector<16xf32>
      %max3A_733 = arith.maximumf %max3A_675, %get3A_732 : vector<16xf32>
      %scan3A_734 = arith.constant 2 : i32
      %scan3A_735 = arith.addi %scan3A_613, %scan3A_734 : i32
      %get3A_736 = arith.constant 0 : i32
      %get3A_737 = arith.index_cast %get3A_736 : i32 to index
      %get3A_738 = arith.index_cast %scan3A_735 : i32 to index
      %get3A_739 = arith.constant 0 : index
      %get3A_740 = tpu.vector_load %arg7[%get3A_737, %get3A_738, %get3A_739] {strides = array<i32>} : memref<2x256x128xf32, #tpu.memory_space<vmem>>, vector<1x1x16xf32>,
      %get3A_741 = vector.shape_cast %get3A_740 : vector<1x1x16xf32> to vector<16xf32>
      %max3A_742 = arith.maximumf %max3A_684, %get3A_741 : vector<16xf32>
      %get3A_743 = arith.constant 0 : i32
      %get3A_744 = arith.index_cast %get3A_743 : i32 to index
      %get3A_745 = arith.index_cast %scan3A_735 : i32 to index
      %get3A_746 = arith.constant 16 : index
      %get3A_747 = tpu.vector_load %arg7[%get3A_744, %get3A_745, %get3A_746] {strides = array<i32>} : memref<2x256x128xf32, #tpu.memory_space<vmem>>, vector<1x1x16xf32>,
      %get3A_748 = vector.shape_cast %get3A_747 : vector<1x1x16xf32> to vector<16xf32>
      %max3A_749 = arith.maximumf %max3A_691, %get3A_748 : vector<16xf32>
      %get3A_750 = arith.constant 0 : i32
      %get3A_751 = arith.index_cast %get3A_750 : i32 to index
      %get3A_752 = arith.index_cast %scan3A_735 : i32 to index
      %get3A_753 = arith.constant 32 : index
      %get3A_754 = tpu.vector_load %arg7[%get3A_751, %get3A_752, %get3A_753] {strides = array<i32>} : memref<2x256x128xf32, #tpu.memory_space<vmem>>, vector<1x1x16xf32>,
      %get3A_755 = vector.shape_cast %get3A_754 : vector<1x1x16xf32> to vector<16xf32>
      %max3A_756 = arith.maximumf %max3A_698, %get3A_755 : vector<16xf32>
      %get3A_757 = arith.constant 0 : i32
      %get3A_758 = arith.index_cast %get3A_757 : i32 to index
      %get3A_759 = arith.index_cast %scan3A_735 : i32 to index
      %get3A_760 = arith.constant 48 : index
      %get3A_761 = tpu.vector_load %arg7[%get3A_758, %get3A_759, %get3A_760] {strides = array<i32>} : memref<2x256x128xf32, #tpu.memory_space<vmem>>, vector<1x1x16xf32>,
      %get3A_762 = vector.shape_cast %get3A_761 : vector<1x1x16xf32> to vector<16xf32>
      %max3A_763 = arith.maximumf %max3A_705, %get3A_762 : vector<16xf32>
      %get3A_764 = arith.constant 0 : i32
      %get3A_765 = arith.index_cast %get3A_764 : i32 to index
      %get3A_766 = arith.index_cast %scan3A_735 : i32 to index
      %get3A_767 = arith.constant 64 : index
      %get3A_768 = tpu.vector_load %arg7[%get3A_765, %get3A_766, %get3A_767] {strides = array<i32>} : memref<2x256x128xf32, #tpu.memory_space<vmem>>, vector<1x1x16xf32>,
      %get3A_769 = vector.shape_cast %get3A_768 : vector<1x1x16xf32> to vector<16xf32>
      %max3A_770 = arith.maximumf %max3A_712, %get3A_769 : vector<16xf32>
      %get3A_771 = arith.constant 0 : i32
      %get3A_772 = arith.index_cast %get3A_771 : i32 to index
      %get3A_773 = arith.index_cast %scan3A_735 : i32 to index
      %get3A_774 = arith.constant 80 : index
      %get3A_775 = tpu.vector_load %arg7[%get3A_772, %get3A_773, %get3A_774] {strides = array<i32>} : memref<2x256x128xf32, #tpu.memory_space<vmem>>, vector<1x1x16xf32>,
      %get3A_776 = vector.shape_cast %get3A_775 : vector<1x1x16xf32> to vector<16xf32>
      %max3A_777 = arith.maximumf %max3A_719, %get3A_776 : vector<16xf32>
      %get3A_778 = arith.constant 0 : i32
      %get3A_779 = arith.index_cast %get3A_778 : i32 to index
      %get3A_780 = arith.index_cast %scan3A_735 : i32 to index
      %get3A_781 = arith.constant 96 : index
      %get3A_782 = tpu.vector_load %arg7[%get3A_779, %get3A_780, %get3A_781] {strides = array<i32>} : memref<2x256x128xf32, #tpu.memory_space<vmem>>, vector<1x1x16xf32>,
      %get3A_783 = vector.shape_cast %get3A_782 : vector<1x1x16xf32> to vector<16xf32>
      %max3A_784 = arith.maximumf %max3A_726, %get3A_783 : vector<16xf32>
      %get3A_785 = arith.constant 0 : i32
      %get3A_786 = arith.index_cast %get3A_785 : i32 to index
      %get3A_787 = arith.index_cast %scan3A_735 : i32 to index
      %get3A_788 = arith.constant 112 : index
      %get3A_789 = tpu.vector_load %arg7[%get3A_786, %get3A_787, %get3A_788] {strides = array<i32>} : memref<2x256x128xf32, #tpu.memory_space<vmem>>, vector<1x1x16xf32>,
      %get3A_790 = vector.shape_cast %get3A_789 : vector<1x1x16xf32> to vector<16xf32>
      %max3A_791 = arith.maximumf %max3A_733, %get3A_790 : vector<16xf32>
      %scan3A_792 = arith.constant 3 : i32
      %scan3A_793 = arith.addi %scan3A_613, %scan3A_792 : i32
      %get3A_794 = arith.constant 0 : i32
      %get3A_795 = arith.index_cast %get3A_794 : i32 to index
      %get3A_796 = arith.index_cast %scan3A_793 : i32 to index
      %get3A_797 = arith.constant 0 : index
      %get3A_798 = tpu.vector_load %arg7[%get3A_795, %get3A_796, %get3A_797] {strides = array<i32>} : memref<2x256x128xf32, #tpu.memory_space<vmem>>, vector<1x1x16xf32>,
      %get3A_799 = vector.shape_cast %get3A_798 : vector<1x1x16xf32> to vector<16xf32>
      %max3A_800 = arith.maximumf %max3A_742, %get3A_799 : vector<16xf32>
      %get3A_801 = arith.constant 0 : i32
      %get3A_802 = arith.index_cast %get3A_801 : i32 to index
      %get3A_803 = arith.index_cast %scan3A_793 : i32 to index
      %get3A_804 = arith.constant 16 : index
      %get3A_805 = tpu.vector_load %arg7[%get3A_802, %get3A_803, %get3A_804] {strides = array<i32>} : memref<2x256x128xf32, #tpu.memory_space<vmem>>, vector<1x1x16xf32>,
      %get3A_806 = vector.shape_cast %get3A_805 : vector<1x1x16xf32> to vector<16xf32>
      %max3A_807 = arith.maximumf %max3A_749, %get3A_806 : vector<16xf32>
      %get3A_808 = arith.constant 0 : i32
      %get3A_809 = arith.index_cast %get3A_808 : i32 to index
      %get3A_810 = arith.index_cast %scan3A_793 : i32 to index
      %get3A_811 = arith.constant 32 : index
      %get3A_812 = tpu.vector_load %arg7[%get3A_809, %get3A_810, %get3A_811] {strides = array<i32>} : memref<2x256x128xf32, #tpu.memory_space<vmem>>, vector<1x1x16xf32>,
      %get3A_813 = vector.shape_cast %get3A_812 : vector<1x1x16xf32> to vector<16xf32>
      %max3A_814 = arith.maximumf %max3A_756, %get3A_813 : vector<16xf32>
      %get3A_815 = arith.constant 0 : i32
      %get3A_816 = arith.index_cast %get3A_815 : i32 to index
      %get3A_817 = arith.index_cast %scan3A_793 : i32 to index
      %get3A_818 = arith.constant 48 : index
      %get3A_819 = tpu.vector_load %arg7[%get3A_816, %get3A_817, %get3A_818] {strides = array<i32>} : memref<2x256x128xf32, #tpu.memory_space<vmem>>, vector<1x1x16xf32>,
      %get3A_820 = vector.shape_cast %get3A_819 : vector<1x1x16xf32> to vector<16xf32>
      %max3A_821 = arith.maximumf %max3A_763, %get3A_820 : vector<16xf32>
      %get3A_822 = arith.constant 0 : i32
      %get3A_823 = arith.index_cast %get3A_822 : i32 to index
      %get3A_824 = arith.index_cast %scan3A_793 : i32 to index
      %get3A_825 = arith.constant 64 : index
      %get3A_826 = tpu.vector_load %arg7[%get3A_823, %get3A_824, %get3A_825] {strides = array<i32>} : memref<2x256x128xf32, #tpu.memory_space<vmem>>, vector<1x1x16xf32>,
      %get3A_827 = vector.shape_cast %get3A_826 : vector<1x1x16xf32> to vector<16xf32>
      %max3A_828 = arith.maximumf %max3A_770, %get3A_827 : vector<16xf32>
      %get3A_829 = arith.constant 0 : i32
      %get3A_830 = arith.index_cast %get3A_829 : i32 to index
      %get3A_831 = arith.index_cast %scan3A_793 : i32 to index
      %get3A_832 = arith.constant 80 : index
      %get3A_833 = tpu.vector_load %arg7[%get3A_830, %get3A_831, %get3A_832] {strides = array<i32>} : memref<2x256x128xf32, #tpu.memory_space<vmem>>, vector<1x1x16xf32>,
      %get3A_834 = vector.shape_cast %get3A_833 : vector<1x1x16xf32> to vector<16xf32>
      %max3A_835 = arith.maximumf %max3A_777, %get3A_834 : vector<16xf32>
      %get3A_836 = arith.constant 0 : i32
      %get3A_837 = arith.index_cast %get3A_836 : i32 to index
      %get3A_838 = arith.index_cast %scan3A_793 : i32 to index
      %get3A_839 = arith.constant 96 : index
      %get3A_840 = tpu.vector_load %arg7[%get3A_837, %get3A_838, %get3A_839] {strides = array<i32>} : memref<2x256x128xf32, #tpu.memory_space<vmem>>, vector<1x1x16xf32>,
      %get3A_841 = vector.shape_cast %get3A_840 : vector<1x1x16xf32> to vector<16xf32>
      %max3A_842 = arith.maximumf %max3A_784, %get3A_841 : vector<16xf32>
      %get3A_843 = arith.constant 0 : i32
      %get3A_844 = arith.index_cast %get3A_843 : i32 to index
      %get3A_845 = arith.index_cast %scan3A_793 : i32 to index
      %get3A_846 = arith.constant 112 : index
      %get3A_847 = tpu.vector_load %arg7[%get3A_844, %get3A_845, %get3A_846] {strides = array<i32>} : memref<2x256x128xf32, #tpu.memory_space<vmem>>, vector<1x1x16xf32>,
      %get3A_848 = vector.shape_cast %get3A_847 : vector<1x1x16xf32> to vector<16xf32>
      %max3A_849 = arith.maximumf %max3A_791, %get3A_848 : vector<16xf32>
      scf.yield %max3A_800, %max3A_807, %max3A_814, %max3A_821, %max3A_828, %max3A_835, %max3A_842, %max3A_849 : vector<16xf32>, vector<16xf32>, vector<16xf32>, vector<16xf32>, vector<16xf32>, vector<16xf32>, vector<16xf32>, vector<16xf32>
    }
    %scan3A_388 = arith.constant 256 : i32
    %mul3A_389 = arith.constant 2 : i32
    %mul3A_390 = arith.muli %scan3A_367, %mul3A_389 : i32
    %add3A_391 = arith.constant 0 : i32
    %add3A_392 = arith.addi %mul3A_390, %add3A_391 : i32
    %add3A_393 = arith.constant 2 : i32
    %add3A_394 = arith.addi %add3A_392, %add3A_393 : i32
    %lt3A_395 = arith.constant 2 : i32
    %lt3A_396 = arith.cmpi slt, %add3A_394, %lt3A_395 : i32
    %convert_element_type3A_397 = arith.extui %lt3A_396 : i1 to i32
    %cond3A_398 = arith.constant 0 : i32
    %cond3A_399 = arith.cmpi ne, %convert_element_type3A_397, %cond3A_398 : i32
    scf.if %cond3A_399 {
      %mul3A_613 = arith.constant 256 : i32
      %mul3A_614 = arith.muli %add3A_394, %mul3A_613 : i32
      %add3A_615 = arith.addi %mul3A_32, %mul3A_614 : i32
      %dma_start3A_616 = arith.constant 0 : i32
      %dma_start3A_617 = arith.constant 0 : i32
      %dma_start3A_618 = arith.constant 0 : i32
      %dma_start3A_619 = tpu.memref_slice %arg7[%dma_start3A_616, %dma_start3A_617, %dma_start3A_618] : memref<2x256x128xf32, #tpu.memory_space<vmem>> -> memref<1x256x128xf32, #tpu.memory_space<vmem>>
      %dma_start3A_620 = tpu.memref_squeeze %dma_start3A_619 : memref<1x256x128xf32, #tpu.memory_space<vmem>> -> memref<256x128xf32, #tpu.memory_space<vmem>>
      %dma_start3A_621 = arith.constant 0 : i32
      %dma_start3A_622 = tpu.memref_slice %arg4[%select_n3A_30, %add3A_615, %dma_start3A_621] : memref<8x16384x128xf32, #tpu.memory_space<hbm>> -> memref<1x256x128xf32, #tpu.memory_space<hbm>>
      %dma_start3A_623 = tpu.memref_squeeze %dma_start3A_622 : memref<1x256x128xf32, #tpu.memory_space<hbm>> -> memref<256x128xf32, #tpu.memory_space<hbm>>
      %dma_start3A_624 = arith.constant 0 : i32
      %dma_start3A_625 = arith.constant 0 : i32
      %dma_start3A_626 = tpu.memref_slice %arg7[%dma_start3A_616, %dma_start3A_624, %dma_start3A_625] : memref<2x256x128xf32, #tpu.memory_space<vmem>> -> memref<1x256x128xf32, #tpu.memory_space<vmem>>
      %dma_start3A_627 = tpu.memref_squeeze %dma_start3A_626 : memref<1x256x128xf32, #tpu.memory_space<vmem>> -> memref<256x128xf32, #tpu.memory_space<vmem>>
      %dma_start3A_628 = arith.constant 0 : i32
      %dma_start3A_629 = tpu.memref_slice %arg4[%select_n3A_30, %add3A_615, %dma_start3A_628] : memref<8x16384x128xf32, #tpu.memory_space<hbm>> -> memref<1x256x128xf32, #tpu.memory_space<hbm>>
      %dma_start3A_630 = tpu.memref_squeeze %dma_start3A_629 : memref<1x256x128xf32, #tpu.memory_space<hbm>> -> memref<256x128xf32, #tpu.memory_space<hbm>>
      tpu.enqueue_dma source(%dma_start3A_630 : memref<256x128xf32, #tpu.memory_space<hbm>>) target(%dma_start3A_627 : memref<256x128xf32, #tpu.memory_space<vmem>>) target_semaphore(%arg9 : memref<!tpu.dma_semaphore, #tpu.memory_space<semaphore_mem>>)
    } else {
    }
    %dma_wait3A_400 = arith.constant 1 : i32
    %dma_wait3A_401 = arith.constant 0 : i32
    %dma_wait3A_402 = arith.constant 0 : i32
    %dma_wait3A_403 = tpu.memref_slice %arg7[%dma_wait3A_400, %dma_wait3A_401, %dma_wait3A_402] : memref<2x256x128xf32, #tpu.memory_space<vmem>> -> memref<1x256x128xf32, #tpu.memory_space<vmem>>
    %dma_wait3A_404 = tpu.memref_squeeze %dma_wait3A_403 : memref<1x256x128xf32, #tpu.memory_space<vmem>> -> memref<256x128xf32, #tpu.memory_space<vmem>>
    %dma_wait3A_405 = arith.constant 0 : i32
    %dma_wait3A_406 = tpu.memref_slice %arg4[%select_n3A_30, %mul3A_32, %dma_wait3A_405] : memref<8x16384x128xf32, #tpu.memory_space<hbm>> -> memref<1x256x128xf32, #tpu.memory_space<hbm>>
    %dma_wait3A_407 = tpu.memref_squeeze %dma_wait3A_406 : memref<1x256x128xf32, #tpu.memory_space<hbm>> -> memref<256x128xf32, #tpu.memory_space<hbm>>
    %dma_wait3A_408 = arith.constant 0 : i32
    %dma_wait3A_409 = arith.constant 0 : i32
    %dma_wait3A_410 = tpu.memref_slice %arg7[%dma_wait3A_400, %dma_wait3A_408, %dma_wait3A_409] : memref<2x256x128xf32, #tpu.memory_space<vmem>> -> memref<1x256x128xf32, #tpu.memory_space<vmem>>
    %dma_wait3A_411 = tpu.memref_squeeze %dma_wait3A_410 : memref<1x256x128xf32, #tpu.memory_space<vmem>> -> memref<256x128xf32, #tpu.memory_space<vmem>>
    %dma_wait3A_412 = arith.constant 0 : i32
    %dma_wait3A_413 = tpu.memref_slice %arg4[%select_n3A_30, %mul3A_32, %dma_wait3A_412] : memref<8x16384x128xf32, #tpu.memory_space<hbm>> -> memref<1x256x128xf32, #tpu.memory_space<hbm>>
    %dma_wait3A_414 = tpu.memref_squeeze %dma_wait3A_413 : memref<1x256x128xf32, #tpu.memory_space<hbm>> -> memref<256x128xf32, #tpu.memory_space<hbm>>
    tpu.wait_dma2 semaphore(%arg10 : memref<!tpu.dma_semaphore, #tpu.memory_space<semaphore_mem>>) src(%dma_wait3A_414 : memref<256x128xf32, #tpu.memory_space<hbm>>) dst(%dma_wait3A_411 : memref<256x128xf32, #tpu.memory_space<vmem>>)
    %scan3A_415 = arith.constant 0 : i32
    %scan3A_416 = arith.constant 256 : i32
    %scan3A_417 = arith.addi %scan3A_415, %scan3A_416 : i32
    %scan3A_418 = arith.constant 4 : i32
    %scan3A_419:8 = scf.for %scan3A_613 = %scan3A_415 to %scan3A_417 step %scan3A_418 iter_args(%scan3A_614 = %scan3A_387#0, %scan3A_615 = %scan3A_387#1, %scan3A_616 = %scan3A_387#2, %scan3A_617 = %scan3A_387#3, %scan3A_618 = %scan3A_387#4, %scan3A_619 = %scan3A_387#5, %scan3A_620 = %scan3A_387#6, %scan3A_621 = %scan3A_387#7) -> (vector<16xf32>, vector<16xf32>, vector<16xf32>, vector<16xf32>, vector<16xf32>, vector<16xf32>, vector<16xf32>, vector<16xf32>)  : i32 {
      %get3A = arith.constant 1 : i32
      %get3A_622 = arith.index_cast %get3A : i32 to index
      %get3A_623 = arith.index_cast %scan3A_613 : i32 to index
      %get3A_624 = arith.constant 0 : index
      %get3A_625 = tpu.vector_load %arg7[%get3A_622, %get3A_623, %get3A_624] {strides = array<i32>} : memref<2x256x128xf32, #tpu.memory_space<vmem>>, vector<1x1x16xf32>,
      %get3A_626 = vector.shape_cast %get3A_625 : vector<1x1x16xf32> to vector<16xf32>
      %max3A = arith.maximumf %scan3A_614, %get3A_626 : vector<16xf32>
      %get3A_627 = arith.constant 1 : i32
      %get3A_628 = arith.index_cast %get3A_627 : i32 to index
      %get3A_629 = arith.index_cast %scan3A_613 : i32 to index
      %get3A_630 = arith.constant 16 : index
      %get3A_631 = tpu.vector_load %arg7[%get3A_628, %get3A_629, %get3A_630] {strides = array<i32>} : memref<2x256x128xf32, #tpu.memory_space<vmem>>, vector<1x1x16xf32>,
      %get3A_632 = vector.shape_cast %get3A_631 : vector<1x1x16xf32> to vector<16xf32>
      %max3A_633 = arith.maximumf %scan3A_615, %get3A_632 : vector<16xf32>
      %get3A_634 = arith.constant 1 : i32
      %get3A_635 = arith.index_cast %get3A_634 : i32 to index
      %get3A_636 = arith.index_cast %scan3A_613 : i32 to index
      %get3A_637 = arith.constant 32 : index
      %get3A_638 = tpu.vector_load %arg7[%get3A_635, %get3A_636, %get3A_637] {strides = array<i32>} : memref<2x256x128xf32, #tpu.memory_space<vmem>>, vector<1x1x16xf32>,
      %get3A_639 = vector.shape_cast %get3A_638 : vector<1x1x16xf32> to vector<16xf32>
      %max3A_640 = arith.maximumf %scan3A_616, %get3A_639 : vector<16xf32>
      %get3A_641 = arith.constant 1 : i32
      %get3A_642 = arith.index_cast %get3A_641 : i32 to index
      %get3A_643 = arith.index_cast %scan3A_613 : i32 to index
      %get3A_644 = arith.constant 48 : index
      %get3A_645 = tpu.vector_load %arg7[%get3A_642, %get3A_643, %get3A_644] {strides = array<i32>} : memref<2x256x128xf32, #tpu.memory_space<vmem>>, vector<1x1x16xf32>,
      %get3A_646 = vector.shape_cast %get3A_645 : vector<1x1x16xf32> to vector<16xf32>
      %max3A_647 = arith.maximumf %scan3A_617, %get3A_646 : vector<16xf32>
      %get3A_648 = arith.constant 1 : i32
      %get3A_649 = arith.index_cast %get3A_648 : i32 to index
      %get3A_650 = arith.index_cast %scan3A_613 : i32 to index
      %get3A_651 = arith.constant 64 : index
      %get3A_652 = tpu.vector_load %arg7[%get3A_649, %get3A_650, %get3A_651] {strides = array<i32>} : memref<2x256x128xf32, #tpu.memory_space<vmem>>, vector<1x1x16xf32>,
      %get3A_653 = vector.shape_cast %get3A_652 : vector<1x1x16xf32> to vector<16xf32>
      %max3A_654 = arith.maximumf %scan3A_618, %get3A_653 : vector<16xf32>
      %get3A_655 = arith.constant 1 : i32
      %get3A_656 = arith.index_cast %get3A_655 : i32 to index
      %get3A_657 = arith.index_cast %scan3A_613 : i32 to index
      %get3A_658 = arith.constant 80 : index
      %get3A_659 = tpu.vector_load %arg7[%get3A_656, %get3A_657, %get3A_658] {strides = array<i32>} : memref<2x256x128xf32, #tpu.memory_space<vmem>>, vector<1x1x16xf32>,
      %get3A_660 = vector.shape_cast %get3A_659 : vector<1x1x16xf32> to vector<16xf32>
      %max3A_661 = arith.maximumf %scan3A_619, %get3A_660 : vector<16xf32>
      %get3A_662 = arith.constant 1 : i32
      %get3A_663 = arith.index_cast %get3A_662 : i32 to index
      %get3A_664 = arith.index_cast %scan3A_613 : i32 to index
      %get3A_665 = arith.constant 96 : index
      %get3A_666 = tpu.vector_load %arg7[%get3A_663, %get3A_664, %get3A_665] {strides = array<i32>} : memref<2x256x128xf32, #tpu.memory_space<vmem>>, vector<1x1x16xf32>,
      %get3A_667 = vector.shape_cast %get3A_666 : vector<1x1x16xf32> to vector<16xf32>
      %max3A_668 = arith.maximumf %scan3A_620, %get3A_667 : vector<16xf32>
      %get3A_669 = arith.constant 1 : i32
      %get3A_670 = arith.index_cast %get3A_669 : i32 to index
      %get3A_671 = arith.index_cast %scan3A_613 : i32 to index
      %get3A_672 = arith.constant 112 : index
      %get3A_673 = tpu.vector_load %arg7[%get3A_670, %get3A_671, %get3A_672] {strides = array<i32>} : memref<2x256x128xf32, #tpu.memory_space<vmem>>, vector<1x1x16xf32>,
      %get3A_674 = vector.shape_cast %get3A_673 : vector<1x1x16xf32> to vector<16xf32>
      %max3A_675 = arith.maximumf %scan3A_621, %get3A_674 : vector<16xf32>
      %scan3A_676 = arith.constant 1 : i32
      %scan3A_677 = arith.addi %scan3A_613, %scan3A_676 : i32
      %get3A_678 = arith.constant 1 : i32
      %get3A_679 = arith.index_cast %get3A_678 : i32 to index
      %get3A_680 = arith.index_cast %scan3A_677 : i32 to index
      %get3A_681 = arith.constant 0 : index
      %get3A_682 = tpu.vector_load %arg7[%get3A_679, %get3A_680, %get3A_681] {strides = array<i32>} : memref<2x256x128xf32, #tpu.memory_space<vmem>>, vector<1x1x16xf32>,
      %get3A_683 = vector.shape_cast %get3A_682 : vector<1x1x16xf32> to vector<16xf32>
      %max3A_684 = arith.maximumf %max3A, %get3A_683 : vector<16xf32>
      %get3A_685 = arith.constant 1 : i32
      %get3A_686 = arith.index_cast %get3A_685 : i32 to index
      %get3A_687 = arith.index_cast %scan3A_677 : i32 to index
      %get3A_688 = arith.constant 16 : index
      %get3A_689 = tpu.vector_load %arg7[%get3A_686, %get3A_687, %get3A_688] {strides = array<i32>} : memref<2x256x128xf32, #tpu.memory_space<vmem>>, vector<1x1x16xf32>,
      %get3A_690 = vector.shape_cast %get3A_689 : vector<1x1x16xf32> to vector<16xf32>
      %max3A_691 = arith.maximumf %max3A_633, %get3A_690 : vector<16xf32>
      %get3A_692 = arith.constant 1 : i32
      %get3A_693 = arith.index_cast %get3A_692 : i32 to index
      %get3A_694 = arith.index_cast %scan3A_677 : i32 to index
      %get3A_695 = arith.constant 32 : index
      %get3A_696 = tpu.vector_load %arg7[%get3A_693, %get3A_694, %get3A_695] {strides = array<i32>} : memref<2x256x128xf32, #tpu.memory_space<vmem>>, vector<1x1x16xf32>,
      %get3A_697 = vector.shape_cast %get3A_696 : vector<1x1x16xf32> to vector<16xf32>
      %max3A_698 = arith.maximumf %max3A_640, %get3A_697 : vector<16xf32>
      %get3A_699 = arith.constant 1 : i32
      %get3A_700 = arith.index_cast %get3A_699 : i32 to index
      %get3A_701 = arith.index_cast %scan3A_677 : i32 to index
      %get3A_702 = arith.constant 48 : index
      %get3A_703 = tpu.vector_load %arg7[%get3A_700, %get3A_701, %get3A_702] {strides = array<i32>} : memref<2x256x128xf32, #tpu.memory_space<vmem>>, vector<1x1x16xf32>,
      %get3A_704 = vector.shape_cast %get3A_703 : vector<1x1x16xf32> to vector<16xf32>
      %max3A_705 = arith.maximumf %max3A_647, %get3A_704 : vector<16xf32>
      %get3A_706 = arith.constant 1 : i32
      %get3A_707 = arith.index_cast %get3A_706 : i32 to index
      %get3A_708 = arith.index_cast %scan3A_677 : i32 to index
      %get3A_709 = arith.constant 64 : index
      %get3A_710 = tpu.vector_load %arg7[%get3A_707, %get3A_708, %get3A_709] {strides = array<i32>} : memref<2x256x128xf32, #tpu.memory_space<vmem>>, vector<1x1x16xf32>,
      %get3A_711 = vector.shape_cast %get3A_710 : vector<1x1x16xf32> to vector<16xf32>
      %max3A_712 = arith.maximumf %max3A_654, %get3A_711 : vector<16xf32>
      %get3A_713 = arith.constant 1 : i32
      %get3A_714 = arith.index_cast %get3A_713 : i32 to index
      %get3A_715 = arith.index_cast %scan3A_677 : i32 to index
      %get3A_716 = arith.constant 80 : index
      %get3A_717 = tpu.vector_load %arg7[%get3A_714, %get3A_715, %get3A_716] {strides = array<i32>} : memref<2x256x128xf32, #tpu.memory_space<vmem>>, vector<1x1x16xf32>,
      %get3A_718 = vector.shape_cast %get3A_717 : vector<1x1x16xf32> to vector<16xf32>
      %max3A_719 = arith.maximumf %max3A_661, %get3A_718 : vector<16xf32>
      %get3A_720 = arith.constant 1 : i32
      %get3A_721 = arith.index_cast %get3A_720 : i32 to index
      %get3A_722 = arith.index_cast %scan3A_677 : i32 to index
      %get3A_723 = arith.constant 96 : index
      %get3A_724 = tpu.vector_load %arg7[%get3A_721, %get3A_722, %get3A_723] {strides = array<i32>} : memref<2x256x128xf32, #tpu.memory_space<vmem>>, vector<1x1x16xf32>,
      %get3A_725 = vector.shape_cast %get3A_724 : vector<1x1x16xf32> to vector<16xf32>
      %max3A_726 = arith.maximumf %max3A_668, %get3A_725 : vector<16xf32>
      %get3A_727 = arith.constant 1 : i32
      %get3A_728 = arith.index_cast %get3A_727 : i32 to index
      %get3A_729 = arith.index_cast %scan3A_677 : i32 to index
      %get3A_730 = arith.constant 112 : index
      %get3A_731 = tpu.vector_load %arg7[%get3A_728, %get3A_729, %get3A_730] {strides = array<i32>} : memref<2x256x128xf32, #tpu.memory_space<vmem>>, vector<1x1x16xf32>,
      %get3A_732 = vector.shape_cast %get3A_731 : vector<1x1x16xf32> to vector<16xf32>
      %max3A_733 = arith.maximumf %max3A_675, %get3A_732 : vector<16xf32>
      %scan3A_734 = arith.constant 2 : i32
      %scan3A_735 = arith.addi %scan3A_613, %scan3A_734 : i32
      %get3A_736 = arith.constant 1 : i32
      %get3A_737 = arith.index_cast %get3A_736 : i32 to index
      %get3A_738 = arith.index_cast %scan3A_735 : i32 to index
      %get3A_739 = arith.constant 0 : index
      %get3A_740 = tpu.vector_load %arg7[%get3A_737, %get3A_738, %get3A_739] {strides = array<i32>} : memref<2x256x128xf32, #tpu.memory_space<vmem>>, vector<1x1x16xf32>,
      %get3A_741 = vector.shape_cast %get3A_740 : vector<1x1x16xf32> to vector<16xf32>
      %max3A_742 = arith.maximumf %max3A_684, %get3A_741 : vector<16xf32>
      %get3A_743 = arith.constant 1 : i32
      %get3A_744 = arith.index_cast %get3A_743 : i32 to index
      %get3A_745 = arith.index_cast %scan3A_735 : i32 to index
      %get3A_746 = arith.constant 16 : index
      %get3A_747 = tpu.vector_load %arg7[%get3A_744, %get3A_745, %get3A_746] {strides = array<i32>} : memref<2x256x128xf32, #tpu.memory_space<vmem>>, vector<1x1x16xf32>,
      %get3A_748 = vector.shape_cast %get3A_747 : vector<1x1x16xf32> to vector<16xf32>
      %max3A_749 = arith.maximumf %max3A_691, %get3A_748 : vector<16xf32>
      %get3A_750 = arith.constant 1 : i32
      %get3A_751 = arith.index_cast %get3A_750 : i32 to index
      %get3A_752 = arith.index_cast %scan3A_735 : i32 to index
      %get3A_753 = arith.constant 32 : index
      %get3A_754 = tpu.vector_load %arg7[%get3A_751, %get3A_752, %get3A_753] {strides = array<i32>} : memref<2x256x128xf32, #tpu.memory_space<vmem>>, vector<1x1x16xf32>,
      %get3A_755 = vector.shape_cast %get3A_754 : vector<1x1x16xf32> to vector<16xf32>
      %max3A_756 = arith.maximumf %max3A_698, %get3A_755 : vector<16xf32>
      %get3A_757 = arith.constant 1 : i32
      %get3A_758 = arith.index_cast %get3A_757 : i32 to index
      %get3A_759 = arith.index_cast %scan3A_735 : i32 to index
      %get3A_760 = arith.constant 48 : index
      %get3A_761 = tpu.vector_load %arg7[%get3A_758, %get3A_759, %get3A_760] {strides = array<i32>} : memref<2x256x128xf32, #tpu.memory_space<vmem>>, vector<1x1x16xf32>,
      %get3A_762 = vector.shape_cast %get3A_761 : vector<1x1x16xf32> to vector<16xf32>
      %max3A_763 = arith.maximumf %max3A_705, %get3A_762 : vector<16xf32>
      %get3A_764 = arith.constant 1 : i32
      %get3A_765 = arith.index_cast %get3A_764 : i32 to index
      %get3A_766 = arith.index_cast %scan3A_735 : i32 to index
      %get3A_767 = arith.constant 64 : index
      %get3A_768 = tpu.vector_load %arg7[%get3A_765, %get3A_766, %get3A_767] {strides = array<i32>} : memref<2x256x128xf32, #tpu.memory_space<vmem>>, vector<1x1x16xf32>,
      %get3A_769 = vector.shape_cast %get3A_768 : vector<1x1x16xf32> to vector<16xf32>
      %max3A_770 = arith.maximumf %max3A_712, %get3A_769 : vector<16xf32>
      %get3A_771 = arith.constant 1 : i32
      %get3A_772 = arith.index_cast %get3A_771 : i32 to index
      %get3A_773 = arith.index_cast %scan3A_735 : i32 to index
      %get3A_774 = arith.constant 80 : index
      %get3A_775 = tpu.vector_load %arg7[%get3A_772, %get3A_773, %get3A_774] {strides = array<i32>} : memref<2x256x128xf32, #tpu.memory_space<vmem>>, vector<1x1x16xf32>,
      %get3A_776 = vector.shape_cast %get3A_775 : vector<1x1x16xf32> to vector<16xf32>
      %max3A_777 = arith.maximumf %max3A_719, %get3A_776 : vector<16xf32>
      %get3A_778 = arith.constant 1 : i32
      %get3A_779 = arith.index_cast %get3A_778 : i32 to index
      %get3A_780 = arith.index_cast %scan3A_735 : i32 to index
      %get3A_781 = arith.constant 96 : index
      %get3A_782 = tpu.vector_load %arg7[%get3A_779, %get3A_780, %get3A_781] {strides = array<i32>} : memref<2x256x128xf32, #tpu.memory_space<vmem>>, vector<1x1x16xf32>,
      %get3A_783 = vector.shape_cast %get3A_782 : vector<1x1x16xf32> to vector<16xf32>
      %max3A_784 = arith.maximumf %max3A_726, %get3A_783 : vector<16xf32>
      %get3A_785 = arith.constant 1 : i32
      %get3A_786 = arith.index_cast %get3A_785 : i32 to index
      %get3A_787 = arith.index_cast %scan3A_735 : i32 to index
      %get3A_788 = arith.constant 112 : index
      %get3A_789 = tpu.vector_load %arg7[%get3A_786, %get3A_787, %get3A_788] {strides = array<i32>} : memref<2x256x128xf32, #tpu.memory_space<vmem>>, vector<1x1x16xf32>,
      %get3A_790 = vector.shape_cast %get3A_789 : vector<1x1x16xf32> to vector<16xf32>
      %max3A_791 = arith.maximumf %max3A_733, %get3A_790 : vector<16xf32>
      %scan3A_792 = arith.constant 3 : i32
      %scan3A_793 = arith.addi %scan3A_613, %scan3A_792 : i32
      %get3A_794 = arith.constant 1 : i32
      %get3A_795 = arith.index_cast %get3A_794 : i32 to index
      %get3A_796 = arith.index_cast %scan3A_793 : i32 to index
      %get3A_797 = arith.constant 0 : index
      %get3A_798 = tpu.vector_load %arg7[%get3A_795, %get3A_796, %get3A_797] {strides = array<i32>} : memref<2x256x128xf32, #tpu.memory_space<vmem>>, vector<1x1x16xf32>,
      %get3A_799 = vector.shape_cast %get3A_798 : vector<1x1x16xf32> to vector<16xf32>
      %max3A_800 = arith.maximumf %max3A_742, %get3A_799 : vector<16xf32>
      %get3A_801 = arith.constant 1 : i32
      %get3A_802 = arith.index_cast %get3A_801 : i32 to index
      %get3A_803 = arith.index_cast %scan3A_793 : i32 to index
      %get3A_804 = arith.constant 16 : index
      %get3A_805 = tpu.vector_load %arg7[%get3A_802, %get3A_803, %get3A_804] {strides = array<i32>} : memref<2x256x128xf32, #tpu.memory_space<vmem>>, vector<1x1x16xf32>,
      %get3A_806 = vector.shape_cast %get3A_805 : vector<1x1x16xf32> to vector<16xf32>
      %max3A_807 = arith.maximumf %max3A_749, %get3A_806 : vector<16xf32>
      %get3A_808 = arith.constant 1 : i32
      %get3A_809 = arith.index_cast %get3A_808 : i32 to index
      %get3A_810 = arith.index_cast %scan3A_793 : i32 to index
      %get3A_811 = arith.constant 32 : index
      %get3A_812 = tpu.vector_load %arg7[%get3A_809, %get3A_810, %get3A_811] {strides = array<i32>} : memref<2x256x128xf32, #tpu.memory_space<vmem>>, vector<1x1x16xf32>,
      %get3A_813 = vector.shape_cast %get3A_812 : vector<1x1x16xf32> to vector<16xf32>
      %max3A_814 = arith.maximumf %max3A_756, %get3A_813 : vector<16xf32>
      %get3A_815 = arith.constant 1 : i32
      %get3A_816 = arith.index_cast %get3A_815 : i32 to index
      %get3A_817 = arith.index_cast %scan3A_793 : i32 to index
      %get3A_818 = arith.constant 48 : index
      %get3A_819 = tpu.vector_load %arg7[%get3A_816, %get3A_817, %get3A_818] {strides = array<i32>} : memref<2x256x128xf32, #tpu.memory_space<vmem>>, vector<1x1x16xf32>,
      %get3A_820 = vector.shape_cast %get3A_819 : vector<1x1x16xf32> to vector<16xf32>
      %max3A_821 = arith.maximumf %max3A_763, %get3A_820 : vector<16xf32>
      %get3A_822 = arith.constant 1 : i32
      %get3A_823 = arith.index_cast %get3A_822 : i32 to index
      %get3A_824 = arith.index_cast %scan3A_793 : i32 to index
      %get3A_825 = arith.constant 64 : index
      %get3A_826 = tpu.vector_load %arg7[%get3A_823, %get3A_824, %get3A_825] {strides = array<i32>} : memref<2x256x128xf32, #tpu.memory_space<vmem>>, vector<1x1x16xf32>,
      %get3A_827 = vector.shape_cast %get3A_826 : vector<1x1x16xf32> to vector<16xf32>
      %max3A_828 = arith.maximumf %max3A_770, %get3A_827 : vector<16xf32>
      %get3A_829 = arith.constant 1 : i32
      %get3A_830 = arith.index_cast %get3A_829 : i32 to index
      %get3A_831 = arith.index_cast %scan3A_793 : i32 to index
      %get3A_832 = arith.constant 80 : index
      %get3A_833 = tpu.vector_load %arg7[%get3A_830, %get3A_831, %get3A_832] {strides = array<i32>} : memref<2x256x128xf32, #tpu.memory_space<vmem>>, vector<1x1x16xf32>,
      %get3A_834 = vector.shape_cast %get3A_833 : vector<1x1x16xf32> to vector<16xf32>
      %max3A_835 = arith.maximumf %max3A_777, %get3A_834 : vector<16xf32>
      %get3A_836 = arith.constant 1 : i32
      %get3A_837 = arith.index_cast %get3A_836 : i32 to index
      %get3A_838 = arith.index_cast %scan3A_793 : i32 to index
      %get3A_839 = arith.constant 96 : index
      %get3A_840 = tpu.vector_load %arg7[%get3A_837, %get3A_838, %get3A_839] {strides = array<i32>} : memref<2x256x128xf32, #tpu.memory_space<vmem>>, vector<1x1x16xf32>,
      %get3A_841 = vector.shape_cast %get3A_840 : vector<1x1x16xf32> to vector<16xf32>
      %max3A_842 = arith.maximumf %max3A_784, %get3A_841 : vector<16xf32>
      %get3A_843 = arith.constant 1 : i32
      %get3A_844 = arith.index_cast %get3A_843 : i32 to index
      %get3A_845 = arith.index_cast %scan3A_793 : i32 to index
      %get3A_846 = arith.constant 112 : index
      %get3A_847 = tpu.vector_load %arg7[%get3A_844, %get3A_845, %get3A_846] {strides = array<i32>} : memref<2x256x128xf32, #tpu.memory_space<vmem>>, vector<1x1x16xf32>,
      %get3A_848 = vector.shape_cast %get3A_847 : vector<1x1x16xf32> to vector<16xf32>
      %max3A_849 = arith.maximumf %max3A_791, %get3A_848 : vector<16xf32>
      scf.yield %max3A_800, %max3A_807, %max3A_814, %max3A_821, %max3A_828, %max3A_835, %max3A_842, %max3A_849 : vector<16xf32>, vector<16xf32>, vector<16xf32>, vector<16xf32>, vector<16xf32>, vector<16xf32>, vector<16xf32>, vector<16xf32>
    }
    %scan3A_420 = arith.constant 256 : i32
    %mul3A_421 = arith.constant 2 : i32
    %mul3A_422 = arith.muli %scan3A_367, %mul3A_421 : i32
    %add3A_423 = arith.constant 1 : i32
    %add3A_424 = arith.addi %mul3A_422, %add3A_423 : i32
    %add3A_425 = arith.constant 2 : i32
    %add3A_426 = arith.addi %add3A_424, %add3A_425 : i32
    %lt3A_427 = arith.constant 2 : i32
    %lt3A_428 = arith.cmpi slt, %add3A_426, %lt3A_427 : i32
    %convert_element_type3A_429 = arith.extui %lt3A_428 : i1 to i32
    %cond3A_430 = arith.constant 0 : i32
    %cond3A_431 = arith.cmpi ne, %convert_element_type3A_429, %cond3A_430 : i32
    scf.if %cond3A_431 {
      %mul3A_613 = arith.constant 256 : i32
      %mul3A_614 = arith.muli %add3A_426, %mul3A_613 : i32
      %add3A_615 = arith.addi %mul3A_32, %mul3A_614 : i32
      %dma_start3A_616 = arith.constant 1 : i32
      %dma_start3A_617 = arith.constant 0 : i32
      %dma_start3A_618 = arith.constant 0 : i32
      %dma_start3A_619 = tpu.memref_slice %arg7[%dma_start3A_616, %dma_start3A_617, %dma_start3A_618] : memref<2x256x128xf32, #tpu.memory_space<vmem>> -> memref<1x256x128xf32, #tpu.memory_space<vmem>>
      %dma_start3A_620 = tpu.memref_squeeze %dma_start3A_619 : memref<1x256x128xf32, #tpu.memory_space<vmem>> -> memref<256x128xf32, #tpu.memory_space<vmem>>
      %dma_start3A_621 = arith.constant 0 : i32
      %dma_start3A_622 = tpu.memref_slice %arg4[%select_n3A_30, %add3A_615, %dma_start3A_621] : memref<8x16384x128xf32, #tpu.memory_space<hbm>> -> memref<1x256x128xf32, #tpu.memory_space<hbm>>
      %dma_start3A_623 = tpu.memref_squeeze %dma_start3A_622 : memref<1x256x128xf32, #tpu.memory_space<hbm>> -> memref<256x128xf32, #tpu.memory_space<hbm>>
      %dma_start3A_624 = arith.constant 0 : i32
      %dma_start3A_625 = arith.constant 0 : i32
      %dma_start3A_626 = tpu.memref_slice %arg7[%dma_start3A_616, %dma_start3A_624, %dma_start3A_625] : memref<2x256x128xf32, #tpu.memory_space<vmem>> -> memref<1x256x128xf32, #tpu.memory_space<vmem>>
      %dma_start3A_627 = tpu.memref_squeeze %dma_start3A_626 : memref<1x256x128xf32, #tpu.memory_space<vmem>> -> memref<256x128xf32, #tpu.memory_space<vmem>>
      %dma_start3A_628 = arith.constant 0 : i32
      %dma_start3A_629 = tpu.memref_slice %arg4[%select_n3A_30, %add3A_615, %dma_start3A_628] : memref<8x16384x128xf32, #tpu.memory_space<hbm>> -> memref<1x256x128xf32, #tpu.memory_space<hbm>>
      %dma_start3A_630 = tpu.memref_squeeze %dma_start3A_629 : memref<1x256x128xf32, #tpu.memory_space<hbm>> -> memref<256x128xf32, #tpu.memory_space<hbm>>
      tpu.enqueue_dma source(%dma_start3A_630 : memref<256x128xf32, #tpu.memory_space<hbm>>) target(%dma_start3A_627 : memref<256x128xf32, #tpu.memory_space<vmem>>) target_semaphore(%arg10 : memref<!tpu.dma_semaphore, #tpu.memory_space<semaphore_mem>>)
    } else {
    }
    %scan3A_432 = arith.constant 1 : i32
    %swap3A_433 = arith.constant 0 : index
    %swap3A_434 = tpu.vector_load %arg8[%swap3A_433] {strides = array<i32>} : memref<128xf32, #tpu.memory_space<vmem>>, vector<16xf32>,
    %swap3A_435 = vector.shape_cast %swap3A_434 : vector<16xf32> to vector<16xf32>
    %swap3A_436 = vector.shape_cast %scan3A_419#0 : vector<16xf32> to vector<16xf32>
    tpu.vector_store %arg8[%swap3A_433], %swap3A_436 {strides = array<i32>} : memref<128xf32, #tpu.memory_space<vmem>>, vector<16xf32>,
    %swap3A_437 = arith.constant 16 : index
    %swap3A_438 = tpu.vector_load %arg8[%swap3A_437] {strides = array<i32>} : memref<128xf32, #tpu.memory_space<vmem>>, vector<16xf32>,
    %swap3A_439 = vector.shape_cast %swap3A_438 : vector<16xf32> to vector<16xf32>
    %swap3A_440 = vector.shape_cast %scan3A_419#1 : vector<16xf32> to vector<16xf32>
    tpu.vector_store %arg8[%swap3A_437], %swap3A_440 {strides = array<i32>} : memref<128xf32, #tpu.memory_space<vmem>>, vector<16xf32>,
    %swap3A_441 = arith.constant 32 : index
    %swap3A_442 = tpu.vector_load %arg8[%swap3A_441] {strides = array<i32>} : memref<128xf32, #tpu.memory_space<vmem>>, vector<16xf32>,
    %swap3A_443 = vector.shape_cast %swap3A_442 : vector<16xf32> to vector<16xf32>
    %swap3A_444 = vector.shape_cast %scan3A_419#2 : vector<16xf32> to vector<16xf32>
    tpu.vector_store %arg8[%swap3A_441], %swap3A_444 {strides = array<i32>} : memref<128xf32, #tpu.memory_space<vmem>>, vector<16xf32>,
    %swap3A_445 = arith.constant 48 : index
    %swap3A_446 = tpu.vector_load %arg8[%swap3A_445] {strides = array<i32>} : memref<128xf32, #tpu.memory_space<vmem>>, vector<16xf32>,
    %swap3A_447 = vector.shape_cast %swap3A_446 : vector<16xf32> to vector<16xf32>
    %swap3A_448 = vector.shape_cast %scan3A_419#3 : vector<16xf32> to vector<16xf32>
    tpu.vector_store %arg8[%swap3A_445], %swap3A_448 {strides = array<i32>} : memref<128xf32, #tpu.memory_space<vmem>>, vector<16xf32>,
    %swap3A_449 = arith.constant 64 : index
    %swap3A_450 = tpu.vector_load %arg8[%swap3A_449] {strides = array<i32>} : memref<128xf32, #tpu.memory_space<vmem>>, vector<16xf32>,
    %swap3A_451 = vector.shape_cast %swap3A_450 : vector<16xf32> to vector<16xf32>
    %swap3A_452 = vector.shape_cast %scan3A_419#4 : vector<16xf32> to vector<16xf32>
    tpu.vector_store %arg8[%swap3A_449], %swap3A_452 {strides = array<i32>} : memref<128xf32, #tpu.memory_space<vmem>>, vector<16xf32>,
    %swap3A_453 = arith.constant 80 : index
    %swap3A_454 = tpu.vector_load %arg8[%swap3A_453] {strides = array<i32>} : memref<128xf32, #tpu.memory_space<vmem>>, vector<16xf32>,
    %swap3A_455 = vector.shape_cast %swap3A_454 : vector<16xf32> to vector<16xf32>
    %swap3A_456 = vector.shape_cast %scan3A_419#5 : vector<16xf32> to vector<16xf32>
    tpu.vector_store %arg8[%swap3A_453], %swap3A_456 {strides = array<i32>} : memref<128xf32, #tpu.memory_space<vmem>>, vector<16xf32>,
    %swap3A_457 = arith.constant 96 : index
    %swap3A_458 = tpu.vector_load %arg8[%swap3A_457] {strides = array<i32>} : memref<128xf32, #tpu.memory_space<vmem>>, vector<16xf32>,
    %swap3A_459 = vector.shape_cast %swap3A_458 : vector<16xf32> to vector<16xf32>
    %swap3A_460 = vector.shape_cast %scan3A_419#6 : vector<16xf32> to vector<16xf32>
    tpu.vector_store %arg8[%swap3A_457], %swap3A_460 {strides = array<i32>} : memref<128xf32, #tpu.memory_space<vmem>>, vector<16xf32>,
    %swap3A_461 = arith.constant 112 : index
    %swap3A_462 = tpu.vector_load %arg8[%swap3A_461] {strides = array<i32>} : memref<128xf32, #tpu.memory_space<vmem>>, vector<16xf32>,
    %swap3A_463 = vector.shape_cast %swap3A_462 : vector<16xf32> to vector<16xf32>
    %swap3A_464 = vector.shape_cast %scan3A_419#7 : vector<16xf32> to vector<16xf32>
    tpu.vector_store %arg8[%swap3A_461], %swap3A_464 {strides = array<i32>} : memref<128xf32, #tpu.memory_space<vmem>>, vector<16xf32>,
    %run_scoped3A_465 = arith.constant 2 : i32
    "tpu.region"() ({
      %run_scoped3A_613 = tpu.sem_alloc : memref<!tpu.dma_semaphore, #tpu.memory_space<semaphore_mem>>
      %dma_start3A_614 = arith.constant 0 : i32
      %dma_start3A_615 = tpu.memref_slice %arg6[%run_scoped3A_465, %select_n3A, %select_n3A_30, %dma_start3A_614] : memref<4x4x8x128xf32, #tpu.memory_space<hbm>> -> memref<1x1x1x128xf32, #tpu.memory_space<hbm>>
      %dma_start3A_616 = tpu.memref_squeeze %dma_start3A_615 : memref<1x1x1x128xf32, #tpu.memory_space<hbm>> -> memref<128xf32, #tpu.memory_space<hbm>>
      %dma_start3A_617 = arith.constant 0 : i32
      %dma_start3A_618 = tpu.memref_slice %arg6[%run_scoped3A_465, %select_n3A, %select_n3A_30, %dma_start3A_617] : memref<4x4x8x128xf32, #tpu.memory_space<hbm>> -> memref<1x1x1x128xf32, #tpu.memory_space<hbm>>
      %dma_start3A_619 = tpu.memref_squeeze %dma_start3A_618 : memref<1x1x1x128xf32, #tpu.memory_space<hbm>> -> memref<128xf32, #tpu.memory_space<hbm>>
      tpu.enqueue_dma source(%arg8 : memref<128xf32, #tpu.memory_space<vmem>>) target(%dma_start3A_619 : memref<128xf32, #tpu.memory_space<hbm>>) target_semaphore(%run_scoped3A_613 : memref<!tpu.dma_semaphore, #tpu.memory_space<semaphore_mem>>)
      %dma_wait3A_620 = arith.constant 0 : i32
      %dma_wait3A_621 = tpu.memref_slice %arg6[%run_scoped3A_465, %select_n3A, %select_n3A_30, %dma_wait3A_620] : memref<4x4x8x128xf32, #tpu.memory_space<hbm>> -> memref<1x1x1x128xf32, #tpu.memory_space<hbm>>
      %dma_wait3A_622 = tpu.memref_squeeze %dma_wait3A_621 : memref<1x1x1x128xf32, #tpu.memory_space<hbm>> -> memref<128xf32, #tpu.memory_space<hbm>>
      %dma_wait3A_623 = arith.constant 0 : i32
      %dma_wait3A_624 = tpu.memref_slice %arg6[%run_scoped3A_465, %select_n3A, %select_n3A_30, %dma_wait3A_623] : memref<4x4x8x128xf32, #tpu.memory_space<hbm>> -> memref<1x1x1x128xf32, #tpu.memory_space<hbm>>
      %dma_wait3A_625 = tpu.memref_squeeze %dma_wait3A_624 : memref<1x1x1x128xf32, #tpu.memory_space<hbm>> -> memref<128xf32, #tpu.memory_space<hbm>>
      tpu.wait_dma2 semaphore(%run_scoped3A_613 : memref<!tpu.dma_semaphore, #tpu.memory_space<semaphore_mem>>) src(%arg8 : memref<128xf32, #tpu.memory_space<vmem>>) dst(%dma_wait3A_625 : memref<128xf32, #tpu.memory_space<hbm>>)
      tpu.yield
    }) : () -> ()
    %dma_start3A_466 = arith.constant 0 : i32
    %dma_start3A_467 = arith.constant 0 : i32
    %dma_start3A_468 = arith.constant 0 : i32
    %dma_start3A_469 = tpu.memref_slice %arg7[%dma_start3A_466, %dma_start3A_467, %dma_start3A_468] : memref<2x256x128xf32, #tpu.memory_space<vmem>> -> memref<1x256x128xf32, #tpu.memory_space<vmem>>
    %dma_start3A_470 = tpu.memref_squeeze %dma_start3A_469 : memref<1x256x128xf32, #tpu.memory_space<vmem>> -> memref<256x128xf32, #tpu.memory_space<vmem>>
    %dma_start3A_471 = arith.constant 0 : i32
    %dma_start3A_472 = tpu.memref_slice %arg5[%select_n3A_30, %mul3A_32, %dma_start3A_471] : memref<8x16384x128xf32, #tpu.memory_space<hbm>> -> memref<1x256x128xf32, #tpu.memory_space<hbm>>
    %dma_start3A_473 = tpu.memref_squeeze %dma_start3A_472 : memref<1x256x128xf32, #tpu.memory_space<hbm>> -> memref<256x128xf32, #tpu.memory_space<hbm>>
    %dma_start3A_474 = arith.constant 0 : i32
    %dma_start3A_475 = arith.constant 0 : i32
    %dma_start3A_476 = tpu.memref_slice %arg7[%dma_start3A_466, %dma_start3A_474, %dma_start3A_475] : memref<2x256x128xf32, #tpu.memory_space<vmem>> -> memref<1x256x128xf32, #tpu.memory_space<vmem>>
    %dma_start3A_477 = tpu.memref_squeeze %dma_start3A_476 : memref<1x256x128xf32, #tpu.memory_space<vmem>> -> memref<256x128xf32, #tpu.memory_space<vmem>>
    %dma_start3A_478 = arith.constant 0 : i32
    %dma_start3A_479 = tpu.memref_slice %arg5[%select_n3A_30, %mul3A_32, %dma_start3A_478] : memref<8x16384x128xf32, #tpu.memory_space<hbm>> -> memref<1x256x128xf32, #tpu.memory_space<hbm>>
    %dma_start3A_480 = tpu.memref_squeeze %dma_start3A_479 : memref<1x256x128xf32, #tpu.memory_space<hbm>> -> memref<256x128xf32, #tpu.memory_space<hbm>>
    tpu.enqueue_dma source(%dma_start3A_480 : memref<256x128xf32, #tpu.memory_space<hbm>>) target(%dma_start3A_477 : memref<256x128xf32, #tpu.memory_space<vmem>>) target_semaphore(%arg9 : memref<!tpu.dma_semaphore, #tpu.memory_space<semaphore_mem>>)
    %add3A_481 = arith.constant 256 : i32
    %add3A_482 = arith.addi %mul3A_32, %add3A_481 : i32
    %dma_start3A_483 = arith.constant 1 : i32
    %dma_start3A_484 = arith.constant 0 : i32
    %dma_start3A_485 = arith.constant 0 : i32
    %dma_start3A_486 = tpu.memref_slice %arg7[%dma_start3A_483, %dma_start3A_484, %dma_start3A_485] : memref<2x256x128xf32, #tpu.memory_space<vmem>> -> memref<1x256x128xf32, #tpu.memory_space<vmem>>
    %dma_start3A_487 = tpu.memref_squeeze %dma_start3A_486 : memref<1x256x128xf32, #tpu.memory_space<vmem>> -> memref<256x128xf32, #tpu.memory_space<vmem>>
    %dma_start3A_488 = arith.constant 0 : i32
    %dma_start3A_489 = tpu.memref_slice %arg5[%select_n3A_30, %add3A_482, %dma_start3A_488] : memref<8x16384x128xf32, #tpu.memory_space<hbm>> -> memref<1x256x128xf32, #tpu.memory_space<hbm>>
    %dma_start3A_490 = tpu.memref_squeeze %dma_start3A_489 : memref<1x256x128xf32, #tpu.memory_space<hbm>> -> memref<256x128xf32, #tpu.memory_space<hbm>>
    %dma_start3A_491 = arith.constant 0 : i32
    %dma_start3A_492 = arith.constant 0 : i32
    %dma_start3A_493 = tpu.memref_slice %arg7[%dma_start3A_483, %dma_start3A_491, %dma_start3A_492] : memref<2x256x128xf32, #tpu.memory_space<vmem>> -> memref<1x256x128xf32, #tpu.memory_space<vmem>>
    %dma_start3A_494 = tpu.memref_squeeze %dma_start3A_493 : memref<1x256x128xf32, #tpu.memory_space<vmem>> -> memref<256x128xf32, #tpu.memory_space<vmem>>
    %dma_start3A_495 = arith.constant 0 : i32
    %dma_start3A_496 = tpu.memref_slice %arg5[%select_n3A_30, %add3A_482, %dma_start3A_495] : memref<8x16384x128xf32, #tpu.memory_space<hbm>> -> memref<1x256x128xf32, #tpu.memory_space<hbm>>
    %dma_start3A_497 = tpu.memref_squeeze %dma_start3A_496 : memref<1x256x128xf32, #tpu.memory_space<hbm>> -> memref<256x128xf32, #tpu.memory_space<hbm>>
    tpu.enqueue_dma source(%dma_start3A_497 : memref<256x128xf32, #tpu.memory_space<hbm>>) target(%dma_start3A_494 : memref<256x128xf32, #tpu.memory_space<vmem>>) target_semaphore(%arg10 : memref<!tpu.dma_semaphore, #tpu.memory_space<semaphore_mem>>)
    %broadcast_in_dim3A_498 = arith.constant 0xFF800000 : f32
    %broadcast_in_dim3A_499 = vector.broadcast %broadcast_in_dim3A_498 : f32 to vector<16xf32>
    %broadcast_in_dim3A_500 = arith.constant 0xFF800000 : f32
    %broadcast_in_dim3A_501 = vector.broadcast %broadcast_in_dim3A_500 : f32 to vector<16xf32>
    %broadcast_in_dim3A_502 = arith.constant 0xFF800000 : f32
    %broadcast_in_dim3A_503 = vector.broadcast %broadcast_in_dim3A_502 : f32 to vector<16xf32>
    %broadcast_in_dim3A_504 = arith.constant 0xFF800000 : f32
    %broadcast_in_dim3A_505 = vector.broadcast %broadcast_in_dim3A_504 : f32 to vector<16xf32>
    %broadcast_in_dim3A_506 = arith.constant 0xFF800000 : f32
    %broadcast_in_dim3A_507 = vector.broadcast %broadcast_in_dim3A_506 : f32 to vector<16xf32>
    %broadcast_in_dim3A_508 = arith.constant 0xFF800000 : f32
    %broadcast_in_dim3A_509 = vector.broadcast %broadcast_in_dim3A_508 : f32 to vector<16xf32>
    %broadcast_in_dim3A_510 = arith.constant 0xFF800000 : f32
    %broadcast_in_dim3A_511 = vector.broadcast %broadcast_in_dim3A_510 : f32 to vector<16xf32>
    %broadcast_in_dim3A_512 = arith.constant 0xFF800000 : f32
    %broadcast_in_dim3A_513 = vector.broadcast %broadcast_in_dim3A_512 : f32 to vector<16xf32>
    %scan3A_514 = arith.constant 0 : i32
    %dma_wait3A_515 = arith.constant 0 : i32
    %dma_wait3A_516 = arith.constant 0 : i32
    %dma_wait3A_517 = arith.constant 0 : i32
    %dma_wait3A_518 = tpu.memref_slice %arg7[%dma_wait3A_515, %dma_wait3A_516, %dma_wait3A_517] : memref<2x256x128xf32, #tpu.memory_space<vmem>> -> memref<1x256x128xf32, #tpu.memory_space<vmem>>
    %dma_wait3A_519 = tpu.memref_squeeze %dma_wait3A_518 : memref<1x256x128xf32, #tpu.memory_space<vmem>> -> memref<256x128xf32, #tpu.memory_space<vmem>>
    %dma_wait3A_520 = arith.constant 0 : i32
    %dma_wait3A_521 = tpu.memref_slice %arg5[%select_n3A_30, %mul3A_32, %dma_wait3A_520] : memref<8x16384x128xf32, #tpu.memory_space<hbm>> -> memref<1x256x128xf32, #tpu.memory_space<hbm>>
    %dma_wait3A_522 = tpu.memref_squeeze %dma_wait3A_521 : memref<1x256x128xf32, #tpu.memory_space<hbm>> -> memref<256x128xf32, #tpu.memory_space<hbm>>
    %dma_wait3A_523 = arith.constant 0 : i32
    %dma_wait3A_524 = arith.constant 0 : i32
    %dma_wait3A_525 = tpu.memref_slice %arg7[%dma_wait3A_515, %dma_wait3A_523, %dma_wait3A_524] : memref<2x256x128xf32, #tpu.memory_space<vmem>> -> memref<1x256x128xf32, #tpu.memory_space<vmem>>
    %dma_wait3A_526 = tpu.memref_squeeze %dma_wait3A_525 : memref<1x256x128xf32, #tpu.memory_space<vmem>> -> memref<256x128xf32, #tpu.memory_space<vmem>>
    %dma_wait3A_527 = arith.constant 0 : i32
    %dma_wait3A_528 = tpu.memref_slice %arg5[%select_n3A_30, %mul3A_32, %dma_wait3A_527] : memref<8x16384x128xf32, #tpu.memory_space<hbm>> -> memref<1x256x128xf32, #tpu.memory_space<hbm>>
    %dma_wait3A_529 = tpu.memref_squeeze %dma_wait3A_528 : memref<1x256x128xf32, #tpu.memory_space<hbm>> -> memref<256x128xf32, #tpu.memory_space<hbm>>
    tpu.wait_dma2 semaphore(%arg9 : memref<!tpu.dma_semaphore, #tpu.memory_space<semaphore_mem>>) src(%dma_wait3A_529 : memref<256x128xf32, #tpu.memory_space<hbm>>) dst(%dma_wait3A_526 : memref<256x128xf32, #tpu.memory_space<vmem>>)
    %scan3A_530 = arith.constant 0 : i32
    %scan3A_531 = arith.constant 256 : i32
    %scan3A_532 = arith.addi %scan3A_530, %scan3A_531 : i32
    %scan3A_533 = arith.constant 4 : i32
    %scan3A_534:8 = scf.for %scan3A_613 = %scan3A_530 to %scan3A_532 step %scan3A_533 iter_args(%scan3A_614 = %broadcast_in_dim3A_499, %scan3A_615 = %broadcast_in_dim3A_501, %scan3A_616 = %broadcast_in_dim3A_503, %scan3A_617 = %broadcast_in_dim3A_505, %scan3A_618 = %broadcast_in_dim3A_507, %scan3A_619 = %broadcast_in_dim3A_509, %scan3A_620 = %broadcast_in_dim3A_511, %scan3A_621 = %broadcast_in_dim3A_513) -> (vector<16xf32>, vector<16xf32>, vector<16xf32>, vector<16xf32>, vector<16xf32>, vector<16xf32>, vector<16xf32>, vector<16xf32>)  : i32 {
      %get3A = arith.constant 0 : i32
      %get3A_622 = arith.index_cast %get3A : i32 to index
      %get3A_623 = arith.index_cast %scan3A_613 : i32 to index
      %get3A_624 = arith.constant 0 : index
      %get3A_625 = tpu.vector_load %arg7[%get3A_622, %get3A_623, %get3A_624] {strides = array<i32>} : memref<2x256x128xf32, #tpu.memory_space<vmem>>, vector<1x1x16xf32>,
      %get3A_626 = vector.shape_cast %get3A_625 : vector<1x1x16xf32> to vector<16xf32>
      %max3A = arith.maximumf %scan3A_614, %get3A_626 : vector<16xf32>
      %get3A_627 = arith.constant 0 : i32
      %get3A_628 = arith.index_cast %get3A_627 : i32 to index
      %get3A_629 = arith.index_cast %scan3A_613 : i32 to index
      %get3A_630 = arith.constant 16 : index
      %get3A_631 = tpu.vector_load %arg7[%get3A_628, %get3A_629, %get3A_630] {strides = array<i32>} : memref<2x256x128xf32, #tpu.memory_space<vmem>>, vector<1x1x16xf32>,
      %get3A_632 = vector.shape_cast %get3A_631 : vector<1x1x16xf32> to vector<16xf32>
      %max3A_633 = arith.maximumf %scan3A_615, %get3A_632 : vector<16xf32>
      %get3A_634 = arith.constant 0 : i32
      %get3A_635 = arith.index_cast %get3A_634 : i32 to index
      %get3A_636 = arith.index_cast %scan3A_613 : i32 to index
      %get3A_637 = arith.constant 32 : index
      %get3A_638 = tpu.vector_load %arg7[%get3A_635, %get3A_636, %get3A_637] {strides = array<i32>} : memref<2x256x128xf32, #tpu.memory_space<vmem>>, vector<1x1x16xf32>,
      %get3A_639 = vector.shape_cast %get3A_638 : vector<1x1x16xf32> to vector<16xf32>
      %max3A_640 = arith.maximumf %scan3A_616, %get3A_639 : vector<16xf32>
      %get3A_641 = arith.constant 0 : i32
      %get3A_642 = arith.index_cast %get3A_641 : i32 to index
      %get3A_643 = arith.index_cast %scan3A_613 : i32 to index
      %get3A_644 = arith.constant 48 : index
      %get3A_645 = tpu.vector_load %arg7[%get3A_642, %get3A_643, %get3A_644] {strides = array<i32>} : memref<2x256x128xf32, #tpu.memory_space<vmem>>, vector<1x1x16xf32>,
      %get3A_646 = vector.shape_cast %get3A_645 : vector<1x1x16xf32> to vector<16xf32>
      %max3A_647 = arith.maximumf %scan3A_617, %get3A_646 : vector<16xf32>
      %get3A_648 = arith.constant 0 : i32
      %get3A_649 = arith.index_cast %get3A_648 : i32 to index
      %get3A_650 = arith.index_cast %scan3A_613 : i32 to index
      %get3A_651 = arith.constant 64 : index
      %get3A_652 = tpu.vector_load %arg7[%get3A_649, %get3A_650, %get3A_651] {strides = array<i32>} : memref<2x256x128xf32, #tpu.memory_space<vmem>>, vector<1x1x16xf32>,
      %get3A_653 = vector.shape_cast %get3A_652 : vector<1x1x16xf32> to vector<16xf32>
      %max3A_654 = arith.maximumf %scan3A_618, %get3A_653 : vector<16xf32>
      %get3A_655 = arith.constant 0 : i32
      %get3A_656 = arith.index_cast %get3A_655 : i32 to index
      %get3A_657 = arith.index_cast %scan3A_613 : i32 to index
      %get3A_658 = arith.constant 80 : index
      %get3A_659 = tpu.vector_load %arg7[%get3A_656, %get3A_657, %get3A_658] {strides = array<i32>} : memref<2x256x128xf32, #tpu.memory_space<vmem>>, vector<1x1x16xf32>,
      %get3A_660 = vector.shape_cast %get3A_659 : vector<1x1x16xf32> to vector<16xf32>
      %max3A_661 = arith.maximumf %scan3A_619, %get3A_660 : vector<16xf32>
      %get3A_662 = arith.constant 0 : i32
      %get3A_663 = arith.index_cast %get3A_662 : i32 to index
      %get3A_664 = arith.index_cast %scan3A_613 : i32 to index
      %get3A_665 = arith.constant 96 : index
      %get3A_666 = tpu.vector_load %arg7[%get3A_663, %get3A_664, %get3A_665] {strides = array<i32>} : memref<2x256x128xf32, #tpu.memory_space<vmem>>, vector<1x1x16xf32>,
      %get3A_667 = vector.shape_cast %get3A_666 : vector<1x1x16xf32> to vector<16xf32>
      %max3A_668 = arith.maximumf %scan3A_620, %get3A_667 : vector<16xf32>
      %get3A_669 = arith.constant 0 : i32
      %get3A_670 = arith.index_cast %get3A_669 : i32 to index
      %get3A_671 = arith.index_cast %scan3A_613 : i32 to index
      %get3A_672 = arith.constant 112 : index
      %get3A_673 = tpu.vector_load %arg7[%get3A_670, %get3A_671, %get3A_672] {strides = array<i32>} : memref<2x256x128xf32, #tpu.memory_space<vmem>>, vector<1x1x16xf32>,
      %get3A_674 = vector.shape_cast %get3A_673 : vector<1x1x16xf32> to vector<16xf32>
      %max3A_675 = arith.maximumf %scan3A_621, %get3A_674 : vector<16xf32>
      %scan3A_676 = arith.constant 1 : i32
      %scan3A_677 = arith.addi %scan3A_613, %scan3A_676 : i32
      %get3A_678 = arith.constant 0 : i32
      %get3A_679 = arith.index_cast %get3A_678 : i32 to index
      %get3A_680 = arith.index_cast %scan3A_677 : i32 to index
      %get3A_681 = arith.constant 0 : index
      %get3A_682 = tpu.vector_load %arg7[%get3A_679, %get3A_680, %get3A_681] {strides = array<i32>} : memref<2x256x128xf32, #tpu.memory_space<vmem>>, vector<1x1x16xf32>,
      %get3A_683 = vector.shape_cast %get3A_682 : vector<1x1x16xf32> to vector<16xf32>
      %max3A_684 = arith.maximumf %max3A, %get3A_683 : vector<16xf32>
      %get3A_685 = arith.constant 0 : i32
      %get3A_686 = arith.index_cast %get3A_685 : i32 to index
      %get3A_687 = arith.index_cast %scan3A_677 : i32 to index
      %get3A_688 = arith.constant 16 : index
      %get3A_689 = tpu.vector_load %arg7[%get3A_686, %get3A_687, %get3A_688] {strides = array<i32>} : memref<2x256x128xf32, #tpu.memory_space<vmem>>, vector<1x1x16xf32>,
      %get3A_690 = vector.shape_cast %get3A_689 : vector<1x1x16xf32> to vector<16xf32>
      %max3A_691 = arith.maximumf %max3A_633, %get3A_690 : vector<16xf32>
      %get3A_692 = arith.constant 0 : i32
      %get3A_693 = arith.index_cast %get3A_692 : i32 to index
      %get3A_694 = arith.index_cast %scan3A_677 : i32 to index
      %get3A_695 = arith.constant 32 : index
      %get3A_696 = tpu.vector_load %arg7[%get3A_693, %get3A_694, %get3A_695] {strides = array<i32>} : memref<2x256x128xf32, #tpu.memory_space<vmem>>, vector<1x1x16xf32>,
      %get3A_697 = vector.shape_cast %get3A_696 : vector<1x1x16xf32> to vector<16xf32>
      %max3A_698 = arith.maximumf %max3A_640, %get3A_697 : vector<16xf32>
      %get3A_699 = arith.constant 0 : i32
      %get3A_700 = arith.index_cast %get3A_699 : i32 to index
      %get3A_701 = arith.index_cast %scan3A_677 : i32 to index
      %get3A_702 = arith.constant 48 : index
      %get3A_703 = tpu.vector_load %arg7[%get3A_700, %get3A_701, %get3A_702] {strides = array<i32>} : memref<2x256x128xf32, #tpu.memory_space<vmem>>, vector<1x1x16xf32>,
      %get3A_704 = vector.shape_cast %get3A_703 : vector<1x1x16xf32> to vector<16xf32>
      %max3A_705 = arith.maximumf %max3A_647, %get3A_704 : vector<16xf32>
      %get3A_706 = arith.constant 0 : i32
      %get3A_707 = arith.index_cast %get3A_706 : i32 to index
      %get3A_708 = arith.index_cast %scan3A_677 : i32 to index
      %get3A_709 = arith.constant 64 : index
      %get3A_710 = tpu.vector_load %arg7[%get3A_707, %get3A_708, %get3A_709] {strides = array<i32>} : memref<2x256x128xf32, #tpu.memory_space<vmem>>, vector<1x1x16xf32>,
      %get3A_711 = vector.shape_cast %get3A_710 : vector<1x1x16xf32> to vector<16xf32>
      %max3A_712 = arith.maximumf %max3A_654, %get3A_711 : vector<16xf32>
      %get3A_713 = arith.constant 0 : i32
      %get3A_714 = arith.index_cast %get3A_713 : i32 to index
      %get3A_715 = arith.index_cast %scan3A_677 : i32 to index
      %get3A_716 = arith.constant 80 : index
      %get3A_717 = tpu.vector_load %arg7[%get3A_714, %get3A_715, %get3A_716] {strides = array<i32>} : memref<2x256x128xf32, #tpu.memory_space<vmem>>, vector<1x1x16xf32>,
      %get3A_718 = vector.shape_cast %get3A_717 : vector<1x1x16xf32> to vector<16xf32>
      %max3A_719 = arith.maximumf %max3A_661, %get3A_718 : vector<16xf32>
      %get3A_720 = arith.constant 0 : i32
      %get3A_721 = arith.index_cast %get3A_720 : i32 to index
      %get3A_722 = arith.index_cast %scan3A_677 : i32 to index
      %get3A_723 = arith.constant 96 : index
      %get3A_724 = tpu.vector_load %arg7[%get3A_721, %get3A_722, %get3A_723] {strides = array<i32>} : memref<2x256x128xf32, #tpu.memory_space<vmem>>, vector<1x1x16xf32>,
      %get3A_725 = vector.shape_cast %get3A_724 : vector<1x1x16xf32> to vector<16xf32>
      %max3A_726 = arith.maximumf %max3A_668, %get3A_725 : vector<16xf32>
      %get3A_727 = arith.constant 0 : i32
      %get3A_728 = arith.index_cast %get3A_727 : i32 to index
      %get3A_729 = arith.index_cast %scan3A_677 : i32 to index
      %get3A_730 = arith.constant 112 : index
      %get3A_731 = tpu.vector_load %arg7[%get3A_728, %get3A_729, %get3A_730] {strides = array<i32>} : memref<2x256x128xf32, #tpu.memory_space<vmem>>, vector<1x1x16xf32>,
      %get3A_732 = vector.shape_cast %get3A_731 : vector<1x1x16xf32> to vector<16xf32>
      %max3A_733 = arith.maximumf %max3A_675, %get3A_732 : vector<16xf32>
      %scan3A_734 = arith.constant 2 : i32
      %scan3A_735 = arith.addi %scan3A_613, %scan3A_734 : i32
      %get3A_736 = arith.constant 0 : i32
      %get3A_737 = arith.index_cast %get3A_736 : i32 to index
      %get3A_738 = arith.index_cast %scan3A_735 : i32 to index
      %get3A_739 = arith.constant 0 : index
      %get3A_740 = tpu.vector_load %arg7[%get3A_737, %get3A_738, %get3A_739] {strides = array<i32>} : memref<2x256x128xf32, #tpu.memory_space<vmem>>, vector<1x1x16xf32>,
      %get3A_741 = vector.shape_cast %get3A_740 : vector<1x1x16xf32> to vector<16xf32>
      %max3A_742 = arith.maximumf %max3A_684, %get3A_741 : vector<16xf32>
      %get3A_743 = arith.constant 0 : i32
      %get3A_744 = arith.index_cast %get3A_743 : i32 to index
      %get3A_745 = arith.index_cast %scan3A_735 : i32 to index
      %get3A_746 = arith.constant 16 : index
      %get3A_747 = tpu.vector_load %arg7[%get3A_744, %get3A_745, %get3A_746] {strides = array<i32>} : memref<2x256x128xf32, #tpu.memory_space<vmem>>, vector<1x1x16xf32>,
      %get3A_748 = vector.shape_cast %get3A_747 : vector<1x1x16xf32> to vector<16xf32>
      %max3A_749 = arith.maximumf %max3A_691, %get3A_748 : vector<16xf32>
      %get3A_750 = arith.constant 0 : i32
      %get3A_751 = arith.index_cast %get3A_750 : i32 to index
      %get3A_752 = arith.index_cast %scan3A_735 : i32 to index
      %get3A_753 = arith.constant 32 : index
      %get3A_754 = tpu.vector_load %arg7[%get3A_751, %get3A_752, %get3A_753] {strides = array<i32>} : memref<2x256x128xf32, #tpu.memory_space<vmem>>, vector<1x1x16xf32>,
      %get3A_755 = vector.shape_cast %get3A_754 : vector<1x1x16xf32> to vector<16xf32>
      %max3A_756 = arith.maximumf %max3A_698, %get3A_755 : vector<16xf32>
      %get3A_757 = arith.constant 0 : i32
      %get3A_758 = arith.index_cast %get3A_757 : i32 to index
      %get3A_759 = arith.index_cast %scan3A_735 : i32 to index
      %get3A_760 = arith.constant 48 : index
      %get3A_761 = tpu.vector_load %arg7[%get3A_758, %get3A_759, %get3A_760] {strides = array<i32>} : memref<2x256x128xf32, #tpu.memory_space<vmem>>, vector<1x1x16xf32>,
      %get3A_762 = vector.shape_cast %get3A_761 : vector<1x1x16xf32> to vector<16xf32>
      %max3A_763 = arith.maximumf %max3A_705, %get3A_762 : vector<16xf32>
      %get3A_764 = arith.constant 0 : i32
      %get3A_765 = arith.index_cast %get3A_764 : i32 to index
      %get3A_766 = arith.index_cast %scan3A_735 : i32 to index
      %get3A_767 = arith.constant 64 : index
      %get3A_768 = tpu.vector_load %arg7[%get3A_765, %get3A_766, %get3A_767] {strides = array<i32>} : memref<2x256x128xf32, #tpu.memory_space<vmem>>, vector<1x1x16xf32>,
      %get3A_769 = vector.shape_cast %get3A_768 : vector<1x1x16xf32> to vector<16xf32>
      %max3A_770 = arith.maximumf %max3A_712, %get3A_769 : vector<16xf32>
      %get3A_771 = arith.constant 0 : i32
      %get3A_772 = arith.index_cast %get3A_771 : i32 to index
      %get3A_773 = arith.index_cast %scan3A_735 : i32 to index
      %get3A_774 = arith.constant 80 : index
      %get3A_775 = tpu.vector_load %arg7[%get3A_772, %get3A_773, %get3A_774] {strides = array<i32>} : memref<2x256x128xf32, #tpu.memory_space<vmem>>, vector<1x1x16xf32>,
      %get3A_776 = vector.shape_cast %get3A_775 : vector<1x1x16xf32> to vector<16xf32>
      %max3A_777 = arith.maximumf %max3A_719, %get3A_776 : vector<16xf32>
      %get3A_778 = arith.constant 0 : i32
      %get3A_779 = arith.index_cast %get3A_778 : i32 to index
      %get3A_780 = arith.index_cast %scan3A_735 : i32 to index
      %get3A_781 = arith.constant 96 : index
      %get3A_782 = tpu.vector_load %arg7[%get3A_779, %get3A_780, %get3A_781] {strides = array<i32>} : memref<2x256x128xf32, #tpu.memory_space<vmem>>, vector<1x1x16xf32>,
      %get3A_783 = vector.shape_cast %get3A_782 : vector<1x1x16xf32> to vector<16xf32>
      %max3A_784 = arith.maximumf %max3A_726, %get3A_783 : vector<16xf32>
      %get3A_785 = arith.constant 0 : i32
      %get3A_786 = arith.index_cast %get3A_785 : i32 to index
      %get3A_787 = arith.index_cast %scan3A_735 : i32 to index
      %get3A_788 = arith.constant 112 : index
      %get3A_789 = tpu.vector_load %arg7[%get3A_786, %get3A_787, %get3A_788] {strides = array<i32>} : memref<2x256x128xf32, #tpu.memory_space<vmem>>, vector<1x1x16xf32>,
      %get3A_790 = vector.shape_cast %get3A_789 : vector<1x1x16xf32> to vector<16xf32>
      %max3A_791 = arith.maximumf %max3A_733, %get3A_790 : vector<16xf32>
      %scan3A_792 = arith.constant 3 : i32
      %scan3A_793 = arith.addi %scan3A_613, %scan3A_792 : i32
      %get3A_794 = arith.constant 0 : i32
      %get3A_795 = arith.index_cast %get3A_794 : i32 to index
      %get3A_796 = arith.index_cast %scan3A_793 : i32 to index
      %get3A_797 = arith.constant 0 : index
      %get3A_798 = tpu.vector_load %arg7[%get3A_795, %get3A_796, %get3A_797] {strides = array<i32>} : memref<2x256x128xf32, #tpu.memory_space<vmem>>, vector<1x1x16xf32>,
      %get3A_799 = vector.shape_cast %get3A_798 : vector<1x1x16xf32> to vector<16xf32>
      %max3A_800 = arith.maximumf %max3A_742, %get3A_799 : vector<16xf32>
      %get3A_801 = arith.constant 0 : i32
      %get3A_802 = arith.index_cast %get3A_801 : i32 to index
      %get3A_803 = arith.index_cast %scan3A_793 : i32 to index
      %get3A_804 = arith.constant 16 : index
      %get3A_805 = tpu.vector_load %arg7[%get3A_802, %get3A_803, %get3A_804] {strides = array<i32>} : memref<2x256x128xf32, #tpu.memory_space<vmem>>, vector<1x1x16xf32>,
      %get3A_806 = vector.shape_cast %get3A_805 : vector<1x1x16xf32> to vector<16xf32>
      %max3A_807 = arith.maximumf %max3A_749, %get3A_806 : vector<16xf32>
      %get3A_808 = arith.constant 0 : i32
      %get3A_809 = arith.index_cast %get3A_808 : i32 to index
      %get3A_810 = arith.index_cast %scan3A_793 : i32 to index
      %get3A_811 = arith.constant 32 : index
      %get3A_812 = tpu.vector_load %arg7[%get3A_809, %get3A_810, %get3A_811] {strides = array<i32>} : memref<2x256x128xf32, #tpu.memory_space<vmem>>, vector<1x1x16xf32>,
      %get3A_813 = vector.shape_cast %get3A_812 : vector<1x1x16xf32> to vector<16xf32>
      %max3A_814 = arith.maximumf %max3A_756, %get3A_813 : vector<16xf32>
      %get3A_815 = arith.constant 0 : i32
      %get3A_816 = arith.index_cast %get3A_815 : i32 to index
      %get3A_817 = arith.index_cast %scan3A_793 : i32 to index
      %get3A_818 = arith.constant 48 : index
      %get3A_819 = tpu.vector_load %arg7[%get3A_816, %get3A_817, %get3A_818] {strides = array<i32>} : memref<2x256x128xf32, #tpu.memory_space<vmem>>, vector<1x1x16xf32>,
      %get3A_820 = vector.shape_cast %get3A_819 : vector<1x1x16xf32> to vector<16xf32>
      %max3A_821 = arith.maximumf %max3A_763, %get3A_820 : vector<16xf32>
      %get3A_822 = arith.constant 0 : i32
      %get3A_823 = arith.index_cast %get3A_822 : i32 to index
      %get3A_824 = arith.index_cast %scan3A_793 : i32 to index
      %get3A_825 = arith.constant 64 : index
      %get3A_826 = tpu.vector_load %arg7[%get3A_823, %get3A_824, %get3A_825] {strides = array<i32>} : memref<2x256x128xf32, #tpu.memory_space<vmem>>, vector<1x1x16xf32>,
      %get3A_827 = vector.shape_cast %get3A_826 : vector<1x1x16xf32> to vector<16xf32>
      %max3A_828 = arith.maximumf %max3A_770, %get3A_827 : vector<16xf32>
      %get3A_829 = arith.constant 0 : i32
      %get3A_830 = arith.index_cast %get3A_829 : i32 to index
      %get3A_831 = arith.index_cast %scan3A_793 : i32 to index
      %get3A_832 = arith.constant 80 : index
      %get3A_833 = tpu.vector_load %arg7[%get3A_830, %get3A_831, %get3A_832] {strides = array<i32>} : memref<2x256x128xf32, #tpu.memory_space<vmem>>, vector<1x1x16xf32>,
      %get3A_834 = vector.shape_cast %get3A_833 : vector<1x1x16xf32> to vector<16xf32>
      %max3A_835 = arith.maximumf %max3A_777, %get3A_834 : vector<16xf32>
      %get3A_836 = arith.constant 0 : i32
      %get3A_837 = arith.index_cast %get3A_836 : i32 to index
      %get3A_838 = arith.index_cast %scan3A_793 : i32 to index
      %get3A_839 = arith.constant 96 : index
      %get3A_840 = tpu.vector_load %arg7[%get3A_837, %get3A_838, %get3A_839] {strides = array<i32>} : memref<2x256x128xf32, #tpu.memory_space<vmem>>, vector<1x1x16xf32>,
      %get3A_841 = vector.shape_cast %get3A_840 : vector<1x1x16xf32> to vector<16xf32>
      %max3A_842 = arith.maximumf %max3A_784, %get3A_841 : vector<16xf32>
      %get3A_843 = arith.constant 0 : i32
      %get3A_844 = arith.index_cast %get3A_843 : i32 to index
      %get3A_845 = arith.index_cast %scan3A_793 : i32 to index
      %get3A_846 = arith.constant 112 : index
      %get3A_847 = tpu.vector_load %arg7[%get3A_844, %get3A_845, %get3A_846] {strides = array<i32>} : memref<2x256x128xf32, #tpu.memory_space<vmem>>, vector<1x1x16xf32>,
      %get3A_848 = vector.shape_cast %get3A_847 : vector<1x1x16xf32> to vector<16xf32>
      %max3A_849 = arith.maximumf %max3A_791, %get3A_848 : vector<16xf32>
      scf.yield %max3A_800, %max3A_807, %max3A_814, %max3A_821, %max3A_828, %max3A_835, %max3A_842, %max3A_849 : vector<16xf32>, vector<16xf32>, vector<16xf32>, vector<16xf32>, vector<16xf32>, vector<16xf32>, vector<16xf32>, vector<16xf32>
    }
    %scan3A_535 = arith.constant 256 : i32
    %mul3A_536 = arith.constant 2 : i32
    %mul3A_537 = arith.muli %scan3A_514, %mul3A_536 : i32
    %add3A_538 = arith.constant 0 : i32
    %add3A_539 = arith.addi %mul3A_537, %add3A_538 : i32
    %add3A_540 = arith.constant 2 : i32
    %add3A_541 = arith.addi %add3A_539, %add3A_540 : i32
    %lt3A_542 = arith.constant 2 : i32
    %lt3A_543 = arith.cmpi slt, %add3A_541, %lt3A_542 : i32
    %convert_element_type3A_544 = arith.extui %lt3A_543 : i1 to i32
    %cond3A_545 = arith.constant 0 : i32
    %cond3A_546 = arith.cmpi ne, %convert_element_type3A_544, %cond3A_545 : i32
    scf.if %cond3A_546 {
      %mul3A_613 = arith.constant 256 : i32
      %mul3A_614 = arith.muli %add3A_541, %mul3A_613 : i32
      %add3A_615 = arith.addi %mul3A_32, %mul3A_614 : i32
      %dma_start3A_616 = arith.constant 0 : i32
      %dma_start3A_617 = arith.constant 0 : i32
      %dma_start3A_618 = arith.constant 0 : i32
      %dma_start3A_619 = tpu.memref_slice %arg7[%dma_start3A_616, %dma_start3A_617, %dma_start3A_618] : memref<2x256x128xf32, #tpu.memory_space<vmem>> -> memref<1x256x128xf32, #tpu.memory_space<vmem>>
      %dma_start3A_620 = tpu.memref_squeeze %dma_start3A_619 : memref<1x256x128xf32, #tpu.memory_space<vmem>> -> memref<256x128xf32, #tpu.memory_space<vmem>>
      %dma_start3A_621 = arith.constant 0 : i32
      %dma_start3A_622 = tpu.memref_slice %arg5[%select_n3A_30, %add3A_615, %dma_start3A_621] : memref<8x16384x128xf32, #tpu.memory_space<hbm>> -> memref<1x256x128xf32, #tpu.memory_space<hbm>>
      %dma_start3A_623 = tpu.memref_squeeze %dma_start3A_622 : memref<1x256x128xf32, #tpu.memory_space<hbm>> -> memref<256x128xf32, #tpu.memory_space<hbm>>
      %dma_start3A_624 = arith.constant 0 : i32
      %dma_start3A_625 = arith.constant 0 : i32
      %dma_start3A_626 = tpu.memref_slice %arg7[%dma_start3A_616, %dma_start3A_624, %dma_start3A_625] : memref<2x256x128xf32, #tpu.memory_space<vmem>> -> memref<1x256x128xf32, #tpu.memory_space<vmem>>
      %dma_start3A_627 = tpu.memref_squeeze %dma_start3A_626 : memref<1x256x128xf32, #tpu.memory_space<vmem>> -> memref<256x128xf32, #tpu.memory_space<vmem>>
      %dma_start3A_628 = arith.constant 0 : i32
      %dma_start3A_629 = tpu.memref_slice %arg5[%select_n3A_30, %add3A_615, %dma_start3A_628] : memref<8x16384x128xf32, #tpu.memory_space<hbm>> -> memref<1x256x128xf32, #tpu.memory_space<hbm>>
      %dma_start3A_630 = tpu.memref_squeeze %dma_start3A_629 : memref<1x256x128xf32, #tpu.memory_space<hbm>> -> memref<256x128xf32, #tpu.memory_space<hbm>>
      tpu.enqueue_dma source(%dma_start3A_630 : memref<256x128xf32, #tpu.memory_space<hbm>>) target(%dma_start3A_627 : memref<256x128xf32, #tpu.memory_space<vmem>>) target_semaphore(%arg9 : memref<!tpu.dma_semaphore, #tpu.memory_space<semaphore_mem>>)
    } else {
    }
    %dma_wait3A_547 = arith.constant 1 : i32
    %dma_wait3A_548 = arith.constant 0 : i32
    %dma_wait3A_549 = arith.constant 0 : i32
    %dma_wait3A_550 = tpu.memref_slice %arg7[%dma_wait3A_547, %dma_wait3A_548, %dma_wait3A_549] : memref<2x256x128xf32, #tpu.memory_space<vmem>> -> memref<1x256x128xf32, #tpu.memory_space<vmem>>
    %dma_wait3A_551 = tpu.memref_squeeze %dma_wait3A_550 : memref<1x256x128xf32, #tpu.memory_space<vmem>> -> memref<256x128xf32, #tpu.memory_space<vmem>>
    %dma_wait3A_552 = arith.constant 0 : i32
    %dma_wait3A_553 = tpu.memref_slice %arg5[%select_n3A_30, %mul3A_32, %dma_wait3A_552] : memref<8x16384x128xf32, #tpu.memory_space<hbm>> -> memref<1x256x128xf32, #tpu.memory_space<hbm>>
    %dma_wait3A_554 = tpu.memref_squeeze %dma_wait3A_553 : memref<1x256x128xf32, #tpu.memory_space<hbm>> -> memref<256x128xf32, #tpu.memory_space<hbm>>
    %dma_wait3A_555 = arith.constant 0 : i32
    %dma_wait3A_556 = arith.constant 0 : i32
    %dma_wait3A_557 = tpu.memref_slice %arg7[%dma_wait3A_547, %dma_wait3A_555, %dma_wait3A_556] : memref<2x256x128xf32, #tpu.memory_space<vmem>> -> memref<1x256x128xf32, #tpu.memory_space<vmem>>
    %dma_wait3A_558 = tpu.memref_squeeze %dma_wait3A_557 : memref<1x256x128xf32, #tpu.memory_space<vmem>> -> memref<256x128xf32, #tpu.memory_space<vmem>>
    %dma_wait3A_559 = arith.constant 0 : i32
    %dma_wait3A_560 = tpu.memref_slice %arg5[%select_n3A_30, %mul3A_32, %dma_wait3A_559] : memref<8x16384x128xf32, #tpu.memory_space<hbm>> -> memref<1x256x128xf32, #tpu.memory_space<hbm>>
    %dma_wait3A_561 = tpu.memref_squeeze %dma_wait3A_560 : memref<1x256x128xf32, #tpu.memory_space<hbm>> -> memref<256x128xf32, #tpu.memory_space<hbm>>
    tpu.wait_dma2 semaphore(%arg10 : memref<!tpu.dma_semaphore, #tpu.memory_space<semaphore_mem>>) src(%dma_wait3A_561 : memref<256x128xf32, #tpu.memory_space<hbm>>) dst(%dma_wait3A_558 : memref<256x128xf32, #tpu.memory_space<vmem>>)
    %scan3A_562 = arith.constant 0 : i32
    %scan3A_563 = arith.constant 256 : i32
    %scan3A_564 = arith.addi %scan3A_562, %scan3A_563 : i32
    %scan3A_565 = arith.constant 4 : i32
    %scan3A_566:8 = scf.for %scan3A_613 = %scan3A_562 to %scan3A_564 step %scan3A_565 iter_args(%scan3A_614 = %scan3A_534#0, %scan3A_615 = %scan3A_534#1, %scan3A_616 = %scan3A_534#2, %scan3A_617 = %scan3A_534#3, %scan3A_618 = %scan3A_534#4, %scan3A_619 = %scan3A_534#5, %scan3A_620 = %scan3A_534#6, %scan3A_621 = %scan3A_534#7) -> (vector<16xf32>, vector<16xf32>, vector<16xf32>, vector<16xf32>, vector<16xf32>, vector<16xf32>, vector<16xf32>, vector<16xf32>)  : i32 {
      %get3A = arith.constant 1 : i32
      %get3A_622 = arith.index_cast %get3A : i32 to index
      %get3A_623 = arith.index_cast %scan3A_613 : i32 to index
      %get3A_624 = arith.constant 0 : index
      %get3A_625 = tpu.vector_load %arg7[%get3A_622, %get3A_623, %get3A_624] {strides = array<i32>} : memref<2x256x128xf32, #tpu.memory_space<vmem>>, vector<1x1x16xf32>,
      %get3A_626 = vector.shape_cast %get3A_625 : vector<1x1x16xf32> to vector<16xf32>
      %max3A = arith.maximumf %scan3A_614, %get3A_626 : vector<16xf32>
      %get3A_627 = arith.constant 1 : i32
      %get3A_628 = arith.index_cast %get3A_627 : i32 to index
      %get3A_629 = arith.index_cast %scan3A_613 : i32 to index
      %get3A_630 = arith.constant 16 : index
      %get3A_631 = tpu.vector_load %arg7[%get3A_628, %get3A_629, %get3A_630] {strides = array<i32>} : memref<2x256x128xf32, #tpu.memory_space<vmem>>, vector<1x1x16xf32>,
      %get3A_632 = vector.shape_cast %get3A_631 : vector<1x1x16xf32> to vector<16xf32>
      %max3A_633 = arith.maximumf %scan3A_615, %get3A_632 : vector<16xf32>
      %get3A_634 = arith.constant 1 : i32
      %get3A_635 = arith.index_cast %get3A_634 : i32 to index
      %get3A_636 = arith.index_cast %scan3A_613 : i32 to index
      %get3A_637 = arith.constant 32 : index
      %get3A_638 = tpu.vector_load %arg7[%get3A_635, %get3A_636, %get3A_637] {strides = array<i32>} : memref<2x256x128xf32, #tpu.memory_space<vmem>>, vector<1x1x16xf32>,
      %get3A_639 = vector.shape_cast %get3A_638 : vector<1x1x16xf32> to vector<16xf32>
      %max3A_640 = arith.maximumf %scan3A_616, %get3A_639 : vector<16xf32>
      %get3A_641 = arith.constant 1 : i32
      %get3A_642 = arith.index_cast %get3A_641 : i32 to index
      %get3A_643 = arith.index_cast %scan3A_613 : i32 to index
      %get3A_644 = arith.constant 48 : index
      %get3A_645 = tpu.vector_load %arg7[%get3A_642, %get3A_643, %get3A_644] {strides = array<i32>} : memref<2x256x128xf32, #tpu.memory_space<vmem>>, vector<1x1x16xf32>,
      %get3A_646 = vector.shape_cast %get3A_645 : vector<1x1x16xf32> to vector<16xf32>
      %max3A_647 = arith.maximumf %scan3A_617, %get3A_646 : vector<16xf32>
      %get3A_648 = arith.constant 1 : i32
      %get3A_649 = arith.index_cast %get3A_648 : i32 to index
      %get3A_650 = arith.index_cast %scan3A_613 : i32 to index
      %get3A_651 = arith.constant 64 : index
      %get3A_652 = tpu.vector_load %arg7[%get3A_649, %get3A_650, %get3A_651] {strides = array<i32>} : memref<2x256x128xf32, #tpu.memory_space<vmem>>, vector<1x1x16xf32>,
      %get3A_653 = vector.shape_cast %get3A_652 : vector<1x1x16xf32> to vector<16xf32>
      %max3A_654 = arith.maximumf %scan3A_618, %get3A_653 : vector<16xf32>
      %get3A_655 = arith.constant 1 : i32
      %get3A_656 = arith.index_cast %get3A_655 : i32 to index
      %get3A_657 = arith.index_cast %scan3A_613 : i32 to index
      %get3A_658 = arith.constant 80 : index
      %get3A_659 = tpu.vector_load %arg7[%get3A_656, %get3A_657, %get3A_658] {strides = array<i32>} : memref<2x256x128xf32, #tpu.memory_space<vmem>>, vector<1x1x16xf32>,
      %get3A_660 = vector.shape_cast %get3A_659 : vector<1x1x16xf32> to vector<16xf32>
      %max3A_661 = arith.maximumf %scan3A_619, %get3A_660 : vector<16xf32>
      %get3A_662 = arith.constant 1 : i32
      %get3A_663 = arith.index_cast %get3A_662 : i32 to index
      %get3A_664 = arith.index_cast %scan3A_613 : i32 to index
      %get3A_665 = arith.constant 96 : index
      %get3A_666 = tpu.vector_load %arg7[%get3A_663, %get3A_664, %get3A_665] {strides = array<i32>} : memref<2x256x128xf32, #tpu.memory_space<vmem>>, vector<1x1x16xf32>,
      %get3A_667 = vector.shape_cast %get3A_666 : vector<1x1x16xf32> to vector<16xf32>
      %max3A_668 = arith.maximumf %scan3A_620, %get3A_667 : vector<16xf32>
      %get3A_669 = arith.constant 1 : i32
      %get3A_670 = arith.index_cast %get3A_669 : i32 to index
      %get3A_671 = arith.index_cast %scan3A_613 : i32 to index
      %get3A_672 = arith.constant 112 : index
      %get3A_673 = tpu.vector_load %arg7[%get3A_670, %get3A_671, %get3A_672] {strides = array<i32>} : memref<2x256x128xf32, #tpu.memory_space<vmem>>, vector<1x1x16xf32>,
      %get3A_674 = vector.shape_cast %get3A_673 : vector<1x1x16xf32> to vector<16xf32>
      %max3A_675 = arith.maximumf %scan3A_621, %get3A_674 : vector<16xf32>
      %scan3A_676 = arith.constant 1 : i32
      %scan3A_677 = arith.addi %scan3A_613, %scan3A_676 : i32
      %get3A_678 = arith.constant 1 : i32
      %get3A_679 = arith.index_cast %get3A_678 : i32 to index
      %get3A_680 = arith.index_cast %scan3A_677 : i32 to index
      %get3A_681 = arith.constant 0 : index
      %get3A_682 = tpu.vector_load %arg7[%get3A_679, %get3A_680, %get3A_681] {strides = array<i32>} : memref<2x256x128xf32, #tpu.memory_space<vmem>>, vector<1x1x16xf32>,
      %get3A_683 = vector.shape_cast %get3A_682 : vector<1x1x16xf32> to vector<16xf32>
      %max3A_684 = arith.maximumf %max3A, %get3A_683 : vector<16xf32>
      %get3A_685 = arith.constant 1 : i32
      %get3A_686 = arith.index_cast %get3A_685 : i32 to index
      %get3A_687 = arith.index_cast %scan3A_677 : i32 to index
      %get3A_688 = arith.constant 16 : index
      %get3A_689 = tpu.vector_load %arg7[%get3A_686, %get3A_687, %get3A_688] {strides = array<i32>} : memref<2x256x128xf32, #tpu.memory_space<vmem>>, vector<1x1x16xf32>,
      %get3A_690 = vector.shape_cast %get3A_689 : vector<1x1x16xf32> to vector<16xf32>
      %max3A_691 = arith.maximumf %max3A_633, %get3A_690 : vector<16xf32>
      %get3A_692 = arith.constant 1 : i32
      %get3A_693 = arith.index_cast %get3A_692 : i32 to index
      %get3A_694 = arith.index_cast %scan3A_677 : i32 to index
      %get3A_695 = arith.constant 32 : index
      %get3A_696 = tpu.vector_load %arg7[%get3A_693, %get3A_694, %get3A_695] {strides = array<i32>} : memref<2x256x128xf32, #tpu.memory_space<vmem>>, vector<1x1x16xf32>,
      %get3A_697 = vector.shape_cast %get3A_696 : vector<1x1x16xf32> to vector<16xf32>
      %max3A_698 = arith.maximumf %max3A_640, %get3A_697 : vector<16xf32>
      %get3A_699 = arith.constant 1 : i32
      %get3A_700 = arith.index_cast %get3A_699 : i32 to index
      %get3A_701 = arith.index_cast %scan3A_677 : i32 to index
      %get3A_702 = arith.constant 48 : index
      %get3A_703 = tpu.vector_load %arg7[%get3A_700, %get3A_701, %get3A_702] {strides = array<i32>} : memref<2x256x128xf32, #tpu.memory_space<vmem>>, vector<1x1x16xf32>,
      %get3A_704 = vector.shape_cast %get3A_703 : vector<1x1x16xf32> to vector<16xf32>
      %max3A_705 = arith.maximumf %max3A_647, %get3A_704 : vector<16xf32>
      %get3A_706 = arith.constant 1 : i32
      %get3A_707 = arith.index_cast %get3A_706 : i32 to index
      %get3A_708 = arith.index_cast %scan3A_677 : i32 to index
      %get3A_709 = arith.constant 64 : index
      %get3A_710 = tpu.vector_load %arg7[%get3A_707, %get3A_708, %get3A_709] {strides = array<i32>} : memref<2x256x128xf32, #tpu.memory_space<vmem>>, vector<1x1x16xf32>,
      %get3A_711 = vector.shape_cast %get3A_710 : vector<1x1x16xf32> to vector<16xf32>
      %max3A_712 = arith.maximumf %max3A_654, %get3A_711 : vector<16xf32>
      %get3A_713 = arith.constant 1 : i32
      %get3A_714 = arith.index_cast %get3A_713 : i32 to index
      %get3A_715 = arith.index_cast %scan3A_677 : i32 to index
      %get3A_716 = arith.constant 80 : index
      %get3A_717 = tpu.vector_load %arg7[%get3A_714, %get3A_715, %get3A_716] {strides = array<i32>} : memref<2x256x128xf32, #tpu.memory_space<vmem>>, vector<1x1x16xf32>,
      %get3A_718 = vector.shape_cast %get3A_717 : vector<1x1x16xf32> to vector<16xf32>
      %max3A_719 = arith.maximumf %max3A_661, %get3A_718 : vector<16xf32>
      %get3A_720 = arith.constant 1 : i32
      %get3A_721 = arith.index_cast %get3A_720 : i32 to index
      %get3A_722 = arith.index_cast %scan3A_677 : i32 to index
      %get3A_723 = arith.constant 96 : index
      %get3A_724 = tpu.vector_load %arg7[%get3A_721, %get3A_722, %get3A_723] {strides = array<i32>} : memref<2x256x128xf32, #tpu.memory_space<vmem>>, vector<1x1x16xf32>,
      %get3A_725 = vector.shape_cast %get3A_724 : vector<1x1x16xf32> to vector<16xf32>
      %max3A_726 = arith.maximumf %max3A_668, %get3A_725 : vector<16xf32>
      %get3A_727 = arith.constant 1 : i32
      %get3A_728 = arith.index_cast %get3A_727 : i32 to index
      %get3A_729 = arith.index_cast %scan3A_677 : i32 to index
      %get3A_730 = arith.constant 112 : index
      %get3A_731 = tpu.vector_load %arg7[%get3A_728, %get3A_729, %get3A_730] {strides = array<i32>} : memref<2x256x128xf32, #tpu.memory_space<vmem>>, vector<1x1x16xf32>,
      %get3A_732 = vector.shape_cast %get3A_731 : vector<1x1x16xf32> to vector<16xf32>
      %max3A_733 = arith.maximumf %max3A_675, %get3A_732 : vector<16xf32>
      %scan3A_734 = arith.constant 2 : i32
      %scan3A_735 = arith.addi %scan3A_613, %scan3A_734 : i32
      %get3A_736 = arith.constant 1 : i32
      %get3A_737 = arith.index_cast %get3A_736 : i32 to index
      %get3A_738 = arith.index_cast %scan3A_735 : i32 to index
      %get3A_739 = arith.constant 0 : index
      %get3A_740 = tpu.vector_load %arg7[%get3A_737, %get3A_738, %get3A_739] {strides = array<i32>} : memref<2x256x128xf32, #tpu.memory_space<vmem>>, vector<1x1x16xf32>,
      %get3A_741 = vector.shape_cast %get3A_740 : vector<1x1x16xf32> to vector<16xf32>
      %max3A_742 = arith.maximumf %max3A_684, %get3A_741 : vector<16xf32>
      %get3A_743 = arith.constant 1 : i32
      %get3A_744 = arith.index_cast %get3A_743 : i32 to index
      %get3A_745 = arith.index_cast %scan3A_735 : i32 to index
      %get3A_746 = arith.constant 16 : index
      %get3A_747 = tpu.vector_load %arg7[%get3A_744, %get3A_745, %get3A_746] {strides = array<i32>} : memref<2x256x128xf32, #tpu.memory_space<vmem>>, vector<1x1x16xf32>,
      %get3A_748 = vector.shape_cast %get3A_747 : vector<1x1x16xf32> to vector<16xf32>
      %max3A_749 = arith.maximumf %max3A_691, %get3A_748 : vector<16xf32>
      %get3A_750 = arith.constant 1 : i32
      %get3A_751 = arith.index_cast %get3A_750 : i32 to index
      %get3A_752 = arith.index_cast %scan3A_735 : i32 to index
      %get3A_753 = arith.constant 32 : index
      %get3A_754 = tpu.vector_load %arg7[%get3A_751, %get3A_752, %get3A_753] {strides = array<i32>} : memref<2x256x128xf32, #tpu.memory_space<vmem>>, vector<1x1x16xf32>,
      %get3A_755 = vector.shape_cast %get3A_754 : vector<1x1x16xf32> to vector<16xf32>
      %max3A_756 = arith.maximumf %max3A_698, %get3A_755 : vector<16xf32>
      %get3A_757 = arith.constant 1 : i32
      %get3A_758 = arith.index_cast %get3A_757 : i32 to index
      %get3A_759 = arith.index_cast %scan3A_735 : i32 to index
      %get3A_760 = arith.constant 48 : index
      %get3A_761 = tpu.vector_load %arg7[%get3A_758, %get3A_759, %get3A_760] {strides = array<i32>} : memref<2x256x128xf32, #tpu.memory_space<vmem>>, vector<1x1x16xf32>,
      %get3A_762 = vector.shape_cast %get3A_761 : vector<1x1x16xf32> to vector<16xf32>
      %max3A_763 = arith.maximumf %max3A_705, %get3A_762 : vector<16xf32>
      %get3A_764 = arith.constant 1 : i32
      %get3A_765 = arith.index_cast %get3A_764 : i32 to index
      %get3A_766 = arith.index_cast %scan3A_735 : i32 to index
      %get3A_767 = arith.constant 64 : index
      %get3A_768 = tpu.vector_load %arg7[%get3A_765, %get3A_766, %get3A_767] {strides = array<i32>} : memref<2x256x128xf32, #tpu.memory_space<vmem>>, vector<1x1x16xf32>,
      %get3A_769 = vector.shape_cast %get3A_768 : vector<1x1x16xf32> to vector<16xf32>
      %max3A_770 = arith.maximumf %max3A_712, %get3A_769 : vector<16xf32>
      %get3A_771 = arith.constant 1 : i32
      %get3A_772 = arith.index_cast %get3A_771 : i32 to index
      %get3A_773 = arith.index_cast %scan3A_735 : i32 to index
      %get3A_774 = arith.constant 80 : index
      %get3A_775 = tpu.vector_load %arg7[%get3A_772, %get3A_773, %get3A_774] {strides = array<i32>} : memref<2x256x128xf32, #tpu.memory_space<vmem>>, vector<1x1x16xf32>,
      %get3A_776 = vector.shape_cast %get3A_775 : vector<1x1x16xf32> to vector<16xf32>
      %max3A_777 = arith.maximumf %max3A_719, %get3A_776 : vector<16xf32>
      %get3A_778 = arith.constant 1 : i32
      %get3A_779 = arith.index_cast %get3A_778 : i32 to index
      %get3A_780 = arith.index_cast %scan3A_735 : i32 to index
      %get3A_781 = arith.constant 96 : index
      %get3A_782 = tpu.vector_load %arg7[%get3A_779, %get3A_780, %get3A_781] {strides = array<i32>} : memref<2x256x128xf32, #tpu.memory_space<vmem>>, vector<1x1x16xf32>,
      %get3A_783 = vector.shape_cast %get3A_782 : vector<1x1x16xf32> to vector<16xf32>
      %max3A_784 = arith.maximumf %max3A_726, %get3A_783 : vector<16xf32>
      %get3A_785 = arith.constant 1 : i32
      %get3A_786 = arith.index_cast %get3A_785 : i32 to index
      %get3A_787 = arith.index_cast %scan3A_735 : i32 to index
      %get3A_788 = arith.constant 112 : index
      %get3A_789 = tpu.vector_load %arg7[%get3A_786, %get3A_787, %get3A_788] {strides = array<i32>} : memref<2x256x128xf32, #tpu.memory_space<vmem>>, vector<1x1x16xf32>,
      %get3A_790 = vector.shape_cast %get3A_789 : vector<1x1x16xf32> to vector<16xf32>
      %max3A_791 = arith.maximumf %max3A_733, %get3A_790 : vector<16xf32>
      %scan3A_792 = arith.constant 3 : i32
      %scan3A_793 = arith.addi %scan3A_613, %scan3A_792 : i32
      %get3A_794 = arith.constant 1 : i32
      %get3A_795 = arith.index_cast %get3A_794 : i32 to index
      %get3A_796 = arith.index_cast %scan3A_793 : i32 to index
      %get3A_797 = arith.constant 0 : index
      %get3A_798 = tpu.vector_load %arg7[%get3A_795, %get3A_796, %get3A_797] {strides = array<i32>} : memref<2x256x128xf32, #tpu.memory_space<vmem>>, vector<1x1x16xf32>,
      %get3A_799 = vector.shape_cast %get3A_798 : vector<1x1x16xf32> to vector<16xf32>
      %max3A_800 = arith.maximumf %max3A_742, %get3A_799 : vector<16xf32>
      %get3A_801 = arith.constant 1 : i32
      %get3A_802 = arith.index_cast %get3A_801 : i32 to index
      %get3A_803 = arith.index_cast %scan3A_793 : i32 to index
      %get3A_804 = arith.constant 16 : index
      %get3A_805 = tpu.vector_load %arg7[%get3A_802, %get3A_803, %get3A_804] {strides = array<i32>} : memref<2x256x128xf32, #tpu.memory_space<vmem>>, vector<1x1x16xf32>,
      %get3A_806 = vector.shape_cast %get3A_805 : vector<1x1x16xf32> to vector<16xf32>
      %max3A_807 = arith.maximumf %max3A_749, %get3A_806 : vector<16xf32>
      %get3A_808 = arith.constant 1 : i32
      %get3A_809 = arith.index_cast %get3A_808 : i32 to index
      %get3A_810 = arith.index_cast %scan3A_793 : i32 to index
      %get3A_811 = arith.constant 32 : index
      %get3A_812 = tpu.vector_load %arg7[%get3A_809, %get3A_810, %get3A_811] {strides = array<i32>} : memref<2x256x128xf32, #tpu.memory_space<vmem>>, vector<1x1x16xf32>,
      %get3A_813 = vector.shape_cast %get3A_812 : vector<1x1x16xf32> to vector<16xf32>
      %max3A_814 = arith.maximumf %max3A_756, %get3A_813 : vector<16xf32>
      %get3A_815 = arith.constant 1 : i32
      %get3A_816 = arith.index_cast %get3A_815 : i32 to index
      %get3A_817 = arith.index_cast %scan3A_793 : i32 to index
      %get3A_818 = arith.constant 48 : index
      %get3A_819 = tpu.vector_load %arg7[%get3A_816, %get3A_817, %get3A_818] {strides = array<i32>} : memref<2x256x128xf32, #tpu.memory_space<vmem>>, vector<1x1x16xf32>,
      %get3A_820 = vector.shape_cast %get3A_819 : vector<1x1x16xf32> to vector<16xf32>
      %max3A_821 = arith.maximumf %max3A_763, %get3A_820 : vector<16xf32>
      %get3A_822 = arith.constant 1 : i32
      %get3A_823 = arith.index_cast %get3A_822 : i32 to index
      %get3A_824 = arith.index_cast %scan3A_793 : i32 to index
      %get3A_825 = arith.constant 64 : index
      %get3A_826 = tpu.vector_load %arg7[%get3A_823, %get3A_824, %get3A_825] {strides = array<i32>} : memref<2x256x128xf32, #tpu.memory_space<vmem>>, vector<1x1x16xf32>,
      %get3A_827 = vector.shape_cast %get3A_826 : vector<1x1x16xf32> to vector<16xf32>
      %max3A_828 = arith.maximumf %max3A_770, %get3A_827 : vector<16xf32>
      %get3A_829 = arith.constant 1 : i32
      %get3A_830 = arith.index_cast %get3A_829 : i32 to index
      %get3A_831 = arith.index_cast %scan3A_793 : i32 to index
      %get3A_832 = arith.constant 80 : index
      %get3A_833 = tpu.vector_load %arg7[%get3A_830, %get3A_831, %get3A_832] {strides = array<i32>} : memref<2x256x128xf32, #tpu.memory_space<vmem>>, vector<1x1x16xf32>,
      %get3A_834 = vector.shape_cast %get3A_833 : vector<1x1x16xf32> to vector<16xf32>
      %max3A_835 = arith.maximumf %max3A_777, %get3A_834 : vector<16xf32>
      %get3A_836 = arith.constant 1 : i32
      %get3A_837 = arith.index_cast %get3A_836 : i32 to index
      %get3A_838 = arith.index_cast %scan3A_793 : i32 to index
      %get3A_839 = arith.constant 96 : index
      %get3A_840 = tpu.vector_load %arg7[%get3A_837, %get3A_838, %get3A_839] {strides = array<i32>} : memref<2x256x128xf32, #tpu.memory_space<vmem>>, vector<1x1x16xf32>,
      %get3A_841 = vector.shape_cast %get3A_840 : vector<1x1x16xf32> to vector<16xf32>
      %max3A_842 = arith.maximumf %max3A_784, %get3A_841 : vector<16xf32>
      %get3A_843 = arith.constant 1 : i32
      %get3A_844 = arith.index_cast %get3A_843 : i32 to index
      %get3A_845 = arith.index_cast %scan3A_793 : i32 to index
      %get3A_846 = arith.constant 112 : index
      %get3A_847 = tpu.vector_load %arg7[%get3A_844, %get3A_845, %get3A_846] {strides = array<i32>} : memref<2x256x128xf32, #tpu.memory_space<vmem>>, vector<1x1x16xf32>,
      %get3A_848 = vector.shape_cast %get3A_847 : vector<1x1x16xf32> to vector<16xf32>
      %max3A_849 = arith.maximumf %max3A_791, %get3A_848 : vector<16xf32>
      scf.yield %max3A_800, %max3A_807, %max3A_814, %max3A_821, %max3A_828, %max3A_835, %max3A_842, %max3A_849 : vector<16xf32>, vector<16xf32>, vector<16xf32>, vector<16xf32>, vector<16xf32>, vector<16xf32>, vector<16xf32>, vector<16xf32>
    }
    %scan3A_567 = arith.constant 256 : i32
    %mul3A_568 = arith.constant 2 : i32
    %mul3A_569 = arith.muli %scan3A_514, %mul3A_568 : i32
    %add3A_570 = arith.constant 1 : i32
    %add3A_571 = arith.addi %mul3A_569, %add3A_570 : i32
    %add3A_572 = arith.constant 2 : i32
    %add3A_573 = arith.addi %add3A_571, %add3A_572 : i32
    %lt3A_574 = arith.constant 2 : i32
    %lt3A_575 = arith.cmpi slt, %add3A_573, %lt3A_574 : i32
    %convert_element_type3A_576 = arith.extui %lt3A_575 : i1 to i32
    %cond3A_577 = arith.constant 0 : i32
    %cond3A_578 = arith.cmpi ne, %convert_element_type3A_576, %cond3A_577 : i32
    scf.if %cond3A_578 {
      %mul3A_613 = arith.constant 256 : i32
      %mul3A_614 = arith.muli %add3A_573, %mul3A_613 : i32
      %add3A_615 = arith.addi %mul3A_32, %mul3A_614 : i32
      %dma_start3A_616 = arith.constant 1 : i32
      %dma_start3A_617 = arith.constant 0 : i32
      %dma_start3A_618 = arith.constant 0 : i32
      %dma_start3A_619 = tpu.memref_slice %arg7[%dma_start3A_616, %dma_start3A_617, %dma_start3A_618] : memref<2x256x128xf32, #tpu.memory_space<vmem>> -> memref<1x256x128xf32, #tpu.memory_space<vmem>>
      %dma_start3A_620 = tpu.memref_squeeze %dma_start3A_619 : memref<1x256x128xf32, #tpu.memory_space<vmem>> -> memref<256x128xf32, #tpu.memory_space<vmem>>
      %dma_start3A_621 = arith.constant 0 : i32
      %dma_start3A_622 = tpu.memref_slice %arg5[%select_n3A_30, %add3A_615, %dma_start3A_621] : memref<8x16384x128xf32, #tpu.memory_space<hbm>> -> memref<1x256x128xf32, #tpu.memory_space<hbm>>
      %dma_start3A_623 = tpu.memref_squeeze %dma_start3A_622 : memref<1x256x128xf32, #tpu.memory_space<hbm>> -> memref<256x128xf32, #tpu.memory_space<hbm>>
      %dma_start3A_624 = arith.constant 0 : i32
      %dma_start3A_625 = arith.constant 0 : i32
      %dma_start3A_626 = tpu.memref_slice %arg7[%dma_start3A_616, %dma_start3A_624, %dma_start3A_625] : memref<2x256x128xf32, #tpu.memory_space<vmem>> -> memref<1x256x128xf32, #tpu.memory_space<vmem>>
      %dma_start3A_627 = tpu.memref_squeeze %dma_start3A_626 : memref<1x256x128xf32, #tpu.memory_space<vmem>> -> memref<256x128xf32, #tpu.memory_space<vmem>>
      %dma_start3A_628 = arith.constant 0 : i32
      %dma_start3A_629 = tpu.memref_slice %arg5[%select_n3A_30, %add3A_615, %dma_start3A_628] : memref<8x16384x128xf32, #tpu.memory_space<hbm>> -> memref<1x256x128xf32, #tpu.memory_space<hbm>>
      %dma_start3A_630 = tpu.memref_squeeze %dma_start3A_629 : memref<1x256x128xf32, #tpu.memory_space<hbm>> -> memref<256x128xf32, #tpu.memory_space<hbm>>
      tpu.enqueue_dma source(%dma_start3A_630 : memref<256x128xf32, #tpu.memory_space<hbm>>) target(%dma_start3A_627 : memref<256x128xf32, #tpu.memory_space<vmem>>) target_semaphore(%arg10 : memref<!tpu.dma_semaphore, #tpu.memory_space<semaphore_mem>>)
    } else {
    }
    %scan3A_579 = arith.constant 1 : i32
    %swap3A_580 = arith.constant 0 : index
    %swap3A_581 = tpu.vector_load %arg8[%swap3A_580] {strides = array<i32>} : memref<128xf32, #tpu.memory_space<vmem>>, vector<16xf32>,
    %swap3A_582 = vector.shape_cast %swap3A_581 : vector<16xf32> to vector<16xf32>
    %swap3A_583 = vector.shape_cast %scan3A_566#0 : vector<16xf32> to vector<16xf32>
    tpu.vector_store %arg8[%swap3A_580], %swap3A_583 {strides = array<i32>} : memref<128xf32, #tpu.memory_space<vmem>>, vector<16xf32>,
    %swap3A_584 = arith.constant 16 : index
    %swap3A_585 = tpu.vector_load %arg8[%swap3A_584] {strides = array<i32>} : memref<128xf32, #tpu.memory_space<vmem>>, vector<16xf32>,
    %swap3A_586 = vector.shape_cast %swap3A_585 : vector<16xf32> to vector<16xf32>
    %swap3A_587 = vector.shape_cast %scan3A_566#1 : vector<16xf32> to vector<16xf32>
    tpu.vector_store %arg8[%swap3A_584], %swap3A_587 {strides = array<i32>} : memref<128xf32, #tpu.memory_space<vmem>>, vector<16xf32>,
    %swap3A_588 = arith.constant 32 : index
    %swap3A_589 = tpu.vector_load %arg8[%swap3A_588] {strides = array<i32>} : memref<128xf32, #tpu.memory_space<vmem>>, vector<16xf32>,
    %swap3A_590 = vector.shape_cast %swap3A_589 : vector<16xf32> to vector<16xf32>
    %swap3A_591 = vector.shape_cast %scan3A_566#2 : vector<16xf32> to vector<16xf32>
    tpu.vector_store %arg8[%swap3A_588], %swap3A_591 {strides = array<i32>} : memref<128xf32, #tpu.memory_space<vmem>>, vector<16xf32>,
    %swap3A_592 = arith.constant 48 : index
    %swap3A_593 = tpu.vector_load %arg8[%swap3A_592] {strides = array<i32>} : memref<128xf32, #tpu.memory_space<vmem>>, vector<16xf32>,
    %swap3A_594 = vector.shape_cast %swap3A_593 : vector<16xf32> to vector<16xf32>
    %swap3A_595 = vector.shape_cast %scan3A_566#3 : vector<16xf32> to vector<16xf32>
    tpu.vector_store %arg8[%swap3A_592], %swap3A_595 {strides = array<i32>} : memref<128xf32, #tpu.memory_space<vmem>>, vector<16xf32>,
    %swap3A_596 = arith.constant 64 : index
    %swap3A_597 = tpu.vector_load %arg8[%swap3A_596] {strides = array<i32>} : memref<128xf32, #tpu.memory_space<vmem>>, vector<16xf32>,
    %swap3A_598 = vector.shape_cast %swap3A_597 : vector<16xf32> to vector<16xf32>
    %swap3A_599 = vector.shape_cast %scan3A_566#4 : vector<16xf32> to vector<16xf32>
    tpu.vector_store %arg8[%swap3A_596], %swap3A_599 {strides = array<i32>} : memref<128xf32, #tpu.memory_space<vmem>>, vector<16xf32>,
    %swap3A_600 = arith.constant 80 : index
    %swap3A_601 = tpu.vector_load %arg8[%swap3A_600] {strides = array<i32>} : memref<128xf32, #tpu.memory_space<vmem>>, vector<16xf32>,
    %swap3A_602 = vector.shape_cast %swap3A_601 : vector<16xf32> to vector<16xf32>
    %swap3A_603 = vector.shape_cast %scan3A_566#5 : vector<16xf32> to vector<16xf32>
    tpu.vector_store %arg8[%swap3A_600], %swap3A_603 {strides = array<i32>} : memref<128xf32, #tpu.memory_space<vmem>>, vector<16xf32>,
    %swap3A_604 = arith.constant 96 : index
    %swap3A_605 = tpu.vector_load %arg8[%swap3A_604] {strides = array<i32>} : memref<128xf32, #tpu.memory_space<vmem>>, vector<16xf32>,
    %swap3A_606 = vector.shape_cast %swap3A_605 : vector<16xf32> to vector<16xf32>
    %swap3A_607 = vector.shape_cast %scan3A_566#6 : vector<16xf32> to vector<16xf32>
    tpu.vector_store %arg8[%swap3A_604], %swap3A_607 {strides = array<i32>} : memref<128xf32, #tpu.memory_space<vmem>>, vector<16xf32>,
    %swap3A_608 = arith.constant 112 : index
    %swap3A_609 = tpu.vector_load %arg8[%swap3A_608] {strides = array<i32>} : memref<128xf32, #tpu.memory_space<vmem>>, vector<16xf32>,
    %swap3A_610 = vector.shape_cast %swap3A_609 : vector<16xf32> to vector<16xf32>
    %swap3A_611 = vector.shape_cast %scan3A_566#7 : vector<16xf32> to vector<16xf32>
    tpu.vector_store %arg8[%swap3A_608], %swap3A_611 {strides = array<i32>} : memref<128xf32, #tpu.memory_space<vmem>>, vector<16xf32>,
    %run_scoped3A_612 = arith.constant 3 : i32
    "tpu.region"() ({
      %run_scoped3A_613 = tpu.sem_alloc : memref<!tpu.dma_semaphore, #tpu.memory_space<semaphore_mem>>
      %dma_start3A_614 = arith.constant 0 : i32
      %dma_start3A_615 = tpu.memref_slice %arg6[%run_scoped3A_612, %select_n3A, %select_n3A_30, %dma_start3A_614] : memref<4x4x8x128xf32, #tpu.memory_space<hbm>> -> memref<1x1x1x128xf32, #tpu.memory_space<hbm>>
      %dma_start3A_616 = tpu.memref_squeeze %dma_start3A_615 : memref<1x1x1x128xf32, #tpu.memory_space<hbm>> -> memref<128xf32, #tpu.memory_space<hbm>>
      %dma_start3A_617 = arith.constant 0 : i32
      %dma_start3A_618 = tpu.memref_slice %arg6[%run_scoped3A_612, %select_n3A, %select_n3A_30, %dma_start3A_617] : memref<4x4x8x128xf32, #tpu.memory_space<hbm>> -> memref<1x1x1x128xf32, #tpu.memory_space<hbm>>
      %dma_start3A_619 = tpu.memref_squeeze %dma_start3A_618 : memref<1x1x1x128xf32, #tpu.memory_space<hbm>> -> memref<128xf32, #tpu.memory_space<hbm>>
      tpu.enqueue_dma source(%arg8 : memref<128xf32, #tpu.memory_space<vmem>>) target(%dma_start3A_619 : memref<128xf32, #tpu.memory_space<hbm>>) target_semaphore(%run_scoped3A_613 : memref<!tpu.dma_semaphore, #tpu.memory_space<semaphore_mem>>)
      %dma_wait3A_620 = arith.constant 0 : i32
      %dma_wait3A_621 = tpu.memref_slice %arg6[%run_scoped3A_612, %select_n3A, %select_n3A_30, %dma_wait3A_620] : memref<4x4x8x128xf32, #tpu.memory_space<hbm>> -> memref<1x1x1x128xf32, #tpu.memory_space<hbm>>
      %dma_wait3A_622 = tpu.memref_squeeze %dma_wait3A_621 : memref<1x1x1x128xf32, #tpu.memory_space<hbm>> -> memref<128xf32, #tpu.memory_space<hbm>>
      %dma_wait3A_623 = arith.constant 0 : i32
      %dma_wait3A_624 = tpu.memref_slice %arg6[%run_scoped3A_612, %select_n3A, %select_n3A_30, %dma_wait3A_623] : memref<4x4x8x128xf32, #tpu.memory_space<hbm>> -> memref<1x1x1x128xf32, #tpu.memory_space<hbm>>
      %dma_wait3A_625 = tpu.memref_squeeze %dma_wait3A_624 : memref<1x1x1x128xf32, #tpu.memory_space<hbm>> -> memref<128xf32, #tpu.memory_space<hbm>>
      tpu.wait_dma2 semaphore(%run_scoped3A_613 : memref<!tpu.dma_semaphore, #tpu.memory_space<semaphore_mem>>) src(%arg8 : memref<128xf32, #tpu.memory_space<vmem>>) dst(%dma_wait3A_625 : memref<128xf32, #tpu.memory_space<hbm>>)
      tpu.yield
    }) : () -> ()
    return
  }
}

module attributes {stable_mosaic.version = 14 : i64} {
  func.func @_tc_reduce_body(%arg0: i32, %arg1: memref<8x512x128xf32, #tpu.memory_space<vmem>>, %arg2: memref<8x512x128xf32, #tpu.memory_space<vmem>>, %arg3: memref<8x512x128xf32, #tpu.memory_space<vmem>>, %arg4: memref<8x512x128xf32, #tpu.memory_space<vmem>>, %arg5: memref<8x3x16384xf32, #tpu.memory_space<vmem>>, %arg6: memref<8x2x16384xf32, #tpu.memory_space<vmem>>, %arg7: memref<8x4x16384xf32, #tpu.memory_space<vmem>>, %arg8: memref<8x3x16384xf32, #tpu.memory_space<vmem>>, %arg9: memref<8x128xf32, #tpu.memory_space<vmem>>, %arg10: memref<8x128xf32, #tpu.memory_space<vmem>>, %arg11: memref<8x128xf32, #tpu.memory_space<vmem>>, %arg12: memref<8x128xf32, #tpu.memory_space<vmem>>, %arg13: memref<8x3xf32, #tpu.memory_space<vmem>>, %arg14: memref<8x2xf32, #tpu.memory_space<vmem>>, %arg15: memref<8x4xf32, #tpu.memory_space<vmem>>, %arg16: memref<8x3xf32, #tpu.memory_space<vmem>>, %arg17: memref<8x128xf32, #tpu.memory_space<vmem>>, %arg18: memref<8x128xf32, #tpu.memory_space<vmem>>, %arg19: memref<8x128xf32, #tpu.memory_space<vmem>>, %arg20: memref<8x128xf32, #tpu.memory_space<vmem>>) attributes {dimension_semantics = [#tpu.dimension_semantics<arbitrary>], iteration_bounds = array<i64: 28>, scalar_prefetch = 0 : i64, scratch_operands = 4 : i64, tpu.core_type = #tpu.core_type<tc>, window_params = [{transform_indices = @transform_0, window_bounds = array<i64: 8, 512, 128>}, {transform_indices = @transform_1, window_bounds = array<i64: 8, 512, 128>}, {transform_indices = @transform_2, window_bounds = array<i64: 8, 512, 128>}, {transform_indices = @transform_3, window_bounds = array<i64: 8, 512, 128>}, {pipeline_mode = #tpu.pipeline_mode<synchronous>, transform_indices = @transform_4, window_bounds = array<i64: 8, 3, 16384>}, {pipeline_mode = #tpu.pipeline_mode<synchronous>, transform_indices = @transform_5, window_bounds = array<i64: 8, 2, 16384>}, {pipeline_mode = #tpu.pipeline_mode<synchronous>, transform_indices = @transform_6, window_bounds = array<i64: 8, 4, 16384>}, {pipeline_mode = #tpu.pipeline_mode<synchronous>, transform_indices = @transform_7, window_bounds = array<i64: 8, 3, 16384>}, {pipeline_mode = #tpu.pipeline_mode<synchronous>, transform_indices = @transform_8, window_bounds = array<i64: 8, 128>}, {pipeline_mode = #tpu.pipeline_mode<synchronous>, transform_indices = @transform_9, window_bounds = array<i64: 8, 128>}, {pipeline_mode = #tpu.pipeline_mode<synchronous>, transform_indices = @transform_10, window_bounds = array<i64: 8, 128>}, {pipeline_mode = #tpu.pipeline_mode<synchronous>, transform_indices = @transform_11, window_bounds = array<i64: 8, 128>}, {pipeline_mode = #tpu.pipeline_mode<synchronous>, transform_indices = @transform_12, window_bounds = array<i64: 8, 3>}, {pipeline_mode = #tpu.pipeline_mode<synchronous>, transform_indices = @transform_13, window_bounds = array<i64: 8, 2>}, {pipeline_mode = #tpu.pipeline_mode<synchronous>, transform_indices = @transform_14, window_bounds = array<i64: 8, 4>}, {pipeline_mode = #tpu.pipeline_mode<synchronous>, transform_indices = @transform_15, window_bounds = array<i64: 8, 3>}]} {
    %get3A = arith.constant 0 : index
    %get3A_0 = arith.constant 0 : index
    %get3A_1 = arith.constant 0 : index
    %get3A_2 = vector.load %arg1[%get3A, %get3A_0, %get3A_1] : memref<8x512x128xf32, #tpu.memory_space<vmem>>, vector<8x512x128xf32>
    %reduce_max3A = arith.constant dense<0xFF800000> : vector<8x128xf32>
    %reduce_max3A_3 = vector.multi_reduction <maximumf>, %get3A_2, %reduce_max3A [1] : vector<8x512x128xf32> to vector<8x128xf32>
    %get3A_4 = arith.constant 0 : index
    %get3A_5 = arith.constant 0 : index
    %get3A_6 = arith.constant 0 : index
    %get3A_7 = vector.load %arg2[%get3A_4, %get3A_5, %get3A_6] : memref<8x512x128xf32, #tpu.memory_space<vmem>>, vector<8x512x128xf32>
    %reduce_max3A_8 = arith.constant dense<0xFF800000> : vector<8x128xf32>
    %reduce_max3A_9 = vector.multi_reduction <maximumf>, %get3A_7, %reduce_max3A_8 [1] : vector<8x512x128xf32> to vector<8x128xf32>
    %get3A_10 = arith.constant 0 : index
    %get3A_11 = arith.constant 0 : index
    %get3A_12 = arith.constant 0 : index
    %get3A_13 = vector.load %arg3[%get3A_10, %get3A_11, %get3A_12] : memref<8x512x128xf32, #tpu.memory_space<vmem>>, vector<8x512x128xf32>
    %reduce_max3A_14 = arith.constant dense<0xFF800000> : vector<8x128xf32>
    %reduce_max3A_15 = vector.multi_reduction <maximumf>, %get3A_13, %reduce_max3A_14 [1] : vector<8x512x128xf32> to vector<8x128xf32>
    %get3A_16 = arith.constant 0 : index
    %get3A_17 = arith.constant 0 : index
    %get3A_18 = arith.constant 0 : index
    %get3A_19 = vector.load %arg4[%get3A_16, %get3A_17, %get3A_18] : memref<8x512x128xf32, #tpu.memory_space<vmem>>, vector<8x512x128xf32>
    %reduce_max3A_20 = arith.constant dense<0xFF800000> : vector<8x128xf32>
    %reduce_max3A_21 = vector.multi_reduction <maximumf>, %get3A_19, %reduce_max3A_20 [1] : vector<8x512x128xf32> to vector<8x128xf32>
    %eq3A = arith.constant 0 : i32
    %eq3A_22 = arith.cmpi eq, %arg0, %eq3A : i32
    %convert_element_type3A = arith.extui %eq3A_22 : i1 to i32
    %cond3A = arith.constant 0 : i32
    %cond3A_23 = arith.cmpi ne, %convert_element_type3A, %cond3A : i32
    scf.if %cond3A_23 {
      %swap3A = arith.constant 0 : index
      %swap3A_33 = arith.constant 0 : index
      %swap3A_34 = vector.load %arg17[%swap3A, %swap3A_33] : memref<8x128xf32, #tpu.memory_space<vmem>>, vector<8x128xf32>
      tpu.vector_store %arg17[%swap3A, %swap3A_33], %reduce_max3A_3 {strides = array<i32>} : memref<8x128xf32, #tpu.memory_space<vmem>>, vector<8x128xf32>,
      %swap3A_35 = arith.constant 0 : index
      %swap3A_36 = arith.constant 0 : index
      %swap3A_37 = vector.load %arg18[%swap3A_35, %swap3A_36] : memref<8x128xf32, #tpu.memory_space<vmem>>, vector<8x128xf32>
      tpu.vector_store %arg18[%swap3A_35, %swap3A_36], %reduce_max3A_9 {strides = array<i32>} : memref<8x128xf32, #tpu.memory_space<vmem>>, vector<8x128xf32>,
      %swap3A_38 = arith.constant 0 : index
      %swap3A_39 = arith.constant 0 : index
      %swap3A_40 = vector.load %arg19[%swap3A_38, %swap3A_39] : memref<8x128xf32, #tpu.memory_space<vmem>>, vector<8x128xf32>
      tpu.vector_store %arg19[%swap3A_38, %swap3A_39], %reduce_max3A_15 {strides = array<i32>} : memref<8x128xf32, #tpu.memory_space<vmem>>, vector<8x128xf32>,
      %swap3A_41 = arith.constant 0 : index
      %swap3A_42 = arith.constant 0 : index
      %swap3A_43 = vector.load %arg20[%swap3A_41, %swap3A_42] : memref<8x128xf32, #tpu.memory_space<vmem>>, vector<8x128xf32>
      tpu.vector_store %arg20[%swap3A_41, %swap3A_42], %reduce_max3A_21 {strides = array<i32>} : memref<8x128xf32, #tpu.memory_space<vmem>>, vector<8x128xf32>,
    } else {
    }
    %gt3A = arith.constant 0 : i32
    %gt3A_24 = arith.cmpi sgt, %arg0, %gt3A : i32
    %convert_element_type3A_25 = arith.extui %gt3A_24 : i1 to i32
    %cond3A_26 = arith.constant 0 : i32
    %cond3A_27 = arith.cmpi ne, %convert_element_type3A_25, %cond3A_26 : i32
    scf.if %cond3A_27 {
      %get3A_33 = arith.constant 0 : index
      %get3A_34 = arith.constant 0 : index
      %get3A_35 = vector.load %arg17[%get3A_33, %get3A_34] : memref<8x128xf32, #tpu.memory_space<vmem>>, vector<8x128xf32>
      %max3A = arith.maximumf %get3A_35, %reduce_max3A_3 : vector<8x128xf32>
      %swap3A = arith.constant 0 : index
      %swap3A_36 = arith.constant 0 : index
      %swap3A_37 = vector.load %arg17[%swap3A, %swap3A_36] : memref<8x128xf32, #tpu.memory_space<vmem>>, vector<8x128xf32>
      tpu.vector_store %arg17[%swap3A, %swap3A_36], %max3A {strides = array<i32>} : memref<8x128xf32, #tpu.memory_space<vmem>>, vector<8x128xf32>,
      %get3A_38 = arith.constant 0 : index
      %get3A_39 = arith.constant 0 : index
      %get3A_40 = vector.load %arg18[%get3A_38, %get3A_39] : memref<8x128xf32, #tpu.memory_space<vmem>>, vector<8x128xf32>
      %max3A_41 = arith.maximumf %get3A_40, %reduce_max3A_9 : vector<8x128xf32>
      %swap3A_42 = arith.constant 0 : index
      %swap3A_43 = arith.constant 0 : index
      %swap3A_44 = vector.load %arg18[%swap3A_42, %swap3A_43] : memref<8x128xf32, #tpu.memory_space<vmem>>, vector<8x128xf32>
      tpu.vector_store %arg18[%swap3A_42, %swap3A_43], %max3A_41 {strides = array<i32>} : memref<8x128xf32, #tpu.memory_space<vmem>>, vector<8x128xf32>,
      %get3A_45 = arith.constant 0 : index
      %get3A_46 = arith.constant 0 : index
      %get3A_47 = vector.load %arg19[%get3A_45, %get3A_46] : memref<8x128xf32, #tpu.memory_space<vmem>>, vector<8x128xf32>
      %max3A_48 = arith.maximumf %get3A_47, %reduce_max3A_15 : vector<8x128xf32>
      %swap3A_49 = arith.constant 0 : index
      %swap3A_50 = arith.constant 0 : index
      %swap3A_51 = vector.load %arg19[%swap3A_49, %swap3A_50] : memref<8x128xf32, #tpu.memory_space<vmem>>, vector<8x128xf32>
      tpu.vector_store %arg19[%swap3A_49, %swap3A_50], %max3A_48 {strides = array<i32>} : memref<8x128xf32, #tpu.memory_space<vmem>>, vector<8x128xf32>,
      %get3A_52 = arith.constant 0 : index
      %get3A_53 = arith.constant 0 : index
      %get3A_54 = vector.load %arg20[%get3A_52, %get3A_53] : memref<8x128xf32, #tpu.memory_space<vmem>>, vector<8x128xf32>
      %max3A_55 = arith.maximumf %get3A_54, %reduce_max3A_21 : vector<8x128xf32>
      %swap3A_56 = arith.constant 0 : index
      %swap3A_57 = arith.constant 0 : index
      %swap3A_58 = vector.load %arg20[%swap3A_56, %swap3A_57] : memref<8x128xf32, #tpu.memory_space<vmem>>, vector<8x128xf32>
      tpu.vector_store %arg20[%swap3A_56, %swap3A_57], %max3A_55 {strides = array<i32>} : memref<8x128xf32, #tpu.memory_space<vmem>>, vector<8x128xf32>,
    } else {
    }
    %eq3A_28 = arith.constant 27 : i32
    %eq3A_29 = arith.cmpi eq, %arg0, %eq3A_28 : i32
    %convert_element_type3A_30 = arith.extui %eq3A_29 : i1 to i32
    %cond3A_31 = arith.constant 0 : i32
    %cond3A_32 = arith.cmpi ne, %convert_element_type3A_30, %cond3A_31 : i32
    scf.if %cond3A_32 {
      %get3A_33 = arith.constant 0 : index
      %get3A_34 = arith.constant 0 : index
      %get3A_35 = vector.load %arg17[%get3A_33, %get3A_34] : memref<8x128xf32, #tpu.memory_space<vmem>>, vector<8x128xf32>
      %swap3A = arith.constant 0 : index
      %swap3A_36 = arith.constant 0 : index
      %swap3A_37 = vector.load %arg9[%swap3A, %swap3A_36] : memref<8x128xf32, #tpu.memory_space<vmem>>, vector<8x128xf32>
      tpu.vector_store %arg9[%swap3A, %swap3A_36], %get3A_35 {strides = array<i32>} : memref<8x128xf32, #tpu.memory_space<vmem>>, vector<8x128xf32>,
      %get3A_38 = arith.constant 0 : index
      %get3A_39 = arith.constant 0 : index
      %get3A_40 = vector.load %arg18[%get3A_38, %get3A_39] : memref<8x128xf32, #tpu.memory_space<vmem>>, vector<8x128xf32>
      %swap3A_41 = arith.constant 0 : index
      %swap3A_42 = arith.constant 0 : index
      %swap3A_43 = vector.load %arg10[%swap3A_41, %swap3A_42] : memref<8x128xf32, #tpu.memory_space<vmem>>, vector<8x128xf32>
      tpu.vector_store %arg10[%swap3A_41, %swap3A_42], %get3A_40 {strides = array<i32>} : memref<8x128xf32, #tpu.memory_space<vmem>>, vector<8x128xf32>,
      %get3A_44 = arith.constant 0 : index
      %get3A_45 = arith.constant 0 : index
      %get3A_46 = vector.load %arg19[%get3A_44, %get3A_45] : memref<8x128xf32, #tpu.memory_space<vmem>>, vector<8x128xf32>
      %swap3A_47 = arith.constant 0 : index
      %swap3A_48 = arith.constant 0 : index
      %swap3A_49 = vector.load %arg11[%swap3A_47, %swap3A_48] : memref<8x128xf32, #tpu.memory_space<vmem>>, vector<8x128xf32>
      tpu.vector_store %arg11[%swap3A_47, %swap3A_48], %get3A_46 {strides = array<i32>} : memref<8x128xf32, #tpu.memory_space<vmem>>, vector<8x128xf32>,
      %get3A_50 = arith.constant 0 : index
      %get3A_51 = arith.constant 0 : index
      %get3A_52 = vector.load %arg20[%get3A_50, %get3A_51] : memref<8x128xf32, #tpu.memory_space<vmem>>, vector<8x128xf32>
      %swap3A_53 = arith.constant 0 : index
      %swap3A_54 = arith.constant 0 : index
      %swap3A_55 = vector.load %arg12[%swap3A_53, %swap3A_54] : memref<8x128xf32, #tpu.memory_space<vmem>>, vector<8x128xf32>
      tpu.vector_store %arg12[%swap3A_53, %swap3A_54], %get3A_52 {strides = array<i32>} : memref<8x128xf32, #tpu.memory_space<vmem>>, vector<8x128xf32>,
      %get3A_56 = arith.constant 0 : index
      %get3A_57 = arith.constant 0 : index
      %get3A_58 = arith.constant 0 : index
      %get3A_59 = vector.load %arg5[%get3A_56, %get3A_57, %get3A_58] : memref<8x3x16384xf32, #tpu.memory_space<vmem>>, vector<8x3x16384xf32>
      %reduce_max3A_60 = arith.constant dense<0xFF800000> : vector<8x3xf32>
      %reduce_max3A_61 = vector.multi_reduction <maximumf>, %get3A_59, %reduce_max3A_60 [2] : vector<8x3x16384xf32> to vector<8x3xf32>
      %swap3A_62 = arith.constant 0 : index
      %swap3A_63 = arith.constant 0 : index
      %swap3A_64 = vector.load %arg13[%swap3A_62, %swap3A_63] : memref<8x3xf32, #tpu.memory_space<vmem>>, vector<8x3xf32>
      tpu.vector_store %arg13[%swap3A_62, %swap3A_63], %reduce_max3A_61 {strides = array<i32>} : memref<8x3xf32, #tpu.memory_space<vmem>>, vector<8x3xf32>,
      %get3A_65 = arith.constant 0 : index
      %get3A_66 = arith.constant 0 : index
      %get3A_67 = arith.constant 0 : index
      %get3A_68 = vector.load %arg6[%get3A_65, %get3A_66, %get3A_67] : memref<8x2x16384xf32, #tpu.memory_space<vmem>>, vector<8x2x16384xf32>
      %reduce_max3A_69 = arith.constant dense<0xFF800000> : vector<8x2xf32>
      %reduce_max3A_70 = vector.multi_reduction <maximumf>, %get3A_68, %reduce_max3A_69 [2] : vector<8x2x16384xf32> to vector<8x2xf32>
      %swap3A_71 = arith.constant 0 : index
      %swap3A_72 = arith.constant 0 : index
      %swap3A_73 = vector.load %arg14[%swap3A_71, %swap3A_72] : memref<8x2xf32, #tpu.memory_space<vmem>>, vector<8x2xf32>
      tpu.vector_store %arg14[%swap3A_71, %swap3A_72], %reduce_max3A_70 {strides = array<i32>} : memref<8x2xf32, #tpu.memory_space<vmem>>, vector<8x2xf32>,
      %get3A_74 = arith.constant 0 : index
      %get3A_75 = arith.constant 0 : index
      %get3A_76 = arith.constant 0 : index
      %get3A_77 = vector.load %arg7[%get3A_74, %get3A_75, %get3A_76] : memref<8x4x16384xf32, #tpu.memory_space<vmem>>, vector<8x4x16384xf32>
      %reduce_max3A_78 = arith.constant dense<0xFF800000> : vector<8x4xf32>
      %reduce_max3A_79 = vector.multi_reduction <maximumf>, %get3A_77, %reduce_max3A_78 [2] : vector<8x4x16384xf32> to vector<8x4xf32>
      %swap3A_80 = arith.constant 0 : index
      %swap3A_81 = arith.constant 0 : index
      %swap3A_82 = vector.load %arg15[%swap3A_80, %swap3A_81] : memref<8x4xf32, #tpu.memory_space<vmem>>, vector<8x4xf32>
      tpu.vector_store %arg15[%swap3A_80, %swap3A_81], %reduce_max3A_79 {strides = array<i32>} : memref<8x4xf32, #tpu.memory_space<vmem>>, vector<8x4xf32>,
      %get3A_83 = arith.constant 0 : index
      %get3A_84 = arith.constant 0 : index
      %get3A_85 = arith.constant 0 : index
      %get3A_86 = vector.load %arg8[%get3A_83, %get3A_84, %get3A_85] : memref<8x3x16384xf32, #tpu.memory_space<vmem>>, vector<8x3x16384xf32>
      %reduce_max3A_87 = arith.constant dense<0xFF800000> : vector<8x3xf32>
      %reduce_max3A_88 = vector.multi_reduction <maximumf>, %get3A_86, %reduce_max3A_87 [2] : vector<8x3x16384xf32> to vector<8x3xf32>
      %swap3A_89 = arith.constant 0 : index
      %swap3A_90 = arith.constant 0 : index
      %swap3A_91 = vector.load %arg16[%swap3A_89, %swap3A_90] : memref<8x3xf32, #tpu.memory_space<vmem>>, vector<8x3xf32>
      tpu.vector_store %arg16[%swap3A_89, %swap3A_90], %reduce_max3A_88 {strides = array<i32>} : memref<8x3xf32, #tpu.memory_space<vmem>>, vector<8x3xf32>,
    } else {
    }
    return
  }
  func.func @transform_0(%arg0: i32) -> (i32, i32, i32) {
    %add3A = arith.constant 4 : i32
    %add3A_0 = arith.addi %add3A, %arg0 : i32
    %c0_i32 = arith.constant 0 : i32
    %c0_i32_1 = arith.constant 0 : i32
    %c0_i32_2 = arith.constant 0 : i32
    return %c0_i32, %add3A_0, %c0_i32_1 : i32, i32, i32
  }
  func.func @transform_1(%arg0: i32) -> (i32, i32, i32) {
    %add3A = arith.constant 4 : i32
    %add3A_0 = arith.addi %add3A, %arg0 : i32
    %c0_i32 = arith.constant 0 : i32
    %c0_i32_1 = arith.constant 0 : i32
    %c0_i32_2 = arith.constant 0 : i32
    return %c0_i32, %add3A_0, %c0_i32_1 : i32, i32, i32
  }
  func.func @transform_2(%arg0: i32) -> (i32, i32, i32) {
    %add3A = arith.constant 4 : i32
    %add3A_0 = arith.addi %add3A, %arg0 : i32
    %c0_i32 = arith.constant 0 : i32
    %c0_i32_1 = arith.constant 0 : i32
    %c0_i32_2 = arith.constant 0 : i32
    return %c0_i32, %add3A_0, %c0_i32_1 : i32, i32, i32
  }
  func.func @transform_3(%arg0: i32) -> (i32, i32, i32) {
    %add3A = arith.constant 4 : i32
    %add3A_0 = arith.addi %add3A, %arg0 : i32
    %c0_i32 = arith.constant 0 : i32
    %c0_i32_1 = arith.constant 0 : i32
    %c0_i32_2 = arith.constant 0 : i32
    return %c0_i32, %add3A_0, %c0_i32_1 : i32, i32, i32
  }
  func.func @transform_4(%arg0: i32) -> (i32, i32, i32) {
    %c0_i32 = arith.constant 0 : i32
    %c0_i32_0 = arith.constant 0 : i32
    %c0_i32_1 = arith.constant 0 : i32
    %c0_i32_2 = arith.constant 0 : i32
    return %c0_i32, %c0_i32_0, %c0_i32_1 : i32, i32, i32
  }
  func.func @transform_5(%arg0: i32) -> (i32, i32, i32) {
    %c0_i32 = arith.constant 0 : i32
    %c0_i32_0 = arith.constant 0 : i32
    %c0_i32_1 = arith.constant 0 : i32
    %c0_i32_2 = arith.constant 0 : i32
    return %c0_i32, %c0_i32_0, %c0_i32_1 : i32, i32, i32
  }
  func.func @transform_6(%arg0: i32) -> (i32, i32, i32) {
    %c0_i32 = arith.constant 0 : i32
    %c0_i32_0 = arith.constant 0 : i32
    %c0_i32_1 = arith.constant 0 : i32
    %c0_i32_2 = arith.constant 0 : i32
    return %c0_i32, %c0_i32_0, %c0_i32_1 : i32, i32, i32
  }
  func.func @transform_7(%arg0: i32) -> (i32, i32, i32) {
    %c0_i32 = arith.constant 0 : i32
    %c0_i32_0 = arith.constant 0 : i32
    %c0_i32_1 = arith.constant 0 : i32
    %c0_i32_2 = arith.constant 0 : i32
    return %c0_i32, %c0_i32_0, %c0_i32_1 : i32, i32, i32
  }
  func.func @transform_8(%arg0: i32) -> (i32, i32) {
    %c0_i32 = arith.constant 0 : i32
    %c0_i32_0 = arith.constant 0 : i32
    %c0_i32_1 = arith.constant 0 : i32
    return %c0_i32, %c0_i32_0 : i32, i32
  }
  func.func @transform_9(%arg0: i32) -> (i32, i32) {
    %c0_i32 = arith.constant 0 : i32
    %c0_i32_0 = arith.constant 0 : i32
    %c0_i32_1 = arith.constant 0 : i32
    return %c0_i32, %c0_i32_0 : i32, i32
  }
  func.func @transform_10(%arg0: i32) -> (i32, i32) {
    %c0_i32 = arith.constant 0 : i32
    %c0_i32_0 = arith.constant 0 : i32
    %c0_i32_1 = arith.constant 0 : i32
    return %c0_i32, %c0_i32_0 : i32, i32
  }
  func.func @transform_11(%arg0: i32) -> (i32, i32) {
    %c0_i32 = arith.constant 0 : i32
    %c0_i32_0 = arith.constant 0 : i32
    %c0_i32_1 = arith.constant 0 : i32
    return %c0_i32, %c0_i32_0 : i32, i32
  }
  func.func @transform_12(%arg0: i32) -> (i32, i32) {
    %c0_i32 = arith.constant 0 : i32
    %c0_i32_0 = arith.constant 0 : i32
    %c0_i32_1 = arith.constant 0 : i32
    return %c0_i32, %c0_i32_0 : i32, i32
  }
  func.func @transform_13(%arg0: i32) -> (i32, i32) {
    %c0_i32 = arith.constant 0 : i32
    %c0_i32_0 = arith.constant 0 : i32
    %c0_i32_1 = arith.constant 0 : i32
    return %c0_i32, %c0_i32_0 : i32, i32
  }
  func.func @transform_14(%arg0: i32) -> (i32, i32) {
    %c0_i32 = arith.constant 0 : i32
    %c0_i32_0 = arith.constant 0 : i32
    %c0_i32_1 = arith.constant 0 : i32
    return %c0_i32, %c0_i32_0 : i32, i32
  }
  func.func @transform_15(%arg0: i32) -> (i32, i32) {
    %c0_i32 = arith.constant 0 : i32
    %c0_i32_0 = arith.constant 0 : i32
    %c0_i32_1 = arith.constant 0 : i32
    return %c0_i32, %c0_i32_0 : i32, i32
  }
}

module attributes {stable_mosaic.version = 14 : i64} {
  func.func @_finish_body(%arg0: memref<4x4x8x128xf32, #tpu.memory_space<vmem>>, %arg1: memref<8x128xf32, #tpu.memory_space<vmem>>, %arg2: memref<8x128xf32, #tpu.memory_space<vmem>>, %arg3: memref<8x128xf32, #tpu.memory_space<vmem>>, %arg4: memref<8x128xf32, #tpu.memory_space<vmem>>, %arg5: memref<8x3xf32, #tpu.memory_space<vmem>>, %arg6: memref<8x2xf32, #tpu.memory_space<vmem>>, %arg7: memref<8x4xf32, #tpu.memory_space<vmem>>, %arg8: memref<8x3xf32, #tpu.memory_space<vmem>>, %arg9: memref<131x128xf32, #tpu.memory_space<vmem>>, %arg10: memref<1x128xf32, #tpu.memory_space<vmem>>, %arg11: memref<128x128xf32, #tpu.memory_space<vmem>>, %arg12: memref<1x128xf32, #tpu.memory_space<vmem>>, %arg13: memref<132x128xf32, #tpu.memory_space<vmem>>, %arg14: memref<1x128xf32, #tpu.memory_space<vmem>>, %arg15: memref<128x128xf32, #tpu.memory_space<vmem>>, %arg16: memref<1x128xf32, #tpu.memory_space<vmem>>, %arg17: memref<136x128xf32, #tpu.memory_space<vmem>>, %arg18: memref<1x128xf32, #tpu.memory_space<vmem>>, %arg19: memref<128x128xf32, #tpu.memory_space<vmem>>, %arg20: memref<1x128xf32, #tpu.memory_space<vmem>>, %arg21: memref<131x128xf32, #tpu.memory_space<vmem>>, %arg22: memref<1x128xf32, #tpu.memory_space<vmem>>, %arg23: memref<128x128xf32, #tpu.memory_space<vmem>>, %arg24: memref<1x128xf32, #tpu.memory_space<vmem>>, %arg25: memref<8x128xf32, #tpu.memory_space<vmem>>, %arg26: memref<8x128xf32, #tpu.memory_space<vmem>>, %arg27: memref<8x128xf32, #tpu.memory_space<vmem>>, %arg28: memref<8x128xf32, #tpu.memory_space<vmem>>) attributes {dimension_semantics = [], scalar_prefetch = 0 : i64, scratch_operands = 0 : i64, tpu.core_type = #tpu.core_type<tc>} {
    %get3A = arith.constant 0 : index
    %get3A_0 = arith.constant 0 : index
    %get3A_1 = arith.constant 0 : index
    %get3A_2 = arith.constant 0 : index
    %get3A_3 = vector.load %arg0[%get3A, %get3A_0, %get3A_1, %get3A_2] : memref<4x4x8x128xf32, #tpu.memory_space<vmem>>, vector<1x4x8x128xf32>
    %get3A_4 = vector.shape_cast %get3A_3 : vector<1x4x8x128xf32> to vector<4x8x128xf32>
    %reduce_max3A = arith.constant dense<0xFF800000> : vector<8x128xf32>
    %reduce_max3A_5 = vector.multi_reduction <maximumf>, %get3A_4, %reduce_max3A [0] : vector<4x8x128xf32> to vector<8x128xf32>
    %get3A_6 = arith.constant 0 : index
    %get3A_7 = arith.constant 0 : index
    %get3A_8 = vector.load %arg1[%get3A_6, %get3A_7] : memref<8x128xf32, #tpu.memory_space<vmem>>, vector<8x128xf32>
    %max3A = arith.maximumf %reduce_max3A_5, %get3A_8 : vector<8x128xf32>
    %get3A_9 = arith.constant 1 : index
    %get3A_10 = arith.constant 0 : index
    %get3A_11 = arith.constant 0 : index
    %get3A_12 = arith.constant 0 : index
    %get3A_13 = vector.load %arg0[%get3A_9, %get3A_10, %get3A_11, %get3A_12] : memref<4x4x8x128xf32, #tpu.memory_space<vmem>>, vector<1x4x8x128xf32>
    %get3A_14 = vector.shape_cast %get3A_13 : vector<1x4x8x128xf32> to vector<4x8x128xf32>
    %reduce_max3A_15 = arith.constant dense<0xFF800000> : vector<8x128xf32>
    %reduce_max3A_16 = vector.multi_reduction <maximumf>, %get3A_14, %reduce_max3A_15 [0] : vector<4x8x128xf32> to vector<8x128xf32>
    %get3A_17 = arith.constant 0 : index
    %get3A_18 = arith.constant 0 : index
    %get3A_19 = vector.load %arg2[%get3A_17, %get3A_18] : memref<8x128xf32, #tpu.memory_space<vmem>>, vector<8x128xf32>
    %max3A_20 = arith.maximumf %reduce_max3A_16, %get3A_19 : vector<8x128xf32>
    %get3A_21 = arith.constant 2 : index
    %get3A_22 = arith.constant 0 : index
    %get3A_23 = arith.constant 0 : index
    %get3A_24 = arith.constant 0 : index
    %get3A_25 = vector.load %arg0[%get3A_21, %get3A_22, %get3A_23, %get3A_24] : memref<4x4x8x128xf32, #tpu.memory_space<vmem>>, vector<1x4x8x128xf32>
    %get3A_26 = vector.shape_cast %get3A_25 : vector<1x4x8x128xf32> to vector<4x8x128xf32>
    %reduce_max3A_27 = arith.constant dense<0xFF800000> : vector<8x128xf32>
    %reduce_max3A_28 = vector.multi_reduction <maximumf>, %get3A_26, %reduce_max3A_27 [0] : vector<4x8x128xf32> to vector<8x128xf32>
    %get3A_29 = arith.constant 0 : index
    %get3A_30 = arith.constant 0 : index
    %get3A_31 = vector.load %arg3[%get3A_29, %get3A_30] : memref<8x128xf32, #tpu.memory_space<vmem>>, vector<8x128xf32>
    %max3A_32 = arith.maximumf %reduce_max3A_28, %get3A_31 : vector<8x128xf32>
    %get3A_33 = arith.constant 3 : index
    %get3A_34 = arith.constant 0 : index
    %get3A_35 = arith.constant 0 : index
    %get3A_36 = arith.constant 0 : index
    %get3A_37 = vector.load %arg0[%get3A_33, %get3A_34, %get3A_35, %get3A_36] : memref<4x4x8x128xf32, #tpu.memory_space<vmem>>, vector<1x4x8x128xf32>
    %get3A_38 = vector.shape_cast %get3A_37 : vector<1x4x8x128xf32> to vector<4x8x128xf32>
    %reduce_max3A_39 = arith.constant dense<0xFF800000> : vector<8x128xf32>
    %reduce_max3A_40 = vector.multi_reduction <maximumf>, %get3A_38, %reduce_max3A_39 [0] : vector<4x8x128xf32> to vector<8x128xf32>
    %get3A_41 = arith.constant 0 : index
    %get3A_42 = arith.constant 0 : index
    %get3A_43 = vector.load %arg4[%get3A_41, %get3A_42] : memref<8x128xf32, #tpu.memory_space<vmem>>, vector<8x128xf32>
    %max3A_44 = arith.maximumf %reduce_max3A_40, %get3A_43 : vector<8x128xf32>
    %get3A_45 = arith.constant 0 : index
    %get3A_46 = arith.constant 0 : index
    %get3A_47 = vector.load %arg5[%get3A_45, %get3A_46] : memref<8x3xf32, #tpu.memory_space<vmem>>, vector<8x3xf32>
    %get3A_48 = arith.constant 0 : index
    %get3A_49 = arith.constant 0 : index
    %get3A_50 = vector.load %arg9[%get3A_48, %get3A_49] : memref<131x128xf32, #tpu.memory_space<vmem>>, vector<128x128xf32>
    %dot_general3A = arith.constant dense<0.000000e+00> : vector<8x128xf32>
    %dot_general3A_51 = tpu.matmul %max3A, %get3A_50, %dot_general3A {dimension_numbers = #tpu.dot_dimension_numbers<[1], [0], [0], [1], [0, 0, 1, 1], [], []>, transpose_lhs_hint = false} : vector<8x128xf32>, vector<128x128xf32>, vector<8x128xf32> -> vector<8x128xf32>
    %get3A_52 = arith.constant 128 : index
    %get3A_53 = arith.constant 0 : index
    %get3A_54 = vector.load %arg9[%get3A_52, %get3A_53] : memref<131x128xf32, #tpu.memory_space<vmem>>, vector<3x128xf32>
    %slice3A = vector.extract_strided_slice %get3A_47 {offsets = [0, 0], sizes = [8, 1], strides = [1, 1]} : vector<8x3xf32> to vector<8x1xf32>
    %slice3A_55 = vector.extract_strided_slice %get3A_54 {offsets = [0, 0], sizes = [1, 128], strides = [1, 1]} : vector<3x128xf32> to vector<1x128xf32>
    %mul3A = vector.broadcast %slice3A : vector<8x1xf32> to vector<8x128xf32>
    %mul3A_56 = vector.broadcast %slice3A_55 : vector<1x128xf32> to vector<8x128xf32>
    %mul3A_57 = arith.mulf %mul3A, %mul3A_56 : vector<8x128xf32>
    %add3A = arith.addf %dot_general3A_51, %mul3A_57 : vector<8x128xf32>
    %slice3A_58 = vector.extract_strided_slice %get3A_47 {offsets = [0, 1], sizes = [8, 1], strides = [1, 1]} : vector<8x3xf32> to vector<8x1xf32>
    %slice3A_59 = vector.extract_strided_slice %get3A_54 {offsets = [1, 0], sizes = [1, 128], strides = [1, 1]} : vector<3x128xf32> to vector<1x128xf32>
    %mul3A_60 = vector.broadcast %slice3A_58 : vector<8x1xf32> to vector<8x128xf32>
    %mul3A_61 = vector.broadcast %slice3A_59 : vector<1x128xf32> to vector<8x128xf32>
    %mul3A_62 = arith.mulf %mul3A_60, %mul3A_61 : vector<8x128xf32>
    %add3A_63 = arith.addf %add3A, %mul3A_62 : vector<8x128xf32>
    %slice3A_64 = vector.extract_strided_slice %get3A_47 {offsets = [0, 2], sizes = [8, 1], strides = [1, 1]} : vector<8x3xf32> to vector<8x1xf32>
    %slice3A_65 = vector.extract_strided_slice %get3A_54 {offsets = [2, 0], sizes = [1, 128], strides = [1, 1]} : vector<3x128xf32> to vector<1x128xf32>
    %mul3A_66 = vector.broadcast %slice3A_64 : vector<8x1xf32> to vector<8x128xf32>
    %mul3A_67 = vector.broadcast %slice3A_65 : vector<1x128xf32> to vector<8x128xf32>
    %mul3A_68 = arith.mulf %mul3A_66, %mul3A_67 : vector<8x128xf32>
    %add3A_69 = arith.addf %add3A_63, %mul3A_68 : vector<8x128xf32>
    %get3A_70 = arith.constant 0 : index
    %get3A_71 = arith.constant 0 : index
    %get3A_72 = vector.load %arg10[%get3A_70, %get3A_71] : memref<1x128xf32, #tpu.memory_space<vmem>>, vector<1x128xf32>
    %add3A_73 = vector.broadcast %get3A_72 : vector<1x128xf32> to vector<8x128xf32>
    %add3A_74 = arith.addf %add3A_69, %add3A_73 : vector<8x128xf32>
    %max3A_75 = arith.constant 0.000000e+00 : f32
    %max3A_76 = vector.broadcast %max3A_75 : f32 to vector<8x128xf32>
    %max3A_77 = arith.maximumf %add3A_74, %max3A_76 : vector<8x128xf32>
    %get3A_78 = arith.constant 0 : index
    %get3A_79 = arith.constant 0 : index
    %get3A_80 = vector.load %arg11[%get3A_78, %get3A_79] : memref<128x128xf32, #tpu.memory_space<vmem>>, vector<128x128xf32>
    %dot_general3A_81 = arith.constant dense<0.000000e+00> : vector<8x128xf32>
    %dot_general3A_82 = tpu.matmul %max3A_77, %get3A_80, %dot_general3A_81 {dimension_numbers = #tpu.dot_dimension_numbers<[1], [0], [0], [1], [0, 0, 1, 1], [], []>, transpose_lhs_hint = false} : vector<8x128xf32>, vector<128x128xf32>, vector<8x128xf32> -> vector<8x128xf32>
    %get3A_83 = arith.constant 0 : index
    %get3A_84 = arith.constant 0 : index
    %get3A_85 = vector.load %arg12[%get3A_83, %get3A_84] : memref<1x128xf32, #tpu.memory_space<vmem>>, vector<1x128xf32>
    %add3A_86 = vector.broadcast %get3A_85 : vector<1x128xf32> to vector<8x128xf32>
    %add3A_87 = arith.addf %dot_general3A_82, %add3A_86 : vector<8x128xf32>
    %max3A_88 = arith.constant 0.000000e+00 : f32
    %max3A_89 = vector.broadcast %max3A_88 : f32 to vector<8x128xf32>
    %max3A_90 = arith.maximumf %add3A_87, %max3A_89 : vector<8x128xf32>
    %swap3A = arith.constant 0 : index
    %swap3A_91 = arith.constant 0 : index
    %swap3A_92 = vector.load %arg25[%swap3A, %swap3A_91] : memref<8x128xf32, #tpu.memory_space<vmem>>, vector<8x128xf32>
    tpu.vector_store %arg25[%swap3A, %swap3A_91], %max3A_90 {strides = array<i32>} : memref<8x128xf32, #tpu.memory_space<vmem>>, vector<8x128xf32>,
    %get3A_93 = arith.constant 0 : index
    %get3A_94 = arith.constant 0 : index
    %get3A_95 = vector.load %arg6[%get3A_93, %get3A_94] : memref<8x2xf32, #tpu.memory_space<vmem>>, vector<8x2xf32>
    %get3A_96 = arith.constant 0 : index
    %get3A_97 = arith.constant 0 : index
    %get3A_98 = vector.load %arg13[%get3A_96, %get3A_97] : memref<132x128xf32, #tpu.memory_space<vmem>>, vector<128x128xf32>
    %dot_general3A_99 = arith.constant dense<0.000000e+00> : vector<8x128xf32>
    %dot_general3A_100 = tpu.matmul %max3A_20, %get3A_98, %dot_general3A_99 {dimension_numbers = #tpu.dot_dimension_numbers<[1], [0], [0], [1], [0, 0, 1, 1], [], []>, transpose_lhs_hint = false} : vector<8x128xf32>, vector<128x128xf32>, vector<8x128xf32> -> vector<8x128xf32>
    %get3A_101 = arith.constant 128 : index
    %get3A_102 = arith.constant 0 : index
    %get3A_103 = vector.load %arg13[%get3A_101, %get3A_102] : memref<132x128xf32, #tpu.memory_space<vmem>>, vector<4x128xf32>
    %slice3A_104 = vector.extract_strided_slice %get3A_95 {offsets = [0, 0], sizes = [8, 1], strides = [1, 1]} : vector<8x2xf32> to vector<8x1xf32>
    %slice3A_105 = vector.extract_strided_slice %get3A_103 {offsets = [0, 0], sizes = [1, 128], strides = [1, 1]} : vector<4x128xf32> to vector<1x128xf32>
    %mul3A_106 = vector.broadcast %slice3A_104 : vector<8x1xf32> to vector<8x128xf32>
    %mul3A_107 = vector.broadcast %slice3A_105 : vector<1x128xf32> to vector<8x128xf32>
    %mul3A_108 = arith.mulf %mul3A_106, %mul3A_107 : vector<8x128xf32>
    %add3A_109 = arith.addf %dot_general3A_100, %mul3A_108 : vector<8x128xf32>
    %slice3A_110 = vector.extract_strided_slice %get3A_95 {offsets = [0, 1], sizes = [8, 1], strides = [1, 1]} : vector<8x2xf32> to vector<8x1xf32>
    %slice3A_111 = vector.extract_strided_slice %get3A_103 {offsets = [1, 0], sizes = [1, 128], strides = [1, 1]} : vector<4x128xf32> to vector<1x128xf32>
    %mul3A_112 = vector.broadcast %slice3A_110 : vector<8x1xf32> to vector<8x128xf32>
    %mul3A_113 = vector.broadcast %slice3A_111 : vector<1x128xf32> to vector<8x128xf32>
    %mul3A_114 = arith.mulf %mul3A_112, %mul3A_113 : vector<8x128xf32>
    %add3A_115 = arith.addf %add3A_109, %mul3A_114 : vector<8x128xf32>
    %slice3A_116 = vector.extract_strided_slice %get3A_95 {offsets = [0, 0], sizes = [8, 1], strides = [1, 1]} : vector<8x2xf32> to vector<8x1xf32>
    %slice3A_117 = vector.extract_strided_slice %get3A_103 {offsets = [2, 0], sizes = [1, 128], strides = [1, 1]} : vector<4x128xf32> to vector<1x128xf32>
    %mul3A_118 = vector.broadcast %slice3A_116 : vector<8x1xf32> to vector<8x128xf32>
    %mul3A_119 = vector.broadcast %slice3A_117 : vector<1x128xf32> to vector<8x128xf32>
    %mul3A_120 = arith.mulf %mul3A_118, %mul3A_119 : vector<8x128xf32>
    %add3A_121 = arith.addf %add3A_115, %mul3A_120 : vector<8x128xf32>
    %slice3A_122 = vector.extract_strided_slice %get3A_95 {offsets = [0, 1], sizes = [8, 1], strides = [1, 1]} : vector<8x2xf32> to vector<8x1xf32>
    %slice3A_123 = vector.extract_strided_slice %get3A_103 {offsets = [3, 0], sizes = [1, 128], strides = [1, 1]} : vector<4x128xf32> to vector<1x128xf32>
    %mul3A_124 = vector.broadcast %slice3A_122 : vector<8x1xf32> to vector<8x128xf32>
    %mul3A_125 = vector.broadcast %slice3A_123 : vector<1x128xf32> to vector<8x128xf32>
    %mul3A_126 = arith.mulf %mul3A_124, %mul3A_125 : vector<8x128xf32>
    %add3A_127 = arith.addf %add3A_121, %mul3A_126 : vector<8x128xf32>
    %get3A_128 = arith.constant 0 : index
    %get3A_129 = arith.constant 0 : index
    %get3A_130 = vector.load %arg14[%get3A_128, %get3A_129] : memref<1x128xf32, #tpu.memory_space<vmem>>, vector<1x128xf32>
    %add3A_131 = vector.broadcast %get3A_130 : vector<1x128xf32> to vector<8x128xf32>
    %add3A_132 = arith.addf %add3A_127, %add3A_131 : vector<8x128xf32>
    %max3A_133 = arith.constant 0.000000e+00 : f32
    %max3A_134 = vector.broadcast %max3A_133 : f32 to vector<8x128xf32>
    %max3A_135 = arith.maximumf %add3A_132, %max3A_134 : vector<8x128xf32>
    %get3A_136 = arith.constant 0 : index
    %get3A_137 = arith.constant 0 : index
    %get3A_138 = vector.load %arg15[%get3A_136, %get3A_137] : memref<128x128xf32, #tpu.memory_space<vmem>>, vector<128x128xf32>
    %dot_general3A_139 = arith.constant dense<0.000000e+00> : vector<8x128xf32>
    %dot_general3A_140 = tpu.matmul %max3A_135, %get3A_138, %dot_general3A_139 {dimension_numbers = #tpu.dot_dimension_numbers<[1], [0], [0], [1], [0, 0, 1, 1], [], []>, transpose_lhs_hint = false} : vector<8x128xf32>, vector<128x128xf32>, vector<8x128xf32> -> vector<8x128xf32>
    %get3A_141 = arith.constant 0 : index
    %get3A_142 = arith.constant 0 : index
    %get3A_143 = vector.load %arg16[%get3A_141, %get3A_142] : memref<1x128xf32, #tpu.memory_space<vmem>>, vector<1x128xf32>
    %add3A_144 = vector.broadcast %get3A_143 : vector<1x128xf32> to vector<8x128xf32>
    %add3A_145 = arith.addf %dot_general3A_140, %add3A_144 : vector<8x128xf32>
    %max3A_146 = arith.constant 0.000000e+00 : f32
    %max3A_147 = vector.broadcast %max3A_146 : f32 to vector<8x128xf32>
    %max3A_148 = arith.maximumf %add3A_145, %max3A_147 : vector<8x128xf32>
    %swap3A_149 = arith.constant 0 : index
    %swap3A_150 = arith.constant 0 : index
    %swap3A_151 = vector.load %arg26[%swap3A_149, %swap3A_150] : memref<8x128xf32, #tpu.memory_space<vmem>>, vector<8x128xf32>
    tpu.vector_store %arg26[%swap3A_149, %swap3A_150], %max3A_148 {strides = array<i32>} : memref<8x128xf32, #tpu.memory_space<vmem>>, vector<8x128xf32>,
    %get3A_152 = arith.constant 0 : index
    %get3A_153 = arith.constant 0 : index
    %get3A_154 = vector.load %arg7[%get3A_152, %get3A_153] : memref<8x4xf32, #tpu.memory_space<vmem>>, vector<8x4xf32>
    %get3A_155 = arith.constant 0 : index
    %get3A_156 = arith.constant 0 : index
    %get3A_157 = vector.load %arg17[%get3A_155, %get3A_156] : memref<136x128xf32, #tpu.memory_space<vmem>>, vector<128x128xf32>
    %dot_general3A_158 = arith.constant dense<0.000000e+00> : vector<8x128xf32>
    %dot_general3A_159 = tpu.matmul %max3A_32, %get3A_157, %dot_general3A_158 {dimension_numbers = #tpu.dot_dimension_numbers<[1], [0], [0], [1], [0, 0, 1, 1], [], []>, transpose_lhs_hint = false} : vector<8x128xf32>, vector<128x128xf32>, vector<8x128xf32> -> vector<8x128xf32>
    %get3A_160 = arith.constant 128 : index
    %get3A_161 = arith.constant 0 : index
    %get3A_162 = vector.load %arg17[%get3A_160, %get3A_161] : memref<136x128xf32, #tpu.memory_space<vmem>>, vector<8x128xf32>
    %slice3A_163 = vector.extract_strided_slice %get3A_154 {offsets = [0, 0], sizes = [8, 1], strides = [1, 1]} : vector<8x4xf32> to vector<8x1xf32>
    %slice3A_164 = vector.extract_strided_slice %get3A_162 {offsets = [0, 0], sizes = [1, 128], strides = [1, 1]} : vector<8x128xf32> to vector<1x128xf32>
    %mul3A_165 = vector.broadcast %slice3A_163 : vector<8x1xf32> to vector<8x128xf32>
    %mul3A_166 = vector.broadcast %slice3A_164 : vector<1x128xf32> to vector<8x128xf32>
    %mul3A_167 = arith.mulf %mul3A_165, %mul3A_166 : vector<8x128xf32>
    %add3A_168 = arith.addf %dot_general3A_159, %mul3A_167 : vector<8x128xf32>
    %slice3A_169 = vector.extract_strided_slice %get3A_154 {offsets = [0, 1], sizes = [8, 1], strides = [1, 1]} : vector<8x4xf32> to vector<8x1xf32>
    %slice3A_170 = vector.extract_strided_slice %get3A_162 {offsets = [1, 0], sizes = [1, 128], strides = [1, 1]} : vector<8x128xf32> to vector<1x128xf32>
    %mul3A_171 = vector.broadcast %slice3A_169 : vector<8x1xf32> to vector<8x128xf32>
    %mul3A_172 = vector.broadcast %slice3A_170 : vector<1x128xf32> to vector<8x128xf32>
    %mul3A_173 = arith.mulf %mul3A_171, %mul3A_172 : vector<8x128xf32>
    %add3A_174 = arith.addf %add3A_168, %mul3A_173 : vector<8x128xf32>
    %slice3A_175 = vector.extract_strided_slice %get3A_154 {offsets = [0, 2], sizes = [8, 1], strides = [1, 1]} : vector<8x4xf32> to vector<8x1xf32>
    %slice3A_176 = vector.extract_strided_slice %get3A_162 {offsets = [2, 0], sizes = [1, 128], strides = [1, 1]} : vector<8x128xf32> to vector<1x128xf32>
    %mul3A_177 = vector.broadcast %slice3A_175 : vector<8x1xf32> to vector<8x128xf32>
    %mul3A_178 = vector.broadcast %slice3A_176 : vector<1x128xf32> to vector<8x128xf32>
    %mul3A_179 = arith.mulf %mul3A_177, %mul3A_178 : vector<8x128xf32>
    %add3A_180 = arith.addf %add3A_174, %mul3A_179 : vector<8x128xf32>
    %slice3A_181 = vector.extract_strided_slice %get3A_154 {offsets = [0, 3], sizes = [8, 1], strides = [1, 1]} : vector<8x4xf32> to vector<8x1xf32>
    %slice3A_182 = vector.extract_strided_slice %get3A_162 {offsets = [3, 0], sizes = [1, 128], strides = [1, 1]} : vector<8x128xf32> to vector<1x128xf32>
    %mul3A_183 = vector.broadcast %slice3A_181 : vector<8x1xf32> to vector<8x128xf32>
    %mul3A_184 = vector.broadcast %slice3A_182 : vector<1x128xf32> to vector<8x128xf32>
    %mul3A_185 = arith.mulf %mul3A_183, %mul3A_184 : vector<8x128xf32>
    %add3A_186 = arith.addf %add3A_180, %mul3A_185 : vector<8x128xf32>
    %slice3A_187 = vector.extract_strided_slice %get3A_154 {offsets = [0, 0], sizes = [8, 1], strides = [1, 1]} : vector<8x4xf32> to vector<8x1xf32>
    %slice3A_188 = vector.extract_strided_slice %get3A_162 {offsets = [4, 0], sizes = [1, 128], strides = [1, 1]} : vector<8x128xf32> to vector<1x128xf32>
    %mul3A_189 = vector.broadcast %slice3A_187 : vector<8x1xf32> to vector<8x128xf32>
    %mul3A_190 = vector.broadcast %slice3A_188 : vector<1x128xf32> to vector<8x128xf32>
    %mul3A_191 = arith.mulf %mul3A_189, %mul3A_190 : vector<8x128xf32>
    %add3A_192 = arith.addf %add3A_186, %mul3A_191 : vector<8x128xf32>
    %slice3A_193 = vector.extract_strided_slice %get3A_154 {offsets = [0, 1], sizes = [8, 1], strides = [1, 1]} : vector<8x4xf32> to vector<8x1xf32>
    %slice3A_194 = vector.extract_strided_slice %get3A_162 {offsets = [5, 0], sizes = [1, 128], strides = [1, 1]} : vector<8x128xf32> to vector<1x128xf32>
    %mul3A_195 = vector.broadcast %slice3A_193 : vector<8x1xf32> to vector<8x128xf32>
    %mul3A_196 = vector.broadcast %slice3A_194 : vector<1x128xf32> to vector<8x128xf32>
    %mul3A_197 = arith.mulf %mul3A_195, %mul3A_196 : vector<8x128xf32>
    %add3A_198 = arith.addf %add3A_192, %mul3A_197 : vector<8x128xf32>
    %slice3A_199 = vector.extract_strided_slice %get3A_154 {offsets = [0, 2], sizes = [8, 1], strides = [1, 1]} : vector<8x4xf32> to vector<8x1xf32>
    %slice3A_200 = vector.extract_strided_slice %get3A_162 {offsets = [6, 0], sizes = [1, 128], strides = [1, 1]} : vector<8x128xf32> to vector<1x128xf32>
    %mul3A_201 = vector.broadcast %slice3A_199 : vector<8x1xf32> to vector<8x128xf32>
    %mul3A_202 = vector.broadcast %slice3A_200 : vector<1x128xf32> to vector<8x128xf32>
    %mul3A_203 = arith.mulf %mul3A_201, %mul3A_202 : vector<8x128xf32>
    %add3A_204 = arith.addf %add3A_198, %mul3A_203 : vector<8x128xf32>
    %slice3A_205 = vector.extract_strided_slice %get3A_154 {offsets = [0, 3], sizes = [8, 1], strides = [1, 1]} : vector<8x4xf32> to vector<8x1xf32>
    %slice3A_206 = vector.extract_strided_slice %get3A_162 {offsets = [7, 0], sizes = [1, 128], strides = [1, 1]} : vector<8x128xf32> to vector<1x128xf32>
    %mul3A_207 = vector.broadcast %slice3A_205 : vector<8x1xf32> to vector<8x128xf32>
    %mul3A_208 = vector.broadcast %slice3A_206 : vector<1x128xf32> to vector<8x128xf32>
    %mul3A_209 = arith.mulf %mul3A_207, %mul3A_208 : vector<8x128xf32>
    %add3A_210 = arith.addf %add3A_204, %mul3A_209 : vector<8x128xf32>
    %get3A_211 = arith.constant 0 : index
    %get3A_212 = arith.constant 0 : index
    %get3A_213 = vector.load %arg18[%get3A_211, %get3A_212] : memref<1x128xf32, #tpu.memory_space<vmem>>, vector<1x128xf32>
    %add3A_214 = vector.broadcast %get3A_213 : vector<1x128xf32> to vector<8x128xf32>
    %add3A_215 = arith.addf %add3A_210, %add3A_214 : vector<8x128xf32>
    %max3A_216 = arith.constant 0.000000e+00 : f32
    %max3A_217 = vector.broadcast %max3A_216 : f32 to vector<8x128xf32>
    %max3A_218 = arith.maximumf %add3A_215, %max3A_217 : vector<8x128xf32>
    %get3A_219 = arith.constant 0 : index
    %get3A_220 = arith.constant 0 : index
    %get3A_221 = vector.load %arg19[%get3A_219, %get3A_220] : memref<128x128xf32, #tpu.memory_space<vmem>>, vector<128x128xf32>
    %dot_general3A_222 = arith.constant dense<0.000000e+00> : vector<8x128xf32>
    %dot_general3A_223 = tpu.matmul %max3A_218, %get3A_221, %dot_general3A_222 {dimension_numbers = #tpu.dot_dimension_numbers<[1], [0], [0], [1], [0, 0, 1, 1], [], []>, transpose_lhs_hint = false} : vector<8x128xf32>, vector<128x128xf32>, vector<8x128xf32> -> vector<8x128xf32>
    %get3A_224 = arith.constant 0 : index
    %get3A_225 = arith.constant 0 : index
    %get3A_226 = vector.load %arg20[%get3A_224, %get3A_225] : memref<1x128xf32, #tpu.memory_space<vmem>>, vector<1x128xf32>
    %add3A_227 = vector.broadcast %get3A_226 : vector<1x128xf32> to vector<8x128xf32>
    %add3A_228 = arith.addf %dot_general3A_223, %add3A_227 : vector<8x128xf32>
    %max3A_229 = arith.constant 0.000000e+00 : f32
    %max3A_230 = vector.broadcast %max3A_229 : f32 to vector<8x128xf32>
    %max3A_231 = arith.maximumf %add3A_228, %max3A_230 : vector<8x128xf32>
    %swap3A_232 = arith.constant 0 : index
    %swap3A_233 = arith.constant 0 : index
    %swap3A_234 = vector.load %arg27[%swap3A_232, %swap3A_233] : memref<8x128xf32, #tpu.memory_space<vmem>>, vector<8x128xf32>
    tpu.vector_store %arg27[%swap3A_232, %swap3A_233], %max3A_231 {strides = array<i32>} : memref<8x128xf32, #tpu.memory_space<vmem>>, vector<8x128xf32>,
    %get3A_235 = arith.constant 0 : index
    %get3A_236 = arith.constant 0 : index
    %get3A_237 = vector.load %arg8[%get3A_235, %get3A_236] : memref<8x3xf32, #tpu.memory_space<vmem>>, vector<8x3xf32>
    %get3A_238 = arith.constant 0 : index
    %get3A_239 = arith.constant 0 : index
    %get3A_240 = vector.load %arg21[%get3A_238, %get3A_239] : memref<131x128xf32, #tpu.memory_space<vmem>>, vector<128x128xf32>
    %dot_general3A_241 = arith.constant dense<0.000000e+00> : vector<8x128xf32>
    %dot_general3A_242 = tpu.matmul %max3A_44, %get3A_240, %dot_general3A_241 {dimension_numbers = #tpu.dot_dimension_numbers<[1], [0], [0], [1], [0, 0, 1, 1], [], []>, transpose_lhs_hint = false} : vector<8x128xf32>, vector<128x128xf32>, vector<8x128xf32> -> vector<8x128xf32>
    %get3A_243 = arith.constant 128 : index
    %get3A_244 = arith.constant 0 : index
    %get3A_245 = vector.load %arg21[%get3A_243, %get3A_244] : memref<131x128xf32, #tpu.memory_space<vmem>>, vector<3x128xf32>
    %slice3A_246 = vector.extract_strided_slice %get3A_237 {offsets = [0, 0], sizes = [8, 1], strides = [1, 1]} : vector<8x3xf32> to vector<8x1xf32>
    %slice3A_247 = vector.extract_strided_slice %get3A_245 {offsets = [0, 0], sizes = [1, 128], strides = [1, 1]} : vector<3x128xf32> to vector<1x128xf32>
    %mul3A_248 = vector.broadcast %slice3A_246 : vector<8x1xf32> to vector<8x128xf32>
    %mul3A_249 = vector.broadcast %slice3A_247 : vector<1x128xf32> to vector<8x128xf32>
    %mul3A_250 = arith.mulf %mul3A_248, %mul3A_249 : vector<8x128xf32>
    %add3A_251 = arith.addf %dot_general3A_242, %mul3A_250 : vector<8x128xf32>
    %slice3A_252 = vector.extract_strided_slice %get3A_237 {offsets = [0, 1], sizes = [8, 1], strides = [1, 1]} : vector<8x3xf32> to vector<8x1xf32>
    %slice3A_253 = vector.extract_strided_slice %get3A_245 {offsets = [1, 0], sizes = [1, 128], strides = [1, 1]} : vector<3x128xf32> to vector<1x128xf32>
    %mul3A_254 = vector.broadcast %slice3A_252 : vector<8x1xf32> to vector<8x128xf32>
    %mul3A_255 = vector.broadcast %slice3A_253 : vector<1x128xf32> to vector<8x128xf32>
    %mul3A_256 = arith.mulf %mul3A_254, %mul3A_255 : vector<8x128xf32>
    %add3A_257 = arith.addf %add3A_251, %mul3A_256 : vector<8x128xf32>
    %slice3A_258 = vector.extract_strided_slice %get3A_237 {offsets = [0, 2], sizes = [8, 1], strides = [1, 1]} : vector<8x3xf32> to vector<8x1xf32>
    %slice3A_259 = vector.extract_strided_slice %get3A_245 {offsets = [2, 0], sizes = [1, 128], strides = [1, 1]} : vector<3x128xf32> to vector<1x128xf32>
    %mul3A_260 = vector.broadcast %slice3A_258 : vector<8x1xf32> to vector<8x128xf32>
    %mul3A_261 = vector.broadcast %slice3A_259 : vector<1x128xf32> to vector<8x128xf32>
    %mul3A_262 = arith.mulf %mul3A_260, %mul3A_261 : vector<8x128xf32>
    %add3A_263 = arith.addf %add3A_257, %mul3A_262 : vector<8x128xf32>
    %get3A_264 = arith.constant 0 : index
    %get3A_265 = arith.constant 0 : index
    %get3A_266 = vector.load %arg22[%get3A_264, %get3A_265] : memref<1x128xf32, #tpu.memory_space<vmem>>, vector<1x128xf32>
    %add3A_267 = vector.broadcast %get3A_266 : vector<1x128xf32> to vector<8x128xf32>
    %add3A_268 = arith.addf %add3A_263, %add3A_267 : vector<8x128xf32>
    %max3A_269 = arith.constant 0.000000e+00 : f32
    %max3A_270 = vector.broadcast %max3A_269 : f32 to vector<8x128xf32>
    %max3A_271 = arith.maximumf %add3A_268, %max3A_270 : vector<8x128xf32>
    %get3A_272 = arith.constant 0 : index
    %get3A_273 = arith.constant 0 : index
    %get3A_274 = vector.load %arg23[%get3A_272, %get3A_273] : memref<128x128xf32, #tpu.memory_space<vmem>>, vector<128x128xf32>
    %dot_general3A_275 = arith.constant dense<0.000000e+00> : vector<8x128xf32>
    %dot_general3A_276 = tpu.matmul %max3A_271, %get3A_274, %dot_general3A_275 {dimension_numbers = #tpu.dot_dimension_numbers<[1], [0], [0], [1], [0, 0, 1, 1], [], []>, transpose_lhs_hint = false} : vector<8x128xf32>, vector<128x128xf32>, vector<8x128xf32> -> vector<8x128xf32>
    %get3A_277 = arith.constant 0 : index
    %get3A_278 = arith.constant 0 : index
    %get3A_279 = vector.load %arg24[%get3A_277, %get3A_278] : memref<1x128xf32, #tpu.memory_space<vmem>>, vector<1x128xf32>
    %add3A_280 = vector.broadcast %get3A_279 : vector<1x128xf32> to vector<8x128xf32>
    %add3A_281 = arith.addf %dot_general3A_276, %add3A_280 : vector<8x128xf32>
    %max3A_282 = arith.constant 0.000000e+00 : f32
    %max3A_283 = vector.broadcast %max3A_282 : f32 to vector<8x128xf32>
    %max3A_284 = arith.maximumf %add3A_281, %max3A_283 : vector<8x128xf32>
    %swap3A_285 = arith.constant 0 : index
    %swap3A_286 = arith.constant 0 : index
    %swap3A_287 = vector.load %arg28[%swap3A_285, %swap3A_286] : memref<8x128xf32, #tpu.memory_space<vmem>>, vector<8x128xf32>
    tpu.vector_store %arg28[%swap3A_285, %swap3A_286], %max3A_284 {strides = array<i32>} : memref<8x128xf32, #tpu.memory_space<vmem>>, vector<8x128xf32>,
    return
  }
}

</mosaic_0001>

<sc_bundles>
// kernel: kernel.5.cloned.1.call-start
scs
__scs_entry_jumppad:
0x0: {  	(pc) =	sbr.rel $0x88, $3  }
0x1: {  	(tag) =	ssettag $0x0;
	lr =	simm.s32 $0x1  }
0x2: {  	[smem:$0x3F89] =	sst lr;
	_ =	strace $0xD0000000  }
0x3: {  	_ = 	snop  }
0x4: {  	_ = 	snop  }
0x5: {  	_ = 	snop  }
0x6: {  	_ = 	snop  }
0x7: {  	_ = 	snop  }
__scs_overlays_trampoline_lowered:
0x8: {  	[smem:$0x3F98] =	sst s0  }
0x9: {  	[smem:$0x3F99] =	sst s1  }
0xa: {  	[smem:$0x3F9A] =	sst s2  }
0xb: {  	[smem:$0x3F9B] =	sst s3  }
0xc: {  	[smem:$0x3F9C] =	sst s4  }
0xd: {  	[smem:$0x3F9D] =	sst s5  }
0xe: {  	[smem:$0x3F9E] =	sst s6  }
0xf: {  	[smem:$0x3F9F] =	sst s7  }
0x10: {  	[smem:$0x3FA0] =	sst s8  }
0x11: {  	[smem:$0x3FA1] =	sst s9;
	s0 =	simm.s32 @!p0 $0x0  }
0x12: {  	s1 =	sld [smem:$0x3F87];
	s0 =	simm.s32 @p0 $0x1  }
0x13: {  	[smem:$0x3FA2] =	sst s0;
	s0 =	simm.s32 @!p1 $0x0  }
0x14: {  	s2 =	sld [smem:$0x3F86];
	s0 =	simm.s32 @p1 $0x1  }
0x15: {  	[smem:$0x3FA3] =	sst s0;
	s0 =	simm.s32 @!p2 $0x0  }
0x16: {  	s3 =	sld [smem:$0x3FDB];
	s0 =	simm.s32 @p2 $0x1  }
0x17: {  	s4 =	simm.s32 $0x1BF5;
	[smem:$0x3FA5] =	sst s0  }
0x18: {  	s0 =	sld [smem:$0x3F88];
	_ =	swait.ge [sflag:s4], $0x0  }
0x19: {  	s7 =	sld [smem:$0x3F89]  }
0x1a: {  	s8 =	sadd.s32 $0xFFFFE003, lr  }
0x1b: {  	s9 =	sadd.s32 $0xFFFFFEF7, lr;
	s5 =	simm.s32 $0xFFFFFFFF;
	p2 =	slt.u32 s8, $0xFFFFF086  }
0x1c: {  	p1 =	slt.u32 s9, $0xF7A;
	s5 =	simm.s32 @!p2 $0x0  }
0x1d: {  	s5 =	simm.s32 @p1 $0x1;
	p0 =	seq.s32 s7, s2  }
0x1e: {  	s7 =	smul.u32 @!p0 $0xF7A, s2;
	p2 =	seq.s32 @!p0 s5, $0x0  }
0x1f: {  	s9 =	smul.u32 $0xF7A, s1;
	s8 =	simm.s32 @!p0 $0x1BF5;
	p2 =	por !p2, p0  }
0x20: {  	[sflag:s8] =	ssyncset.s32 @!p0 $0xFFFFF086;
	s6 =	sadd.s32 @!p0 s3, s7;
	s7 =	simm.s32 @!p0 $0x108  }
0x21: {  	s3 =	sadd.s32 s3, s9;
	s6 =	sadd.s32 @!p0 $0x88, s6;
	s7 =	simm.s32 @p2 $0x1082  }
0x22: {  	[simem:s7], [sflag:s8] =	dma.local @!p0 [hbm:s6], $0xF7A  }
0x23: {  	s9 =	sor.u32 $0xD0000000, s2;
	s6 =	simm.s32 $0x108;
	_ =	swait.ge @!p0 [sflag:s8], $0x0  }
0x24: {  	s3 =	sadd.s32 $0x88, s3;
	s6 =	simm.s32 @!p1 $0x1082;
	[sflag:s4] =	ssyncset.s32 $0xFFFFF086  }
0x25: {  	[simem:s6], [sflag:s4] =	dma.local [hbm:s3], $0xF7A  }
0x26: {  	[smem:$0x3F89] =	sst s1;
	(tag) =	ssettag s2;
	_ =	strace s9  }
0x27: {  	s1 =	sld [smem:$0x3F99]  }
0x28: {  	s2 =	sld [smem:$0x3F9A]  }
0x29: {  	s4 =	sld [smem:$0x3F9C]  }
0x2a: {  	p0 =	seq.s32 s5, $0x0;
	s5 =	sld [smem:$0x3F9D]  }
0x2b: {  	s6 =	sld [smem:$0x3F9E]  }
0x2c: {  	s7 =	sld [smem:$0x3F9F]  }
0x2d: {  	s3 =	simm.s32 $0x108;
	s8 =	sld [smem:$0x3FA0]  }
0x2e: {  	s3 =	simm.s32 @!p0 $0x1082;
	s9 =	sld [smem:$0x3FA1]  }
0x2f: {  	lr =	sadd.s32 s0, s3;
	s0 =	sld [smem:$0x3F98]  }
0x30: {  	s3 =	sld [smem:$0x3F9B]  }
0x31: {  	[smem:$0x3FA4] =	sst s10  }
0x32: {  	s10 =	sld [smem:$0x3FA2];
	_ =	sdelay $0x3  }
0x33: {  	p0 =	seq.s32 s10, $0x1;
	s10 =	sld [smem:$0x3FA4];
	_ =	sdelay $0x3  }
0x34: {  	[smem:$0x3FA4] =	sst s10  }
0x35: {  	s10 =	sld [smem:$0x3FA3];
	_ =	sdelay $0x3  }
0x36: {  	p1 =	seq.s32 s10, $0x1;
	s10 =	sld [smem:$0x3FA4];
	_ =	sdelay $0x3  }
0x37: {  	[smem:$0x3FA4] =	sst s10  }
0x38: {  	s10 =	sld [smem:$0x3FA5]  }
0x39: {  	_ = 	snop;
	(pc) =	sbr.ind lr, $3  }
0x3a: {  	_ = 	snop  }
0x3b: {  	_ = 	snop  }
0x3c: {  	p2 =	seq.s32 s10, $0x1;
	s10 =	sld [smem:$0x3FA4]  }
0x3d: {  	_ =	shalt  }
0x3e: {  	_ =	shalt  }
0x3f: {  	_ =	shalt  }
0x40: {  	_ =	shalt  }
0x41: {  	_ =	shalt  }
0x42: {  	_ =	shalt  }
0x43: {  	_ =	shalt  }
0x44: {  	_ =	shalt  }
0x45: {  	_ =	shalt  }
0x46: {  	_ =	shalt  }
0x47: {  	_ =	shalt  }
0x48: {  	_ =	shalt  }
0x49: {  	_ =	shalt  }
0x4a: {  	_ =	shalt  }
0x4b: {  	_ =	shalt  }
0x4c: {  	_ =	shalt  }
0x4d: {  	_ =	shalt  }
0x4e: {  	_ =	shalt  }
0x4f: {  	_ =	shalt  }
0x50: {  	_ =	shalt  }
0x51: {  	_ =	shalt  }
0x52: {  	_ =	shalt  }
0x53: {  	_ =	shalt  }
0x54: {  	_ =	shalt  }
0x55: {  	_ =	shalt  }
0x56: {  	_ =	shalt  }
0x57: {  	_ =	shalt  }
0x58: {  	_ =	shalt  }
0x59: {  	_ =	shalt  }
0x5a: {  	_ =	shalt  }
0x5b: {  	_ =	shalt  }
0x5c: {  	_ =	shalt  }
0x5d: {  	_ =	shalt  }
0x5e: {  	_ =	shalt  }
0x5f: {  	_ =	shalt  }
0x60: {  	_ =	shalt  }
0x61: {  	_ =	shalt  }
0x62: {  	_ =	shalt  }
0x63: {  	_ =	shalt  }
0x64: {  	_ =	shalt  }
0x65: {  	_ =	shalt  }
0x66: {  	_ =	shalt  }
0x67: {  	_ =	shalt  }
0x68: {  	_ =	shalt  }
0x69: {  	_ =	shalt  }
0x6a: {  	_ =	shalt  }
0x6b: {  	_ =	shalt  }
0x6c: {  	_ =	shalt  }
0x6d: {  	_ =	shalt  }
0x6e: {  	_ =	shalt  }
0x6f: {  	_ =	shalt  }
0x70: {  	_ =	shalt  }
0x71: {  	_ =	shalt  }
0x72: {  	_ =	shalt  }
0x73: {  	_ =	shalt  }
0x74: {  	_ =	shalt  }
0x75: {  	_ =	shalt  }
0x76: {  	_ =	shalt  }
0x77: {  	_ =	shalt  }
0x78: {  	_ =	shalt  }
0x79: {  	_ =	shalt  }
0x7a: {  	_ =	shalt  }
0x7b: {  	_ =	shalt  }
0x7c: {  	_ =	shalt  }
0x7d: {  	_ =	shalt  }
0x7e: {  	_ =	shalt  }
0x7f: {  	_ =	shalt  }
0x80: {  	_ =	shalt  }
0x81: {  	_ =	shalt  }
0x82: {  	_ =	shalt  }
0x83: {  	_ =	shalt  }
0x84: {  	_ =	shalt  }
0x85: {  	_ =	shalt  }
0x86: {  	_ =	shalt  }
0x87: {  	_ =	shalt  }
.Lfunc_end0:
.L_simem_size_0:
called_computation_lowered:
.L_overlay_start_0:
0x88: {  	s2 =	sld [smem:$0x3FD9]  }
0x89: {  	s3 =	sld [smem:$0x3FFE];
	_ =	sdelay $0x1  }
0x8a: {  	s1 =	srdreg.scid  }
0x8b: {  	s0 =	sand.u32 $0x1, s1  }
0x8c: {  	s17 =	sshll.u32 s0, $0xA;
	s2 =	sadd.s32 s3, s2  }
0x8d: {  	s2 =	sadd.s32 s2, s17  }
0x8e: {  	[smem:$0x3FB0] =	sst s2  }
0x8f: {  	_ = 	snop  }
0x90: {  	s2 =	sld [smem:$0x3FC5]  }
0x91: {  	s18 =	sld [smem:$0x3FC4]  }
0x92: {  	s4 =	sld [smem:$0x3FC3]  }
0x93: {  	s5 =	sld [smem:$0x3FC2];
	(tm) =	ssettm $0x1  }
0x94: {  	s6 =	sld [smem:$0x3FFB];
	_ =	sdelay $0x3  }
0x95: {  	_ =	strace s6  }
0x96: {  	s6 =	sld [smem:$0x3FFC];
	_ =	sdelay $0x3  }
0x97: {  	_ =	strace s6  }
0x98: {  	s6 =	sld [smem:$0x3FFD];
	_ =	sdelay $0x3  }
0x99: {  	_ =	strace s6  }
0x9a: {  	_ =	strace $0x8FFFFFFF  }
0x9b: {  	s19 =	sld [smem:$0x3FDB];
	_ =	sdelay $0x1  }
0x9c: {  	s7 =	simm.s32 $_scs_section_size  }
0x9d: {  	s8 =	simm.s32 $_size__tile_overlayer_lowered;
	s9 =	simm.s32 $_tile_overlayer_lowered  }
0x9e: {  	s22 =	simm.s32 $0x1BFF;
	s21 =	sshll.u32 s9, $0x1;
	s6 =	sadd.s32 s7, s19  }
0x9f: {  	s10 =	simm.s32 $0x0;
	s20 =	sshll.u32 s8, $0x1;
	s8 =	sadd.s32 s21, s6  }
0xa0: {  	[timem:s10], [sflag:s22] =	dma.local [hbm:s8], s20  }
0xa1: {  	_ =	swait.ge [sflag:s22], s20  }
0xa2: {  	s7 =	ssub.s32 $0x0, s20;
	[sflag:s22] =	ssyncset.done $0x0  }
0xa3: {  	[sflag:s22] =	ssyncadd.s32 s7;
	_ =	sdelay $0x1  }
0xa4: {  	s23 =	simm.s32 $0x1B8B  }
0xa5: {  	_ =	swait.ge [sflag:s23], $0x1  }
0xa6: {  	[sflag:s23] =	ssyncset.done $0x0  }
0xa7: {  	s25 =	simm.s32 $0x1B8E;
	s24 =	sld [smem:$0x3FFE];
	[sflag:s23] =	ssyncadd.s32 $0xFFFFFFFF  }
0xa8: {  	s26 =	simm.s32 $execute0_lowered;
	[smem:$0x3FD2] =	sst s25  }
0xa9: {  	s8 =	sshll.u32 s26, $0x1;
	_ =	strace $0x80000046;
	[dreg:$0x1] =	wrdreg $0xFFFFFFFF  }
0xaa: {  	s28 =	simm.s32 $_size_execute0_lowered;
	s6 =	sadd.s32 s6, s8;
	[dreg:$0x0] =	wrdreg $0x0  }
0xab: {  	s8 =	sshll.u32 s28, $0x1;
	[dreg:$0x2] =	wrdreg s6  }
0xac: {  	[dreg:$0x3] =	wrdreg s8  }
0xad: {  	[dreg:$0x4] =	wrdreg $0xC0  }
0xae: {  	_ =	task [dreg:s10], $0x5FFFF  }
0xaf: {  	[dreg:$0x1] =	wrdreg $0xFFFFFFFF  }
0xb0: {  	[dreg:$0x0] =	wrdreg $0x60  }
0xb1: {  	[dreg:$0x2] =	wrdreg s2  }
0xb2: {  	[dreg:$0x3] =	wrdreg s18  }
0xb3: {  	[dreg:$0x4] =	wrdreg s4  }
0xb4: {  	[dreg:$0x5] =	wrdreg s5  }
0xb5: {  	[dreg:$0x6] =	wrdreg s24  }
0xb6: {  	[dreg:$0x7] =	wrdreg $0x9  }
0xb7: {  	_ =	task.clear_ibuf [dreg:s10], $0x8FFFF;
	_ =	strace $0x90000046  }
0xb8: {  	s29 =	simm.s32 $0x9;
	_ =	strace $0x80000048  }
0xb9: {  	_ =	swait.ge [sflag:s29], $0x1  }
0xba: {  	[sflag:s29] =	ssyncadd.s32 $0xFFFFFFFF  }
0xbb: {  	_ =	strace $0x90000048  }
0xbc: {  	_ =	sfence  }
0xbd: {  	s30 =	sld [smem:$0x0];
	_ =	sdelay $0x2  }
0xbe: {  	s31 =	sshll.u32 s1, $0xD;
	s1 =	sshrl.u32 s1, $0x2  }
0xbf: {  	s3 =	sand.u32 $0x4000, s31;
	s1 =	sadd.s32 s1, s30  }
0xc0: {  	s0 =	sor.u32 s3, s0;
	s1 =	sshll.u32 s1, $0x11  }
0xc1: {  	s0 =	sor.u32 s1, s0  }
0xc2: {  	s0 =	sadd.s32 $0x8F2B, s0  }
0xc3: {  	[sflag:s0] =	ssyncadd.remote.s32 $0x1  }
0xc4: {  	_ =	sfence.sel $0xFFFF  }
0xc5: {  	[dreg:$0x0] =	wrdreg $0xFFFFFFFF;
	(pc) =	sbr.abs _section_cstart, $3  }
0xc6: {  	[dreg:$0x1] =	wrdreg $0xFFFFFFFF  }
0xc7: {  	_ =	task.clear_ibuf [dreg:s10], $0x2FFFF;
	_ =	strace $0x9FFFFFFF  }
0xc8: {  	(tm) =	ssettm $0x7FFFFFFF  }
0xc9: {  	_ =	shalt  }
tec
execute0_lowered:
.L_overlay_start_1:
0x0: {  	(tag) =	ssettag $0x1  }
0x1: {  	s4 =	rddreg [dreg:$0x0]  }
0x2: {  	s7 =	rddreg [dreg:$0x1]  }
0x3: {  	s10 =	rddreg [dreg:$0x2]  }
0x4: {  	s13 =	rddreg [dreg:$0x3];
	s0 =	stileid.u32  }
0x5: {  	s3 =	rddreg [dreg:$0x4];
	s2 =	srdreg.scid  }
0x6: {  	s1 =	rddreg [dreg:$0x5];
	s17 =	simm.s32 $0x1;
	s18 =	simm.s32 $0x2  }
0x7: {  	s19 =	simm.s32 $0x10000;
	s20 =	simm.s32 $0x3;
	s21 =	simm.s32 $0x0  }
0x8: {  	s5 =	sshll.u32 s0, $0x1;
	s6 =	sand.u32 $0x1, s2;
	s2 =	simm.s32 $0x0  }
0x9: {  	s8 =	sshrl.u32 s0, $0x2;
	s5 =	sand.u32 $0x6, s5;
	[smem:$0x7FF] =	sst s2  }
0xa: {  	s9 =	sshll.u32 s8, $0x7;
	s8 =	sshll.u32 s8, $0xD;
	s5 =	sor.u32 s6, s5  }
0xb: {  	_ =	strace $0x80000047;
	s6 =	ssub.s32 $0x2, s6;
	s11 =	sshll.u32 s5, $0x4  }
0xc: {  	s5 =	sshll.u32 s5, $0x12;
	s31 =	sshrl.u32 s6, $0x1;
	s9 =	sor.u32 s9, s11  }
0xd: {  	s12 =	sor.u32 s8, s5;
	s15 =	ssub.s32 s6, s31;
	s14 =	sadd.s32 s9, s3  }
0xe: {  	s3 =	sadd.s32 s4, s12;
	s16 =	sor.u32 $0x1000, s12;
	s6 =	sadd.s32 s7, s12  }
0xf: {  	s9 =	sadd.s32 s10, s12;
	s12 =	sadd.s32 s13, s12;
	s15 =	smax.u32 s15, $0x1  }
0x10: {  	s4 =	sadd.s32 s4, s16;
	s5 =	sadd.s32 $0x3200, s14;
	s7 =	sadd.s32 s7, s16  }
0x11: {  	s8 =	sadd.s32 $0x3400, s14;
	s10 =	sadd.s32 s10, s16;
	s11 =	sadd.s32 $0x3600, s14  }
0x12: {  	s13 =	sadd.s32 s13, s16;
	s14 =	sadd.s32 $0x3800, s14;
	s16 =	simm.s32 $0x8000  }
.LBB2_1:
0x13: {  	[tilespmem:s2], [sflag:$0x1] =	stream.linear.gather [hbm4b:s3+s2], $0x8000, $0x38;
	[tilespmem:$0x10080] =	vst v63  }
0x14: {  	_ = 	snop  }
0x15: {  	[tilespmem:s16], [sflag:$0x2] =	stream.linear.gather [hbm4b:s4+s2], $0x8000, $0x38;
	[tilespmem:$0x10080] =	vst v63  }
0x16: {  	_ =	swait.ge [sflag:s17], $0x8000  }
0x17: {  	[sflag:s17] =	ssyncset.done $0x0  }
0x18: {  	s23 =	simm.s32 $0x100;
	[sflag:s17] =	ssyncadd.s32 $0xFFFF8000  }
0x19: {  	v2 =	vld [tilespmem:s23+$0x80]  }
0x1a: {  	v3 =	vld [tilespmem:s23+$0x90]  }
0x1b: {  	v4 =	vld [tilespmem:s23+$0xA0]  }
0x1c: {  	v5 =	vld [tilespmem:s23+$0xB0]  }
0x1d: {  	v6 =	vld [tilespmem:s23+$0xC0]  }
0x1e: {  	v1 =	vld [tilespmem:s23+$0xD0]  }
0x1f: {  	v0 =	vld [tilespmem:s23+$0xE0]  }
0x20: {  	v8 =	vld [tilespmem:s23+$0x0]  }
0x21: {  	v10 =	vld [tilespmem:s23+$0x10]  }
0x22: {  	v11 =	vld [tilespmem:s23+$0x20]  }
0x23: {  	v15 =	vld [tilespmem:s23+$0x30]  }
0x24: {  	v16 =	vld [tilespmem:s23+$0x40]  }
0x25: {  	v7 =	vld [tilespmem:s23+$0x50]  }
0x26: {  	v9 =	vld [tilespmem:s23+$0x60]  }
0x27: {  	v12 =	vld [tilespmem:s23+$0xFFFFFF80]  }
0x28: {  	v13 =	vld [tilespmem:s23+$0xFFFFFF90]  }
0x29: {  	v18 =	vld [tilespmem:s23+$0xFFFFFFA0]  }
0x2a: {  	v19 =	vld [tilespmem:s23+$0xFFFFFFB0]  }
0x2b: {  	v21 =	vld [tilespmem:s23+$0xFFFFFFC0]  }
0x2c: {  	v20 =	vld [tilespmem:s23+$0xFFFFFF00]  }
0x2d: {  	v22 =	vld [tilespmem:s23+$0xFFFFFF10]  }
0x2e: {  	v17 =	vld [tilespmem:s23+$0xFFFFFFD0]  }
0x2f: {  	v24 =	vld [tilespmem:s23+$0xFFFFFF20]  }
0x30: {  	v14 =	vimm.f32 $-Inf;
	v26 =	vld [tilespmem:s23+$0xFFFFFF30]  }
0x31: {  	v27 =	vld [tilespmem:s23+$0xFFFFFF40];
	v23 =	vmax.f32 v14, v20  }
0x32: {  	v25 =	vmax.f32 v14, v22;
	v20 =	vld [tilespmem:s23+$0xFFFFFFE0];
	v12 =	vmax.f32 v23, v12  }
0x33: {  	v22 =	vld [tilespmem:s23+$0xFFFFFF50];
	v13 =	vmax.f32 v25, v13;
	v8 =	vmax.f32 v12, v8  }
0x34: {  	v23 =	vld [tilespmem:s23+$0xFFFFFF60];
	v10 =	vmax.f32 v13, v10;
	v12 =	vmax.f32 v8, v2  }
0x35: {  	v25 =	vld [tilespmem:s23+$0xFFFFFF70];
	v13 =	vmax.f32 v10, v3;
	v2 =	vmax.f32 v14, v24;
	v3 =	vmax.f32 v14, v26  }
0x36: {  	v8 =	vmax.f32 v14, v27;
	v26 =	vld [tilespmem:s23+$0xFFFFFFF0];
	v2 =	vmax.f32 v2, v18;
	v3 =	vmax.f32 v3, v19  }
0x37: {  	v27 =	vld [tilespmem:s23+$0x70];
	v8 =	vmax.f32 v8, v21;
	v19 =	vimm.f32 $-Inf;
	v18 =	vimm.f32 $-Inf  }
0x38: {  	s22 =	simm.s32 $0x0;
	v24 =	vld [tilespmem:s23+$0xF0];
	s23 =	simm.s32 $0x300;
	v21 =	vmax.f32 v2, v11;
	v28 =	vmax.f32 v3, v15;
	v29 =	vmax.f32 v8, v16  }
.LBB2_2:
0x39: {  	v2 =	vld [tilespmem:s23+$0x80];
	v3 =	vmax.f32 v21, v4;
	v8 =	vmax.f32 v28, v5;
	v10 =	vmax.f32 v29, v6  }
0x3a: {  	v5 =	vmax.f32 v14, v22;
	v6 =	vmax.f32 v19, v23;
	v11 =	vld [tilespmem:s23+$0x90];
	v14 =	vmax.f32 v18, v25  }
0x3b: {  	v15 =	vmax.f32 v5, v17;
	v6 =	vmax.f32 v6, v20;
	v4 =	vld [tilespmem:s23+$0xA0];
	v14 =	vmax.f32 v14, v26  }
0x3c: {  	v7 =	vmax.f32 v15, v7;
	v9 =	vmax.f32 v6, v9;
	v5 =	vld [tilespmem:s23+$0xB0];
	v15 =	vmax.f32 v14, v27  }
0x3d: {  	v14 =	vmax.f32 v7, v1;
	v19 =	vmax.f32 v9, v0;
	v6 =	vld [tilespmem:s23+$0xC0];
	v18 =	vmax.f32 v15, v24  }
0x3e: {  	v1 =	vld [tilespmem:s23+$0xD0]  }
0x3f: {  	v0 =	vld [tilespmem:s23+$0xE0]  }
0x40: {  	v15 =	vld [tilespmem:s23+$0x0]  }
0x41: {  	v16 =	vld [tilespmem:s23+$0x10]  }
0x42: {  	v21 =	vld [tilespmem:s23+$0x20]  }
0x43: {  	v24 =	vld [tilespmem:s23+$0x30]  }
0x44: {  	v29 =	vld [tilespmem:s23+$0x40]  }
0x45: {  	v7 =	vld [tilespmem:s23+$0x50]  }
0x46: {  	v9 =	vld [tilespmem:s23+$0x60]  }
0x47: {  	v23 =	vld [tilespmem:s23+$0xFFFFFF80]  }
0x48: {  	v25 =	vld [tilespmem:s23+$0xFFFFFF90]  }
0x49: {  	v27 =	vld [tilespmem:s23+$0xFFFFFFA0]  }
0x4a: {  	v28 =	vld [tilespmem:s23+$0xFFFFFFB0]  }
0x4b: {  	v30 =	vld [tilespmem:s23+$0xFFFFFFC0]  }
0x4c: {  	v20 =	vld [tilespmem:s23+$0xFFFFFF00]  }
0x4d: {  	v22 =	vld [tilespmem:s23+$0xFFFFFF10]  }
0x4e: {  	v17 =	vld [tilespmem:s23+$0xFFFFFFD0]  }
0x4f: {  	v26 =	vld [tilespmem:s23+$0xFFFFFF20]  }
0x50: {  	v31 =	vld [tilespmem:s23+$0xFFFFFF30]  }
0x51: {  	v32 =	vld [tilespmem:s23+$0xFFFFFF40]  }
0x52: {  	s22 =	sadd.s32 $0x4, s22;
	v12 =	vmax.f32 v12, v20;
	v13 =	vmax.f32 v13, v22;
	v20 =	vld [tilespmem:s23+$0xFFFFFFE0]  }
0x53: {  	p0 =	slt.u32 s22, $0xFC;
	v12 =	vmax.f32 v12, v23;
	v22 =	vld [tilespmem:s23+$0xFFFFFF50];
	v13 =	vmax.f32 v13, v25  }
.Ltmp0:
0x54: {  	v12 =	vmax.f32 v12, v15;
	v23 =	vld [tilespmem:s23+$0xFFFFFF60];
	v13 =	vmax.f32 v13, v16;
	(pc) =	sbr.rel @p0 .LBB2_2-.Ltmp0, $4  }
0x55: {  	v12 =	vmax.f32 v12, v2;
	v25 =	vld [tilespmem:s23+$0xFFFFFF70];
	v13 =	vmax.f32 v13, v11  }
0x56: {  	v2 =	vmax.f32 v3, v26;
	v3 =	vmax.f32 v8, v31;
	v8 =	vmax.f32 v10, v32;
	v26 =	vld [tilespmem:s23+$0xFFFFFFF0]  }
0x57: {  	v2 =	vmax.f32 v2, v27;
	v3 =	vmax.f32 v3, v28;
	v8 =	vmax.f32 v8, v30;
	v27 =	vld [tilespmem:s23+$0x70]  }
0x58: {  	v21 =	vmax.f32 v2, v21;
	v28 =	vmax.f32 v3, v24;
	v29 =	vmax.f32 v8, v29;
	v24 =	vld [tilespmem:s23+$0xF0];
	s23 =	sadd.s32 $0x200, s23  }
0x59: {  	_ =	swait.ge [sflag:s18], $0x8000  }
0x5a: {  	[sflag:s18] =	ssyncset.done $0x0  }
0x5b: {  	s23 =	simm.s32 $0x8000;
	[sflag:s18] =	ssyncadd.s32 $0xFFFF8000  }
0x5c: {  	v30 =	vld [tilespmem:s23+$0x180]  }
0x5d: {  	v31 =	vld [tilespmem:s23+$0x190]  }
0x5e: {  	v8 =	vld [tilespmem:s23+$0x1A0]  }
0x5f: {  	v10 =	vld [tilespmem:s23+$0x1B0]  }
0x60: {  	v11 =	vld [tilespmem:s23+$0x1C0]  }
0x61: {  	v3 =	vld [tilespmem:s23+$0x1D0]  }
0x62: {  	v2 =	vld [tilespmem:s23+$0x1E0]  }
0x63: {  	v32 =	vld [tilespmem:s23+$0x100]  }
0x64: {  	v33 =	vld [tilespmem:s23+$0x110]  }
0x65: {  	v34 =	vld [tilespmem:s23+$0x120]  }
0x66: {  	v35 =	vld [tilespmem:s23+$0x130]  }
0x67: {  	v36 =	vld [tilespmem:s23+$0x140]  }
0x68: {  	v16 =	vld [tilespmem:s23+$0x150]  }
0x69: {  	v15 =	vld [tilespmem:s23+$0x160]  }
0x6a: {  	v37 =	vld [tilespmem:s23+$0x80]  }
0x6b: {  	v38 =	vld [tilespmem:s23+$0x90]  }
0x6c: {  	v39 =	vld [tilespmem:s23+$0xA0]  }
0x6d: {  	v40 =	vld [tilespmem:s23+$0xB0]  }
0x6e: {  	v41 =	vld [tilespmem:s23+$0xC0]  }
0x6f: {  	v42 =	vld [tilespmem:s23+$0x0]  }
0x70: {  	v44 =	vmax.f32 v21, v4;
	v4 =	vmax.f32 v14, v22;
	v43 =	vld [tilespmem:s23+$0x10]  }
0x71: {  	v28 =	vmax.f32 v28, v5;
	v4 =	vmax.f32 v4, v17;
	v17 =	vld [tilespmem:s23+$0x30]  }
0x72: {  	v29 =	vmax.f32 v29, v6;
	v5 =	vmax.f32 v19, v23;
	v6 =	vmax.f32 v18, v25;
	v18 =	vld [tilespmem:s23+$0x40]  }
0x73: {  	v5 =	vmax.f32 v5, v20;
	v21 =	vld [tilespmem:s23+$0xD0]  }
0x74: {  	v6 =	vmax.f32 v6, v26;
	v4 =	vmax.f32 v4, v7;
	v5 =	vmax.f32 v5, v9;
	v14 =	vld [tilespmem:s23+$0x20]  }
0x75: {  	v6 =	vmax.f32 v6, v27;
	v7 =	vld [tilespmem:s23+$0xE0];
	v1 =	vmax.f32 v4, v1;
	v9 =	vmax.f32 v12, v42  }
0x76: {  	v0 =	vmax.f32 v5, v0;
	v12 =	vmax.f32 v13, v43;
	v4 =	vmax.f32 v9, v37;
	v9 =	vld [tilespmem:s23+$0x50]  }
0x77: {  	v17 =	vmax.f32 v28, v17;
	v18 =	vmax.f32 v29, v18;
	v13 =	vmax.f32 v12, v38;
	v12 =	vld [tilespmem:s23+$0x60]  }
0x78: {  	v5 =	vmax.f32 v4, v32;
	v19 =	vmax.f32 v13, v33;
	v4 =	vmax.f32 v6, v24;
	v13 =	vld [tilespmem:s23+$0x70]  }
0x79: {  	v6 =	vmax.f32 v5, v30;
	v5 =	vmax.f32 v19, v31;
	v19 =	vmax.f32 v44, v14;
	v14 =	vld [tilespmem:s23+$0xF0]  }
0x7a: {  	v22 =	vmax.f32 v17, v40;
	v18 =	vmax.f32 v18, v41;
	v17 =	vld [tilespmem:s23+$0x170];
	v19 =	vmax.f32 v19, v39  }
0x7b: {  	s22 =	simm.s32 $0x0;
	v22 =	vmax.f32 v22, v35;
	v20 =	vmax.f32 v19, v34;
	v19 =	vmax.f32 v18, v36;
	v18 =	vld [tilespmem:s23+$0x1F0];
	s23 =	simm.s32 $0x8200  }
.LBB2_4:
0x7c: {  	v23 =	vld [tilespmem:s23+$0x180];
	v20 =	vmax.f32 v20, v8;
	v22 =	vmax.f32 v22, v10;
	v19 =	vmax.f32 v19, v11  }
0x7d: {  	v1 =	vmax.f32 v1, v9;
	v0 =	vmax.f32 v0, v12;
	v24 =	vld [tilespmem:s23+$0x190];
	v4 =	vmax.f32 v4, v13  }
0x7e: {  	v1 =	vmax.f32 v1, v21;
	v0 =	vmax.f32 v0, v7;
	v8 =	vld [tilespmem:s23+$0x1A0];
	v4 =	vmax.f32 v4, v14  }
0x7f: {  	v1 =	vmax.f32 v1, v16;
	v0 =	vmax.f32 v0, v15;
	v10 =	vld [tilespmem:s23+$0x1B0];
	v4 =	vmax.f32 v4, v17  }
0x80: {  	v1 =	vmax.f32 v1, v3;
	v0 =	vmax.f32 v0, v2;
	v11 =	vld [tilespmem:s23+$0x1C0];
	v4 =	vmax.f32 v4, v18  }
0x81: {  	v3 =	vld [tilespmem:s23+$0x1D0]  }
0x82: {  	v2 =	vld [tilespmem:s23+$0x1E0]  }
0x83: {  	v13 =	vld [tilespmem:s23+$0x100]  }
0x84: {  	v14 =	vld [tilespmem:s23+$0x110]  }
0x85: {  	v18 =	vld [tilespmem:s23+$0x120]  }
0x86: {  	v25 =	vld [tilespmem:s23+$0x130]  }
0x87: {  	v26 =	vld [tilespmem:s23+$0x140]  }
0x88: {  	v16 =	vld [tilespmem:s23+$0x150]  }
0x89: {  	v15 =	vld [tilespmem:s23+$0x160]  }
0x8a: {  	v12 =	vld [tilespmem:s23+$0x80]  }
0x8b: {  	v17 =	vld [tilespmem:s23+$0x90]  }
0x8c: {  	v27 =	vld [tilespmem:s23+$0xA0]  }
0x8d: {  	v28 =	vld [tilespmem:s23+$0xB0]  }
0x8e: {  	v29 =	vld [tilespmem:s23+$0xC0]  }
0x8f: {  	v7 =	vld [tilespmem:s23+$0x0]  }
0x90: {  	v9 =	vld [tilespmem:s23+$0x10]  }
0x91: {  	v21 =	vld [tilespmem:s23+$0xD0]  }
0x92: {  	v30 =	vld [tilespmem:s23+$0x20]  }
0x93: {  	v31 =	vld [tilespmem:s23+$0x30]  }
0x94: {  	v32 =	vld [tilespmem:s23+$0x40]  }
0x95: {  	s22 =	sadd.s32 $0x4, s22;
	v6 =	vmax.f32 v6, v7;
	v5 =	vmax.f32 v5, v9;
	v7 =	vld [tilespmem:s23+$0xE0]  }
0x96: {  	p0 =	slt.u32 s22, $0xFC;
	v6 =	vmax.f32 v6, v12;
	v9 =	vld [tilespmem:s23+$0x50];
	v5 =	vmax.f32 v5, v17  }
.Ltmp1:
0x97: {  	v6 =	vmax.f32 v6, v13;
	v12 =	vld [tilespmem:s23+$0x60];
	v5 =	vmax.f32 v5, v14;
	(pc) =	sbr.rel @p0 .LBB2_4-.Ltmp1, $4  }
0x98: {  	v6 =	vmax.f32 v6, v23;
	v13 =	vld [tilespmem:s23+$0x70];
	v5 =	vmax.f32 v5, v24  }
0x99: {  	v17 =	vmax.f32 v20, v30;
	v20 =	vmax.f32 v22, v31;
	v19 =	vmax.f32 v19, v32;
	v14 =	vld [tilespmem:s23+$0xF0]  }
0x9a: {  	v22 =	vmax.f32 v17, v27;
	v23 =	vmax.f32 v20, v28;
	v19 =	vmax.f32 v19, v29;
	v17 =	vld [tilespmem:s23+$0x170]  }
0x9b: {  	v20 =	vmax.f32 v22, v18;
	v22 =	vmax.f32 v23, v25;
	v19 =	vmax.f32 v19, v26;
	v18 =	vld [tilespmem:s23+$0x1F0];
	s23 =	sadd.s32 $0x200, s23  }
0x9c: {  	[tilespmem:$0x10000] =	vst v6  }
0x9d: {  	v6 =	vmax.f32 v20, v8;
	v8 =	vmax.f32 v22, v10;
	v1 =	vmax.f32 v1, v9;
	[tilespmem:$0x10010] =	vst v5  }
0x9e: {  	v5 =	vmax.f32 v19, v11;
	v0 =	vmax.f32 v0, v12;
	v1 =	vmax.f32 v1, v21;
	[tilespmem:$0x10020] =	vst v6  }
0x9f: {  	v4 =	vmax.f32 v4, v13;
	v0 =	vmax.f32 v0, v7;
	[tilespmem:$0x10030] =	vst v8;
	v1 =	vmax.f32 v1, v16  }
0xa0: {  	[tilespmem:$0x10040] =	vst v5;
	v4 =	vmax.f32 v4, v14;
	v0 =	vmax.f32 v0, v15;
	v1 =	vmax.f32 v1, v3  }
0xa1: {  	v3 =	vmax.f32 v4, v17;
	v0 =	vmax.f32 v0, v2;
	[tilespmem:$0x10050] =	vst v1  }
0xa2: {  	v1 =	vmax.f32 v3, v18;
	[tilespmem:$0x10060] =	vst v0  }
0xa3: {  	[tilespmem:$0x10070] =	vst v1  }
0xa4: {  	[hbm4b:s5+s2] =	stream.linear.scatter [tilespmem:s19], [sflag:$0x3], $0x80, $0x38;
	[tilespmem:$0x10080] =	vst v63  }
0xa5: {  	_ =	swait.ge [sflag:s20], $0x80  }
0xa6: {  	[sflag:s20] =	ssyncset.done $0x0  }
0xa7: {  	[sflag:s20] =	ssyncadd.s32 $0xFFFFFF80  }
0xa8: {  	[tilespmem:s2], [sflag:$0x1] =	stream.linear.gather [hbm4b:s6+s2], $0x8000, $0x38;
	[tilespmem:$0x10080] =	vst v63  }
0xa9: {  	_ = 	snop  }
0xaa: {  	[tilespmem:s16], [sflag:$0x2] =	stream.linear.gather [hbm4b:s7+s2], $0x8000, $0x38;
	[tilespmem:$0x10080] =	vst v63  }
0xab: {  	_ =	swait.ge [sflag:s17], $0x8000  }
0xac: {  	[sflag:s17] =	ssyncset.done $0x0  }
0xad: {  	s23 =	simm.s32 $0x100;
	[sflag:s17] =	ssyncadd.s32 $0xFFFF8000  }
0xae: {  	v2 =	vld [tilespmem:s23+$0x80]  }
0xaf: {  	v3 =	vld [tilespmem:s23+$0x90]  }
0xb0: {  	v4 =	vld [tilespmem:s23+$0xA0]  }
0xb1: {  	v5 =	vld [tilespmem:s23+$0xB0]  }
0xb2: {  	v6 =	vld [tilespmem:s23+$0xC0]  }
0xb3: {  	v1 =	vld [tilespmem:s23+$0xD0]  }
0xb4: {  	v0 =	vld [tilespmem:s23+$0xE0]  }
0xb5: {  	v8 =	vld [tilespmem:s23+$0x0]  }
0xb6: {  	v10 =	vld [tilespmem:s23+$0x10]  }
0xb7: {  	v11 =	vld [tilespmem:s23+$0x20]  }
0xb8: {  	v15 =	vld [tilespmem:s23+$0x30]  }
0xb9: {  	v16 =	vld [tilespmem:s23+$0x40]  }
0xba: {  	v7 =	vld [tilespmem:s23+$0x50]  }
0xbb: {  	v9 =	vld [tilespmem:s23+$0x60]  }
0xbc: {  	v12 =	vld [tilespmem:s23+$0xFFFFFF80]  }
0xbd: {  	v13 =	vld [tilespmem:s23+$0xFFFFFF90]  }
0xbe: {  	v18 =	vld [tilespmem:s23+$0xFFFFFFA0]  }
0xbf: {  	v19 =	vld [tilespmem:s23+$0xFFFFFFB0]  }
0xc0: {  	v21 =	vld [tilespmem:s23+$0xFFFFFFC0]  }
0xc1: {  	v20 =	vld [tilespmem:s23+$0xFFFFFF00]  }
0xc2: {  	v22 =	vld [tilespmem:s23+$0xFFFFFF10]  }
0xc3: {  	v17 =	vld [tilespmem:s23+$0xFFFFFFD0]  }
0xc4: {  	v24 =	vld [tilespmem:s23+$0xFFFFFF20]  }
0xc5: {  	v14 =	vimm.f32 $-Inf;
	v26 =	vld [tilespmem:s23+$0xFFFFFF30]  }
0xc6: {  	v27 =	vld [tilespmem:s23+$0xFFFFFF40];
	v23 =	vmax.f32 v14, v20  }
0xc7: {  	v25 =	vmax.f32 v14, v22;
	v20 =	vld [tilespmem:s23+$0xFFFFFFE0];
	v12 =	vmax.f32 v23, v12  }
0xc8: {  	v22 =	vld [tilespmem:s23+$0xFFFFFF50];
	v13 =	vmax.f32 v25, v13;
	v8 =	vmax.f32 v12, v8  }
0xc9: {  	v23 =	vld [tilespmem:s23+$0xFFFFFF60];
	v10 =	vmax.f32 v13, v10;
	v12 =	vmax.f32 v8, v2  }
0xca: {  	v25 =	vld [tilespmem:s23+$0xFFFFFF70];
	v13 =	vmax.f32 v10, v3;
	v2 =	vmax.f32 v14, v24;
	v3 =	vmax.f32 v14, v26  }
0xcb: {  	v8 =	vmax.f32 v14, v27;
	v26 =	vld [tilespmem:s23+$0xFFFFFFF0];
	v2 =	vmax.f32 v2, v18;
	v3 =	vmax.f32 v3, v19  }
0xcc: {  	v27 =	vld [tilespmem:s23+$0x70];
	v8 =	vmax.f32 v8, v21;
	v19 =	vimm.f32 $-Inf;
	v18 =	vimm.f32 $-Inf  }
0xcd: {  	s22 =	simm.s32 $0x0;
	v24 =	vld [tilespmem:s23+$0xF0];
	s23 =	simm.s32 $0x300;
	v21 =	vmax.f32 v2, v11;
	v28 =	vmax.f32 v3, v15;
	v29 =	vmax.f32 v8, v16  }
.LBB2_6:
0xce: {  	v2 =	vld [tilespmem:s23+$0x80];
	v3 =	vmax.f32 v21, v4;
	v8 =	vmax.f32 v28, v5;
	v10 =	vmax.f32 v29, v6  }
0xcf: {  	v5 =	vmax.f32 v14, v22;
	v6 =	vmax.f32 v19, v23;
	v11 =	vld [tilespmem:s23+$0x90];
	v14 =	vmax.f32 v18, v25  }
0xd0: {  	v15 =	vmax.f32 v5, v17;
	v6 =	vmax.f32 v6, v20;
	v4 =	vld [tilespmem:s23+$0xA0];
	v14 =	vmax.f32 v14, v26  }
0xd1: {  	v7 =	vmax.f32 v15, v7;
	v9 =	vmax.f32 v6, v9;
	v5 =	vld [tilespmem:s23+$0xB0];
	v15 =	vmax.f32 v14, v27  }
0xd2: {  	v14 =	vmax.f32 v7, v1;
	v19 =	vmax.f32 v9, v0;
	v6 =	vld [tilespmem:s23+$0xC0];
	v18 =	vmax.f32 v15, v24  }
0xd3: {  	v1 =	vld [tilespmem:s23+$0xD0]  }
0xd4: {  	v0 =	vld [tilespmem:s23+$0xE0]  }
0xd5: {  	v15 =	vld [tilespmem:s23+$0x0]  }
0xd6: {  	v16 =	vld [tilespmem:s23+$0x10]  }
0xd7: {  	v21 =	vld [tilespmem:s23+$0x20]  }
0xd8: {  	v24 =	vld [tilespmem:s23+$0x30]  }
0xd9: {  	v29 =	vld [tilespmem:s23+$0x40]  }
0xda: {  	v7 =	vld [tilespmem:s23+$0x50]  }
0xdb: {  	v9 =	vld [tilespmem:s23+$0x60]  }
0xdc: {  	v23 =	vld [tilespmem:s23+$0xFFFFFF80]  }
0xdd: {  	v25 =	vld [tilespmem:s23+$0xFFFFFF90]  }
0xde: {  	v27 =	vld [tilespmem:s23+$0xFFFFFFA0]  }
0xdf: {  	v28 =	vld [tilespmem:s23+$0xFFFFFFB0]  }
0xe0: {  	v30 =	vld [tilespmem:s23+$0xFFFFFFC0]  }
0xe1: {  	v20 =	vld [tilespmem:s23+$0xFFFFFF00]  }
0xe2: {  	v22 =	vld [tilespmem:s23+$0xFFFFFF10]  }
0xe3: {  	v17 =	vld [tilespmem:s23+$0xFFFFFFD0]  }
0xe4: {  	v26 =	vld [tilespmem:s23+$0xFFFFFF20]  }
0xe5: {  	v31 =	vld [tilespmem:s23+$0xFFFFFF30]  }
0xe6: {  	v32 =	vld [tilespmem:s23+$0xFFFFFF40]  }
0xe7: {  	s22 =	sadd.s32 $0x4, s22;
	v12 =	vmax.f32 v12, v20;
	v13 =	vmax.f32 v13, v22;
	v20 =	vld [tilespmem:s23+$0xFFFFFFE0]  }
0xe8: {  	p0 =	slt.u32 s22, $0xFC;
	v12 =	vmax.f32 v12, v23;
	v22 =	vld [tilespmem:s23+$0xFFFFFF50];
	v13 =	vmax.f32 v13, v25  }
.Ltmp2:
0xe9: {  	v12 =	vmax.f32 v12, v15;
	v23 =	vld [tilespmem:s23+$0xFFFFFF60];
	v13 =	vmax.f32 v13, v16;
	(pc) =	sbr.rel @p0 .LBB2_6-.Ltmp2, $4  }
0xea: {  	v12 =	vmax.f32 v12, v2;
	v25 =	vld [tilespmem:s23+$0xFFFFFF70];
	v13 =	vmax.f32 v13, v11  }
0xeb: {  	v2 =	vmax.f32 v3, v26;
	v3 =	vmax.f32 v8, v31;
	v8 =	vmax.f32 v10, v32;
	v26 =	vld [tilespmem:s23+$0xFFFFFFF0]  }
0xec: {  	v2 =	vmax.f32 v2, v27;
	v3 =	vmax.f32 v3, v28;
	v8 =	vmax.f32 v8, v30;
	v27 =	vld [tilespmem:s23+$0x70]  }
0xed: {  	v21 =	vmax.f32 v2, v21;
	v28 =	vmax.f32 v3, v24;
	v29 =	vmax.f32 v8, v29;
	v24 =	vld [tilespmem:s23+$0xF0];
	s23 =	sadd.s32 $0x200, s23  }
0xee: {  	_ =	swait.ge [sflag:s18], $0x8000  }
0xef: {  	[sflag:s18] =	ssyncset.done $0x0  }
0xf0: {  	s23 =	simm.s32 $0x8000;
	[sflag:s18] =	ssyncadd.s32 $0xFFFF8000  }
0xf1: {  	v30 =	vld [tilespmem:s23+$0x180]  }
0xf2: {  	v31 =	vld [tilespmem:s23+$0x190]  }
0xf3: {  	v8 =	vld [tilespmem:s23+$0x1A0]  }
0xf4: {  	v10 =	vld [tilespmem:s23+$0x1B0]  }
0xf5: {  	v11 =	vld [tilespmem:s23+$0x1C0]  }
0xf6: {  	v3 =	vld [tilespmem:s23+$0x1D0]  }
0xf7: {  	v2 =	vld [tilespmem:s23+$0x1E0]  }
0xf8: {  	v32 =	vld [tilespmem:s23+$0x100]  }
0xf9: {  	v33 =	vld [tilespmem:s23+$0x110]  }
0xfa: {  	v34 =	vld [tilespmem:s23+$0x120]  }
0xfb: {  	v35 =	vld [tilespmem:s23+$0x130]  }
0xfc: {  	v36 =	vld [tilespmem:s23+$0x140]  }
0xfd: {  	v16 =	vld [tilespmem:s23+$0x150]  }
0xfe: {  	v15 =	vld [tilespmem:s23+$0x160]  }
0xff: {  	v37 =	vld [tilespmem:s23+$0x80]  }
0x100: {  	v38 =	vld [tilespmem:s23+$0x90]  }
0x101: {  	v39 =	vld [tilespmem:s23+$0xA0]  }
0x102: {  	v40 =	vld [tilespmem:s23+$0xB0]  }
0x103: {  	v41 =	vld [tilespmem:s23+$0xC0]  }
0x104: {  	v42 =	vld [tilespmem:s23+$0x0]  }
0x105: {  	v44 =	vmax.f32 v21, v4;
	v4 =	vmax.f32 v14, v22;
	v43 =	vld [tilespmem:s23+$0x10]  }
0x106: {  	v28 =	vmax.f32 v28, v5;
	v4 =	vmax.f32 v4, v17;
	v17 =	vld [tilespmem:s23+$0x30]  }
0x107: {  	v29 =	vmax.f32 v29, v6;
	v5 =	vmax.f32 v19, v23;
	v6 =	vmax.f32 v18, v25;
	v18 =	vld [tilespmem:s23+$0x40]  }
0x108: {  	v5 =	vmax.f32 v5, v20;
	v21 =	vld [tilespmem:s23+$0xD0]  }
0x109: {  	v6 =	vmax.f32 v6, v26;
	v4 =	vmax.f32 v4, v7;
	v5 =	vmax.f32 v5, v9;
	v14 =	vld [tilespmem:s23+$0x20]  }
0x10a: {  	v6 =	vmax.f32 v6, v27;
	v7 =	vld [tilespmem:s23+$0xE0];
	v1 =	vmax.f32 v4, v1;
	v9 =	vmax.f32 v12, v42  }
0x10b: {  	v0 =	vmax.f32 v5, v0;
	v12 =	vmax.f32 v13, v43;
	v4 =	vmax.f32 v9, v37;
	v9 =	vld [tilespmem:s23+$0x50]  }
0x10c: {  	v17 =	vmax.f32 v28, v17;
	v18 =	vmax.f32 v29, v18;
	v13 =	vmax.f32 v12, v38;
	v12 =	vld [tilespmem:s23+$0x60]  }
0x10d: {  	v5 =	vmax.f32 v4, v32;
	v19 =	vmax.f32 v13, v33;
	v4 =	vmax.f32 v6, v24;
	v13 =	vld [tilespmem:s23+$0x70]  }
0x10e: {  	v6 =	vmax.f32 v5, v30;
	v5 =	vmax.f32 v19, v31;
	v19 =	vmax.f32 v44, v14;
	v14 =	vld [tilespmem:s23+$0xF0]  }
0x10f: {  	v22 =	vmax.f32 v17, v40;
	v18 =	vmax.f32 v18, v41;
	v17 =	vld [tilespmem:s23+$0x170];
	v19 =	vmax.f32 v19, v39  }
0x110: {  	s22 =	simm.s32 $0x0;
	v22 =	vmax.f32 v22, v35;
	v20 =	vmax.f32 v19, v34;
	v19 =	vmax.f32 v18, v36;
	v18 =	vld [tilespmem:s23+$0x1F0];
	s23 =	simm.s32 $0x8200  }
.LBB2_8:
0x111: {  	v23 =	vld [tilespmem:s23+$0x180];
	v20 =	vmax.f32 v20, v8;
	v22 =	vmax.f32 v22, v10;
	v19 =	vmax.f32 v19, v11  }
0x112: {  	v1 =	vmax.f32 v1, v9;
	v0 =	vmax.f32 v0, v12;
	v24 =	vld [tilespmem:s23+$0x190];
	v4 =	vmax.f32 v4, v13  }
0x113: {  	v1 =	vmax.f32 v1, v21;
	v0 =	vmax.f32 v0, v7;
	v8 =	vld [tilespmem:s23+$0x1A0];
	v4 =	vmax.f32 v4, v14  }
0x114: {  	v1 =	vmax.f32 v1, v16;
	v0 =	vmax.f32 v0, v15;
	v10 =	vld [tilespmem:s23+$0x1B0];
	v4 =	vmax.f32 v4, v17  }
0x115: {  	v1 =	vmax.f32 v1, v3;
	v0 =	vmax.f32 v0, v2;
	v11 =	vld [tilespmem:s23+$0x1C0];
	v4 =	vmax.f32 v4, v18  }
0x116: {  	v3 =	vld [tilespmem:s23+$0x1D0]  }
0x117: {  	v2 =	vld [tilespmem:s23+$0x1E0]  }
0x118: {  	v13 =	vld [tilespmem:s23+$0x100]  }
0x119: {  	v14 =	vld [tilespmem:s23+$0x110]  }
0x11a: {  	v18 =	vld [tilespmem:s23+$0x120]  }
0x11b: {  	v25 =	vld [tilespmem:s23+$0x130]  }
0x11c: {  	v26 =	vld [tilespmem:s23+$0x140]  }
0x11d: {  	v16 =	vld [tilespmem:s23+$0x150]  }
0x11e: {  	v15 =	vld [tilespmem:s23+$0x160]  }
0x11f: {  	v12 =	vld [tilespmem:s23+$0x80]  }
0x120: {  	v17 =	vld [tilespmem:s23+$0x90]  }
0x121: {  	v27 =	vld [tilespmem:s23+$0xA0]  }
0x122: {  	v28 =	vld [tilespmem:s23+$0xB0]  }
0x123: {  	v29 =	vld [tilespmem:s23+$0xC0]  }
0x124: {  	v7 =	vld [tilespmem:s23+$0x0]  }
0x125: {  	v9 =	vld [tilespmem:s23+$0x10]  }
0x126: {  	v21 =	vld [tilespmem:s23+$0xD0]  }
0x127: {  	v30 =	vld [tilespmem:s23+$0x20]  }
0x128: {  	v31 =	vld [tilespmem:s23+$0x30]  }
0x129: {  	v32 =	vld [tilespmem:s23+$0x40]  }
0x12a: {  	s22 =	sadd.s32 $0x4, s22;
	v6 =	vmax.f32 v6, v7;
	v5 =	vmax.f32 v5, v9;
	v7 =	vld [tilespmem:s23+$0xE0]  }
0x12b: {  	p0 =	slt.u32 s22, $0xFC;
	v6 =	vmax.f32 v6, v12;
	v9 =	vld [tilespmem:s23+$0x50];
	v5 =	vmax.f32 v5, v17  }
.Ltmp3:
0x12c: {  	v6 =	vmax.f32 v6, v13;
	v12 =	vld [tilespmem:s23+$0x60];
	v5 =	vmax.f32 v5, v14;
	(pc) =	sbr.rel @p0 .LBB2_8-.Ltmp3, $4  }
0x12d: {  	v6 =	vmax.f32 v6, v23;
	v13 =	vld [tilespmem:s23+$0x70];
	v5 =	vmax.f32 v5, v24  }
0x12e: {  	v17 =	vmax.f32 v20, v30;
	v20 =	vmax.f32 v22, v31;
	v19 =	vmax.f32 v19, v32;
	v14 =	vld [tilespmem:s23+$0xF0]  }
0x12f: {  	v22 =	vmax.f32 v17, v27;
	v23 =	vmax.f32 v20, v28;
	v19 =	vmax.f32 v19, v29;
	v17 =	vld [tilespmem:s23+$0x170]  }
0x130: {  	v20 =	vmax.f32 v22, v18;
	v22 =	vmax.f32 v23, v25;
	v19 =	vmax.f32 v19, v26;
	v18 =	vld [tilespmem:s23+$0x1F0];
	s23 =	sadd.s32 $0x200, s23  }
0x131: {  	[tilespmem:$0x10000] =	vst v6  }
0x132: {  	v6 =	vmax.f32 v20, v8;
	v8 =	vmax.f32 v22, v10;
	v1 =	vmax.f32 v1, v9;
	[tilespmem:$0x10010] =	vst v5  }
0x133: {  	v5 =	vmax.f32 v19, v11;
	v0 =	vmax.f32 v0, v12;
	v1 =	vmax.f32 v1, v21;
	[tilespmem:$0x10020] =	vst v6  }
0x134: {  	v4 =	vmax.f32 v4, v13;
	v0 =	vmax.f32 v0, v7;
	[tilespmem:$0x10030] =	vst v8;
	v1 =	vmax.f32 v1, v16  }
0x135: {  	[tilespmem:$0x10040] =	vst v5;
	v4 =	vmax.f32 v4, v14;
	v0 =	vmax.f32 v0, v15;
	v1 =	vmax.f32 v1, v3  }
0x136: {  	v3 =	vmax.f32 v4, v17;
	v0 =	vmax.f32 v0, v2;
	[tilespmem:$0x10050] =	vst v1  }
0x137: {  	v1 =	vmax.f32 v3, v18;
	[tilespmem:$0x10060] =	vst v0  }
0x138: {  	[tilespmem:$0x10070] =	vst v1  }
0x139: {  	[hbm4b:s8+s2] =	stream.linear.scatter [tilespmem:s19], [sflag:$0x3], $0x80, $0x38;
	[tilespmem:$0x10080] =	vst v63  }
0x13a: {  	_ =	swait.ge [sflag:s20], $0x80  }
0x13b: {  	[sflag:s20] =	ssyncset.done $0x0  }
0x13c: {  	[sflag:s20] =	ssyncadd.s32 $0xFFFFFF80  }
0x13d: {  	[tilespmem:s2], [sflag:$0x1] =	stream.linear.gather [hbm4b:s9+s2], $0x8000, $0x38;
	[tilespmem:$0x10080] =	vst v63  }
0x13e: {  	_ = 	snop  }
0x13f: {  	[tilespmem:s16], [sflag:$0x2] =	stream.linear.gather [hbm4b:s10+s2], $0x8000, $0x38;
	[tilespmem:$0x10080] =	vst v63  }
0x140: {  	_ =	swait.ge [sflag:s17], $0x8000  }
0x141: {  	[sflag:s17] =	ssyncset.done $0x0  }
0x142: {  	s23 =	simm.s32 $0x100;
	[sflag:s17] =	ssyncadd.s32 $0xFFFF8000  }
0x143: {  	v2 =	vld [tilespmem:s23+$0x80]  }
0x144: {  	v3 =	vld [tilespmem:s23+$0x90]  }
0x145: {  	v4 =	vld [tilespmem:s23+$0xA0]  }
0x146: {  	v5 =	vld [tilespmem:s23+$0xB0]  }
0x147: {  	v6 =	vld [tilespmem:s23+$0xC0]  }
0x148: {  	v1 =	vld [tilespmem:s23+$0xD0]  }
0x149: {  	v0 =	vld [tilespmem:s23+$0xE0]  }
0x14a: {  	v8 =	vld [tilespmem:s23+$0x0]  }
0x14b: {  	v10 =	vld [tilespmem:s23+$0x10]  }
0x14c: {  	v11 =	vld [tilespmem:s23+$0x20]  }
0x14d: {  	v15 =	vld [tilespmem:s23+$0x30]  }
0x14e: {  	v16 =	vld [tilespmem:s23+$0x40]  }
0x14f: {  	v7 =	vld [tilespmem:s23+$0x50]  }
0x150: {  	v9 =	vld [tilespmem:s23+$0x60]  }
0x151: {  	v12 =	vld [tilespmem:s23+$0xFFFFFF80]  }
0x152: {  	v13 =	vld [tilespmem:s23+$0xFFFFFF90]  }
0x153: {  	v18 =	vld [tilespmem:s23+$0xFFFFFFA0]  }
0x154: {  	v19 =	vld [tilespmem:s23+$0xFFFFFFB0]  }
0x155: {  	v21 =	vld [tilespmem:s23+$0xFFFFFFC0]  }
0x156: {  	v20 =	vld [tilespmem:s23+$0xFFFFFF00]  }
0x157: {  	v22 =	vld [tilespmem:s23+$0xFFFFFF10]  }
0x158: {  	v17 =	vld [tilespmem:s23+$0xFFFFFFD0]  }
0x159: {  	v24 =	vld [tilespmem:s23+$0xFFFFFF20]  }
0x15a: {  	v14 =	vimm.f32 $-Inf;
	v26 =	vld [tilespmem:s23+$0xFFFFFF30]  }
0x15b: {  	v27 =	vld [tilespmem:s23+$0xFFFFFF40];
	v23 =	vmax.f32 v14, v20  }
0x15c: {  	v25 =	vmax.f32 v14, v22;
	v20 =	vld [tilespmem:s23+$0xFFFFFFE0];
	v12 =	vmax.f32 v23, v12  }
0x15d: {  	v22 =	vld [tilespmem:s23+$0xFFFFFF50];
	v13 =	vmax.f32 v25, v13;
	v8 =	vmax.f32 v12, v8  }
0x15e: {  	v23 =	vld [tilespmem:s23+$0xFFFFFF60];
	v10 =	vmax.f32 v13, v10;
	v12 =	vmax.f32 v8, v2  }
0x15f: {  	v25 =	vld [tilespmem:s23+$0xFFFFFF70];
	v13 =	vmax.f32 v10, v3;
	v2 =	vmax.f32 v14, v24;
	v3 =	vmax.f32 v14, v26  }
0x160: {  	v8 =	vmax.f32 v14, v27;
	v26 =	vld [tilespmem:s23+$0xFFFFFFF0];
	v2 =	vmax.f32 v2, v18;
	v3 =	vmax.f32 v3, v19  }
0x161: {  	v27 =	vld [tilespmem:s23+$0x70];
	v8 =	vmax.f32 v8, v21;
	v19 =	vimm.f32 $-Inf;
	v18 =	vimm.f32 $-Inf  }
0x162: {  	s22 =	simm.s32 $0x0;
	v24 =	vld [tilespmem:s23+$0xF0];
	s23 =	simm.s32 $0x300;
	v21 =	vmax.f32 v2, v11;
	v28 =	vmax.f32 v3, v15;
	v29 =	vmax.f32 v8, v16  }
.LBB2_10:
0x163: {  	v2 =	vld [tilespmem:s23+$0x80];
	v3 =	vmax.f32 v21, v4;
	v8 =	vmax.f32 v28, v5;
	v10 =	vmax.f32 v29, v6  }
0x164: {  	v5 =	vmax.f32 v14, v22;
	v6 =	vmax.f32 v19, v23;
	v11 =	vld [tilespmem:s23+$0x90];
	v14 =	vmax.f32 v18, v25  }
0x165: {  	v15 =	vmax.f32 v5, v17;
	v6 =	vmax.f32 v6, v20;
	v4 =	vld [tilespmem:s23+$0xA0];
	v14 =	vmax.f32 v14, v26  }
0x166: {  	v7 =	vmax.f32 v15, v7;
	v9 =	vmax.f32 v6, v9;
	v5 =	vld [tilespmem:s23+$0xB0];
	v15 =	vmax.f32 v14, v27  }
0x167: {  	v14 =	vmax.f32 v7, v1;
	v19 =	vmax.f32 v9, v0;
	v6 =	vld [tilespmem:s23+$0xC0];
	v18 =	vmax.f32 v15, v24  }
0x168: {  	v1 =	vld [tilespmem:s23+$0xD0]  }
0x169: {  	v0 =	vld [tilespmem:s23+$0xE0]  }
0x16a: {  	v15 =	vld [tilespmem:s23+$0x0]  }
0x16b: {  	v16 =	vld [tilespmem:s23+$0x10]  }
0x16c: {  	v21 =	vld [tilespmem:s23+$0x20]  }
0x16d: {  	v24 =	vld [tilespmem:s23+$0x30]  }
0x16e: {  	v29 =	vld [tilespmem:s23+$0x40]  }
0x16f: {  	v7 =	vld [tilespmem:s23+$0x50]  }
0x170: {  	v9 =	vld [tilespmem:s23+$0x60]  }
0x171: {  	v23 =	vld [tilespmem:s23+$0xFFFFFF80]  }
0x172: {  	v25 =	vld [tilespmem:s23+$0xFFFFFF90]  }
0x173: {  	v27 =	vld [tilespmem:s23+$0xFFFFFFA0]  }
0x174: {  	v28 =	vld [tilespmem:s23+$0xFFFFFFB0]  }
0x175: {  	v30 =	vld [tilespmem:s23+$0xFFFFFFC0]  }
0x176: {  	v20 =	vld [tilespmem:s23+$0xFFFFFF00]  }
0x177: {  	v22 =	vld [tilespmem:s23+$0xFFFFFF10]  }
0x178: {  	v17 =	vld [tilespmem:s23+$0xFFFFFFD0]  }
0x179: {  	v26 =	vld [tilespmem:s23+$0xFFFFFF20]  }
0x17a: {  	v31 =	vld [tilespmem:s23+$0xFFFFFF30]  }
0x17b: {  	v32 =	vld [tilespmem:s23+$0xFFFFFF40]  }
0x17c: {  	s22 =	sadd.s32 $0x4, s22;
	v12 =	vmax.f32 v12, v20;
	v13 =	vmax.f32 v13, v22;
	v20 =	vld [tilespmem:s23+$0xFFFFFFE0]  }
0x17d: {  	p0 =	slt.u32 s22, $0xFC;
	v12 =	vmax.f32 v12, v23;
	v22 =	vld [tilespmem:s23+$0xFFFFFF50];
	v13 =	vmax.f32 v13, v25  }
.Ltmp4:
0x17e: {  	v12 =	vmax.f32 v12, v15;
	v23 =	vld [tilespmem:s23+$0xFFFFFF60];
	v13 =	vmax.f32 v13, v16;
	(pc) =	sbr.rel @p0 .LBB2_10-.Ltmp4, $4  }
0x17f: {  	v12 =	vmax.f32 v12, v2;
	v25 =	vld [tilespmem:s23+$0xFFFFFF70];
	v13 =	vmax.f32 v13, v11  }
0x180: {  	v2 =	vmax.f32 v3, v26;
	v3 =	vmax.f32 v8, v31;
	v8 =	vmax.f32 v10, v32;
	v26 =	vld [tilespmem:s23+$0xFFFFFFF0]  }
0x181: {  	v2 =	vmax.f32 v2, v27;
	v3 =	vmax.f32 v3, v28;
	v8 =	vmax.f32 v8, v30;
	v27 =	vld [tilespmem:s23+$0x70]  }
0x182: {  	v21 =	vmax.f32 v2, v21;
	v28 =	vmax.f32 v3, v24;
	v29 =	vmax.f32 v8, v29;
	v24 =	vld [tilespmem:s23+$0xF0];
	s23 =	sadd.s32 $0x200, s23  }
0x183: {  	_ =	swait.ge [sflag:s18], $0x8000  }
0x184: {  	[sflag:s18] =	ssyncset.done $0x0  }
0x185: {  	s23 =	simm.s32 $0x8000;
	[sflag:s18] =	ssyncadd.s32 $0xFFFF8000  }
0x186: {  	v30 =	vld [tilespmem:s23+$0x180]  }
0x187: {  	v31 =	vld [tilespmem:s23+$0x190]  }
0x188: {  	v8 =	vld [tilespmem:s23+$0x1A0]  }
0x189: {  	v10 =	vld [tilespmem:s23+$0x1B0]  }
0x18a: {  	v11 =	vld [tilespmem:s23+$0x1C0]  }
0x18b: {  	v3 =	vld [tilespmem:s23+$0x1D0]  }
0x18c: {  	v2 =	vld [tilespmem:s23+$0x1E0]  }
0x18d: {  	v32 =	vld [tilespmem:s23+$0x100]  }
0x18e: {  	v33 =	vld [tilespmem:s23+$0x110]  }
0x18f: {  	v34 =	vld [tilespmem:s23+$0x120]  }
0x190: {  	v35 =	vld [tilespmem:s23+$0x130]  }
0x191: {  	v36 =	vld [tilespmem:s23+$0x140]  }
0x192: {  	v16 =	vld [tilespmem:s23+$0x150]  }
0x193: {  	v15 =	vld [tilespmem:s23+$0x160]  }
0x194: {  	v37 =	vld [tilespmem:s23+$0x80]  }
0x195: {  	v38 =	vld [tilespmem:s23+$0x90]  }
0x196: {  	v39 =	vld [tilespmem:s23+$0xA0]  }
0x197: {  	v40 =	vld [tilespmem:s23+$0xB0]  }
0x198: {  	v41 =	vld [tilespmem:s23+$0xC0]  }
0x199: {  	v42 =	vld [tilespmem:s23+$0x0]  }
0x19a: {  	v44 =	vmax.f32 v21, v4;
	v4 =	vmax.f32 v14, v22;
	v43 =	vld [tilespmem:s23+$0x10]  }
0x19b: {  	v28 =	vmax.f32 v28, v5;
	v4 =	vmax.f32 v4, v17;
	v17 =	vld [tilespmem:s23+$0x30]  }
0x19c: {  	v29 =	vmax.f32 v29, v6;
	v5 =	vmax.f32 v19, v23;
	v6 =	vmax.f32 v18, v25;
	v18 =	vld [tilespmem:s23+$0x40]  }
0x19d: {  	v5 =	vmax.f32 v5, v20;
	v21 =	vld [tilespmem:s23+$0xD0]  }
0x19e: {  	v6 =	vmax.f32 v6, v26;
	v4 =	vmax.f32 v4, v7;
	v5 =	vmax.f32 v5, v9;
	v14 =	vld [tilespmem:s23+$0x20]  }
0x19f: {  	v6 =	vmax.f32 v6, v27;
	v7 =	vld [tilespmem:s23+$0xE0];
	v1 =	vmax.f32 v4, v1;
	v9 =	vmax.f32 v12, v42  }
0x1a0: {  	v0 =	vmax.f32 v5, v0;
	v12 =	vmax.f32 v13, v43;
	v4 =	vmax.f32 v9, v37;
	v9 =	vld [tilespmem:s23+$0x50]  }
0x1a1: {  	v17 =	vmax.f32 v28, v17;
	v18 =	vmax.f32 v29, v18;
	v13 =	vmax.f32 v12, v38;
	v12 =	vld [tilespmem:s23+$0x60]  }
0x1a2: {  	v5 =	vmax.f32 v4, v32;
	v19 =	vmax.f32 v13, v33;
	v4 =	vmax.f32 v6, v24;
	v13 =	vld [tilespmem:s23+$0x70]  }
0x1a3: {  	v6 =	vmax.f32 v5, v30;
	v5 =	vmax.f32 v19, v31;
	v19 =	vmax.f32 v44, v14;
	v14 =	vld [tilespmem:s23+$0xF0]  }
0x1a4: {  	v22 =	vmax.f32 v17, v40;
	v18 =	vmax.f32 v18, v41;
	v17 =	vld [tilespmem:s23+$0x170];
	v19 =	vmax.f32 v19, v39  }
0x1a5: {  	s22 =	simm.s32 $0x0;
	v22 =	vmax.f32 v22, v35;
	v20 =	vmax.f32 v19, v34;
	v19 =	vmax.f32 v18, v36;
	v18 =	vld [tilespmem:s23+$0x1F0];
	s23 =	simm.s32 $0x8200  }
.LBB2_12:
0x1a6: {  	v23 =	vld [tilespmem:s23+$0x180];
	v20 =	vmax.f32 v20, v8;
	v22 =	vmax.f32 v22, v10;
	v19 =	vmax.f32 v19, v11  }
0x1a7: {  	v1 =	vmax.f32 v1, v9;
	v0 =	vmax.f32 v0, v12;
	v24 =	vld [tilespmem:s23+$0x190];
	v4 =	vmax.f32 v4, v13  }
0x1a8: {  	v1 =	vmax.f32 v1, v21;
	v0 =	vmax.f32 v0, v7;
	v8 =	vld [tilespmem:s23+$0x1A0];
	v4 =	vmax.f32 v4, v14  }
0x1a9: {  	v1 =	vmax.f32 v1, v16;
	v0 =	vmax.f32 v0, v15;
	v10 =	vld [tilespmem:s23+$0x1B0];
	v4 =	vmax.f32 v4, v17  }
0x1aa: {  	v1 =	vmax.f32 v1, v3;
	v0 =	vmax.f32 v0, v2;
	v11 =	vld [tilespmem:s23+$0x1C0];
	v4 =	vmax.f32 v4, v18  }
0x1ab: {  	v3 =	vld [tilespmem:s23+$0x1D0]  }
0x1ac: {  	v2 =	vld [tilespmem:s23+$0x1E0]  }
0x1ad: {  	v13 =	vld [tilespmem:s23+$0x100]  }
0x1ae: {  	v14 =	vld [tilespmem:s23+$0x110]  }
0x1af: {  	v18 =	vld [tilespmem:s23+$0x120]  }
0x1b0: {  	v25 =	vld [tilespmem:s23+$0x130]  }
0x1b1: {  	v26 =	vld [tilespmem:s23+$0x140]  }
0x1b2: {  	v16 =	vld [tilespmem:s23+$0x150]  }
0x1b3: {  	v15 =	vld [tilespmem:s23+$0x160]  }
0x1b4: {  	v12 =	vld [tilespmem:s23+$0x80]  }
0x1b5: {  	v17 =	vld [tilespmem:s23+$0x90]  }
0x1b6: {  	v27 =	vld [tilespmem:s23+$0xA0]  }
0x1b7: {  	v28 =	vld [tilespmem:s23+$0xB0]  }
0x1b8: {  	v29 =	vld [tilespmem:s23+$0xC0]  }
0x1b9: {  	v7 =	vld [tilespmem:s23+$0x0]  }
0x1ba: {  	v9 =	vld [tilespmem:s23+$0x10]  }
0x1bb: {  	v21 =	vld [tilespmem:s23+$0xD0]  }
0x1bc: {  	v30 =	vld [tilespmem:s23+$0x20]  }
0x1bd: {  	v31 =	vld [tilespmem:s23+$0x30]  }
0x1be: {  	v32 =	vld [tilespmem:s23+$0x40]  }
0x1bf: {  	s22 =	sadd.s32 $0x4, s22;
	v6 =	vmax.f32 v6, v7;
	v5 =	vmax.f32 v5, v9;
	v7 =	vld [tilespmem:s23+$0xE0]  }
0x1c0: {  	p0 =	slt.u32 s22, $0xFC;
	v6 =	vmax.f32 v6, v12;
	v9 =	vld [tilespmem:s23+$0x50];
	v5 =	vmax.f32 v5, v17  }
.Ltmp5:
0x1c1: {  	v6 =	vmax.f32 v6, v13;
	v12 =	vld [tilespmem:s23+$0x60];
	v5 =	vmax.f32 v5, v14;
	(pc) =	sbr.rel @p0 .LBB2_12-.Ltmp5, $4  }
0x1c2: {  	v6 =	vmax.f32 v6, v23;
	v13 =	vld [tilespmem:s23+$0x70];
	v5 =	vmax.f32 v5, v24  }
0x1c3: {  	v17 =	vmax.f32 v20, v30;
	v20 =	vmax.f32 v22, v31;
	v19 =	vmax.f32 v19, v32;
	v14 =	vld [tilespmem:s23+$0xF0]  }
0x1c4: {  	v22 =	vmax.f32 v17, v27;
	v23 =	vmax.f32 v20, v28;
	v19 =	vmax.f32 v19, v29;
	v17 =	vld [tilespmem:s23+$0x170]  }
0x1c5: {  	v20 =	vmax.f32 v22, v18;
	v22 =	vmax.f32 v23, v25;
	v19 =	vmax.f32 v19, v26;
	v18 =	vld [tilespmem:s23+$0x1F0];
	s23 =	sadd.s32 $0x200, s23  }
0x1c6: {  	[tilespmem:$0x10000] =	vst v6  }
0x1c7: {  	v6 =	vmax.f32 v20, v8;
	v8 =	vmax.f32 v22, v10;
	v1 =	vmax.f32 v1, v9;
	[tilespmem:$0x10010] =	vst v5  }
0x1c8: {  	v5 =	vmax.f32 v19, v11;
	v0 =	vmax.f32 v0, v12;
	v1 =	vmax.f32 v1, v21;
	[tilespmem:$0x10020] =	vst v6  }
0x1c9: {  	v4 =	vmax.f32 v4, v13;
	v0 =	vmax.f32 v0, v7;
	[tilespmem:$0x10030] =	vst v8;
	v1 =	vmax.f32 v1, v16  }
0x1ca: {  	[tilespmem:$0x10040] =	vst v5;
	v4 =	vmax.f32 v4, v14;
	v0 =	vmax.f32 v0, v15;
	v1 =	vmax.f32 v1, v3  }
0x1cb: {  	v3 =	vmax.f32 v4, v17;
	v0 =	vmax.f32 v0, v2;
	[tilespmem:$0x10050] =	vst v1  }
0x1cc: {  	v1 =	vmax.f32 v3, v18;
	[tilespmem:$0x10060] =	vst v0  }
0x1cd: {  	[tilespmem:$0x10070] =	vst v1  }
0x1ce: {  	[hbm4b:s11+s2] =	stream.linear.scatter [tilespmem:s19], [sflag:$0x3], $0x80, $0x38;
	[tilespmem:$0x10080] =	vst v63  }
0x1cf: {  	_ =	swait.ge [sflag:s20], $0x80  }
0x1d0: {  	[sflag:s20] =	ssyncset.done $0x0  }
0x1d1: {  	[sflag:s20] =	ssyncadd.s32 $0xFFFFFF80  }
0x1d2: {  	[tilespmem:s2], [sflag:$0x1] =	stream.linear.gather [hbm4b:s12+s2], $0x8000, $0x38;
	[tilespmem:$0x10080] =	vst v63  }
0x1d3: {  	_ = 	snop  }
0x1d4: {  	[tilespmem:s16], [sflag:$0x2] =	stream.linear.gather [hbm4b:s13+s2], $0x8000, $0x38;
	[tilespmem:$0x10080] =	vst v63  }
0x1d5: {  	_ =	swait.ge [sflag:s17], $0x8000  }
0x1d6: {  	[sflag:s17] =	ssyncset.done $0x0  }
0x1d7: {  	s23 =	simm.s32 $0x100;
	[sflag:s17] =	ssyncadd.s32 $0xFFFF8000  }
0x1d8: {  	v2 =	vld [tilespmem:s23+$0x80]  }
0x1d9: {  	v3 =	vld [tilespmem:s23+$0x90]  }
0x1da: {  	v4 =	vld [tilespmem:s23+$0xA0]  }
0x1db: {  	v5 =	vld [tilespmem:s23+$0xB0]  }
0x1dc: {  	v6 =	vld [tilespmem:s23+$0xC0]  }
0x1dd: {  	v1 =	vld [tilespmem:s23+$0xD0]  }
0x1de: {  	v0 =	vld [tilespmem:s23+$0xE0]  }
0x1df: {  	v8 =	vld [tilespmem:s23+$0x0]  }
0x1e0: {  	v10 =	vld [tilespmem:s23+$0x10]  }
0x1e1: {  	v11 =	vld [tilespmem:s23+$0x20]  }
0x1e2: {  	v15 =	vld [tilespmem:s23+$0x30]  }
0x1e3: {  	v16 =	vld [tilespmem:s23+$0x40]  }
0x1e4: {  	v7 =	vld [tilespmem:s23+$0x50]  }
0x1e5: {  	v9 =	vld [tilespmem:s23+$0x60]  }
0x1e6: {  	v12 =	vld [tilespmem:s23+$0xFFFFFF80]  }
0x1e7: {  	v13 =	vld [tilespmem:s23+$0xFFFFFF90]  }
0x1e8: {  	v18 =	vld [tilespmem:s23+$0xFFFFFFA0]  }
0x1e9: {  	v19 =	vld [tilespmem:s23+$0xFFFFFFB0]  }
0x1ea: {  	v21 =	vld [tilespmem:s23+$0xFFFFFFC0]  }
0x1eb: {  	v20 =	vld [tilespmem:s23+$0xFFFFFF00]  }
0x1ec: {  	v22 =	vld [tilespmem:s23+$0xFFFFFF10]  }
0x1ed: {  	v17 =	vld [tilespmem:s23+$0xFFFFFFD0]  }
0x1ee: {  	v24 =	vld [tilespmem:s23+$0xFFFFFF20]  }
0x1ef: {  	v14 =	vimm.f32 $-Inf;
	v26 =	vld [tilespmem:s23+$0xFFFFFF30]  }
0x1f0: {  	v27 =	vld [tilespmem:s23+$0xFFFFFF40];
	v23 =	vmax.f32 v14, v20  }
0x1f1: {  	v25 =	vmax.f32 v14, v22;
	v20 =	vld [tilespmem:s23+$0xFFFFFFE0];
	v12 =	vmax.f32 v23, v12  }
0x1f2: {  	v22 =	vld [tilespmem:s23+$0xFFFFFF50];
	v13 =	vmax.f32 v25, v13;
	v8 =	vmax.f32 v12, v8  }
0x1f3: {  	v23 =	vld [tilespmem:s23+$0xFFFFFF60];
	v10 =	vmax.f32 v13, v10;
	v12 =	vmax.f32 v8, v2  }
0x1f4: {  	v25 =	vld [tilespmem:s23+$0xFFFFFF70];
	v13 =	vmax.f32 v10, v3;
	v2 =	vmax.f32 v14, v24;
	v3 =	vmax.f32 v14, v26  }
0x1f5: {  	v8 =	vmax.f32 v14, v27;
	v26 =	vld [tilespmem:s23+$0xFFFFFFF0];
	v2 =	vmax.f32 v2, v18;
	v3 =	vmax.f32 v3, v19  }
0x1f6: {  	v27 =	vld [tilespmem:s23+$0x70];
	v8 =	vmax.f32 v8, v21;
	v19 =	vimm.f32 $-Inf;
	v18 =	vimm.f32 $-Inf  }
0x1f7: {  	s22 =	simm.s32 $0x0;
	v24 =	vld [tilespmem:s23+$0xF0];
	s23 =	simm.s32 $0x300;
	v21 =	vmax.f32 v2, v11;
	v28 =	vmax.f32 v3, v15;
	v29 =	vmax.f32 v8, v16  }
.LBB2_14:
0x1f8: {  	v2 =	vld [tilespmem:s23+$0x80];
	v3 =	vmax.f32 v21, v4;
	v8 =	vmax.f32 v28, v5;
	v10 =	vmax.f32 v29, v6  }
0x1f9: {  	v5 =	vmax.f32 v14, v22;
	v6 =	vmax.f32 v19, v23;
	v11 =	vld [tilespmem:s23+$0x90];
	v14 =	vmax.f32 v18, v25  }
0x1fa: {  	v15 =	vmax.f32 v5, v17;
	v6 =	vmax.f32 v6, v20;
	v4 =	vld [tilespmem:s23+$0xA0];
	v14 =	vmax.f32 v14, v26  }
0x1fb: {  	v7 =	vmax.f32 v15, v7;
	v9 =	vmax.f32 v6, v9;
	v5 =	vld [tilespmem:s23+$0xB0];
	v15 =	vmax.f32 v14, v27  }
0x1fc: {  	v14 =	vmax.f32 v7, v1;
	v19 =	vmax.f32 v9, v0;
	v6 =	vld [tilespmem:s23+$0xC0];
	v18 =	vmax.f32 v15, v24  }
0x1fd: {  	v1 =	vld [tilespmem:s23+$0xD0]  }
0x1fe: {  	v0 =	vld [tilespmem:s23+$0xE0]  }
0x1ff: {  	v15 =	vld [tilespmem:s23+$0x0]  }
0x200: {  	v16 =	vld [tilespmem:s23+$0x10]  }
0x201: {  	v21 =	vld [tilespmem:s23+$0x20]  }
0x202: {  	v24 =	vld [tilespmem:s23+$0x30]  }
0x203: {  	v29 =	vld [tilespmem:s23+$0x40]  }
0x204: {  	v7 =	vld [tilespmem:s23+$0x50]  }
0x205: {  	v9 =	vld [tilespmem:s23+$0x60]  }
0x206: {  	v23 =	vld [tilespmem:s23+$0xFFFFFF80]  }
0x207: {  	v25 =	vld [tilespmem:s23+$0xFFFFFF90]  }
0x208: {  	v27 =	vld [tilespmem:s23+$0xFFFFFFA0]  }
0x209: {  	v28 =	vld [tilespmem:s23+$0xFFFFFFB0]  }
0x20a: {  	v30 =	vld [tilespmem:s23+$0xFFFFFFC0]  }
0x20b: {  	v20 =	vld [tilespmem:s23+$0xFFFFFF00]  }
0x20c: {  	v22 =	vld [tilespmem:s23+$0xFFFFFF10]  }
0x20d: {  	v17 =	vld [tilespmem:s23+$0xFFFFFFD0]  }
0x20e: {  	v26 =	vld [tilespmem:s23+$0xFFFFFF20]  }
0x20f: {  	v31 =	vld [tilespmem:s23+$0xFFFFFF30]  }
0x210: {  	v32 =	vld [tilespmem:s23+$0xFFFFFF40]  }
0x211: {  	s22 =	sadd.s32 $0x4, s22;
	v12 =	vmax.f32 v12, v20;
	v13 =	vmax.f32 v13, v22;
	v20 =	vld [tilespmem:s23+$0xFFFFFFE0]  }
0x212: {  	p0 =	slt.u32 s22, $0xFC;
	v12 =	vmax.f32 v12, v23;
	v22 =	vld [tilespmem:s23+$0xFFFFFF50];
	v13 =	vmax.f32 v13, v25  }
.Ltmp6:
0x213: {  	v12 =	vmax.f32 v12, v15;
	v23 =	vld [tilespmem:s23+$0xFFFFFF60];
	v13 =	vmax.f32 v13, v16;
	(pc) =	sbr.rel @p0 .LBB2_14-.Ltmp6, $4  }
0x214: {  	v12 =	vmax.f32 v12, v2;
	v25 =	vld [tilespmem:s23+$0xFFFFFF70];
	v13 =	vmax.f32 v13, v11  }
0x215: {  	v2 =	vmax.f32 v3, v26;
	v3 =	vmax.f32 v8, v31;
	v8 =	vmax.f32 v10, v32;
	v26 =	vld [tilespmem:s23+$0xFFFFFFF0]  }
0x216: {  	v2 =	vmax.f32 v2, v27;
	v3 =	vmax.f32 v3, v28;
	v8 =	vmax.f32 v8, v30;
	v27 =	vld [tilespmem:s23+$0x70]  }
0x217: {  	v21 =	vmax.f32 v2, v21;
	v28 =	vmax.f32 v3, v24;
	v29 =	vmax.f32 v8, v29;
	v24 =	vld [tilespmem:s23+$0xF0];
	s23 =	sadd.s32 $0x200, s23  }
0x218: {  	_ =	swait.ge [sflag:s18], $0x8000  }
0x219: {  	[sflag:s18] =	ssyncset.done $0x0  }
0x21a: {  	s23 =	simm.s32 $0x8000;
	[sflag:s18] =	ssyncadd.s32 $0xFFFF8000  }
0x21b: {  	v30 =	vld [tilespmem:s23+$0x180]  }
0x21c: {  	v31 =	vld [tilespmem:s23+$0x190]  }
0x21d: {  	v8 =	vld [tilespmem:s23+$0x1A0]  }
0x21e: {  	v10 =	vld [tilespmem:s23+$0x1B0]  }
0x21f: {  	v11 =	vld [tilespmem:s23+$0x1C0]  }
0x220: {  	v3 =	vld [tilespmem:s23+$0x1D0]  }
0x221: {  	v2 =	vld [tilespmem:s23+$0x1E0]  }
0x222: {  	v32 =	vld [tilespmem:s23+$0x100]  }
0x223: {  	v33 =	vld [tilespmem:s23+$0x110]  }
0x224: {  	v34 =	vld [tilespmem:s23+$0x120]  }
0x225: {  	v35 =	vld [tilespmem:s23+$0x130]  }
0x226: {  	v36 =	vld [tilespmem:s23+$0x140]  }
0x227: {  	v16 =	vld [tilespmem:s23+$0x150]  }
0x228: {  	v15 =	vld [tilespmem:s23+$0x160]  }
0x229: {  	v37 =	vld [tilespmem:s23+$0x80]  }
0x22a: {  	v38 =	vld [tilespmem:s23+$0x90]  }
0x22b: {  	v39 =	vld [tilespmem:s23+$0xA0]  }
0x22c: {  	v40 =	vld [tilespmem:s23+$0xB0]  }
0x22d: {  	v41 =	vld [tilespmem:s23+$0xC0]  }
0x22e: {  	v42 =	vld [tilespmem:s23+$0x0]  }
0x22f: {  	v44 =	vmax.f32 v21, v4;
	v4 =	vmax.f32 v14, v22;
	v43 =	vld [tilespmem:s23+$0x10]  }
0x230: {  	v28 =	vmax.f32 v28, v5;
	v4 =	vmax.f32 v4, v17;
	v17 =	vld [tilespmem:s23+$0x30]  }
0x231: {  	v29 =	vmax.f32 v29, v6;
	v5 =	vmax.f32 v19, v23;
	v6 =	vmax.f32 v18, v25;
	v18 =	vld [tilespmem:s23+$0x40]  }
0x232: {  	v5 =	vmax.f32 v5, v20;
	v21 =	vld [tilespmem:s23+$0xD0]  }
0x233: {  	v6 =	vmax.f32 v6, v26;
	v4 =	vmax.f32 v4, v7;
	v5 =	vmax.f32 v5, v9;
	v14 =	vld [tilespmem:s23+$0x20]  }
0x234: {  	v6 =	vmax.f32 v6, v27;
	v7 =	vld [tilespmem:s23+$0xE0];
	v1 =	vmax.f32 v4, v1;
	v9 =	vmax.f32 v12, v42  }
0x235: {  	v0 =	vmax.f32 v5, v0;
	v12 =	vmax.f32 v13, v43;
	v4 =	vmax.f32 v9, v37;
	v9 =	vld [tilespmem:s23+$0x50]  }
0x236: {  	v17 =	vmax.f32 v28, v17;
	v18 =	vmax.f32 v29, v18;
	v13 =	vmax.f32 v12, v38;
	v12 =	vld [tilespmem:s23+$0x60]  }
0x237: {  	v5 =	vmax.f32 v4, v32;
	v19 =	vmax.f32 v13, v33;
	v4 =	vmax.f32 v6, v24;
	v13 =	vld [tilespmem:s23+$0x70]  }
0x238: {  	v6 =	vmax.f32 v5, v30;
	v5 =	vmax.f32 v19, v31;
	v19 =	vmax.f32 v44, v14;
	v14 =	vld [tilespmem:s23+$0xF0]  }
0x239: {  	v22 =	vmax.f32 v17, v40;
	v18 =	vmax.f32 v18, v41;
	v17 =	vld [tilespmem:s23+$0x170];
	v19 =	vmax.f32 v19, v39  }
0x23a: {  	s22 =	simm.s32 $0x0;
	v22 =	vmax.f32 v22, v35;
	v20 =	vmax.f32 v19, v34;
	v19 =	vmax.f32 v18, v36;
	v18 =	vld [tilespmem:s23+$0x1F0];
	s23 =	simm.s32 $0x8200  }
.LBB2_16:
0x23b: {  	v23 =	vld [tilespmem:s23+$0x180];
	v20 =	vmax.f32 v20, v8;
	v22 =	vmax.f32 v22, v10;
	v19 =	vmax.f32 v19, v11  }
0x23c: {  	v1 =	vmax.f32 v1, v9;
	v0 =	vmax.f32 v0, v12;
	v24 =	vld [tilespmem:s23+$0x190];
	v4 =	vmax.f32 v4, v13  }
0x23d: {  	v1 =	vmax.f32 v1, v21;
	v0 =	vmax.f32 v0, v7;
	v8 =	vld [tilespmem:s23+$0x1A0];
	v4 =	vmax.f32 v4, v14  }
0x23e: {  	v1 =	vmax.f32 v1, v16;
	v0 =	vmax.f32 v0, v15;
	v10 =	vld [tilespmem:s23+$0x1B0];
	v4 =	vmax.f32 v4, v17  }
0x23f: {  	v1 =	vmax.f32 v1, v3;
	v0 =	vmax.f32 v0, v2;
	v11 =	vld [tilespmem:s23+$0x1C0];
	v4 =	vmax.f32 v4, v18  }
0x240: {  	v3 =	vld [tilespmem:s23+$0x1D0]  }
0x241: {  	v2 =	vld [tilespmem:s23+$0x1E0]  }
0x242: {  	v13 =	vld [tilespmem:s23+$0x100]  }
0x243: {  	v14 =	vld [tilespmem:s23+$0x110]  }
0x244: {  	v18 =	vld [tilespmem:s23+$0x120]  }
0x245: {  	v25 =	vld [tilespmem:s23+$0x130]  }
0x246: {  	v26 =	vld [tilespmem:s23+$0x140]  }
0x247: {  	v16 =	vld [tilespmem:s23+$0x150]  }
0x248: {  	v15 =	vld [tilespmem:s23+$0x160]  }
0x249: {  	v12 =	vld [tilespmem:s23+$0x80]  }
0x24a: {  	v17 =	vld [tilespmem:s23+$0x90]  }
0x24b: {  	v27 =	vld [tilespmem:s23+$0xA0]  }
0x24c: {  	v28 =	vld [tilespmem:s23+$0xB0]  }
0x24d: {  	v29 =	vld [tilespmem:s23+$0xC0]  }
0x24e: {  	v7 =	vld [tilespmem:s23+$0x0]  }
0x24f: {  	v9 =	vld [tilespmem:s23+$0x10]  }
0x250: {  	v21 =	vld [tilespmem:s23+$0xD0]  }
0x251: {  	v30 =	vld [tilespmem:s23+$0x20]  }
0x252: {  	v31 =	vld [tilespmem:s23+$0x30]  }
0x253: {  	v32 =	vld [tilespmem:s23+$0x40]  }
0x254: {  	s22 =	sadd.s32 $0x4, s22;
	v6 =	vmax.f32 v6, v7;
	v5 =	vmax.f32 v5, v9;
	v7 =	vld [tilespmem:s23+$0xE0]  }
0x255: {  	p0 =	slt.u32 s22, $0xFC;
	v6 =	vmax.f32 v6, v12;
	v9 =	vld [tilespmem:s23+$0x50];
	v5 =	vmax.f32 v5, v17  }
.Ltmp7:
0x256: {  	v6 =	vmax.f32 v6, v13;
	v12 =	vld [tilespmem:s23+$0x60];
	v5 =	vmax.f32 v5, v14;
	(pc) =	sbr.rel @p0 .LBB2_16-.Ltmp7, $4  }
0x257: {  	v6 =	vmax.f32 v6, v23;
	v13 =	vld [tilespmem:s23+$0x70];
	v5 =	vmax.f32 v5, v24  }
0x258: {  	v17 =	vmax.f32 v20, v30;
	v20 =	vmax.f32 v22, v31;
	v19 =	vmax.f32 v19, v32;
	v14 =	vld [tilespmem:s23+$0xF0]  }
0x259: {  	v22 =	vmax.f32 v17, v27;
	v23 =	vmax.f32 v20, v28;
	v19 =	vmax.f32 v19, v29;
	v17 =	vld [tilespmem:s23+$0x170]  }
0x25a: {  	v20 =	vmax.f32 v22, v18;
	v22 =	vmax.f32 v23, v25;
	v19 =	vmax.f32 v19, v26;
	v18 =	vld [tilespmem:s23+$0x1F0];
	s23 =	sadd.s32 $0x200, s23  }
0x25b: {  	[tilespmem:$0x10000] =	vst v6  }
0x25c: {  	v59 =	vmax.f32 v20, v8;
	v60 =	vmax.f32 v22, v10;
	v1 =	vmax.f32 v1, v9;
	[tilespmem:$0x10010] =	vst v5  }
0x25d: {  	v61 =	vmax.f32 v19, v11;
	v0 =	vmax.f32 v0, v12;
	v1 =	vmax.f32 v1, v21;
	[tilespmem:$0x10020] =	vst v59  }
0x25e: {  	v4 =	vmax.f32 v4, v13;
	v0 =	vmax.f32 v0, v7;
	[tilespmem:$0x10030] =	vst v60;
	v1 =	vmax.f32 v1, v16  }
0x25f: {  	[tilespmem:$0x10040] =	vst v61;
	v4 =	vmax.f32 v4, v14;
	v0 =	vmax.f32 v0, v15;
	v1 =	vmax.f32 v1, v3  }
0x260: {  	s21 =	sadd.s32 $0x1, s21;
	v62 =	vmax.f32 v4, v17;
	v0 =	vmax.f32 v0, v2;
	[tilespmem:$0x10050] =	vst v1  }
0x261: {  	p0 =	sne.s32 s21, s15;
	v63 =	vmax.f32 v62, v18;
	[tilespmem:$0x10060] =	vst v0  }
.Ltmp8:
0x262: {  	[tilespmem:$0x10070] =	vst v63;
	(pc) =	sbr.rel @p0 .LBB2_1-.Ltmp8, $4  }
0x263: {  	[hbm4b:s14+s2] =	stream.linear.scatter [tilespmem:s19], [sflag:$0x3], $0x80, $0x38;
	[tilespmem:$0x10080] =	vst v63  }
0x264: {  	_ =	swait.ge [sflag:s20], $0x80  }
0x265: {  	[sflag:s20] =	ssyncset.done $0x0  }
0x266: {  	[sflag:s20] =	ssyncadd.s32 $0xFFFFFF80  }
0x267: {  	_ =	sfence.sel $0x180000  }
0x268: {  	[bflag:$0x0] =	sbarrier.arrive $0xFFFF  }
0x269: {  	p0 =	sne.s32 s0, $0x0;
	_ =	strace $0x90000047  }
0x26a: {  	s0 =	sadd.s32 @!p0 $0x100000, s1;
	[bflag:$0x2] =	sbarrier.arrive $0xFFFF  }
0x26b: {  	[sflag:s0] =	ssyncadd.tile.s32 @!p0 $0x1;
	_ =	shalt  }
.Lfunc_end2:
_tile_overlayer_lowered:
.L_overlay_start_2:
0x26c: {  	(tag) =	ssettag $0x2  }
0x26d: {  	s0 =	rddreg [dreg:$0x0];
	s2 =	stileid.u32  }
0x26e: {  	s1 =	rddreg [dreg:$0x1];
	p0 =	sne.s32 s2, $0x0  }
0x26f: {  	s3 =	rddreg [dreg:$0x2];
	[bflag:$0x3] =	sbarrier.arrive $0xFFFF;
	s2 =	simm.s32 @!p0 $0x1C03  }
0x270: {  	[timem:s3], [sflag:s2] =	dma.local @!p0 [hbm:s0], s1  }
0x271: {  	s0 =	simm.s32 @!p0 $0x3  }
0x272: {  	_ =	swait.ge @!p0 [sflag:s0], s1  }
0x273: {  	s1 =	ssub.s32 @!p0 $0x0, s1;
	[sflag:s0] =	ssyncset.done @!p0 $0x0  }
0x274: {  	[sflag:s0] =	ssyncadd.s32 @!p0 s1  }
0x275: {  	[bflag:$0x3] =	sbarrier.arrive $0xFFFF  }
0x276: {  	_ =	shalt  }

</sc_bundles>
